<compile_context>
chip_gen: v7x
topology: tpu7x:2x2x1
jax: 0.10.2.dev20260603
libtpu: 0.0.44.dev20260713+nightly
codegen_flags: <defaults>
</compile_context>

<pallas_src>
import functools

import jax
import jax.numpy as jnp
from jax import lax
from jax.experimental import pallas as pl
from jax.experimental.pallas import tpu as pltpu
from jax.experimental.pallas import tpu_sc as plsc

_N, _D, _H, _E, _K = 2048, 1024, 2048, 8, 2
_BLK = 256
_NP = _N * _K
_MAXT = 23
_TOT = _MAXT * _BLK
_NBLK = _N // _BLK

_NC, _NS, _L = 2, 16, 16
_NW = _NC * _NS
_TOKS_W = _N // _NW


def _dot_t(a, b):
    return lax.dot_general(a, b, (((1,), (1,)), ((), ())),
                           preferred_element_type=jnp.float32)


def _gate_route_body(z_ref, wg_ref, bg_ref, tri_ref, dest_ref, te_ref,
                     topw_ref):
    zb = z_ref[...].astype(jnp.bfloat16)
    logits = _dot_t(zb, wg_ref[...]) + bg_ref[...]
    m = jnp.max(logits, axis=-1, keepdims=True)
    ex = jnp.exp(logits - m)
    w = ex / jnp.sum(ex, axis=-1, keepdims=True)

    eidx = lax.broadcasted_iota(jnp.int32, (_N, _E), 1)
    m1 = jnp.max(w, axis=-1, keepdims=True)
    i1 = jnp.min(jnp.where(w == m1, eidx, _E), axis=-1, keepdims=True)
    sel1 = eidx == i1
    wm = jnp.where(sel1, -jnp.inf, w)
    m2 = jnp.max(wm, axis=-1, keepdims=True)
    i2 = jnp.min(jnp.where(wm == m2, eidx, _E), axis=-1, keepdims=True)
    sel2 = eidx == i2
    zf = jnp.zeros((_N, 1), jnp.float32)
    wcols = jnp.concatenate([m1, m2] + [zf] * 6, axis=1)
    topw_ref[...] = wcols.T

    counts = (sel1 | sel2).astype(jnp.bfloat16)
    tri = tri_ref[...]
    s_blocks = []
    carry = jnp.zeros((1, _E), jnp.float32)
    for b in range(_NBLK):
        blk = counts[b * _BLK:(b + 1) * _BLK, :]
        p = lax.dot_general(tri, blk, (((1,), (0,)), ((), ())),
                            preferred_element_type=jnp.float32)
        s_blocks.append(p + carry)
        carry = carry + jnp.sum(blk.astype(jnp.float32), axis=0,
                                keepdims=True)
    s = jnp.concatenate(s_blocks, axis=0)
    cnt = carry
    ntiles = (cnt.astype(jnp.int32) + (_BLK - 1)) // _BLK
    tri8 = tri_ref[:8, :8]
    starts = lax.dot_general(
        ntiles.astype(jnp.bfloat16), tri8, (((1,), (1,)), ((), ())),
        preferred_element_type=jnp.float32)
    starts_i = starts.astype(jnp.int32)
    segbase = (starts_i * _BLK).astype(jnp.float32)

    rank1 = jnp.sum(jnp.where(sel1, s, 0.0), axis=-1, keepdims=True)
    base1 = jnp.sum(jnp.where(sel1, segbase, 0.0), axis=-1, keepdims=True)
    rank2 = jnp.sum(jnp.where(sel2, s, 0.0), axis=-1, keepdims=True)
    base2 = jnp.sum(jnp.where(sel2, segbase, 0.0), axis=-1, keepdims=True)
    d1 = (rank1 + base1).astype(jnp.int32)
    d2 = (rank2 + base2).astype(jnp.int32)
    zero = jnp.zeros((_N, 1), jnp.int32)
    dcols = jnp.concatenate([d1, d2] + [zero] * 6, axis=1)
    dest_ref[...] = dcols.T

    jiota = lax.broadcasted_iota(jnp.int32, (8, 32), 1)
    nsw = jnp.zeros((8, 32), jnp.int32)
    for e in range(_E):
        ge = (jiota >= starts_i[0, e]).astype(jnp.int32)
        used = (ntiles[0, e] > 0).astype(jnp.int32)
        nsw = nsw + used * ge
    rank = nsw - 1
    te2 = jnp.zeros((8, 32), jnp.int32)
    ne2 = jnp.zeros((8, 32), jnp.int32)
    nmatch = jnp.zeros((8, 32), jnp.int32)
    ru = jnp.zeros((), jnp.int32)
    for e in range(_E):
        used = (ntiles[0, e] > 0).astype(jnp.int32)
        te2 = te2 + jnp.where((rank == ru) & (used == 1), e, 0)
        hit = ((rank + 1 == ru) & (used == 1)).astype(jnp.int32)
        ne2 = ne2 + hit * e
        nmatch = nmatch + hit
        ru = ru + used
    nxt = jnp.where(nmatch == 1, ne2, te2)
    rows = lax.broadcasted_iota(jnp.int32, (8, 32), 0)
    meta = jnp.where(rows == 1, rank & 1, te2)
    meta = jnp.where(rows == 2, nxt, meta)
    meta = jnp.where(rows == 3, jnp.sum(ntiles).astype(jnp.int32), meta)
    te_ref[...] = meta


def _gate_route(z, wgb, bg2, tri):
    return pl.pallas_call(
        _gate_route_body,
        grid=(1,),
        in_specs=[
            pl.BlockSpec((_N, _D), lambda i: (0, 0)),
            pl.BlockSpec((_E, _D), lambda i: (0, 0)),
            pl.BlockSpec((1, _E), lambda i: (0, 0)),
            pl.BlockSpec((_BLK, _BLK), lambda i: (0, 0)),
        ],
        out_specs=[
            pl.BlockSpec((8, _N), lambda i: (0, 0)),
            pl.BlockSpec((8, 32), lambda i: (0, 0)),
            pl.BlockSpec((8, _N), lambda i: (0, 0)),
        ],
        out_shape=[
            jax.ShapeDtypeStruct((8, _N), jnp.int32),
            jax.ShapeDtypeStruct((8, 32), jnp.int32),
            jax.ShapeDtypeStruct((8, _N), jnp.float32),
        ],
    )(z, wgb, bg2, tri)


def _sc_scatter_body(z_hbm, dest_hbm, zbuf_hbm, eidx_v, oidx_v, rows_v, sem):
    wid = lax.axis_index("s") * _NC + lax.axis_index("c")
    base_tok = wid * _TOKS_W
    pltpu.sync_copy(dest_hbm.at[0, pl.ds(base_tok, _TOKS_W)], eidx_v)
    pltpu.sync_copy(dest_hbm.at[1, pl.ds(base_tok, _TOKS_W)], oidx_v)
    pltpu.sync_copy(z_hbm.at[pl.ds(base_tok, _TOKS_W)], rows_v)
    c0 = pltpu.async_copy(rows_v, zbuf_hbm.at[eidx_v], sem)
    c1 = pltpu.async_copy(rows_v, zbuf_hbm.at[oidx_v], sem)
    c0.wait()
    c1.wait()


@functools.cache
def _get_sc_scatter():
    mesh = plsc.VectorSubcoreMesh(core_axis_name="c", subcore_axis_name="s")
    return functools.partial(
        pl.kernel, mesh=mesh,
        out_type=jax.ShapeDtypeStruct((_TOT, _D), jnp.float32),
        scratch_types=[
            pltpu.VMEM((_TOKS_W,), jnp.int32),
            pltpu.VMEM((_TOKS_W,), jnp.int32),
            pltpu.VMEM((_TOKS_W, _D), jnp.float32),
            pltpu.SemaphoreType.DMA,
        ],
    )(_sc_scatter_body)


def _ffn_body(ts_ref, zbuf_ref, w1_hbm, b1_ref, w2_hbm, b2_ref, y_ref,
              w1_buf, w2_buf, sem1, sem2):
    i = pl.program_id(0)
    e_cur = ts_ref[0, i]
    slot = ts_ref[1, i]

    @pl.when(i == 0)
    def _prime():
        pltpu.make_async_copy(w1_hbm.at[e_cur], w1_buf.at[slot],
                              sem1.at[slot]).start()
        pltpu.make_async_copy(w2_hbm.at[e_cur], w2_buf.at[slot],
                              sem2.at[slot]).start()

    prev_e = ts_ref[0, jnp.maximum(i - 1, 0)]

    @pl.when((i == 0) | (e_cur != prev_e))
    def _arrive():
        pltpu.make_async_copy(w1_hbm.at[e_cur], w1_buf.at[slot],
                              sem1.at[slot]).wait()
        pltpu.make_async_copy(w2_hbm.at[e_cur], w2_buf.at[slot],
                              sem2.at[slot]).wait()

    e_nxt = ts_ref[2, i]
    s_nxt = 1 - slot

    @pl.when(((i == 0) | (e_cur != prev_e)) & (e_nxt != e_cur))
    def _prefetch():
        pltpu.make_async_copy(w1_hbm.at[e_nxt], w1_buf.at[s_nxt],
                              sem1.at[s_nxt]).start()
        pltpu.make_async_copy(w2_hbm.at[e_nxt], w2_buf.at[s_nxt],
                              sem2.at[s_nxt]).start()

    @pl.when(i < ts_ref[3, 0])
    def _compute():
        zb = zbuf_ref[...].astype(jnp.bfloat16)
        h = _dot_t(zb, w1_buf[slot]) + b1_ref[0]
        hb = jnp.maximum(h, 0.0).astype(jnp.bfloat16)
        y_ref[...] = _dot_t(hb, w2_buf[slot]) + b2_ref[0]


def _ffn(ts, zbuf, w1b, b1r, w2b, b2r):
    grid_spec = pltpu.PrefetchScalarGridSpec(
        num_scalar_prefetch=1,
        grid=(_MAXT,),
        in_specs=[
            pl.BlockSpec((_BLK, _D),
                         lambda i, ts: (jnp.minimum(i, ts[3, 0] - 1), 0)),
            pl.BlockSpec(memory_space=pltpu.MemorySpace.HBM),
            pl.BlockSpec((1, 1, _H), lambda i, ts: (ts[0, i], 0, 0)),
            pl.BlockSpec(memory_space=pltpu.MemorySpace.HBM),
            pl.BlockSpec((1, 1, _D), lambda i, ts: (ts[0, i], 0, 0)),
        ],
        out_specs=pl.BlockSpec(
            (_BLK, _D), lambda i, ts: (jnp.minimum(i, ts[3, 0] - 1), 0)),
        scratch_shapes=[
            pltpu.VMEM((2, _H, _D), jnp.bfloat16),
            pltpu.VMEM((2, _D, _H), jnp.bfloat16),
            pltpu.SemaphoreType.DMA((2,)),
            pltpu.SemaphoreType.DMA((2,)),
        ],
    )
    return pl.pallas_call(
        _ffn_body,
        grid_spec=grid_spec,
        out_shape=jax.ShapeDtypeStruct((_TOT, _D), jnp.float32),
        compiler_params=pltpu.CompilerParams(
            dimension_semantics=("arbitrary",),
        ),
    )(ts, zbuf, w1b, b1r, w2b, b2r)


_HALF = _TOKS_W // 2


def _sc_combine_body(ybuf_hbm, dest_hbm, topw_hbm, out_hbm, i0_v, i1_v,
                     w0_v, w1_v, g0_v, g1_v, o_v, sem):
    wid = lax.axis_index("s") * _NC + lax.axis_index("c")
    base_tok = wid * _TOKS_W
    rows = pl.ds(base_tok, _TOKS_W)
    pltpu.sync_copy(dest_hbm.at[0, rows], i0_v)
    pltpu.sync_copy(dest_hbm.at[1, rows], i1_v)
    pltpu.sync_copy(topw_hbm.at[0, rows], w0_v)
    pltpu.sync_copy(topw_hbm.at[1, rows], w1_v)
    for h in range(2):
        c0 = pltpu.async_copy(
            ybuf_hbm.at[i0_v.at[pl.ds(h * _HALF, _HALF)]], g0_v, sem)
        c1 = pltpu.async_copy(
            ybuf_hbm.at[i1_v.at[pl.ds(h * _HALF, _HALF)]], g1_v, sem)
        c0.wait()
        c1.wait()

        def tok_body(i, _):
            p = jnp.full((_L,), h * _HALF + i, jnp.int32)
            w0 = plsc.load_gather(w0_v, [p])
            w1 = plsc.load_gather(w1_v, [p])
            for c in range(_D // _L):
                sl = pl.ds(c * _L, _L)
                o_v[i, sl] = w0 * g0_v[i, sl] + w1 * g1_v[i, sl]
            return 0

        lax.fori_loop(0, _HALF, tok_body, 0)
        pltpu.sync_copy(o_v, out_hbm.at[pl.ds(base_tok + h * _HALF, _HALF)])


@functools.cache
def _get_sc_combine():
    mesh = plsc.VectorSubcoreMesh(core_axis_name="c", subcore_axis_name="s")
    return functools.partial(
        pl.kernel, mesh=mesh,
        out_type=jax.ShapeDtypeStruct((_N, _D), jnp.float32),
        scratch_types=[
            pltpu.VMEM((_TOKS_W,), jnp.int32),
            pltpu.VMEM((_TOKS_W,), jnp.int32),
            pltpu.VMEM((_TOKS_W,), jnp.float32),
            pltpu.VMEM((_TOKS_W,), jnp.float32),
            pltpu.VMEM((_HALF, _D), jnp.float32),
            pltpu.VMEM((_HALF, _D), jnp.float32),
            pltpu.VMEM((_HALF, _D), jnp.float32),
            pltpu.SemaphoreType.DMA,
        ],
        compiler_params=pltpu.CompilerParams(needs_layout_passes=False),
    )(_sc_combine_body)


@jax.jit
def kernel(z, Wg, bg, W1, b1, W2, b2):
    w1b = W1.astype(jnp.bfloat16)
    w2b = W2.astype(jnp.bfloat16)
    wgb = Wg.astype(jnp.bfloat16)
    bg2 = bg.reshape(1, _E)
    b1r = b1.reshape(_E, 1, _H)
    b2r = b2.reshape(_E, 1, _D)
    tri = jnp.tril(jnp.ones((_BLK, _BLK), jnp.bfloat16), -1)

    dest8, te8, topw8 = _gate_route(z, wgb, bg2, tri)
    ts = te8[:4, :_MAXT]

    zbuf = _get_sc_scatter()(z, dest8)
    ybuf = _ffn(ts, zbuf, w1b, b1r, w2b, b2r)
    return _get_sc_combine()(ybuf, dest8, topw8)

# --- scband reference (transcript-rebuilt; emitter-appended) ---
"""Pipeline reference for scband-sparse-mo-e-77506979824200 (READ-ONLY COPY).

The authoritative reference and input builder live on the scoring server;
editing this copy changes nothing except your own understanding.
"""

import jax, jax.numpy as jnp
import numpy as np

N, D, H, E, K = 2048, 1024, 2048, 8, 2


def setup_inputs(seed: int = 0) -> dict:
    key = jax.random.key(seed)
    ks = jax.random.split(key, 7)
    z = jax.random.normal(ks[0], (N, D), dtype=jnp.float32)
    s_in = 1.0 / np.sqrt(D)
    s_hid = 1.0 / np.sqrt(H)
    Wg = jax.random.uniform(ks[1], (E, D), jnp.float32, -s_in, s_in)
    bg = jax.random.uniform(ks[2], (E,), jnp.float32, -s_in, s_in)
    W1 = jax.random.uniform(ks[3], (E, H, D), jnp.float32, -s_in, s_in)
    b1 = jax.random.uniform(ks[4], (E, H), jnp.float32, -s_in, s_in)
    W2 = jax.random.uniform(ks[5], (E, D, H), jnp.float32, -s_hid, s_hid)
    b2 = jax.random.uniform(ks[6], (E, D), jnp.float32, -s_hid, s_hid)
    return {"z": z, "Wg": Wg, "bg": bg, "W1": W1, "b1": b1, "W2": W2, "b2": b2}


def reference(z, Wg, bg, W1, b1, W2, b2):
    # gate: softmax over experts, then top-k (weights NOT renormalized, matching torch code)
    logits = z @ Wg.T + bg
    w = jax.nn.softmax(logits, axis=-1)
    topw, idx = jax.lax.top_k(w, K)
    n = z.shape[0]
    # scatter top-k weights into dense [N, E] combine matrix (zeros elsewhere)
    weights = jnp.zeros((n, E), dtype=z.dtype).at[jnp.arange(n)[:, None], idx].set(topw)
    # out[b] = sum over selected experts wi * expert_ei(z[b])
    out = jnp.zeros_like(z)
    for e in range(E):
        h = jax.nn.relu(z @ W1[e].T + b1[e])
        y = h @ W2[e].T + b2[e]
        out = out + weights[:, e:e + 1] * y
    return out

if __name__ == "__main__":
    import jax
    _d = setup_inputs()
    print(jax.jit(kernel)(*tuple(_d.values())))

</pallas_src>

<mosaic_0001>
#map = affine_map<(d0, d1) -> (0, 0)>
module attributes {stable_mosaic.version = 14 : i64} {
  func.func @_sc_combine_body(%arg0: i32, %arg1: i32, %arg2: memref<5888x1024xf32, #tpu.memory_space<hbm>>, %arg3: memref<8x2048xi32, #tpu.memory_space<hbm>>, %arg4: memref<8x2048xf32, #tpu.memory_space<hbm>>, %arg5: memref<2048x1024xf32, #tpu.memory_space<hbm>>, %arg6: memref<64xi32, #tpu.memory_space<vmem>>, %arg7: memref<64xi32, #tpu.memory_space<vmem>>, %arg8: memref<64xf32, #tpu.memory_space<vmem>>, %arg9: memref<64xf32, #tpu.memory_space<vmem>>, %arg10: memref<32x1024xf32, #tpu.memory_space<vmem>>, %arg11: memref<32x1024xf32, #tpu.memory_space<vmem>>, %arg12: memref<32x1024xf32, #tpu.memory_space<vmem>>, %arg13: memref<!tpu.dma_semaphore, #tpu.memory_space<semaphore_mem>>) attributes {dimension_semantics = [#tpu.dimension_semantics<core_parallel>, #tpu.dimension_semantics<subcore_parallel>], iteration_bounds = array<i64: 2, 16>, scalar_prefetch = 0 : i64, scratch_operands = 8 : i64, tpu.core_type = #tpu.core_type<sc_vector_subcore>, window_params = [{transform_indices = #map}, {transform_indices = #map}, {transform_indices = #map}, {transform_indices = #map}]} {
    %mul3A = arith.constant 2 : i32
    %mul3A_0 = arith.muli %arg1, %mul3A : i32
    %add3A = arith.addi %mul3A_0, %arg0 : i32
    %mul3A_1 = arith.constant 64 : i32
    %mul3A_2 = arith.muli %add3A, %mul3A_1 : i32
    %run_scoped3A = arith.constant 0 : i32
    "tpu.region"() ({
      %run_scoped3A_61 = tpu.sem_alloc : memref<!tpu.dma_semaphore, #tpu.memory_space<semaphore_mem>>
      %dma_start3A_62 = tpu.memref_slice %arg3[%run_scoped3A, %mul3A_2] : memref<8x2048xi32, #tpu.memory_space<hbm>> -> memref<1x64xi32, #tpu.memory_space<hbm>>
      %dma_start3A_63 = tpu.memref_squeeze %dma_start3A_62 : memref<1x64xi32, #tpu.memory_space<hbm>> -> memref<64xi32, #tpu.memory_space<hbm>>
      %dma_start3A_64 = tpu.memref_slice %arg3[%run_scoped3A, %mul3A_2] : memref<8x2048xi32, #tpu.memory_space<hbm>> -> memref<1x64xi32, #tpu.memory_space<hbm>>
      %dma_start3A_65 = tpu.memref_squeeze %dma_start3A_64 : memref<1x64xi32, #tpu.memory_space<hbm>> -> memref<64xi32, #tpu.memory_space<hbm>>
      tpu.enqueue_dma source(%dma_start3A_65 : memref<64xi32, #tpu.memory_space<hbm>>) target(%arg6 : memref<64xi32, #tpu.memory_space<vmem>>) target_semaphore(%run_scoped3A_61 : memref<!tpu.dma_semaphore, #tpu.memory_space<semaphore_mem>>)
      %dma_wait3A_66 = tpu.memref_slice %arg3[%run_scoped3A, %mul3A_2] : memref<8x2048xi32, #tpu.memory_space<hbm>> -> memref<1x64xi32, #tpu.memory_space<hbm>>
      %dma_wait3A_67 = tpu.memref_squeeze %dma_wait3A_66 : memref<1x64xi32, #tpu.memory_space<hbm>> -> memref<64xi32, #tpu.memory_space<hbm>>
      %dma_wait3A_68 = tpu.memref_slice %arg3[%run_scoped3A, %mul3A_2] : memref<8x2048xi32, #tpu.memory_space<hbm>> -> memref<1x64xi32, #tpu.memory_space<hbm>>
      %dma_wait3A_69 = tpu.memref_squeeze %dma_wait3A_68 : memref<1x64xi32, #tpu.memory_space<hbm>> -> memref<64xi32, #tpu.memory_space<hbm>>
      tpu.wait_dma2 semaphore(%run_scoped3A_61 : memref<!tpu.dma_semaphore, #tpu.memory_space<semaphore_mem>>) src(%dma_wait3A_69 : memref<64xi32, #tpu.memory_space<hbm>>) dst(%arg6 : memref<64xi32, #tpu.memory_space<vmem>>)
      tpu.yield
    }) : () -> ()
    %run_scoped3A_3 = arith.constant 1 : i32
    "tpu.region"() ({
      %run_scoped3A_61 = tpu.sem_alloc : memref<!tpu.dma_semaphore, #tpu.memory_space<semaphore_mem>>
      %dma_start3A_62 = tpu.memref_slice %arg3[%run_scoped3A_3, %mul3A_2] : memref<8x2048xi32, #tpu.memory_space<hbm>> -> memref<1x64xi32, #tpu.memory_space<hbm>>
      %dma_start3A_63 = tpu.memref_squeeze %dma_start3A_62 : memref<1x64xi32, #tpu.memory_space<hbm>> -> memref<64xi32, #tpu.memory_space<hbm>>
      %dma_start3A_64 = tpu.memref_slice %arg3[%run_scoped3A_3, %mul3A_2] : memref<8x2048xi32, #tpu.memory_space<hbm>> -> memref<1x64xi32, #tpu.memory_space<hbm>>
      %dma_start3A_65 = tpu.memref_squeeze %dma_start3A_64 : memref<1x64xi32, #tpu.memory_space<hbm>> -> memref<64xi32, #tpu.memory_space<hbm>>
      tpu.enqueue_dma source(%dma_start3A_65 : memref<64xi32, #tpu.memory_space<hbm>>) target(%arg7 : memref<64xi32, #tpu.memory_space<vmem>>) target_semaphore(%run_scoped3A_61 : memref<!tpu.dma_semaphore, #tpu.memory_space<semaphore_mem>>)
      %dma_wait3A_66 = tpu.memref_slice %arg3[%run_scoped3A_3, %mul3A_2] : memref<8x2048xi32, #tpu.memory_space<hbm>> -> memref<1x64xi32, #tpu.memory_space<hbm>>
      %dma_wait3A_67 = tpu.memref_squeeze %dma_wait3A_66 : memref<1x64xi32, #tpu.memory_space<hbm>> -> memref<64xi32, #tpu.memory_space<hbm>>
      %dma_wait3A_68 = tpu.memref_slice %arg3[%run_scoped3A_3, %mul3A_2] : memref<8x2048xi32, #tpu.memory_space<hbm>> -> memref<1x64xi32, #tpu.memory_space<hbm>>
      %dma_wait3A_69 = tpu.memref_squeeze %dma_wait3A_68 : memref<1x64xi32, #tpu.memory_space<hbm>> -> memref<64xi32, #tpu.memory_space<hbm>>
      tpu.wait_dma2 semaphore(%run_scoped3A_61 : memref<!tpu.dma_semaphore, #tpu.memory_space<semaphore_mem>>) src(%dma_wait3A_69 : memref<64xi32, #tpu.memory_space<hbm>>) dst(%arg7 : memref<64xi32, #tpu.memory_space<vmem>>)
      tpu.yield
    }) : () -> ()
    %run_scoped3A_4 = arith.constant 0 : i32
    "tpu.region"() ({
      %run_scoped3A_61 = tpu.sem_alloc : memref<!tpu.dma_semaphore, #tpu.memory_space<semaphore_mem>>
      %dma_start3A_62 = tpu.memref_slice %arg4[%run_scoped3A_4, %mul3A_2] : memref<8x2048xf32, #tpu.memory_space<hbm>> -> memref<1x64xf32, #tpu.memory_space<hbm>>
      %dma_start3A_63 = tpu.memref_squeeze %dma_start3A_62 : memref<1x64xf32, #tpu.memory_space<hbm>> -> memref<64xf32, #tpu.memory_space<hbm>>
      %dma_start3A_64 = tpu.memref_slice %arg4[%run_scoped3A_4, %mul3A_2] : memref<8x2048xf32, #tpu.memory_space<hbm>> -> memref<1x64xf32, #tpu.memory_space<hbm>>
      %dma_start3A_65 = tpu.memref_squeeze %dma_start3A_64 : memref<1x64xf32, #tpu.memory_space<hbm>> -> memref<64xf32, #tpu.memory_space<hbm>>
      tpu.enqueue_dma source(%dma_start3A_65 : memref<64xf32, #tpu.memory_space<hbm>>) target(%arg8 : memref<64xf32, #tpu.memory_space<vmem>>) target_semaphore(%run_scoped3A_61 : memref<!tpu.dma_semaphore, #tpu.memory_space<semaphore_mem>>)
      %dma_wait3A_66 = tpu.memref_slice %arg4[%run_scoped3A_4, %mul3A_2] : memref<8x2048xf32, #tpu.memory_space<hbm>> -> memref<1x64xf32, #tpu.memory_space<hbm>>
      %dma_wait3A_67 = tpu.memref_squeeze %dma_wait3A_66 : memref<1x64xf32, #tpu.memory_space<hbm>> -> memref<64xf32, #tpu.memory_space<hbm>>
      %dma_wait3A_68 = tpu.memref_slice %arg4[%run_scoped3A_4, %mul3A_2] : memref<8x2048xf32, #tpu.memory_space<hbm>> -> memref<1x64xf32, #tpu.memory_space<hbm>>
      %dma_wait3A_69 = tpu.memref_squeeze %dma_wait3A_68 : memref<1x64xf32, #tpu.memory_space<hbm>> -> memref<64xf32, #tpu.memory_space<hbm>>
      tpu.wait_dma2 semaphore(%run_scoped3A_61 : memref<!tpu.dma_semaphore, #tpu.memory_space<semaphore_mem>>) src(%dma_wait3A_69 : memref<64xf32, #tpu.memory_space<hbm>>) dst(%arg8 : memref<64xf32, #tpu.memory_space<vmem>>)
      tpu.yield
    }) : () -> ()
    %run_scoped3A_5 = arith.constant 1 : i32
    "tpu.region"() ({
      %run_scoped3A_61 = tpu.sem_alloc : memref<!tpu.dma_semaphore, #tpu.memory_space<semaphore_mem>>
      %dma_start3A_62 = tpu.memref_slice %arg4[%run_scoped3A_5, %mul3A_2] : memref<8x2048xf32, #tpu.memory_space<hbm>> -> memref<1x64xf32, #tpu.memory_space<hbm>>
      %dma_start3A_63 = tpu.memref_squeeze %dma_start3A_62 : memref<1x64xf32, #tpu.memory_space<hbm>> -> memref<64xf32, #tpu.memory_space<hbm>>
      %dma_start3A_64 = tpu.memref_slice %arg4[%run_scoped3A_5, %mul3A_2] : memref<8x2048xf32, #tpu.memory_space<hbm>> -> memref<1x64xf32, #tpu.memory_space<hbm>>
      %dma_start3A_65 = tpu.memref_squeeze %dma_start3A_64 : memref<1x64xf32, #tpu.memory_space<hbm>> -> memref<64xf32, #tpu.memory_space<hbm>>
      tpu.enqueue_dma source(%dma_start3A_65 : memref<64xf32, #tpu.memory_space<hbm>>) target(%arg9 : memref<64xf32, #tpu.memory_space<vmem>>) target_semaphore(%run_scoped3A_61 : memref<!tpu.dma_semaphore, #tpu.memory_space<semaphore_mem>>)
      %dma_wait3A_66 = tpu.memref_slice %arg4[%run_scoped3A_5, %mul3A_2] : memref<8x2048xf32, #tpu.memory_space<hbm>> -> memref<1x64xf32, #tpu.memory_space<hbm>>
      %dma_wait3A_67 = tpu.memref_squeeze %dma_wait3A_66 : memref<1x64xf32, #tpu.memory_space<hbm>> -> memref<64xf32, #tpu.memory_space<hbm>>
      %dma_wait3A_68 = tpu.memref_slice %arg4[%run_scoped3A_5, %mul3A_2] : memref<8x2048xf32, #tpu.memory_space<hbm>> -> memref<1x64xf32, #tpu.memory_space<hbm>>
      %dma_wait3A_69 = tpu.memref_squeeze %dma_wait3A_68 : memref<1x64xf32, #tpu.memory_space<hbm>> -> memref<64xf32, #tpu.memory_space<hbm>>
      tpu.wait_dma2 semaphore(%run_scoped3A_61 : memref<!tpu.dma_semaphore, #tpu.memory_space<semaphore_mem>>) src(%dma_wait3A_69 : memref<64xf32, #tpu.memory_space<hbm>>) dst(%arg9 : memref<64xf32, #tpu.memory_space<vmem>>)
      tpu.yield
    }) : () -> ()
    %dma_start3A = arith.constant 0 : i32
    %dma_start3A_6 = tpu.memref_slice %arg6[%dma_start3A] : memref<64xi32, #tpu.memory_space<vmem>> -> memref<32xi32, #tpu.memory_space<vmem>>
    %dma_start3A_7 = arith.constant 0 : i32
    %dma_start3A_8 = arith.constant 0 : i32
    %dma_start3A_9 = tpu.memref_slice %arg2[%dma_start3A_7, %dma_start3A_8] : memref<5888x1024xf32, #tpu.memory_space<hbm>> -> memref<5888x1024xf32, #tpu.memory_space<hbm>>
    tpu.enqueue_indirect_dma source(%dma_start3A_9 : memref<5888x1024xf32, #tpu.memory_space<hbm>>) target(%arg10 : memref<32x1024xf32, #tpu.memory_space<vmem>>) offsets(%dma_start3A_6 : memref<32xi32, #tpu.memory_space<vmem>>) semaphore(%arg13 : memref<!tpu.dma_semaphore, #tpu.memory_space<semaphore_mem>>)
    %dma_start3A_10 = arith.constant 0 : i32
    %dma_start3A_11 = tpu.memref_slice %arg7[%dma_start3A_10] : memref<64xi32, #tpu.memory_space<vmem>> -> memref<32xi32, #tpu.memory_space<vmem>>
    %dma_start3A_12 = arith.constant 0 : i32
    %dma_start3A_13 = arith.constant 0 : i32
    %dma_start3A_14 = tpu.memref_slice %arg2[%dma_start3A_12, %dma_start3A_13] : memref<5888x1024xf32, #tpu.memory_space<hbm>> -> memref<5888x1024xf32, #tpu.memory_space<hbm>>
    tpu.enqueue_indirect_dma source(%dma_start3A_14 : memref<5888x1024xf32, #tpu.memory_space<hbm>>) target(%arg11 : memref<32x1024xf32, #tpu.memory_space<vmem>>) offsets(%dma_start3A_11 : memref<32xi32, #tpu.memory_space<vmem>>) semaphore(%arg13 : memref<!tpu.dma_semaphore, #tpu.memory_space<semaphore_mem>>)
    %dma_wait3A = arith.constant 0 : i32
    %dma_wait3A_15 = tpu.memref_slice %arg6[%dma_wait3A] : memref<64xi32, #tpu.memory_space<vmem>> -> memref<32xi32, #tpu.memory_space<vmem>>
    %dma_wait3A_16 = arith.constant 0 : i32
    %dma_wait3A_17 = arith.constant 0 : i32
    %dma_wait3A_18 = tpu.memref_slice %arg2[%dma_wait3A_16, %dma_wait3A_17] : memref<5888x1024xf32, #tpu.memory_space<hbm>> -> memref<5888x1024xf32, #tpu.memory_space<hbm>>
    tpu.wait_indirect_dma semaphore(%arg13 : memref<!tpu.dma_semaphore, #tpu.memory_space<semaphore_mem>>) src(%dma_wait3A_18 : memref<5888x1024xf32, #tpu.memory_space<hbm>>) dst(%arg10 : memref<32x1024xf32, #tpu.memory_space<vmem>>)
    %dma_wait3A_19 = arith.constant 0 : i32
    %dma_wait3A_20 = tpu.memref_slice %arg7[%dma_wait3A_19] : memref<64xi32, #tpu.memory_space<vmem>> -> memref<32xi32, #tpu.memory_space<vmem>>
    %dma_wait3A_21 = arith.constant 0 : i32
    %dma_wait3A_22 = arith.constant 0 : i32
    %dma_wait3A_23 = tpu.memref_slice %arg2[%dma_wait3A_21, %dma_wait3A_22] : memref<5888x1024xf32, #tpu.memory_space<hbm>> -> memref<5888x1024xf32, #tpu.memory_space<hbm>>
    tpu.wait_indirect_dma semaphore(%arg13 : memref<!tpu.dma_semaphore, #tpu.memory_space<semaphore_mem>>) src(%dma_wait3A_23 : memref<5888x1024xf32, #tpu.memory_space<hbm>>) dst(%arg11 : memref<32x1024xf32, #tpu.memory_space<vmem>>)
    %scan3A = arith.constant 0 : i32
    %scan3A_24 = arith.constant 0 : i32
    %scan3A_25 = arith.constant 32 : i32
    %scan3A_26 = arith.addi %scan3A_24, %scan3A_25 : i32
    %scan3A_27 = arith.constant 1 : i32
    %scan3A_28 = scf.for %scan3A_61 = %scan3A_24 to %scan3A_26 step %scan3A_27 iter_args(%scan3A_62 = %scan3A) -> (i32)  : i32 {
      %add3A_63 = arith.constant 0 : i32
      %add3A_64 = arith.addi %add3A_63, %scan3A_61 : i32
      %broadcast_in_dim3A = vector.broadcast %add3A_64 : i32 to vector<16xi32>
      %gather3A = tpu.vector_load_idx %arg8[%broadcast_in_dim3A] : memref<64xf32, #tpu.memory_space<vmem>>[vector<16xi32>], vector<16xf32>,
      %gather3A_65 = tpu.vector_load_idx %arg9[%broadcast_in_dim3A] : memref<64xf32, #tpu.memory_space<vmem>>[vector<16xi32>], vector<16xf32>,
      %get3A = arith.index_cast %scan3A_61 : i32 to index
      %get3A_66 = arith.constant 0 : index
      %get3A_67 = tpu.vector_load %arg10[%get3A, %get3A_66] {strides = array<i32>} : memref<32x1024xf32, #tpu.memory_space<vmem>>, vector<16xf32>,
      %mul3A_68 = arith.mulf %gather3A, %get3A_67 : vector<16xf32>
      %get3A_69 = arith.index_cast %scan3A_61 : i32 to index
      %get3A_70 = arith.constant 0 : index
      %get3A_71 = tpu.vector_load %arg11[%get3A_69, %get3A_70] {strides = array<i32>} : memref<32x1024xf32, #tpu.memory_space<vmem>>, vector<16xf32>,
      %mul3A_72 = arith.mulf %gather3A_65, %get3A_71 : vector<16xf32>
      %add3A_73 = arith.addf %mul3A_68, %mul3A_72 : vector<16xf32>
      %swap3A = arith.index_cast %scan3A_61 : i32 to index
      %swap3A_74 = arith.constant 0 : index
      %swap3A_75 = tpu.vector_load %arg12[%swap3A, %swap3A_74] {strides = array<i32>} : memref<32x1024xf32, #tpu.memory_space<vmem>>, vector<16xf32>,
      tpu.vector_store %arg12[%swap3A, %swap3A_74], %add3A_73 {strides = array<i32>} : memref<32x1024xf32, #tpu.memory_space<vmem>>, vector<16xf32>,
      %get3A_76 = arith.index_cast %scan3A_61 : i32 to index
      %get3A_77 = arith.constant 16 : index
      %get3A_78 = tpu.vector_load %arg10[%get3A_76, %get3A_77] {strides = array<i32>} : memref<32x1024xf32, #tpu.memory_space<vmem>>, vector<16xf32>,
      %mul3A_79 = arith.mulf %gather3A, %get3A_78 : vector<16xf32>
      %get3A_80 = arith.index_cast %scan3A_61 : i32 to index
      %get3A_81 = arith.constant 16 : index
      %get3A_82 = tpu.vector_load %arg11[%get3A_80, %get3A_81] {strides = array<i32>} : memref<32x1024xf32, #tpu.memory_space<vmem>>, vector<16xf32>,
      %mul3A_83 = arith.mulf %gather3A_65, %get3A_82 : vector<16xf32>
      %add3A_84 = arith.addf %mul3A_79, %mul3A_83 : vector<16xf32>
      %swap3A_85 = arith.index_cast %scan3A_61 : i32 to index
      %swap3A_86 = arith.constant 16 : index
      %swap3A_87 = tpu.vector_load %arg12[%swap3A_85, %swap3A_86] {strides = array<i32>} : memref<32x1024xf32, #tpu.memory_space<vmem>>, vector<16xf32>,
      tpu.vector_store %arg12[%swap3A_85, %swap3A_86], %add3A_84 {strides = array<i32>} : memref<32x1024xf32, #tpu.memory_space<vmem>>, vector<16xf32>,
      %get3A_88 = arith.index_cast %scan3A_61 : i32 to index
      %get3A_89 = arith.constant 32 : index
      %get3A_90 = tpu.vector_load %arg10[%get3A_88, %get3A_89] {strides = array<i32>} : memref<32x1024xf32, #tpu.memory_space<vmem>>, vector<16xf32>,
      %mul3A_91 = arith.mulf %gather3A, %get3A_90 : vector<16xf32>
      %get3A_92 = arith.index_cast %scan3A_61 : i32 to index
      %get3A_93 = arith.constant 32 : index
      %get3A_94 = tpu.vector_load %arg11[%get3A_92, %get3A_93] {strides = array<i32>} : memref<32x1024xf32, #tpu.memory_space<vmem>>, vector<16xf32>,
      %mul3A_95 = arith.mulf %gather3A_65, %get3A_94 : vector<16xf32>
      %add3A_96 = arith.addf %mul3A_91, %mul3A_95 : vector<16xf32>
      %swap3A_97 = arith.index_cast %scan3A_61 : i32 to index
      %swap3A_98 = arith.constant 32 : index
      %swap3A_99 = tpu.vector_load %arg12[%swap3A_97, %swap3A_98] {strides = array<i32>} : memref<32x1024xf32, #tpu.memory_space<vmem>>, vector<16xf32>,
      tpu.vector_store %arg12[%swap3A_97, %swap3A_98], %add3A_96 {strides = array<i32>} : memref<32x1024xf32, #tpu.memory_space<vmem>>, vector<16xf32>,
      %get3A_100 = arith.index_cast %scan3A_61 : i32 to index
      %get3A_101 = arith.constant 48 : index
      %get3A_102 = tpu.vector_load %arg10[%get3A_100, %get3A_101] {strides = array<i32>} : memref<32x1024xf32, #tpu.memory_space<vmem>>, vector<16xf32>,
      %mul3A_103 = arith.mulf %gather3A, %get3A_102 : vector<16xf32>
      %get3A_104 = arith.index_cast %scan3A_61 : i32 to index
      %get3A_105 = arith.constant 48 : index
      %get3A_106 = tpu.vector_load %arg11[%get3A_104, %get3A_105] {strides = array<i32>} : memref<32x1024xf32, #tpu.memory_space<vmem>>, vector<16xf32>,
      %mul3A_107 = arith.mulf %gather3A_65, %get3A_106 : vector<16xf32>
      %add3A_108 = arith.addf %mul3A_103, %mul3A_107 : vector<16xf32>
      %swap3A_109 = arith.index_cast %scan3A_61 : i32 to index
      %swap3A_110 = arith.constant 48 : index
      %swap3A_111 = tpu.vector_load %arg12[%swap3A_109, %swap3A_110] {strides = array<i32>} : memref<32x1024xf32, #tpu.memory_space<vmem>>, vector<16xf32>,
      tpu.vector_store %arg12[%swap3A_109, %swap3A_110], %add3A_108 {strides = array<i32>} : memref<32x1024xf32, #tpu.memory_space<vmem>>, vector<16xf32>,
      %get3A_112 = arith.index_cast %scan3A_61 : i32 to index
      %get3A_113 = arith.constant 64 : index
      %get3A_114 = tpu.vector_load %arg10[%get3A_112, %get3A_113] {strides = array<i32>} : memref<32x1024xf32, #tpu.memory_space<vmem>>, vector<16xf32>,
      %mul3A_115 = arith.mulf %gather3A, %get3A_114 : vector<16xf32>
      %get3A_116 = arith.index_cast %scan3A_61 : i32 to index
      %get3A_117 = arith.constant 64 : index
      %get3A_118 = tpu.vector_load %arg11[%get3A_116, %get3A_117] {strides = array<i32>} : memref<32x1024xf32, #tpu.memory_space<vmem>>, vector<16xf32>,
      %mul3A_119 = arith.mulf %gather3A_65, %get3A_118 : vector<16xf32>
      %add3A_120 = arith.addf %mul3A_115, %mul3A_119 : vector<16xf32>
      %swap3A_121 = arith.index_cast %scan3A_61 : i32 to index
      %swap3A_122 = arith.constant 64 : index
      %swap3A_123 = tpu.vector_load %arg12[%swap3A_121, %swap3A_122] {strides = array<i32>} : memref<32x1024xf32, #tpu.memory_space<vmem>>, vector<16xf32>,
      tpu.vector_store %arg12[%swap3A_121, %swap3A_122], %add3A_120 {strides = array<i32>} : memref<32x1024xf32, #tpu.memory_space<vmem>>, vector<16xf32>,
      %get3A_124 = arith.index_cast %scan3A_61 : i32 to index
      %get3A_125 = arith.constant 80 : index
      %get3A_126 = tpu.vector_load %arg10[%get3A_124, %get3A_125] {strides = array<i32>} : memref<32x1024xf32, #tpu.memory_space<vmem>>, vector<16xf32>,
      %mul3A_127 = arith.mulf %gather3A, %get3A_126 : vector<16xf32>
      %get3A_128 = arith.index_cast %scan3A_61 : i32 to index
      %get3A_129 = arith.constant 80 : index
      %get3A_130 = tpu.vector_load %arg11[%get3A_128, %get3A_129] {strides = array<i32>} : memref<32x1024xf32, #tpu.memory_space<vmem>>, vector<16xf32>,
      %mul3A_131 = arith.mulf %gather3A_65, %get3A_130 : vector<16xf32>
      %add3A_132 = arith.addf %mul3A_127, %mul3A_131 : vector<16xf32>
      %swap3A_133 = arith.index_cast %scan3A_61 : i32 to index
      %swap3A_134 = arith.constant 80 : index
      %swap3A_135 = tpu.vector_load %arg12[%swap3A_133, %swap3A_134] {strides = array<i32>} : memref<32x1024xf32, #tpu.memory_space<vmem>>, vector<16xf32>,
      tpu.vector_store %arg12[%swap3A_133, %swap3A_134], %add3A_132 {strides = array<i32>} : memref<32x1024xf32, #tpu.memory_space<vmem>>, vector<16xf32>,
      %get3A_136 = arith.index_cast %scan3A_61 : i32 to index
      %get3A_137 = arith.constant 96 : index
      %get3A_138 = tpu.vector_load %arg10[%get3A_136, %get3A_137] {strides = array<i32>} : memref<32x1024xf32, #tpu.memory_space<vmem>>, vector<16xf32>,
      %mul3A_139 = arith.mulf %gather3A, %get3A_138 : vector<16xf32>
      %get3A_140 = arith.index_cast %scan3A_61 : i32 to index
      %get3A_141 = arith.constant 96 : index
      %get3A_142 = tpu.vector_load %arg11[%get3A_140, %get3A_141] {strides = array<i32>} : memref<32x1024xf32, #tpu.memory_space<vmem>>, vector<16xf32>,
      %mul3A_143 = arith.mulf %gather3A_65, %get3A_142 : vector<16xf32>
      %add3A_144 = arith.addf %mul3A_139, %mul3A_143 : vector<16xf32>
      %swap3A_145 = arith.index_cast %scan3A_61 : i32 to index
      %swap3A_146 = arith.constant 96 : index
      %swap3A_147 = tpu.vector_load %arg12[%swap3A_145, %swap3A_146] {strides = array<i32>} : memref<32x1024xf32, #tpu.memory_space<vmem>>, vector<16xf32>,
      tpu.vector_store %arg12[%swap3A_145, %swap3A_146], %add3A_144 {strides = array<i32>} : memref<32x1024xf32, #tpu.memory_space<vmem>>, vector<16xf32>,
      %get3A_148 = arith.index_cast %scan3A_61 : i32 to index
      %get3A_149 = arith.constant 112 : index
      %get3A_150 = tpu.vector_load %arg10[%get3A_148, %get3A_149] {strides = array<i32>} : memref<32x1024xf32, #tpu.memory_space<vmem>>, vector<16xf32>,
      %mul3A_151 = arith.mulf %gather3A, %get3A_150 : vector<16xf32>
      %get3A_152 = arith.index_cast %scan3A_61 : i32 to index
      %get3A_153 = arith.constant 112 : index
      %get3A_154 = tpu.vector_load %arg11[%get3A_152, %get3A_153] {strides = array<i32>} : memref<32x1024xf32, #tpu.memory_space<vmem>>, vector<16xf32>,
      %mul3A_155 = arith.mulf %gather3A_65, %get3A_154 : vector<16xf32>
      %add3A_156 = arith.addf %mul3A_151, %mul3A_155 : vector<16xf32>
      %swap3A_157 = arith.index_cast %scan3A_61 : i32 to index
      %swap3A_158 = arith.constant 112 : index
      %swap3A_159 = tpu.vector_load %arg12[%swap3A_157, %swap3A_158] {strides = array<i32>} : memref<32x1024xf32, #tpu.memory_space<vmem>>, vector<16xf32>,
      tpu.vector_store %arg12[%swap3A_157, %swap3A_158], %add3A_156 {strides = array<i32>} : memref<32x1024xf32, #tpu.memory_space<vmem>>, vector<16xf32>,
      %get3A_160 = arith.index_cast %scan3A_61 : i32 to index
      %get3A_161 = arith.constant 128 : index
      %get3A_162 = tpu.vector_load %arg10[%get3A_160, %get3A_161] {strides = array<i32>} : memref<32x1024xf32, #tpu.memory_space<vmem>>, vector<16xf32>,
      %mul3A_163 = arith.mulf %gather3A, %get3A_162 : vector<16xf32>
      %get3A_164 = arith.index_cast %scan3A_61 : i32 to index
      %get3A_165 = arith.constant 128 : index
      %get3A_166 = tpu.vector_load %arg11[%get3A_164, %get3A_165] {strides = array<i32>} : memref<32x1024xf32, #tpu.memory_space<vmem>>, vector<16xf32>,
      %mul3A_167 = arith.mulf %gather3A_65, %get3A_166 : vector<16xf32>
      %add3A_168 = arith.addf %mul3A_163, %mul3A_167 : vector<16xf32>
      %swap3A_169 = arith.index_cast %scan3A_61 : i32 to index
      %swap3A_170 = arith.constant 128 : index
      %swap3A_171 = tpu.vector_load %arg12[%swap3A_169, %swap3A_170] {strides = array<i32>} : memref<32x1024xf32, #tpu.memory_space<vmem>>, vector<16xf32>,
      tpu.vector_store %arg12[%swap3A_169, %swap3A_170], %add3A_168 {strides = array<i32>} : memref<32x1024xf32, #tpu.memory_space<vmem>>, vector<16xf32>,
      %get3A_172 = arith.index_cast %scan3A_61 : i32 to index
      %get3A_173 = arith.constant 144 : index
      %get3A_174 = tpu.vector_load %arg10[%get3A_172, %get3A_173] {strides = array<i32>} : memref<32x1024xf32, #tpu.memory_space<vmem>>, vector<16xf32>,
      %mul3A_175 = arith.mulf %gather3A, %get3A_174 : vector<16xf32>
      %get3A_176 = arith.index_cast %scan3A_61 : i32 to index
      %get3A_177 = arith.constant 144 : index
      %get3A_178 = tpu.vector_load %arg11[%get3A_176, %get3A_177] {strides = array<i32>} : memref<32x1024xf32, #tpu.memory_space<vmem>>, vector<16xf32>,
      %mul3A_179 = arith.mulf %gather3A_65, %get3A_178 : vector<16xf32>
      %add3A_180 = arith.addf %mul3A_175, %mul3A_179 : vector<16xf32>
      %swap3A_181 = arith.index_cast %scan3A_61 : i32 to index
      %swap3A_182 = arith.constant 144 : index
      %swap3A_183 = tpu.vector_load %arg12[%swap3A_181, %swap3A_182] {strides = array<i32>} : memref<32x1024xf32, #tpu.memory_space<vmem>>, vector<16xf32>,
      tpu.vector_store %arg12[%swap3A_181, %swap3A_182], %add3A_180 {strides = array<i32>} : memref<32x1024xf32, #tpu.memory_space<vmem>>, vector<16xf32>,
      %get3A_184 = arith.index_cast %scan3A_61 : i32 to index
      %get3A_185 = arith.constant 160 : index
      %get3A_186 = tpu.vector_load %arg10[%get3A_184, %get3A_185] {strides = array<i32>} : memref<32x1024xf32, #tpu.memory_space<vmem>>, vector<16xf32>,
      %mul3A_187 = arith.mulf %gather3A, %get3A_186 : vector<16xf32>
      %get3A_188 = arith.index_cast %scan3A_61 : i32 to index
      %get3A_189 = arith.constant 160 : index
      %get3A_190 = tpu.vector_load %arg11[%get3A_188, %get3A_189] {strides = array<i32>} : memref<32x1024xf32, #tpu.memory_space<vmem>>, vector<16xf32>,
      %mul3A_191 = arith.mulf %gather3A_65, %get3A_190 : vector<16xf32>
      %add3A_192 = arith.addf %mul3A_187, %mul3A_191 : vector<16xf32>
      %swap3A_193 = arith.index_cast %scan3A_61 : i32 to index
      %swap3A_194 = arith.constant 160 : index
      %swap3A_195 = tpu.vector_load %arg12[%swap3A_193, %swap3A_194] {strides = array<i32>} : memref<32x1024xf32, #tpu.memory_space<vmem>>, vector<16xf32>,
      tpu.vector_store %arg12[%swap3A_193, %swap3A_194], %add3A_192 {strides = array<i32>} : memref<32x1024xf32, #tpu.memory_space<vmem>>, vector<16xf32>,
      %get3A_196 = arith.index_cast %scan3A_61 : i32 to index
      %get3A_197 = arith.constant 176 : index
      %get3A_198 = tpu.vector_load %arg10[%get3A_196, %get3A_197] {strides = array<i32>} : memref<32x1024xf32, #tpu.memory_space<vmem>>, vector<16xf32>,
      %mul3A_199 = arith.mulf %gather3A, %get3A_198 : vector<16xf32>
      %get3A_200 = arith.index_cast %scan3A_61 : i32 to index
      %get3A_201 = arith.constant 176 : index
      %get3A_202 = tpu.vector_load %arg11[%get3A_200, %get3A_201] {strides = array<i32>} : memref<32x1024xf32, #tpu.memory_space<vmem>>, vector<16xf32>,
      %mul3A_203 = arith.mulf %gather3A_65, %get3A_202 : vector<16xf32>
      %add3A_204 = arith.addf %mul3A_199, %mul3A_203 : vector<16xf32>
      %swap3A_205 = arith.index_cast %scan3A_61 : i32 to index
      %swap3A_206 = arith.constant 176 : index
      %swap3A_207 = tpu.vector_load %arg12[%swap3A_205, %swap3A_206] {strides = array<i32>} : memref<32x1024xf32, #tpu.memory_space<vmem>>, vector<16xf32>,
      tpu.vector_store %arg12[%swap3A_205, %swap3A_206], %add3A_204 {strides = array<i32>} : memref<32x1024xf32, #tpu.memory_space<vmem>>, vector<16xf32>,
      %get3A_208 = arith.index_cast %scan3A_61 : i32 to index
      %get3A_209 = arith.constant 192 : index
      %get3A_210 = tpu.vector_load %arg10[%get3A_208, %get3A_209] {strides = array<i32>} : memref<32x1024xf32, #tpu.memory_space<vmem>>, vector<16xf32>,
      %mul3A_211 = arith.mulf %gather3A, %get3A_210 : vector<16xf32>
      %get3A_212 = arith.index_cast %scan3A_61 : i32 to index
      %get3A_213 = arith.constant 192 : index
      %get3A_214 = tpu.vector_load %arg11[%get3A_212, %get3A_213] {strides = array<i32>} : memref<32x1024xf32, #tpu.memory_space<vmem>>, vector<16xf32>,
      %mul3A_215 = arith.mulf %gather3A_65, %get3A_214 : vector<16xf32>
      %add3A_216 = arith.addf %mul3A_211, %mul3A_215 : vector<16xf32>
      %swap3A_217 = arith.index_cast %scan3A_61 : i32 to index
      %swap3A_218 = arith.constant 192 : index
      %swap3A_219 = tpu.vector_load %arg12[%swap3A_217, %swap3A_218] {strides = array<i32>} : memref<32x1024xf32, #tpu.memory_space<vmem>>, vector<16xf32>,
      tpu.vector_store %arg12[%swap3A_217, %swap3A_218], %add3A_216 {strides = array<i32>} : memref<32x1024xf32, #tpu.memory_space<vmem>>, vector<16xf32>,
      %get3A_220 = arith.index_cast %scan3A_61 : i32 to index
      %get3A_221 = arith.constant 208 : index
      %get3A_222 = tpu.vector_load %arg10[%get3A_220, %get3A_221] {strides = array<i32>} : memref<32x1024xf32, #tpu.memory_space<vmem>>, vector<16xf32>,
      %mul3A_223 = arith.mulf %gather3A, %get3A_222 : vector<16xf32>
      %get3A_224 = arith.index_cast %scan3A_61 : i32 to index
      %get3A_225 = arith.constant 208 : index
      %get3A_226 = tpu.vector_load %arg11[%get3A_224, %get3A_225] {strides = array<i32>} : memref<32x1024xf32, #tpu.memory_space<vmem>>, vector<16xf32>,
      %mul3A_227 = arith.mulf %gather3A_65, %get3A_226 : vector<16xf32>
      %add3A_228 = arith.addf %mul3A_223, %mul3A_227 : vector<16xf32>
      %swap3A_229 = arith.index_cast %scan3A_61 : i32 to index
      %swap3A_230 = arith.constant 208 : index
      %swap3A_231 = tpu.vector_load %arg12[%swap3A_229, %swap3A_230] {strides = array<i32>} : memref<32x1024xf32, #tpu.memory_space<vmem>>, vector<16xf32>,
      tpu.vector_store %arg12[%swap3A_229, %swap3A_230], %add3A_228 {strides = array<i32>} : memref<32x1024xf32, #tpu.memory_space<vmem>>, vector<16xf32>,
      %get3A_232 = arith.index_cast %scan3A_61 : i32 to index
      %get3A_233 = arith.constant 224 : index
      %get3A_234 = tpu.vector_load %arg10[%get3A_232, %get3A_233] {strides = array<i32>} : memref<32x1024xf32, #tpu.memory_space<vmem>>, vector<16xf32>,
      %mul3A_235 = arith.mulf %gather3A, %get3A_234 : vector<16xf32>
      %get3A_236 = arith.index_cast %scan3A_61 : i32 to index
      %get3A_237 = arith.constant 224 : index
      %get3A_238 = tpu.vector_load %arg11[%get3A_236, %get3A_237] {strides = array<i32>} : memref<32x1024xf32, #tpu.memory_space<vmem>>, vector<16xf32>,
      %mul3A_239 = arith.mulf %gather3A_65, %get3A_238 : vector<16xf32>
      %add3A_240 = arith.addf %mul3A_235, %mul3A_239 : vector<16xf32>
      %swap3A_241 = arith.index_cast %scan3A_61 : i32 to index
      %swap3A_242 = arith.constant 224 : index
      %swap3A_243 = tpu.vector_load %arg12[%swap3A_241, %swap3A_242] {strides = array<i32>} : memref<32x1024xf32, #tpu.memory_space<vmem>>, vector<16xf32>,
      tpu.vector_store %arg12[%swap3A_241, %swap3A_242], %add3A_240 {strides = array<i32>} : memref<32x1024xf32, #tpu.memory_space<vmem>>, vector<16xf32>,
      %get3A_244 = arith.index_cast %scan3A_61 : i32 to index
      %get3A_245 = arith.constant 240 : index
      %get3A_246 = tpu.vector_load %arg10[%get3A_244, %get3A_245] {strides = array<i32>} : memref<32x1024xf32, #tpu.memory_space<vmem>>, vector<16xf32>,
      %mul3A_247 = arith.mulf %gather3A, %get3A_246 : vector<16xf32>
      %get3A_248 = arith.index_cast %scan3A_61 : i32 to index
      %get3A_249 = arith.constant 240 : index
      %get3A_250 = tpu.vector_load %arg11[%get3A_248, %get3A_249] {strides = array<i32>} : memref<32x1024xf32, #tpu.memory_space<vmem>>, vector<16xf32>,
      %mul3A_251 = arith.mulf %gather3A_65, %get3A_250 : vector<16xf32>
      %add3A_252 = arith.addf %mul3A_247, %mul3A_251 : vector<16xf32>
      %swap3A_253 = arith.index_cast %scan3A_61 : i32 to index
      %swap3A_254 = arith.constant 240 : index
      %swap3A_255 = tpu.vector_load %arg12[%swap3A_253, %swap3A_254] {strides = array<i32>} : memref<32x1024xf32, #tpu.memory_space<vmem>>, vector<16xf32>,
      tpu.vector_store %arg12[%swap3A_253, %swap3A_254], %add3A_252 {strides = array<i32>} : memref<32x1024xf32, #tpu.memory_space<vmem>>, vector<16xf32>,
      %get3A_256 = arith.index_cast %scan3A_61 : i32 to index
      %get3A_257 = arith.constant 256 : index
      %get3A_258 = tpu.vector_load %arg10[%get3A_256, %get3A_257] {strides = array<i32>} : memref<32x1024xf32, #tpu.memory_space<vmem>>, vector<16xf32>,
      %mul3A_259 = arith.mulf %gather3A, %get3A_258 : vector<16xf32>
      %get3A_260 = arith.index_cast %scan3A_61 : i32 to index
      %get3A_261 = arith.constant 256 : index
      %get3A_262 = tpu.vector_load %arg11[%get3A_260, %get3A_261] {strides = array<i32>} : memref<32x1024xf32, #tpu.memory_space<vmem>>, vector<16xf32>,
      %mul3A_263 = arith.mulf %gather3A_65, %get3A_262 : vector<16xf32>
      %add3A_264 = arith.addf %mul3A_259, %mul3A_263 : vector<16xf32>
      %swap3A_265 = arith.index_cast %scan3A_61 : i32 to index
      %swap3A_266 = arith.constant 256 : index
      %swap3A_267 = tpu.vector_load %arg12[%swap3A_265, %swap3A_266] {strides = array<i32>} : memref<32x1024xf32, #tpu.memory_space<vmem>>, vector<16xf32>,
      tpu.vector_store %arg12[%swap3A_265, %swap3A_266], %add3A_264 {strides = array<i32>} : memref<32x1024xf32, #tpu.memory_space<vmem>>, vector<16xf32>,
      %get3A_268 = arith.index_cast %scan3A_61 : i32 to index
      %get3A_269 = arith.constant 272 : index
      %get3A_270 = tpu.vector_load %arg10[%get3A_268, %get3A_269] {strides = array<i32>} : memref<32x1024xf32, #tpu.memory_space<vmem>>, vector<16xf32>,
      %mul3A_271 = arith.mulf %gather3A, %get3A_270 : vector<16xf32>
      %get3A_272 = arith.index_cast %scan3A_61 : i32 to index
      %get3A_273 = arith.constant 272 : index
      %get3A_274 = tpu.vector_load %arg11[%get3A_272, %get3A_273] {strides = array<i32>} : memref<32x1024xf32, #tpu.memory_space<vmem>>, vector<16xf32>,
      %mul3A_275 = arith.mulf %gather3A_65, %get3A_274 : vector<16xf32>
      %add3A_276 = arith.addf %mul3A_271, %mul3A_275 : vector<16xf32>
      %swap3A_277 = arith.index_cast %scan3A_61 : i32 to index
      %swap3A_278 = arith.constant 272 : index
      %swap3A_279 = tpu.vector_load %arg12[%swap3A_277, %swap3A_278] {strides = array<i32>} : memref<32x1024xf32, #tpu.memory_space<vmem>>, vector<16xf32>,
      tpu.vector_store %arg12[%swap3A_277, %swap3A_278], %add3A_276 {strides = array<i32>} : memref<32x1024xf32, #tpu.memory_space<vmem>>, vector<16xf32>,
      %get3A_280 = arith.index_cast %scan3A_61 : i32 to index
      %get3A_281 = arith.constant 288 : index
      %get3A_282 = tpu.vector_load %arg10[%get3A_280, %get3A_281] {strides = array<i32>} : memref<32x1024xf32, #tpu.memory_space<vmem>>, vector<16xf32>,
      %mul3A_283 = arith.mulf %gather3A, %get3A_282 : vector<16xf32>
      %get3A_284 = arith.index_cast %scan3A_61 : i32 to index
      %get3A_285 = arith.constant 288 : index
      %get3A_286 = tpu.vector_load %arg11[%get3A_284, %get3A_285] {strides = array<i32>} : memref<32x1024xf32, #tpu.memory_space<vmem>>, vector<16xf32>,
      %mul3A_287 = arith.mulf %gather3A_65, %get3A_286 : vector<16xf32>
      %add3A_288 = arith.addf %mul3A_283, %mul3A_287 : vector<16xf32>
      %swap3A_289 = arith.index_cast %scan3A_61 : i32 to index
      %swap3A_290 = arith.constant 288 : index
      %swap3A_291 = tpu.vector_load %arg12[%swap3A_289, %swap3A_290] {strides = array<i32>} : memref<32x1024xf32, #tpu.memory_space<vmem>>, vector<16xf32>,
      tpu.vector_store %arg12[%swap3A_289, %swap3A_290], %add3A_288 {strides = array<i32>} : memref<32x1024xf32, #tpu.memory_space<vmem>>, vector<16xf32>,
      %get3A_292 = arith.index_cast %scan3A_61 : i32 to index
      %get3A_293 = arith.constant 304 : index
      %get3A_294 = tpu.vector_load %arg10[%get3A_292, %get3A_293] {strides = array<i32>} : memref<32x1024xf32, #tpu.memory_space<vmem>>, vector<16xf32>,
      %mul3A_295 = arith.mulf %gather3A, %get3A_294 : vector<16xf32>
      %get3A_296 = arith.index_cast %scan3A_61 : i32 to index
      %get3A_297 = arith.constant 304 : index
      %get3A_298 = tpu.vector_load %arg11[%get3A_296, %get3A_297] {strides = array<i32>} : memref<32x1024xf32, #tpu.memory_space<vmem>>, vector<16xf32>,
      %mul3A_299 = arith.mulf %gather3A_65, %get3A_298 : vector<16xf32>
      %add3A_300 = arith.addf %mul3A_295, %mul3A_299 : vector<16xf32>
      %swap3A_301 = arith.index_cast %scan3A_61 : i32 to index
      %swap3A_302 = arith.constant 304 : index
      %swap3A_303 = tpu.vector_load %arg12[%swap3A_301, %swap3A_302] {strides = array<i32>} : memref<32x1024xf32, #tpu.memory_space<vmem>>, vector<16xf32>,
      tpu.vector_store %arg12[%swap3A_301, %swap3A_302], %add3A_300 {strides = array<i32>} : memref<32x1024xf32, #tpu.memory_space<vmem>>, vector<16xf32>,
      %get3A_304 = arith.index_cast %scan3A_61 : i32 to index
      %get3A_305 = arith.constant 320 : index
      %get3A_306 = tpu.vector_load %arg10[%get3A_304, %get3A_305] {strides = array<i32>} : memref<32x1024xf32, #tpu.memory_space<vmem>>, vector<16xf32>,
      %mul3A_307 = arith.mulf %gather3A, %get3A_306 : vector<16xf32>
      %get3A_308 = arith.index_cast %scan3A_61 : i32 to index
      %get3A_309 = arith.constant 320 : index
      %get3A_310 = tpu.vector_load %arg11[%get3A_308, %get3A_309] {strides = array<i32>} : memref<32x1024xf32, #tpu.memory_space<vmem>>, vector<16xf32>,
      %mul3A_311 = arith.mulf %gather3A_65, %get3A_310 : vector<16xf32>
      %add3A_312 = arith.addf %mul3A_307, %mul3A_311 : vector<16xf32>
      %swap3A_313 = arith.index_cast %scan3A_61 : i32 to index
      %swap3A_314 = arith.constant 320 : index
      %swap3A_315 = tpu.vector_load %arg12[%swap3A_313, %swap3A_314] {strides = array<i32>} : memref<32x1024xf32, #tpu.memory_space<vmem>>, vector<16xf32>,
      tpu.vector_store %arg12[%swap3A_313, %swap3A_314], %add3A_312 {strides = array<i32>} : memref<32x1024xf32, #tpu.memory_space<vmem>>, vector<16xf32>,
      %get3A_316 = arith.index_cast %scan3A_61 : i32 to index
      %get3A_317 = arith.constant 336 : index
      %get3A_318 = tpu.vector_load %arg10[%get3A_316, %get3A_317] {strides = array<i32>} : memref<32x1024xf32, #tpu.memory_space<vmem>>, vector<16xf32>,
      %mul3A_319 = arith.mulf %gather3A, %get3A_318 : vector<16xf32>
      %get3A_320 = arith.index_cast %scan3A_61 : i32 to index
      %get3A_321 = arith.constant 336 : index
      %get3A_322 = tpu.vector_load %arg11[%get3A_320, %get3A_321] {strides = array<i32>} : memref<32x1024xf32, #tpu.memory_space<vmem>>, vector<16xf32>,
      %mul3A_323 = arith.mulf %gather3A_65, %get3A_322 : vector<16xf32>
      %add3A_324 = arith.addf %mul3A_319, %mul3A_323 : vector<16xf32>
      %swap3A_325 = arith.index_cast %scan3A_61 : i32 to index
      %swap3A_326 = arith.constant 336 : index
      %swap3A_327 = tpu.vector_load %arg12[%swap3A_325, %swap3A_326] {strides = array<i32>} : memref<32x1024xf32, #tpu.memory_space<vmem>>, vector<16xf32>,
      tpu.vector_store %arg12[%swap3A_325, %swap3A_326], %add3A_324 {strides = array<i32>} : memref<32x1024xf32, #tpu.memory_space<vmem>>, vector<16xf32>,
      %get3A_328 = arith.index_cast %scan3A_61 : i32 to index
      %get3A_329 = arith.constant 352 : index
      %get3A_330 = tpu.vector_load %arg10[%get3A_328, %get3A_329] {strides = array<i32>} : memref<32x1024xf32, #tpu.memory_space<vmem>>, vector<16xf32>,
      %mul3A_331 = arith.mulf %gather3A, %get3A_330 : vector<16xf32>
      %get3A_332 = arith.index_cast %scan3A_61 : i32 to index
      %get3A_333 = arith.constant 352 : index
      %get3A_334 = tpu.vector_load %arg11[%get3A_332, %get3A_333] {strides = array<i32>} : memref<32x1024xf32, #tpu.memory_space<vmem>>, vector<16xf32>,
      %mul3A_335 = arith.mulf %gather3A_65, %get3A_334 : vector<16xf32>
      %add3A_336 = arith.addf %mul3A_331, %mul3A_335 : vector<16xf32>
      %swap3A_337 = arith.index_cast %scan3A_61 : i32 to index
      %swap3A_338 = arith.constant 352 : index
      %swap3A_339 = tpu.vector_load %arg12[%swap3A_337, %swap3A_338] {strides = array<i32>} : memref<32x1024xf32, #tpu.memory_space<vmem>>, vector<16xf32>,
      tpu.vector_store %arg12[%swap3A_337, %swap3A_338], %add3A_336 {strides = array<i32>} : memref<32x1024xf32, #tpu.memory_space<vmem>>, vector<16xf32>,
      %get3A_340 = arith.index_cast %scan3A_61 : i32 to index
      %get3A_341 = arith.constant 368 : index
      %get3A_342 = tpu.vector_load %arg10[%get3A_340, %get3A_341] {strides = array<i32>} : memref<32x1024xf32, #tpu.memory_space<vmem>>, vector<16xf32>,
      %mul3A_343 = arith.mulf %gather3A, %get3A_342 : vector<16xf32>
      %get3A_344 = arith.index_cast %scan3A_61 : i32 to index
      %get3A_345 = arith.constant 368 : index
      %get3A_346 = tpu.vector_load %arg11[%get3A_344, %get3A_345] {strides = array<i32>} : memref<32x1024xf32, #tpu.memory_space<vmem>>, vector<16xf32>,
      %mul3A_347 = arith.mulf %gather3A_65, %get3A_346 : vector<16xf32>
      %add3A_348 = arith.addf %mul3A_343, %mul3A_347 : vector<16xf32>
      %swap3A_349 = arith.index_cast %scan3A_61 : i32 to index
      %swap3A_350 = arith.constant 368 : index
      %swap3A_351 = tpu.vector_load %arg12[%swap3A_349, %swap3A_350] {strides = array<i32>} : memref<32x1024xf32, #tpu.memory_space<vmem>>, vector<16xf32>,
      tpu.vector_store %arg12[%swap3A_349, %swap3A_350], %add3A_348 {strides = array<i32>} : memref<32x1024xf32, #tpu.memory_space<vmem>>, vector<16xf32>,
      %get3A_352 = arith.index_cast %scan3A_61 : i32 to index
      %get3A_353 = arith.constant 384 : index
      %get3A_354 = tpu.vector_load %arg10[%get3A_352, %get3A_353] {strides = array<i32>} : memref<32x1024xf32, #tpu.memory_space<vmem>>, vector<16xf32>,
      %mul3A_355 = arith.mulf %gather3A, %get3A_354 : vector<16xf32>
      %get3A_356 = arith.index_cast %scan3A_61 : i32 to index
      %get3A_357 = arith.constant 384 : index
      %get3A_358 = tpu.vector_load %arg11[%get3A_356, %get3A_357] {strides = array<i32>} : memref<32x1024xf32, #tpu.memory_space<vmem>>, vector<16xf32>,
      %mul3A_359 = arith.mulf %gather3A_65, %get3A_358 : vector<16xf32>
      %add3A_360 = arith.addf %mul3A_355, %mul3A_359 : vector<16xf32>
      %swap3A_361 = arith.index_cast %scan3A_61 : i32 to index
      %swap3A_362 = arith.constant 384 : index
      %swap3A_363 = tpu.vector_load %arg12[%swap3A_361, %swap3A_362] {strides = array<i32>} : memref<32x1024xf32, #tpu.memory_space<vmem>>, vector<16xf32>,
      tpu.vector_store %arg12[%swap3A_361, %swap3A_362], %add3A_360 {strides = array<i32>} : memref<32x1024xf32, #tpu.memory_space<vmem>>, vector<16xf32>,
      %get3A_364 = arith.index_cast %scan3A_61 : i32 to index
      %get3A_365 = arith.constant 400 : index
      %get3A_366 = tpu.vector_load %arg10[%get3A_364, %get3A_365] {strides = array<i32>} : memref<32x1024xf32, #tpu.memory_space<vmem>>, vector<16xf32>,
      %mul3A_367 = arith.mulf %gather3A, %get3A_366 : vector<16xf32>
      %get3A_368 = arith.index_cast %scan3A_61 : i32 to index
      %get3A_369 = arith.constant 400 : index
      %get3A_370 = tpu.vector_load %arg11[%get3A_368, %get3A_369] {strides = array<i32>} : memref<32x1024xf32, #tpu.memory_space<vmem>>, vector<16xf32>,
      %mul3A_371 = arith.mulf %gather3A_65, %get3A_370 : vector<16xf32>
      %add3A_372 = arith.addf %mul3A_367, %mul3A_371 : vector<16xf32>
      %swap3A_373 = arith.index_cast %scan3A_61 : i32 to index
      %swap3A_374 = arith.constant 400 : index
      %swap3A_375 = tpu.vector_load %arg12[%swap3A_373, %swap3A_374] {strides = array<i32>} : memref<32x1024xf32, #tpu.memory_space<vmem>>, vector<16xf32>,
      tpu.vector_store %arg12[%swap3A_373, %swap3A_374], %add3A_372 {strides = array<i32>} : memref<32x1024xf32, #tpu.memory_space<vmem>>, vector<16xf32>,
      %get3A_376 = arith.index_cast %scan3A_61 : i32 to index
      %get3A_377 = arith.constant 416 : index
      %get3A_378 = tpu.vector_load %arg10[%get3A_376, %get3A_377] {strides = array<i32>} : memref<32x1024xf32, #tpu.memory_space<vmem>>, vector<16xf32>,
      %mul3A_379 = arith.mulf %gather3A, %get3A_378 : vector<16xf32>
      %get3A_380 = arith.index_cast %scan3A_61 : i32 to index
      %get3A_381 = arith.constant 416 : index
      %get3A_382 = tpu.vector_load %arg11[%get3A_380, %get3A_381] {strides = array<i32>} : memref<32x1024xf32, #tpu.memory_space<vmem>>, vector<16xf32>,
      %mul3A_383 = arith.mulf %gather3A_65, %get3A_382 : vector<16xf32>
      %add3A_384 = arith.addf %mul3A_379, %mul3A_383 : vector<16xf32>
      %swap3A_385 = arith.index_cast %scan3A_61 : i32 to index
      %swap3A_386 = arith.constant 416 : index
      %swap3A_387 = tpu.vector_load %arg12[%swap3A_385, %swap3A_386] {strides = array<i32>} : memref<32x1024xf32, #tpu.memory_space<vmem>>, vector<16xf32>,
      tpu.vector_store %arg12[%swap3A_385, %swap3A_386], %add3A_384 {strides = array<i32>} : memref<32x1024xf32, #tpu.memory_space<vmem>>, vector<16xf32>,
      %get3A_388 = arith.index_cast %scan3A_61 : i32 to index
      %get3A_389 = arith.constant 432 : index
      %get3A_390 = tpu.vector_load %arg10[%get3A_388, %get3A_389] {strides = array<i32>} : memref<32x1024xf32, #tpu.memory_space<vmem>>, vector<16xf32>,
      %mul3A_391 = arith.mulf %gather3A, %get3A_390 : vector<16xf32>
      %get3A_392 = arith.index_cast %scan3A_61 : i32 to index
      %get3A_393 = arith.constant 432 : index
      %get3A_394 = tpu.vector_load %arg11[%get3A_392, %get3A_393] {strides = array<i32>} : memref<32x1024xf32, #tpu.memory_space<vmem>>, vector<16xf32>,
      %mul3A_395 = arith.mulf %gather3A_65, %get3A_394 : vector<16xf32>
      %add3A_396 = arith.addf %mul3A_391, %mul3A_395 : vector<16xf32>
      %swap3A_397 = arith.index_cast %scan3A_61 : i32 to index
      %swap3A_398 = arith.constant 432 : index
      %swap3A_399 = tpu.vector_load %arg12[%swap3A_397, %swap3A_398] {strides = array<i32>} : memref<32x1024xf32, #tpu.memory_space<vmem>>, vector<16xf32>,
      tpu.vector_store %arg12[%swap3A_397, %swap3A_398], %add3A_396 {strides = array<i32>} : memref<32x1024xf32, #tpu.memory_space<vmem>>, vector<16xf32>,
      %get3A_400 = arith.index_cast %scan3A_61 : i32 to index
      %get3A_401 = arith.constant 448 : index
      %get3A_402 = tpu.vector_load %arg10[%get3A_400, %get3A_401] {strides = array<i32>} : memref<32x1024xf32, #tpu.memory_space<vmem>>, vector<16xf32>,
      %mul3A_403 = arith.mulf %gather3A, %get3A_402 : vector<16xf32>
      %get3A_404 = arith.index_cast %scan3A_61 : i32 to index
      %get3A_405 = arith.constant 448 : index
      %get3A_406 = tpu.vector_load %arg11[%get3A_404, %get3A_405] {strides = array<i32>} : memref<32x1024xf32, #tpu.memory_space<vmem>>, vector<16xf32>,
      %mul3A_407 = arith.mulf %gather3A_65, %get3A_406 : vector<16xf32>
      %add3A_408 = arith.addf %mul3A_403, %mul3A_407 : vector<16xf32>
      %swap3A_409 = arith.index_cast %scan3A_61 : i32 to index
      %swap3A_410 = arith.constant 448 : index
      %swap3A_411 = tpu.vector_load %arg12[%swap3A_409, %swap3A_410] {strides = array<i32>} : memref<32x1024xf32, #tpu.memory_space<vmem>>, vector<16xf32>,
      tpu.vector_store %arg12[%swap3A_409, %swap3A_410], %add3A_408 {strides = array<i32>} : memref<32x1024xf32, #tpu.memory_space<vmem>>, vector<16xf32>,
      %get3A_412 = arith.index_cast %scan3A_61 : i32 to index
      %get3A_413 = arith.constant 464 : index
      %get3A_414 = tpu.vector_load %arg10[%get3A_412, %get3A_413] {strides = array<i32>} : memref<32x1024xf32, #tpu.memory_space<vmem>>, vector<16xf32>,
      %mul3A_415 = arith.mulf %gather3A, %get3A_414 : vector<16xf32>
      %get3A_416 = arith.index_cast %scan3A_61 : i32 to index
      %get3A_417 = arith.constant 464 : index
      %get3A_418 = tpu.vector_load %arg11[%get3A_416, %get3A_417] {strides = array<i32>} : memref<32x1024xf32, #tpu.memory_space<vmem>>, vector<16xf32>,
      %mul3A_419 = arith.mulf %gather3A_65, %get3A_418 : vector<16xf32>
      %add3A_420 = arith.addf %mul3A_415, %mul3A_419 : vector<16xf32>
      %swap3A_421 = arith.index_cast %scan3A_61 : i32 to index
      %swap3A_422 = arith.constant 464 : index
      %swap3A_423 = tpu.vector_load %arg12[%swap3A_421, %swap3A_422] {strides = array<i32>} : memref<32x1024xf32, #tpu.memory_space<vmem>>, vector<16xf32>,
      tpu.vector_store %arg12[%swap3A_421, %swap3A_422], %add3A_420 {strides = array<i32>} : memref<32x1024xf32, #tpu.memory_space<vmem>>, vector<16xf32>,
      %get3A_424 = arith.index_cast %scan3A_61 : i32 to index
      %get3A_425 = arith.constant 480 : index
      %get3A_426 = tpu.vector_load %arg10[%get3A_424, %get3A_425] {strides = array<i32>} : memref<32x1024xf32, #tpu.memory_space<vmem>>, vector<16xf32>,
      %mul3A_427 = arith.mulf %gather3A, %get3A_426 : vector<16xf32>
      %get3A_428 = arith.index_cast %scan3A_61 : i32 to index
      %get3A_429 = arith.constant 480 : index
      %get3A_430 = tpu.vector_load %arg11[%get3A_428, %get3A_429] {strides = array<i32>} : memref<32x1024xf32, #tpu.memory_space<vmem>>, vector<16xf32>,
      %mul3A_431 = arith.mulf %gather3A_65, %get3A_430 : vector<16xf32>
      %add3A_432 = arith.addf %mul3A_427, %mul3A_431 : vector<16xf32>
      %swap3A_433 = arith.index_cast %scan3A_61 : i32 to index
      %swap3A_434 = arith.constant 480 : index
      %swap3A_435 = tpu.vector_load %arg12[%swap3A_433, %swap3A_434] {strides = array<i32>} : memref<32x1024xf32, #tpu.memory_space<vmem>>, vector<16xf32>,
      tpu.vector_store %arg12[%swap3A_433, %swap3A_434], %add3A_432 {strides = array<i32>} : memref<32x1024xf32, #tpu.memory_space<vmem>>, vector<16xf32>,
      %get3A_436 = arith.index_cast %scan3A_61 : i32 to index
      %get3A_437 = arith.constant 496 : index
      %get3A_438 = tpu.vector_load %arg10[%get3A_436, %get3A_437] {strides = array<i32>} : memref<32x1024xf32, #tpu.memory_space<vmem>>, vector<16xf32>,
      %mul3A_439 = arith.mulf %gather3A, %get3A_438 : vector<16xf32>
      %get3A_440 = arith.index_cast %scan3A_61 : i32 to index
      %get3A_441 = arith.constant 496 : index
      %get3A_442 = tpu.vector_load %arg11[%get3A_440, %get3A_441] {strides = array<i32>} : memref<32x1024xf32, #tpu.memory_space<vmem>>, vector<16xf32>,
      %mul3A_443 = arith.mulf %gather3A_65, %get3A_442 : vector<16xf32>
      %add3A_444 = arith.addf %mul3A_439, %mul3A_443 : vector<16xf32>
      %swap3A_445 = arith.index_cast %scan3A_61 : i32 to index
      %swap3A_446 = arith.constant 496 : index
      %swap3A_447 = tpu.vector_load %arg12[%swap3A_445, %swap3A_446] {strides = array<i32>} : memref<32x1024xf32, #tpu.memory_space<vmem>>, vector<16xf32>,
      tpu.vector_store %arg12[%swap3A_445, %swap3A_446], %add3A_444 {strides = array<i32>} : memref<32x1024xf32, #tpu.memory_space<vmem>>, vector<16xf32>,
      %get3A_448 = arith.index_cast %scan3A_61 : i32 to index
      %get3A_449 = arith.constant 512 : index
      %get3A_450 = tpu.vector_load %arg10[%get3A_448, %get3A_449] {strides = array<i32>} : memref<32x1024xf32, #tpu.memory_space<vmem>>, vector<16xf32>,
      %mul3A_451 = arith.mulf %gather3A, %get3A_450 : vector<16xf32>
      %get3A_452 = arith.index_cast %scan3A_61 : i32 to index
      %get3A_453 = arith.constant 512 : index
      %get3A_454 = tpu.vector_load %arg11[%get3A_452, %get3A_453] {strides = array<i32>} : memref<32x1024xf32, #tpu.memory_space<vmem>>, vector<16xf32>,
      %mul3A_455 = arith.mulf %gather3A_65, %get3A_454 : vector<16xf32>
      %add3A_456 = arith.addf %mul3A_451, %mul3A_455 : vector<16xf32>
      %swap3A_457 = arith.index_cast %scan3A_61 : i32 to index
      %swap3A_458 = arith.constant 512 : index
      %swap3A_459 = tpu.vector_load %arg12[%swap3A_457, %swap3A_458] {strides = array<i32>} : memref<32x1024xf32, #tpu.memory_space<vmem>>, vector<16xf32>,
      tpu.vector_store %arg12[%swap3A_457, %swap3A_458], %add3A_456 {strides = array<i32>} : memref<32x1024xf32, #tpu.memory_space<vmem>>, vector<16xf32>,
      %get3A_460 = arith.index_cast %scan3A_61 : i32 to index
      %get3A_461 = arith.constant 528 : index
      %get3A_462 = tpu.vector_load %arg10[%get3A_460, %get3A_461] {strides = array<i32>} : memref<32x1024xf32, #tpu.memory_space<vmem>>, vector<16xf32>,
      %mul3A_463 = arith.mulf %gather3A, %get3A_462 : vector<16xf32>
      %get3A_464 = arith.index_cast %scan3A_61 : i32 to index
      %get3A_465 = arith.constant 528 : index
      %get3A_466 = tpu.vector_load %arg11[%get3A_464, %get3A_465] {strides = array<i32>} : memref<32x1024xf32, #tpu.memory_space<vmem>>, vector<16xf32>,
      %mul3A_467 = arith.mulf %gather3A_65, %get3A_466 : vector<16xf32>
      %add3A_468 = arith.addf %mul3A_463, %mul3A_467 : vector<16xf32>
      %swap3A_469 = arith.index_cast %scan3A_61 : i32 to index
      %swap3A_470 = arith.constant 528 : index
      %swap3A_471 = tpu.vector_load %arg12[%swap3A_469, %swap3A_470] {strides = array<i32>} : memref<32x1024xf32, #tpu.memory_space<vmem>>, vector<16xf32>,
      tpu.vector_store %arg12[%swap3A_469, %swap3A_470], %add3A_468 {strides = array<i32>} : memref<32x1024xf32, #tpu.memory_space<vmem>>, vector<16xf32>,
      %get3A_472 = arith.index_cast %scan3A_61 : i32 to index
      %get3A_473 = arith.constant 544 : index
      %get3A_474 = tpu.vector_load %arg10[%get3A_472, %get3A_473] {strides = array<i32>} : memref<32x1024xf32, #tpu.memory_space<vmem>>, vector<16xf32>,
      %mul3A_475 = arith.mulf %gather3A, %get3A_474 : vector<16xf32>
      %get3A_476 = arith.index_cast %scan3A_61 : i32 to index
      %get3A_477 = arith.constant 544 : index
      %get3A_478 = tpu.vector_load %arg11[%get3A_476, %get3A_477] {strides = array<i32>} : memref<32x1024xf32, #tpu.memory_space<vmem>>, vector<16xf32>,
      %mul3A_479 = arith.mulf %gather3A_65, %get3A_478 : vector<16xf32>
      %add3A_480 = arith.addf %mul3A_475, %mul3A_479 : vector<16xf32>
      %swap3A_481 = arith.index_cast %scan3A_61 : i32 to index
      %swap3A_482 = arith.constant 544 : index
      %swap3A_483 = tpu.vector_load %arg12[%swap3A_481, %swap3A_482] {strides = array<i32>} : memref<32x1024xf32, #tpu.memory_space<vmem>>, vector<16xf32>,
      tpu.vector_store %arg12[%swap3A_481, %swap3A_482], %add3A_480 {strides = array<i32>} : memref<32x1024xf32, #tpu.memory_space<vmem>>, vector<16xf32>,
      %get3A_484 = arith.index_cast %scan3A_61 : i32 to index
      %get3A_485 = arith.constant 560 : index
      %get3A_486 = tpu.vector_load %arg10[%get3A_484, %get3A_485] {strides = array<i32>} : memref<32x1024xf32, #tpu.memory_space<vmem>>, vector<16xf32>,
      %mul3A_487 = arith.mulf %gather3A, %get3A_486 : vector<16xf32>
      %get3A_488 = arith.index_cast %scan3A_61 : i32 to index
      %get3A_489 = arith.constant 560 : index
      %get3A_490 = tpu.vector_load %arg11[%get3A_488, %get3A_489] {strides = array<i32>} : memref<32x1024xf32, #tpu.memory_space<vmem>>, vector<16xf32>,
      %mul3A_491 = arith.mulf %gather3A_65, %get3A_490 : vector<16xf32>
      %add3A_492 = arith.addf %mul3A_487, %mul3A_491 : vector<16xf32>
      %swap3A_493 = arith.index_cast %scan3A_61 : i32 to index
      %swap3A_494 = arith.constant 560 : index
      %swap3A_495 = tpu.vector_load %arg12[%swap3A_493, %swap3A_494] {strides = array<i32>} : memref<32x1024xf32, #tpu.memory_space<vmem>>, vector<16xf32>,
      tpu.vector_store %arg12[%swap3A_493, %swap3A_494], %add3A_492 {strides = array<i32>} : memref<32x1024xf32, #tpu.memory_space<vmem>>, vector<16xf32>,
      %get3A_496 = arith.index_cast %scan3A_61 : i32 to index
      %get3A_497 = arith.constant 576 : index
      %get3A_498 = tpu.vector_load %arg10[%get3A_496, %get3A_497] {strides = array<i32>} : memref<32x1024xf32, #tpu.memory_space<vmem>>, vector<16xf32>,
      %mul3A_499 = arith.mulf %gather3A, %get3A_498 : vector<16xf32>
      %get3A_500 = arith.index_cast %scan3A_61 : i32 to index
      %get3A_501 = arith.constant 576 : index
      %get3A_502 = tpu.vector_load %arg11[%get3A_500, %get3A_501] {strides = array<i32>} : memref<32x1024xf32, #tpu.memory_space<vmem>>, vector<16xf32>,
      %mul3A_503 = arith.mulf %gather3A_65, %get3A_502 : vector<16xf32>
      %add3A_504 = arith.addf %mul3A_499, %mul3A_503 : vector<16xf32>
      %swap3A_505 = arith.index_cast %scan3A_61 : i32 to index
      %swap3A_506 = arith.constant 576 : index
      %swap3A_507 = tpu.vector_load %arg12[%swap3A_505, %swap3A_506] {strides = array<i32>} : memref<32x1024xf32, #tpu.memory_space<vmem>>, vector<16xf32>,
      tpu.vector_store %arg12[%swap3A_505, %swap3A_506], %add3A_504 {strides = array<i32>} : memref<32x1024xf32, #tpu.memory_space<vmem>>, vector<16xf32>,
      %get3A_508 = arith.index_cast %scan3A_61 : i32 to index
      %get3A_509 = arith.constant 592 : index
      %get3A_510 = tpu.vector_load %arg10[%get3A_508, %get3A_509] {strides = array<i32>} : memref<32x1024xf32, #tpu.memory_space<vmem>>, vector<16xf32>,
      %mul3A_511 = arith.mulf %gather3A, %get3A_510 : vector<16xf32>
      %get3A_512 = arith.index_cast %scan3A_61 : i32 to index
      %get3A_513 = arith.constant 592 : index
      %get3A_514 = tpu.vector_load %arg11[%get3A_512, %get3A_513] {strides = array<i32>} : memref<32x1024xf32, #tpu.memory_space<vmem>>, vector<16xf32>,
      %mul3A_515 = arith.mulf %gather3A_65, %get3A_514 : vector<16xf32>
      %add3A_516 = arith.addf %mul3A_511, %mul3A_515 : vector<16xf32>
      %swap3A_517 = arith.index_cast %scan3A_61 : i32 to index
      %swap3A_518 = arith.constant 592 : index
      %swap3A_519 = tpu.vector_load %arg12[%swap3A_517, %swap3A_518] {strides = array<i32>} : memref<32x1024xf32, #tpu.memory_space<vmem>>, vector<16xf32>,
      tpu.vector_store %arg12[%swap3A_517, %swap3A_518], %add3A_516 {strides = array<i32>} : memref<32x1024xf32, #tpu.memory_space<vmem>>, vector<16xf32>,
      %get3A_520 = arith.index_cast %scan3A_61 : i32 to index
      %get3A_521 = arith.constant 608 : index
      %get3A_522 = tpu.vector_load %arg10[%get3A_520, %get3A_521] {strides = array<i32>} : memref<32x1024xf32, #tpu.memory_space<vmem>>, vector<16xf32>,
      %mul3A_523 = arith.mulf %gather3A, %get3A_522 : vector<16xf32>
      %get3A_524 = arith.index_cast %scan3A_61 : i32 to index
      %get3A_525 = arith.constant 608 : index
      %get3A_526 = tpu.vector_load %arg11[%get3A_524, %get3A_525] {strides = array<i32>} : memref<32x1024xf32, #tpu.memory_space<vmem>>, vector<16xf32>,
      %mul3A_527 = arith.mulf %gather3A_65, %get3A_526 : vector<16xf32>
      %add3A_528 = arith.addf %mul3A_523, %mul3A_527 : vector<16xf32>
      %swap3A_529 = arith.index_cast %scan3A_61 : i32 to index
      %swap3A_530 = arith.constant 608 : index
      %swap3A_531 = tpu.vector_load %arg12[%swap3A_529, %swap3A_530] {strides = array<i32>} : memref<32x1024xf32, #tpu.memory_space<vmem>>, vector<16xf32>,
      tpu.vector_store %arg12[%swap3A_529, %swap3A_530], %add3A_528 {strides = array<i32>} : memref<32x1024xf32, #tpu.memory_space<vmem>>, vector<16xf32>,
      %get3A_532 = arith.index_cast %scan3A_61 : i32 to index
      %get3A_533 = arith.constant 624 : index
      %get3A_534 = tpu.vector_load %arg10[%get3A_532, %get3A_533] {strides = array<i32>} : memref<32x1024xf32, #tpu.memory_space<vmem>>, vector<16xf32>,
      %mul3A_535 = arith.mulf %gather3A, %get3A_534 : vector<16xf32>
      %get3A_536 = arith.index_cast %scan3A_61 : i32 to index
      %get3A_537 = arith.constant 624 : index
      %get3A_538 = tpu.vector_load %arg11[%get3A_536, %get3A_537] {strides = array<i32>} : memref<32x1024xf32, #tpu.memory_space<vmem>>, vector<16xf32>,
      %mul3A_539 = arith.mulf %gather3A_65, %get3A_538 : vector<16xf32>
      %add3A_540 = arith.addf %mul3A_535, %mul3A_539 : vector<16xf32>
      %swap3A_541 = arith.index_cast %scan3A_61 : i32 to index
      %swap3A_542 = arith.constant 624 : index
      %swap3A_543 = tpu.vector_load %arg12[%swap3A_541, %swap3A_542] {strides = array<i32>} : memref<32x1024xf32, #tpu.memory_space<vmem>>, vector<16xf32>,
      tpu.vector_store %arg12[%swap3A_541, %swap3A_542], %add3A_540 {strides = array<i32>} : memref<32x1024xf32, #tpu.memory_space<vmem>>, vector<16xf32>,
      %get3A_544 = arith.index_cast %scan3A_61 : i32 to index
      %get3A_545 = arith.constant 640 : index
      %get3A_546 = tpu.vector_load %arg10[%get3A_544, %get3A_545] {strides = array<i32>} : memref<32x1024xf32, #tpu.memory_space<vmem>>, vector<16xf32>,
      %mul3A_547 = arith.mulf %gather3A, %get3A_546 : vector<16xf32>
      %get3A_548 = arith.index_cast %scan3A_61 : i32 to index
      %get3A_549 = arith.constant 640 : index
      %get3A_550 = tpu.vector_load %arg11[%get3A_548, %get3A_549] {strides = array<i32>} : memref<32x1024xf32, #tpu.memory_space<vmem>>, vector<16xf32>,
      %mul3A_551 = arith.mulf %gather3A_65, %get3A_550 : vector<16xf32>
      %add3A_552 = arith.addf %mul3A_547, %mul3A_551 : vector<16xf32>
      %swap3A_553 = arith.index_cast %scan3A_61 : i32 to index
      %swap3A_554 = arith.constant 640 : index
      %swap3A_555 = tpu.vector_load %arg12[%swap3A_553, %swap3A_554] {strides = array<i32>} : memref<32x1024xf32, #tpu.memory_space<vmem>>, vector<16xf32>,
      tpu.vector_store %arg12[%swap3A_553, %swap3A_554], %add3A_552 {strides = array<i32>} : memref<32x1024xf32, #tpu.memory_space<vmem>>, vector<16xf32>,
      %get3A_556 = arith.index_cast %scan3A_61 : i32 to index
      %get3A_557 = arith.constant 656 : index
      %get3A_558 = tpu.vector_load %arg10[%get3A_556, %get3A_557] {strides = array<i32>} : memref<32x1024xf32, #tpu.memory_space<vmem>>, vector<16xf32>,
      %mul3A_559 = arith.mulf %gather3A, %get3A_558 : vector<16xf32>
      %get3A_560 = arith.index_cast %scan3A_61 : i32 to index
      %get3A_561 = arith.constant 656 : index
      %get3A_562 = tpu.vector_load %arg11[%get3A_560, %get3A_561] {strides = array<i32>} : memref<32x1024xf32, #tpu.memory_space<vmem>>, vector<16xf32>,
      %mul3A_563 = arith.mulf %gather3A_65, %get3A_562 : vector<16xf32>
      %add3A_564 = arith.addf %mul3A_559, %mul3A_563 : vector<16xf32>
      %swap3A_565 = arith.index_cast %scan3A_61 : i32 to index
      %swap3A_566 = arith.constant 656 : index
      %swap3A_567 = tpu.vector_load %arg12[%swap3A_565, %swap3A_566] {strides = array<i32>} : memref<32x1024xf32, #tpu.memory_space<vmem>>, vector<16xf32>,
      tpu.vector_store %arg12[%swap3A_565, %swap3A_566], %add3A_564 {strides = array<i32>} : memref<32x1024xf32, #tpu.memory_space<vmem>>, vector<16xf32>,
      %get3A_568 = arith.index_cast %scan3A_61 : i32 to index
      %get3A_569 = arith.constant 672 : index
      %get3A_570 = tpu.vector_load %arg10[%get3A_568, %get3A_569] {strides = array<i32>} : memref<32x1024xf32, #tpu.memory_space<vmem>>, vector<16xf32>,
      %mul3A_571 = arith.mulf %gather3A, %get3A_570 : vector<16xf32>
      %get3A_572 = arith.index_cast %scan3A_61 : i32 to index
      %get3A_573 = arith.constant 672 : index
      %get3A_574 = tpu.vector_load %arg11[%get3A_572, %get3A_573] {strides = array<i32>} : memref<32x1024xf32, #tpu.memory_space<vmem>>, vector<16xf32>,
      %mul3A_575 = arith.mulf %gather3A_65, %get3A_574 : vector<16xf32>
      %add3A_576 = arith.addf %mul3A_571, %mul3A_575 : vector<16xf32>
      %swap3A_577 = arith.index_cast %scan3A_61 : i32 to index
      %swap3A_578 = arith.constant 672 : index
      %swap3A_579 = tpu.vector_load %arg12[%swap3A_577, %swap3A_578] {strides = array<i32>} : memref<32x1024xf32, #tpu.memory_space<vmem>>, vector<16xf32>,
      tpu.vector_store %arg12[%swap3A_577, %swap3A_578], %add3A_576 {strides = array<i32>} : memref<32x1024xf32, #tpu.memory_space<vmem>>, vector<16xf32>,
      %get3A_580 = arith.index_cast %scan3A_61 : i32 to index
      %get3A_581 = arith.constant 688 : index
      %get3A_582 = tpu.vector_load %arg10[%get3A_580, %get3A_581] {strides = array<i32>} : memref<32x1024xf32, #tpu.memory_space<vmem>>, vector<16xf32>,
      %mul3A_583 = arith.mulf %gather3A, %get3A_582 : vector<16xf32>
      %get3A_584 = arith.index_cast %scan3A_61 : i32 to index
      %get3A_585 = arith.constant 688 : index
      %get3A_586 = tpu.vector_load %arg11[%get3A_584, %get3A_585] {strides = array<i32>} : memref<32x1024xf32, #tpu.memory_space<vmem>>, vector<16xf32>,
      %mul3A_587 = arith.mulf %gather3A_65, %get3A_586 : vector<16xf32>
      %add3A_588 = arith.addf %mul3A_583, %mul3A_587 : vector<16xf32>
      %swap3A_589 = arith.index_cast %scan3A_61 : i32 to index
      %swap3A_590 = arith.constant 688 : index
      %swap3A_591 = tpu.vector_load %arg12[%swap3A_589, %swap3A_590] {strides = array<i32>} : memref<32x1024xf32, #tpu.memory_space<vmem>>, vector<16xf32>,
      tpu.vector_store %arg12[%swap3A_589, %swap3A_590], %add3A_588 {strides = array<i32>} : memref<32x1024xf32, #tpu.memory_space<vmem>>, vector<16xf32>,
      %get3A_592 = arith.index_cast %scan3A_61 : i32 to index
      %get3A_593 = arith.constant 704 : index
      %get3A_594 = tpu.vector_load %arg10[%get3A_592, %get3A_593] {strides = array<i32>} : memref<32x1024xf32, #tpu.memory_space<vmem>>, vector<16xf32>,
      %mul3A_595 = arith.mulf %gather3A, %get3A_594 : vector<16xf32>
      %get3A_596 = arith.index_cast %scan3A_61 : i32 to index
      %get3A_597 = arith.constant 704 : index
      %get3A_598 = tpu.vector_load %arg11[%get3A_596, %get3A_597] {strides = array<i32>} : memref<32x1024xf32, #tpu.memory_space<vmem>>, vector<16xf32>,
      %mul3A_599 = arith.mulf %gather3A_65, %get3A_598 : vector<16xf32>
      %add3A_600 = arith.addf %mul3A_595, %mul3A_599 : vector<16xf32>
      %swap3A_601 = arith.index_cast %scan3A_61 : i32 to index
      %swap3A_602 = arith.constant 704 : index
      %swap3A_603 = tpu.vector_load %arg12[%swap3A_601, %swap3A_602] {strides = array<i32>} : memref<32x1024xf32, #tpu.memory_space<vmem>>, vector<16xf32>,
      tpu.vector_store %arg12[%swap3A_601, %swap3A_602], %add3A_600 {strides = array<i32>} : memref<32x1024xf32, #tpu.memory_space<vmem>>, vector<16xf32>,
      %get3A_604 = arith.index_cast %scan3A_61 : i32 to index
      %get3A_605 = arith.constant 720 : index
      %get3A_606 = tpu.vector_load %arg10[%get3A_604, %get3A_605] {strides = array<i32>} : memref<32x1024xf32, #tpu.memory_space<vmem>>, vector<16xf32>,
      %mul3A_607 = arith.mulf %gather3A, %get3A_606 : vector<16xf32>
      %get3A_608 = arith.index_cast %scan3A_61 : i32 to index
      %get3A_609 = arith.constant 720 : index
      %get3A_610 = tpu.vector_load %arg11[%get3A_608, %get3A_609] {strides = array<i32>} : memref<32x1024xf32, #tpu.memory_space<vmem>>, vector<16xf32>,
      %mul3A_611 = arith.mulf %gather3A_65, %get3A_610 : vector<16xf32>
      %add3A_612 = arith.addf %mul3A_607, %mul3A_611 : vector<16xf32>
      %swap3A_613 = arith.index_cast %scan3A_61 : i32 to index
      %swap3A_614 = arith.constant 720 : index
      %swap3A_615 = tpu.vector_load %arg12[%swap3A_613, %swap3A_614] {strides = array<i32>} : memref<32x1024xf32, #tpu.memory_space<vmem>>, vector<16xf32>,
      tpu.vector_store %arg12[%swap3A_613, %swap3A_614], %add3A_612 {strides = array<i32>} : memref<32x1024xf32, #tpu.memory_space<vmem>>, vector<16xf32>,
      %get3A_616 = arith.index_cast %scan3A_61 : i32 to index
      %get3A_617 = arith.constant 736 : index
      %get3A_618 = tpu.vector_load %arg10[%get3A_616, %get3A_617] {strides = array<i32>} : memref<32x1024xf32, #tpu.memory_space<vmem>>, vector<16xf32>,
      %mul3A_619 = arith.mulf %gather3A, %get3A_618 : vector<16xf32>
      %get3A_620 = arith.index_cast %scan3A_61 : i32 to index
      %get3A_621 = arith.constant 736 : index
      %get3A_622 = tpu.vector_load %arg11[%get3A_620, %get3A_621] {strides = array<i32>} : memref<32x1024xf32, #tpu.memory_space<vmem>>, vector<16xf32>,
      %mul3A_623 = arith.mulf %gather3A_65, %get3A_622 : vector<16xf32>
      %add3A_624 = arith.addf %mul3A_619, %mul3A_623 : vector<16xf32>
      %swap3A_625 = arith.index_cast %scan3A_61 : i32 to index
      %swap3A_626 = arith.constant 736 : index
      %swap3A_627 = tpu.vector_load %arg12[%swap3A_625, %swap3A_626] {strides = array<i32>} : memref<32x1024xf32, #tpu.memory_space<vmem>>, vector<16xf32>,
      tpu.vector_store %arg12[%swap3A_625, %swap3A_626], %add3A_624 {strides = array<i32>} : memref<32x1024xf32, #tpu.memory_space<vmem>>, vector<16xf32>,
      %get3A_628 = arith.index_cast %scan3A_61 : i32 to index
      %get3A_629 = arith.constant 752 : index
      %get3A_630 = tpu.vector_load %arg10[%get3A_628, %get3A_629] {strides = array<i32>} : memref<32x1024xf32, #tpu.memory_space<vmem>>, vector<16xf32>,
      %mul3A_631 = arith.mulf %gather3A, %get3A_630 : vector<16xf32>
      %get3A_632 = arith.index_cast %scan3A_61 : i32 to index
      %get3A_633 = arith.constant 752 : index
      %get3A_634 = tpu.vector_load %arg11[%get3A_632, %get3A_633] {strides = array<i32>} : memref<32x1024xf32, #tpu.memory_space<vmem>>, vector<16xf32>,
      %mul3A_635 = arith.mulf %gather3A_65, %get3A_634 : vector<16xf32>
      %add3A_636 = arith.addf %mul3A_631, %mul3A_635 : vector<16xf32>
      %swap3A_637 = arith.index_cast %scan3A_61 : i32 to index
      %swap3A_638 = arith.constant 752 : index
      %swap3A_639 = tpu.vector_load %arg12[%swap3A_637, %swap3A_638] {strides = array<i32>} : memref<32x1024xf32, #tpu.memory_space<vmem>>, vector<16xf32>,
      tpu.vector_store %arg12[%swap3A_637, %swap3A_638], %add3A_636 {strides = array<i32>} : memref<32x1024xf32, #tpu.memory_space<vmem>>, vector<16xf32>,
      %get3A_640 = arith.index_cast %scan3A_61 : i32 to index
      %get3A_641 = arith.constant 768 : index
      %get3A_642 = tpu.vector_load %arg10[%get3A_640, %get3A_641] {strides = array<i32>} : memref<32x1024xf32, #tpu.memory_space<vmem>>, vector<16xf32>,
      %mul3A_643 = arith.mulf %gather3A, %get3A_642 : vector<16xf32>
      %get3A_644 = arith.index_cast %scan3A_61 : i32 to index
      %get3A_645 = arith.constant 768 : index
      %get3A_646 = tpu.vector_load %arg11[%get3A_644, %get3A_645] {strides = array<i32>} : memref<32x1024xf32, #tpu.memory_space<vmem>>, vector<16xf32>,
      %mul3A_647 = arith.mulf %gather3A_65, %get3A_646 : vector<16xf32>
      %add3A_648 = arith.addf %mul3A_643, %mul3A_647 : vector<16xf32>
      %swap3A_649 = arith.index_cast %scan3A_61 : i32 to index
      %swap3A_650 = arith.constant 768 : index
      %swap3A_651 = tpu.vector_load %arg12[%swap3A_649, %swap3A_650] {strides = array<i32>} : memref<32x1024xf32, #tpu.memory_space<vmem>>, vector<16xf32>,
      tpu.vector_store %arg12[%swap3A_649, %swap3A_650], %add3A_648 {strides = array<i32>} : memref<32x1024xf32, #tpu.memory_space<vmem>>, vector<16xf32>,
      %get3A_652 = arith.index_cast %scan3A_61 : i32 to index
      %get3A_653 = arith.constant 784 : index
      %get3A_654 = tpu.vector_load %arg10[%get3A_652, %get3A_653] {strides = array<i32>} : memref<32x1024xf32, #tpu.memory_space<vmem>>, vector<16xf32>,
      %mul3A_655 = arith.mulf %gather3A, %get3A_654 : vector<16xf32>
      %get3A_656 = arith.index_cast %scan3A_61 : i32 to index
      %get3A_657 = arith.constant 784 : index
      %get3A_658 = tpu.vector_load %arg11[%get3A_656, %get3A_657] {strides = array<i32>} : memref<32x1024xf32, #tpu.memory_space<vmem>>, vector<16xf32>,
      %mul3A_659 = arith.mulf %gather3A_65, %get3A_658 : vector<16xf32>
      %add3A_660 = arith.addf %mul3A_655, %mul3A_659 : vector<16xf32>
      %swap3A_661 = arith.index_cast %scan3A_61 : i32 to index
      %swap3A_662 = arith.constant 784 : index
      %swap3A_663 = tpu.vector_load %arg12[%swap3A_661, %swap3A_662] {strides = array<i32>} : memref<32x1024xf32, #tpu.memory_space<vmem>>, vector<16xf32>,
      tpu.vector_store %arg12[%swap3A_661, %swap3A_662], %add3A_660 {strides = array<i32>} : memref<32x1024xf32, #tpu.memory_space<vmem>>, vector<16xf32>,
      %get3A_664 = arith.index_cast %scan3A_61 : i32 to index
      %get3A_665 = arith.constant 800 : index
      %get3A_666 = tpu.vector_load %arg10[%get3A_664, %get3A_665] {strides = array<i32>} : memref<32x1024xf32, #tpu.memory_space<vmem>>, vector<16xf32>,
      %mul3A_667 = arith.mulf %gather3A, %get3A_666 : vector<16xf32>
      %get3A_668 = arith.index_cast %scan3A_61 : i32 to index
      %get3A_669 = arith.constant 800 : index
      %get3A_670 = tpu.vector_load %arg11[%get3A_668, %get3A_669] {strides = array<i32>} : memref<32x1024xf32, #tpu.memory_space<vmem>>, vector<16xf32>,
      %mul3A_671 = arith.mulf %gather3A_65, %get3A_670 : vector<16xf32>
      %add3A_672 = arith.addf %mul3A_667, %mul3A_671 : vector<16xf32>
      %swap3A_673 = arith.index_cast %scan3A_61 : i32 to index
      %swap3A_674 = arith.constant 800 : index
      %swap3A_675 = tpu.vector_load %arg12[%swap3A_673, %swap3A_674] {strides = array<i32>} : memref<32x1024xf32, #tpu.memory_space<vmem>>, vector<16xf32>,
      tpu.vector_store %arg12[%swap3A_673, %swap3A_674], %add3A_672 {strides = array<i32>} : memref<32x1024xf32, #tpu.memory_space<vmem>>, vector<16xf32>,
      %get3A_676 = arith.index_cast %scan3A_61 : i32 to index
      %get3A_677 = arith.constant 816 : index
      %get3A_678 = tpu.vector_load %arg10[%get3A_676, %get3A_677] {strides = array<i32>} : memref<32x1024xf32, #tpu.memory_space<vmem>>, vector<16xf32>,
      %mul3A_679 = arith.mulf %gather3A, %get3A_678 : vector<16xf32>
      %get3A_680 = arith.index_cast %scan3A_61 : i32 to index
      %get3A_681 = arith.constant 816 : index
      %get3A_682 = tpu.vector_load %arg11[%get3A_680, %get3A_681] {strides = array<i32>} : memref<32x1024xf32, #tpu.memory_space<vmem>>, vector<16xf32>,
      %mul3A_683 = arith.mulf %gather3A_65, %get3A_682 : vector<16xf32>
      %add3A_684 = arith.addf %mul3A_679, %mul3A_683 : vector<16xf32>
      %swap3A_685 = arith.index_cast %scan3A_61 : i32 to index
      %swap3A_686 = arith.constant 816 : index
      %swap3A_687 = tpu.vector_load %arg12[%swap3A_685, %swap3A_686] {strides = array<i32>} : memref<32x1024xf32, #tpu.memory_space<vmem>>, vector<16xf32>,
      tpu.vector_store %arg12[%swap3A_685, %swap3A_686], %add3A_684 {strides = array<i32>} : memref<32x1024xf32, #tpu.memory_space<vmem>>, vector<16xf32>,
      %get3A_688 = arith.index_cast %scan3A_61 : i32 to index
      %get3A_689 = arith.constant 832 : index
      %get3A_690 = tpu.vector_load %arg10[%get3A_688, %get3A_689] {strides = array<i32>} : memref<32x1024xf32, #tpu.memory_space<vmem>>, vector<16xf32>,
      %mul3A_691 = arith.mulf %gather3A, %get3A_690 : vector<16xf32>
      %get3A_692 = arith.index_cast %scan3A_61 : i32 to index
      %get3A_693 = arith.constant 832 : index
      %get3A_694 = tpu.vector_load %arg11[%get3A_692, %get3A_693] {strides = array<i32>} : memref<32x1024xf32, #tpu.memory_space<vmem>>, vector<16xf32>,
      %mul3A_695 = arith.mulf %gather3A_65, %get3A_694 : vector<16xf32>
      %add3A_696 = arith.addf %mul3A_691, %mul3A_695 : vector<16xf32>
      %swap3A_697 = arith.index_cast %scan3A_61 : i32 to index
      %swap3A_698 = arith.constant 832 : index
      %swap3A_699 = tpu.vector_load %arg12[%swap3A_697, %swap3A_698] {strides = array<i32>} : memref<32x1024xf32, #tpu.memory_space<vmem>>, vector<16xf32>,
      tpu.vector_store %arg12[%swap3A_697, %swap3A_698], %add3A_696 {strides = array<i32>} : memref<32x1024xf32, #tpu.memory_space<vmem>>, vector<16xf32>,
      %get3A_700 = arith.index_cast %scan3A_61 : i32 to index
      %get3A_701 = arith.constant 848 : index
      %get3A_702 = tpu.vector_load %arg10[%get3A_700, %get3A_701] {strides = array<i32>} : memref<32x1024xf32, #tpu.memory_space<vmem>>, vector<16xf32>,
      %mul3A_703 = arith.mulf %gather3A, %get3A_702 : vector<16xf32>
      %get3A_704 = arith.index_cast %scan3A_61 : i32 to index
      %get3A_705 = arith.constant 848 : index
      %get3A_706 = tpu.vector_load %arg11[%get3A_704, %get3A_705] {strides = array<i32>} : memref<32x1024xf32, #tpu.memory_space<vmem>>, vector<16xf32>,
      %mul3A_707 = arith.mulf %gather3A_65, %get3A_706 : vector<16xf32>
      %add3A_708 = arith.addf %mul3A_703, %mul3A_707 : vector<16xf32>
      %swap3A_709 = arith.index_cast %scan3A_61 : i32 to index
      %swap3A_710 = arith.constant 848 : index
      %swap3A_711 = tpu.vector_load %arg12[%swap3A_709, %swap3A_710] {strides = array<i32>} : memref<32x1024xf32, #tpu.memory_space<vmem>>, vector<16xf32>,
      tpu.vector_store %arg12[%swap3A_709, %swap3A_710], %add3A_708 {strides = array<i32>} : memref<32x1024xf32, #tpu.memory_space<vmem>>, vector<16xf32>,
      %get3A_712 = arith.index_cast %scan3A_61 : i32 to index
      %get3A_713 = arith.constant 864 : index
      %get3A_714 = tpu.vector_load %arg10[%get3A_712, %get3A_713] {strides = array<i32>} : memref<32x1024xf32, #tpu.memory_space<vmem>>, vector<16xf32>,
      %mul3A_715 = arith.mulf %gather3A, %get3A_714 : vector<16xf32>
      %get3A_716 = arith.index_cast %scan3A_61 : i32 to index
      %get3A_717 = arith.constant 864 : index
      %get3A_718 = tpu.vector_load %arg11[%get3A_716, %get3A_717] {strides = array<i32>} : memref<32x1024xf32, #tpu.memory_space<vmem>>, vector<16xf32>,
      %mul3A_719 = arith.mulf %gather3A_65, %get3A_718 : vector<16xf32>
      %add3A_720 = arith.addf %mul3A_715, %mul3A_719 : vector<16xf32>
      %swap3A_721 = arith.index_cast %scan3A_61 : i32 to index
      %swap3A_722 = arith.constant 864 : index
      %swap3A_723 = tpu.vector_load %arg12[%swap3A_721, %swap3A_722] {strides = array<i32>} : memref<32x1024xf32, #tpu.memory_space<vmem>>, vector<16xf32>,
      tpu.vector_store %arg12[%swap3A_721, %swap3A_722], %add3A_720 {strides = array<i32>} : memref<32x1024xf32, #tpu.memory_space<vmem>>, vector<16xf32>,
      %get3A_724 = arith.index_cast %scan3A_61 : i32 to index
      %get3A_725 = arith.constant 880 : index
      %get3A_726 = tpu.vector_load %arg10[%get3A_724, %get3A_725] {strides = array<i32>} : memref<32x1024xf32, #tpu.memory_space<vmem>>, vector<16xf32>,
      %mul3A_727 = arith.mulf %gather3A, %get3A_726 : vector<16xf32>
      %get3A_728 = arith.index_cast %scan3A_61 : i32 to index
      %get3A_729 = arith.constant 880 : index
      %get3A_730 = tpu.vector_load %arg11[%get3A_728, %get3A_729] {strides = array<i32>} : memref<32x1024xf32, #tpu.memory_space<vmem>>, vector<16xf32>,
      %mul3A_731 = arith.mulf %gather3A_65, %get3A_730 : vector<16xf32>
      %add3A_732 = arith.addf %mul3A_727, %mul3A_731 : vector<16xf32>
      %swap3A_733 = arith.index_cast %scan3A_61 : i32 to index
      %swap3A_734 = arith.constant 880 : index
      %swap3A_735 = tpu.vector_load %arg12[%swap3A_733, %swap3A_734] {strides = array<i32>} : memref<32x1024xf32, #tpu.memory_space<vmem>>, vector<16xf32>,
      tpu.vector_store %arg12[%swap3A_733, %swap3A_734], %add3A_732 {strides = array<i32>} : memref<32x1024xf32, #tpu.memory_space<vmem>>, vector<16xf32>,
      %get3A_736 = arith.index_cast %scan3A_61 : i32 to index
      %get3A_737 = arith.constant 896 : index
      %get3A_738 = tpu.vector_load %arg10[%get3A_736, %get3A_737] {strides = array<i32>} : memref<32x1024xf32, #tpu.memory_space<vmem>>, vector<16xf32>,
      %mul3A_739 = arith.mulf %gather3A, %get3A_738 : vector<16xf32>
      %get3A_740 = arith.index_cast %scan3A_61 : i32 to index
      %get3A_741 = arith.constant 896 : index
      %get3A_742 = tpu.vector_load %arg11[%get3A_740, %get3A_741] {strides = array<i32>} : memref<32x1024xf32, #tpu.memory_space<vmem>>, vector<16xf32>,
      %mul3A_743 = arith.mulf %gather3A_65, %get3A_742 : vector<16xf32>
      %add3A_744 = arith.addf %mul3A_739, %mul3A_743 : vector<16xf32>
      %swap3A_745 = arith.index_cast %scan3A_61 : i32 to index
      %swap3A_746 = arith.constant 896 : index
      %swap3A_747 = tpu.vector_load %arg12[%swap3A_745, %swap3A_746] {strides = array<i32>} : memref<32x1024xf32, #tpu.memory_space<vmem>>, vector<16xf32>,
      tpu.vector_store %arg12[%swap3A_745, %swap3A_746], %add3A_744 {strides = array<i32>} : memref<32x1024xf32, #tpu.memory_space<vmem>>, vector<16xf32>,
      %get3A_748 = arith.index_cast %scan3A_61 : i32 to index
      %get3A_749 = arith.constant 912 : index
      %get3A_750 = tpu.vector_load %arg10[%get3A_748, %get3A_749] {strides = array<i32>} : memref<32x1024xf32, #tpu.memory_space<vmem>>, vector<16xf32>,
      %mul3A_751 = arith.mulf %gather3A, %get3A_750 : vector<16xf32>
      %get3A_752 = arith.index_cast %scan3A_61 : i32 to index
      %get3A_753 = arith.constant 912 : index
      %get3A_754 = tpu.vector_load %arg11[%get3A_752, %get3A_753] {strides = array<i32>} : memref<32x1024xf32, #tpu.memory_space<vmem>>, vector<16xf32>,
      %mul3A_755 = arith.mulf %gather3A_65, %get3A_754 : vector<16xf32>
      %add3A_756 = arith.addf %mul3A_751, %mul3A_755 : vector<16xf32>
      %swap3A_757 = arith.index_cast %scan3A_61 : i32 to index
      %swap3A_758 = arith.constant 912 : index
      %swap3A_759 = tpu.vector_load %arg12[%swap3A_757, %swap3A_758] {strides = array<i32>} : memref<32x1024xf32, #tpu.memory_space<vmem>>, vector<16xf32>,
      tpu.vector_store %arg12[%swap3A_757, %swap3A_758], %add3A_756 {strides = array<i32>} : memref<32x1024xf32, #tpu.memory_space<vmem>>, vector<16xf32>,
      %get3A_760 = arith.index_cast %scan3A_61 : i32 to index
      %get3A_761 = arith.constant 928 : index
      %get3A_762 = tpu.vector_load %arg10[%get3A_760, %get3A_761] {strides = array<i32>} : memref<32x1024xf32, #tpu.memory_space<vmem>>, vector<16xf32>,
      %mul3A_763 = arith.mulf %gather3A, %get3A_762 : vector<16xf32>
      %get3A_764 = arith.index_cast %scan3A_61 : i32 to index
      %get3A_765 = arith.constant 928 : index
      %get3A_766 = tpu.vector_load %arg11[%get3A_764, %get3A_765] {strides = array<i32>} : memref<32x1024xf32, #tpu.memory_space<vmem>>, vector<16xf32>,
      %mul3A_767 = arith.mulf %gather3A_65, %get3A_766 : vector<16xf32>
      %add3A_768 = arith.addf %mul3A_763, %mul3A_767 : vector<16xf32>
      %swap3A_769 = arith.index_cast %scan3A_61 : i32 to index
      %swap3A_770 = arith.constant 928 : index
      %swap3A_771 = tpu.vector_load %arg12[%swap3A_769, %swap3A_770] {strides = array<i32>} : memref<32x1024xf32, #tpu.memory_space<vmem>>, vector<16xf32>,
      tpu.vector_store %arg12[%swap3A_769, %swap3A_770], %add3A_768 {strides = array<i32>} : memref<32x1024xf32, #tpu.memory_space<vmem>>, vector<16xf32>,
      %get3A_772 = arith.index_cast %scan3A_61 : i32 to index
      %get3A_773 = arith.constant 944 : index
      %get3A_774 = tpu.vector_load %arg10[%get3A_772, %get3A_773] {strides = array<i32>} : memref<32x1024xf32, #tpu.memory_space<vmem>>, vector<16xf32>,
      %mul3A_775 = arith.mulf %gather3A, %get3A_774 : vector<16xf32>
      %get3A_776 = arith.index_cast %scan3A_61 : i32 to index
      %get3A_777 = arith.constant 944 : index
      %get3A_778 = tpu.vector_load %arg11[%get3A_776, %get3A_777] {strides = array<i32>} : memref<32x1024xf32, #tpu.memory_space<vmem>>, vector<16xf32>,
      %mul3A_779 = arith.mulf %gather3A_65, %get3A_778 : vector<16xf32>
      %add3A_780 = arith.addf %mul3A_775, %mul3A_779 : vector<16xf32>
      %swap3A_781 = arith.index_cast %scan3A_61 : i32 to index
      %swap3A_782 = arith.constant 944 : index
      %swap3A_783 = tpu.vector_load %arg12[%swap3A_781, %swap3A_782] {strides = array<i32>} : memref<32x1024xf32, #tpu.memory_space<vmem>>, vector<16xf32>,
      tpu.vector_store %arg12[%swap3A_781, %swap3A_782], %add3A_780 {strides = array<i32>} : memref<32x1024xf32, #tpu.memory_space<vmem>>, vector<16xf32>,
      %get3A_784 = arith.index_cast %scan3A_61 : i32 to index
      %get3A_785 = arith.constant 960 : index
      %get3A_786 = tpu.vector_load %arg10[%get3A_784, %get3A_785] {strides = array<i32>} : memref<32x1024xf32, #tpu.memory_space<vmem>>, vector<16xf32>,
      %mul3A_787 = arith.mulf %gather3A, %get3A_786 : vector<16xf32>
      %get3A_788 = arith.index_cast %scan3A_61 : i32 to index
      %get3A_789 = arith.constant 960 : index
      %get3A_790 = tpu.vector_load %arg11[%get3A_788, %get3A_789] {strides = array<i32>} : memref<32x1024xf32, #tpu.memory_space<vmem>>, vector<16xf32>,
      %mul3A_791 = arith.mulf %gather3A_65, %get3A_790 : vector<16xf32>
      %add3A_792 = arith.addf %mul3A_787, %mul3A_791 : vector<16xf32>
      %swap3A_793 = arith.index_cast %scan3A_61 : i32 to index
      %swap3A_794 = arith.constant 960 : index
      %swap3A_795 = tpu.vector_load %arg12[%swap3A_793, %swap3A_794] {strides = array<i32>} : memref<32x1024xf32, #tpu.memory_space<vmem>>, vector<16xf32>,
      tpu.vector_store %arg12[%swap3A_793, %swap3A_794], %add3A_792 {strides = array<i32>} : memref<32x1024xf32, #tpu.memory_space<vmem>>, vector<16xf32>,
      %get3A_796 = arith.index_cast %scan3A_61 : i32 to index
      %get3A_797 = arith.constant 976 : index
      %get3A_798 = tpu.vector_load %arg10[%get3A_796, %get3A_797] {strides = array<i32>} : memref<32x1024xf32, #tpu.memory_space<vmem>>, vector<16xf32>,
      %mul3A_799 = arith.mulf %gather3A, %get3A_798 : vector<16xf32>
      %get3A_800 = arith.index_cast %scan3A_61 : i32 to index
      %get3A_801 = arith.constant 976 : index
      %get3A_802 = tpu.vector_load %arg11[%get3A_800, %get3A_801] {strides = array<i32>} : memref<32x1024xf32, #tpu.memory_space<vmem>>, vector<16xf32>,
      %mul3A_803 = arith.mulf %gather3A_65, %get3A_802 : vector<16xf32>
      %add3A_804 = arith.addf %mul3A_799, %mul3A_803 : vector<16xf32>
      %swap3A_805 = arith.index_cast %scan3A_61 : i32 to index
      %swap3A_806 = arith.constant 976 : index
      %swap3A_807 = tpu.vector_load %arg12[%swap3A_805, %swap3A_806] {strides = array<i32>} : memref<32x1024xf32, #tpu.memory_space<vmem>>, vector<16xf32>,
      tpu.vector_store %arg12[%swap3A_805, %swap3A_806], %add3A_804 {strides = array<i32>} : memref<32x1024xf32, #tpu.memory_space<vmem>>, vector<16xf32>,
      %get3A_808 = arith.index_cast %scan3A_61 : i32 to index
      %get3A_809 = arith.constant 992 : index
      %get3A_810 = tpu.vector_load %arg10[%get3A_808, %get3A_809] {strides = array<i32>} : memref<32x1024xf32, #tpu.memory_space<vmem>>, vector<16xf32>,
      %mul3A_811 = arith.mulf %gather3A, %get3A_810 : vector<16xf32>
      %get3A_812 = arith.index_cast %scan3A_61 : i32 to index
      %get3A_813 = arith.constant 992 : index
      %get3A_814 = tpu.vector_load %arg11[%get3A_812, %get3A_813] {strides = array<i32>} : memref<32x1024xf32, #tpu.memory_space<vmem>>, vector<16xf32>,
      %mul3A_815 = arith.mulf %gather3A_65, %get3A_814 : vector<16xf32>
      %add3A_816 = arith.addf %mul3A_811, %mul3A_815 : vector<16xf32>
      %swap3A_817 = arith.index_cast %scan3A_61 : i32 to index
      %swap3A_818 = arith.constant 992 : index
      %swap3A_819 = tpu.vector_load %arg12[%swap3A_817, %swap3A_818] {strides = array<i32>} : memref<32x1024xf32, #tpu.memory_space<vmem>>, vector<16xf32>,
      tpu.vector_store %arg12[%swap3A_817, %swap3A_818], %add3A_816 {strides = array<i32>} : memref<32x1024xf32, #tpu.memory_space<vmem>>, vector<16xf32>,
      %get3A_820 = arith.index_cast %scan3A_61 : i32 to index
      %get3A_821 = arith.constant 1008 : index
      %get3A_822 = tpu.vector_load %arg10[%get3A_820, %get3A_821] {strides = array<i32>} : memref<32x1024xf32, #tpu.memory_space<vmem>>, vector<16xf32>,
      %mul3A_823 = arith.mulf %gather3A, %get3A_822 : vector<16xf32>
      %get3A_824 = arith.index_cast %scan3A_61 : i32 to index
      %get3A_825 = arith.constant 1008 : index
      %get3A_826 = tpu.vector_load %arg11[%get3A_824, %get3A_825] {strides = array<i32>} : memref<32x1024xf32, #tpu.memory_space<vmem>>, vector<16xf32>,
      %mul3A_827 = arith.mulf %gather3A_65, %get3A_826 : vector<16xf32>
      %add3A_828 = arith.addf %mul3A_823, %mul3A_827 : vector<16xf32>
      %swap3A_829 = arith.index_cast %scan3A_61 : i32 to index
      %swap3A_830 = arith.constant 1008 : index
      %swap3A_831 = tpu.vector_load %arg12[%swap3A_829, %swap3A_830] {strides = array<i32>} : memref<32x1024xf32, #tpu.memory_space<vmem>>, vector<16xf32>,
      tpu.vector_store %arg12[%swap3A_829, %swap3A_830], %add3A_828 {strides = array<i32>} : memref<32x1024xf32, #tpu.memory_space<vmem>>, vector<16xf32>,
      %scan3A_832 = arith.constant 0 : i32
      scf.yield %scan3A_832 : i32
    }
    %scan3A_29 = arith.constant 32 : i32
    %add3A_30 = arith.constant 0 : i32
    %add3A_31 = arith.addi %mul3A_2, %add3A_30 : i32
    "tpu.region"() ({
      %run_scoped3A_61 = tpu.sem_alloc : memref<!tpu.dma_semaphore, #tpu.memory_space<semaphore_mem>>
      %dma_start3A_62 = arith.constant 0 : i32
      %dma_start3A_63 = tpu.memref_slice %arg5[%add3A_31, %dma_start3A_62] : memref<2048x1024xf32, #tpu.memory_space<hbm>> -> memref<32x1024xf32, #tpu.memory_space<hbm>>
      %dma_start3A_64 = arith.constant 0 : i32
      %dma_start3A_65 = tpu.memref_slice %arg5[%add3A_31, %dma_start3A_64] : memref<2048x1024xf32, #tpu.memory_space<hbm>> -> memref<32x1024xf32, #tpu.memory_space<hbm>>
      tpu.enqueue_dma source(%arg12 : memref<32x1024xf32, #tpu.memory_space<vmem>>) target(%dma_start3A_65 : memref<32x1024xf32, #tpu.memory_space<hbm>>) target_semaphore(%run_scoped3A_61 : memref<!tpu.dma_semaphore, #tpu.memory_space<semaphore_mem>>)
      %dma_wait3A_66 = arith.constant 0 : i32
      %dma_wait3A_67 = tpu.memref_slice %arg5[%add3A_31, %dma_wait3A_66] : memref<2048x1024xf32, #tpu.memory_space<hbm>> -> memref<32x1024xf32, #tpu.memory_space<hbm>>
      %dma_wait3A_68 = arith.constant 0 : i32
      %dma_wait3A_69 = tpu.memref_slice %arg5[%add3A_31, %dma_wait3A_68] : memref<2048x1024xf32, #tpu.memory_space<hbm>> -> memref<32x1024xf32, #tpu.memory_space<hbm>>
      tpu.wait_dma2 semaphore(%run_scoped3A_61 : memref<!tpu.dma_semaphore, #tpu.memory_space<semaphore_mem>>) src(%arg12 : memref<32x1024xf32, #tpu.memory_space<vmem>>) dst(%dma_wait3A_69 : memref<32x1024xf32, #tpu.memory_space<hbm>>)
      tpu.yield
    }) : () -> ()
    %dma_start3A_32 = arith.constant 32 : i32
    %dma_start3A_33 = tpu.memref_slice %arg6[%dma_start3A_32] : memref<64xi32, #tpu.memory_space<vmem>> -> memref<32xi32, #tpu.memory_space<vmem>>
    %dma_start3A_34 = arith.constant 0 : i32
    %dma_start3A_35 = arith.constant 0 : i32
    %dma_start3A_36 = tpu.memref_slice %arg2[%dma_start3A_34, %dma_start3A_35] : memref<5888x1024xf32, #tpu.memory_space<hbm>> -> memref<5888x1024xf32, #tpu.memory_space<hbm>>
    tpu.enqueue_indirect_dma source(%dma_start3A_36 : memref<5888x1024xf32, #tpu.memory_space<hbm>>) target(%arg10 : memref<32x1024xf32, #tpu.memory_space<vmem>>) offsets(%dma_start3A_33 : memref<32xi32, #tpu.memory_space<vmem>>) semaphore(%arg13 : memref<!tpu.dma_semaphore, #tpu.memory_space<semaphore_mem>>)
    %dma_start3A_37 = arith.constant 32 : i32
    %dma_start3A_38 = tpu.memref_slice %arg7[%dma_start3A_37] : memref<64xi32, #tpu.memory_space<vmem>> -> memref<32xi32, #tpu.memory_space<vmem>>
    %dma_start3A_39 = arith.constant 0 : i32
    %dma_start3A_40 = arith.constant 0 : i32
    %dma_start3A_41 = tpu.memref_slice %arg2[%dma_start3A_39, %dma_start3A_40] : memref<5888x1024xf32, #tpu.memory_space<hbm>> -> memref<5888x1024xf32, #tpu.memory_space<hbm>>
    tpu.enqueue_indirect_dma source(%dma_start3A_41 : memref<5888x1024xf32, #tpu.memory_space<hbm>>) target(%arg11 : memref<32x1024xf32, #tpu.memory_space<vmem>>) offsets(%dma_start3A_38 : memref<32xi32, #tpu.memory_space<vmem>>) semaphore(%arg13 : memref<!tpu.dma_semaphore, #tpu.memory_space<semaphore_mem>>)
    %dma_wait3A_42 = arith.constant 32 : i32
    %dma_wait3A_43 = tpu.memref_slice %arg6[%dma_wait3A_42] : memref<64xi32, #tpu.memory_space<vmem>> -> memref<32xi32, #tpu.memory_space<vmem>>
    %dma_wait3A_44 = arith.constant 0 : i32
    %dma_wait3A_45 = arith.constant 0 : i32
    %dma_wait3A_46 = tpu.memref_slice %arg2[%dma_wait3A_44, %dma_wait3A_45] : memref<5888x1024xf32, #tpu.memory_space<hbm>> -> memref<5888x1024xf32, #tpu.memory_space<hbm>>
    tpu.wait_indirect_dma semaphore(%arg13 : memref<!tpu.dma_semaphore, #tpu.memory_space<semaphore_mem>>) src(%dma_wait3A_46 : memref<5888x1024xf32, #tpu.memory_space<hbm>>) dst(%arg10 : memref<32x1024xf32, #tpu.memory_space<vmem>>)
    %dma_wait3A_47 = arith.constant 32 : i32
    %dma_wait3A_48 = tpu.memref_slice %arg7[%dma_wait3A_47] : memref<64xi32, #tpu.memory_space<vmem>> -> memref<32xi32, #tpu.memory_space<vmem>>
    %dma_wait3A_49 = arith.constant 0 : i32
    %dma_wait3A_50 = arith.constant 0 : i32
    %dma_wait3A_51 = tpu.memref_slice %arg2[%dma_wait3A_49, %dma_wait3A_50] : memref<5888x1024xf32, #tpu.memory_space<hbm>> -> memref<5888x1024xf32, #tpu.memory_space<hbm>>
    tpu.wait_indirect_dma semaphore(%arg13 : memref<!tpu.dma_semaphore, #tpu.memory_space<semaphore_mem>>) src(%dma_wait3A_51 : memref<5888x1024xf32, #tpu.memory_space<hbm>>) dst(%arg11 : memref<32x1024xf32, #tpu.memory_space<vmem>>)
    %scan3A_52 = arith.constant 0 : i32
    %scan3A_53 = arith.constant 0 : i32
    %scan3A_54 = arith.constant 32 : i32
    %scan3A_55 = arith.addi %scan3A_53, %scan3A_54 : i32
    %scan3A_56 = arith.constant 1 : i32
    %scan3A_57 = scf.for %scan3A_61 = %scan3A_53 to %scan3A_55 step %scan3A_56 iter_args(%scan3A_62 = %scan3A_52) -> (i32)  : i32 {
      %add3A_63 = arith.constant 32 : i32
      %add3A_64 = arith.addi %add3A_63, %scan3A_61 : i32
      %broadcast_in_dim3A = vector.broadcast %add3A_64 : i32 to vector<16xi32>
      %gather3A = tpu.vector_load_idx %arg8[%broadcast_in_dim3A] : memref<64xf32, #tpu.memory_space<vmem>>[vector<16xi32>], vector<16xf32>,
      %gather3A_65 = tpu.vector_load_idx %arg9[%broadcast_in_dim3A] : memref<64xf32, #tpu.memory_space<vmem>>[vector<16xi32>], vector<16xf32>,
      %get3A = arith.index_cast %scan3A_61 : i32 to index
      %get3A_66 = arith.constant 0 : index
      %get3A_67 = tpu.vector_load %arg10[%get3A, %get3A_66] {strides = array<i32>} : memref<32x1024xf32, #tpu.memory_space<vmem>>, vector<16xf32>,
      %mul3A_68 = arith.mulf %gather3A, %get3A_67 : vector<16xf32>
      %get3A_69 = arith.index_cast %scan3A_61 : i32 to index
      %get3A_70 = arith.constant 0 : index
      %get3A_71 = tpu.vector_load %arg11[%get3A_69, %get3A_70] {strides = array<i32>} : memref<32x1024xf32, #tpu.memory_space<vmem>>, vector<16xf32>,
      %mul3A_72 = arith.mulf %gather3A_65, %get3A_71 : vector<16xf32>
      %add3A_73 = arith.addf %mul3A_68, %mul3A_72 : vector<16xf32>
      %swap3A = arith.index_cast %scan3A_61 : i32 to index
      %swap3A_74 = arith.constant 0 : index
      %swap3A_75 = tpu.vector_load %arg12[%swap3A, %swap3A_74] {strides = array<i32>} : memref<32x1024xf32, #tpu.memory_space<vmem>>, vector<16xf32>,
      tpu.vector_store %arg12[%swap3A, %swap3A_74], %add3A_73 {strides = array<i32>} : memref<32x1024xf32, #tpu.memory_space<vmem>>, vector<16xf32>,
      %get3A_76 = arith.index_cast %scan3A_61 : i32 to index
      %get3A_77 = arith.constant 16 : index
      %get3A_78 = tpu.vector_load %arg10[%get3A_76, %get3A_77] {strides = array<i32>} : memref<32x1024xf32, #tpu.memory_space<vmem>>, vector<16xf32>,
      %mul3A_79 = arith.mulf %gather3A, %get3A_78 : vector<16xf32>
      %get3A_80 = arith.index_cast %scan3A_61 : i32 to index
      %get3A_81 = arith.constant 16 : index
      %get3A_82 = tpu.vector_load %arg11[%get3A_80, %get3A_81] {strides = array<i32>} : memref<32x1024xf32, #tpu.memory_space<vmem>>, vector<16xf32>,
      %mul3A_83 = arith.mulf %gather3A_65, %get3A_82 : vector<16xf32>
      %add3A_84 = arith.addf %mul3A_79, %mul3A_83 : vector<16xf32>
      %swap3A_85 = arith.index_cast %scan3A_61 : i32 to index
      %swap3A_86 = arith.constant 16 : index
      %swap3A_87 = tpu.vector_load %arg12[%swap3A_85, %swap3A_86] {strides = array<i32>} : memref<32x1024xf32, #tpu.memory_space<vmem>>, vector<16xf32>,
      tpu.vector_store %arg12[%swap3A_85, %swap3A_86], %add3A_84 {strides = array<i32>} : memref<32x1024xf32, #tpu.memory_space<vmem>>, vector<16xf32>,
      %get3A_88 = arith.index_cast %scan3A_61 : i32 to index
      %get3A_89 = arith.constant 32 : index
      %get3A_90 = tpu.vector_load %arg10[%get3A_88, %get3A_89] {strides = array<i32>} : memref<32x1024xf32, #tpu.memory_space<vmem>>, vector<16xf32>,
      %mul3A_91 = arith.mulf %gather3A, %get3A_90 : vector<16xf32>
      %get3A_92 = arith.index_cast %scan3A_61 : i32 to index
      %get3A_93 = arith.constant 32 : index
      %get3A_94 = tpu.vector_load %arg11[%get3A_92, %get3A_93] {strides = array<i32>} : memref<32x1024xf32, #tpu.memory_space<vmem>>, vector<16xf32>,
      %mul3A_95 = arith.mulf %gather3A_65, %get3A_94 : vector<16xf32>
      %add3A_96 = arith.addf %mul3A_91, %mul3A_95 : vector<16xf32>
      %swap3A_97 = arith.index_cast %scan3A_61 : i32 to index
      %swap3A_98 = arith.constant 32 : index
      %swap3A_99 = tpu.vector_load %arg12[%swap3A_97, %swap3A_98] {strides = array<i32>} : memref<32x1024xf32, #tpu.memory_space<vmem>>, vector<16xf32>,
      tpu.vector_store %arg12[%swap3A_97, %swap3A_98], %add3A_96 {strides = array<i32>} : memref<32x1024xf32, #tpu.memory_space<vmem>>, vector<16xf32>,
      %get3A_100 = arith.index_cast %scan3A_61 : i32 to index
      %get3A_101 = arith.constant 48 : index
      %get3A_102 = tpu.vector_load %arg10[%get3A_100, %get3A_101] {strides = array<i32>} : memref<32x1024xf32, #tpu.memory_space<vmem>>, vector<16xf32>,
      %mul3A_103 = arith.mulf %gather3A, %get3A_102 : vector<16xf32>
      %get3A_104 = arith.index_cast %scan3A_61 : i32 to index
      %get3A_105 = arith.constant 48 : index
      %get3A_106 = tpu.vector_load %arg11[%get3A_104, %get3A_105] {strides = array<i32>} : memref<32x1024xf32, #tpu.memory_space<vmem>>, vector<16xf32>,
      %mul3A_107 = arith.mulf %gather3A_65, %get3A_106 : vector<16xf32>
      %add3A_108 = arith.addf %mul3A_103, %mul3A_107 : vector<16xf32>
      %swap3A_109 = arith.index_cast %scan3A_61 : i32 to index
      %swap3A_110 = arith.constant 48 : index
      %swap3A_111 = tpu.vector_load %arg12[%swap3A_109, %swap3A_110] {strides = array<i32>} : memref<32x1024xf32, #tpu.memory_space<vmem>>, vector<16xf32>,
      tpu.vector_store %arg12[%swap3A_109, %swap3A_110], %add3A_108 {strides = array<i32>} : memref<32x1024xf32, #tpu.memory_space<vmem>>, vector<16xf32>,
      %get3A_112 = arith.index_cast %scan3A_61 : i32 to index
      %get3A_113 = arith.constant 64 : index
      %get3A_114 = tpu.vector_load %arg10[%get3A_112, %get3A_113] {strides = array<i32>} : memref<32x1024xf32, #tpu.memory_space<vmem>>, vector<16xf32>,
      %mul3A_115 = arith.mulf %gather3A, %get3A_114 : vector<16xf32>
      %get3A_116 = arith.index_cast %scan3A_61 : i32 to index
      %get3A_117 = arith.constant 64 : index
      %get3A_118 = tpu.vector_load %arg11[%get3A_116, %get3A_117] {strides = array<i32>} : memref<32x1024xf32, #tpu.memory_space<vmem>>, vector<16xf32>,
      %mul3A_119 = arith.mulf %gather3A_65, %get3A_118 : vector<16xf32>
      %add3A_120 = arith.addf %mul3A_115, %mul3A_119 : vector<16xf32>
      %swap3A_121 = arith.index_cast %scan3A_61 : i32 to index
      %swap3A_122 = arith.constant 64 : index
      %swap3A_123 = tpu.vector_load %arg12[%swap3A_121, %swap3A_122] {strides = array<i32>} : memref<32x1024xf32, #tpu.memory_space<vmem>>, vector<16xf32>,
      tpu.vector_store %arg12[%swap3A_121, %swap3A_122], %add3A_120 {strides = array<i32>} : memref<32x1024xf32, #tpu.memory_space<vmem>>, vector<16xf32>,
      %get3A_124 = arith.index_cast %scan3A_61 : i32 to index
      %get3A_125 = arith.constant 80 : index
      %get3A_126 = tpu.vector_load %arg10[%get3A_124, %get3A_125] {strides = array<i32>} : memref<32x1024xf32, #tpu.memory_space<vmem>>, vector<16xf32>,
      %mul3A_127 = arith.mulf %gather3A, %get3A_126 : vector<16xf32>
      %get3A_128 = arith.index_cast %scan3A_61 : i32 to index
      %get3A_129 = arith.constant 80 : index
      %get3A_130 = tpu.vector_load %arg11[%get3A_128, %get3A_129] {strides = array<i32>} : memref<32x1024xf32, #tpu.memory_space<vmem>>, vector<16xf32>,
      %mul3A_131 = arith.mulf %gather3A_65, %get3A_130 : vector<16xf32>
      %add3A_132 = arith.addf %mul3A_127, %mul3A_131 : vector<16xf32>
      %swap3A_133 = arith.index_cast %scan3A_61 : i32 to index
      %swap3A_134 = arith.constant 80 : index
      %swap3A_135 = tpu.vector_load %arg12[%swap3A_133, %swap3A_134] {strides = array<i32>} : memref<32x1024xf32, #tpu.memory_space<vmem>>, vector<16xf32>,
      tpu.vector_store %arg12[%swap3A_133, %swap3A_134], %add3A_132 {strides = array<i32>} : memref<32x1024xf32, #tpu.memory_space<vmem>>, vector<16xf32>,
      %get3A_136 = arith.index_cast %scan3A_61 : i32 to index
      %get3A_137 = arith.constant 96 : index
      %get3A_138 = tpu.vector_load %arg10[%get3A_136, %get3A_137] {strides = array<i32>} : memref<32x1024xf32, #tpu.memory_space<vmem>>, vector<16xf32>,
      %mul3A_139 = arith.mulf %gather3A, %get3A_138 : vector<16xf32>
      %get3A_140 = arith.index_cast %scan3A_61 : i32 to index
      %get3A_141 = arith.constant 96 : index
      %get3A_142 = tpu.vector_load %arg11[%get3A_140, %get3A_141] {strides = array<i32>} : memref<32x1024xf32, #tpu.memory_space<vmem>>, vector<16xf32>,
      %mul3A_143 = arith.mulf %gather3A_65, %get3A_142 : vector<16xf32>
      %add3A_144 = arith.addf %mul3A_139, %mul3A_143 : vector<16xf32>
      %swap3A_145 = arith.index_cast %scan3A_61 : i32 to index
      %swap3A_146 = arith.constant 96 : index
      %swap3A_147 = tpu.vector_load %arg12[%swap3A_145, %swap3A_146] {strides = array<i32>} : memref<32x1024xf32, #tpu.memory_space<vmem>>, vector<16xf32>,
      tpu.vector_store %arg12[%swap3A_145, %swap3A_146], %add3A_144 {strides = array<i32>} : memref<32x1024xf32, #tpu.memory_space<vmem>>, vector<16xf32>,
      %get3A_148 = arith.index_cast %scan3A_61 : i32 to index
      %get3A_149 = arith.constant 112 : index
      %get3A_150 = tpu.vector_load %arg10[%get3A_148, %get3A_149] {strides = array<i32>} : memref<32x1024xf32, #tpu.memory_space<vmem>>, vector<16xf32>,
      %mul3A_151 = arith.mulf %gather3A, %get3A_150 : vector<16xf32>
      %get3A_152 = arith.index_cast %scan3A_61 : i32 to index
      %get3A_153 = arith.constant 112 : index
      %get3A_154 = tpu.vector_load %arg11[%get3A_152, %get3A_153] {strides = array<i32>} : memref<32x1024xf32, #tpu.memory_space<vmem>>, vector<16xf32>,
      %mul3A_155 = arith.mulf %gather3A_65, %get3A_154 : vector<16xf32>
      %add3A_156 = arith.addf %mul3A_151, %mul3A_155 : vector<16xf32>
      %swap3A_157 = arith.index_cast %scan3A_61 : i32 to index
      %swap3A_158 = arith.constant 112 : index
      %swap3A_159 = tpu.vector_load %arg12[%swap3A_157, %swap3A_158] {strides = array<i32>} : memref<32x1024xf32, #tpu.memory_space<vmem>>, vector<16xf32>,
      tpu.vector_store %arg12[%swap3A_157, %swap3A_158], %add3A_156 {strides = array<i32>} : memref<32x1024xf32, #tpu.memory_space<vmem>>, vector<16xf32>,
      %get3A_160 = arith.index_cast %scan3A_61 : i32 to index
      %get3A_161 = arith.constant 128 : index
      %get3A_162 = tpu.vector_load %arg10[%get3A_160, %get3A_161] {strides = array<i32>} : memref<32x1024xf32, #tpu.memory_space<vmem>>, vector<16xf32>,
      %mul3A_163 = arith.mulf %gather3A, %get3A_162 : vector<16xf32>
      %get3A_164 = arith.index_cast %scan3A_61 : i32 to index
      %get3A_165 = arith.constant 128 : index
      %get3A_166 = tpu.vector_load %arg11[%get3A_164, %get3A_165] {strides = array<i32>} : memref<32x1024xf32, #tpu.memory_space<vmem>>, vector<16xf32>,
      %mul3A_167 = arith.mulf %gather3A_65, %get3A_166 : vector<16xf32>
      %add3A_168 = arith.addf %mul3A_163, %mul3A_167 : vector<16xf32>
      %swap3A_169 = arith.index_cast %scan3A_61 : i32 to index
      %swap3A_170 = arith.constant 128 : index
      %swap3A_171 = tpu.vector_load %arg12[%swap3A_169, %swap3A_170] {strides = array<i32>} : memref<32x1024xf32, #tpu.memory_space<vmem>>, vector<16xf32>,
      tpu.vector_store %arg12[%swap3A_169, %swap3A_170], %add3A_168 {strides = array<i32>} : memref<32x1024xf32, #tpu.memory_space<vmem>>, vector<16xf32>,
      %get3A_172 = arith.index_cast %scan3A_61 : i32 to index
      %get3A_173 = arith.constant 144 : index
      %get3A_174 = tpu.vector_load %arg10[%get3A_172, %get3A_173] {strides = array<i32>} : memref<32x1024xf32, #tpu.memory_space<vmem>>, vector<16xf32>,
      %mul3A_175 = arith.mulf %gather3A, %get3A_174 : vector<16xf32>
      %get3A_176 = arith.index_cast %scan3A_61 : i32 to index
      %get3A_177 = arith.constant 144 : index
      %get3A_178 = tpu.vector_load %arg11[%get3A_176, %get3A_177] {strides = array<i32>} : memref<32x1024xf32, #tpu.memory_space<vmem>>, vector<16xf32>,
      %mul3A_179 = arith.mulf %gather3A_65, %get3A_178 : vector<16xf32>
      %add3A_180 = arith.addf %mul3A_175, %mul3A_179 : vector<16xf32>
      %swap3A_181 = arith.index_cast %scan3A_61 : i32 to index
      %swap3A_182 = arith.constant 144 : index
      %swap3A_183 = tpu.vector_load %arg12[%swap3A_181, %swap3A_182] {strides = array<i32>} : memref<32x1024xf32, #tpu.memory_space<vmem>>, vector<16xf32>,
      tpu.vector_store %arg12[%swap3A_181, %swap3A_182], %add3A_180 {strides = array<i32>} : memref<32x1024xf32, #tpu.memory_space<vmem>>, vector<16xf32>,
      %get3A_184 = arith.index_cast %scan3A_61 : i32 to index
      %get3A_185 = arith.constant 160 : index
      %get3A_186 = tpu.vector_load %arg10[%get3A_184, %get3A_185] {strides = array<i32>} : memref<32x1024xf32, #tpu.memory_space<vmem>>, vector<16xf32>,
      %mul3A_187 = arith.mulf %gather3A, %get3A_186 : vector<16xf32>
      %get3A_188 = arith.index_cast %scan3A_61 : i32 to index
      %get3A_189 = arith.constant 160 : index
      %get3A_190 = tpu.vector_load %arg11[%get3A_188, %get3A_189] {strides = array<i32>} : memref<32x1024xf32, #tpu.memory_space<vmem>>, vector<16xf32>,
      %mul3A_191 = arith.mulf %gather3A_65, %get3A_190 : vector<16xf32>
      %add3A_192 = arith.addf %mul3A_187, %mul3A_191 : vector<16xf32>
      %swap3A_193 = arith.index_cast %scan3A_61 : i32 to index
      %swap3A_194 = arith.constant 160 : index
      %swap3A_195 = tpu.vector_load %arg12[%swap3A_193, %swap3A_194] {strides = array<i32>} : memref<32x1024xf32, #tpu.memory_space<vmem>>, vector<16xf32>,
      tpu.vector_store %arg12[%swap3A_193, %swap3A_194], %add3A_192 {strides = array<i32>} : memref<32x1024xf32, #tpu.memory_space<vmem>>, vector<16xf32>,
      %get3A_196 = arith.index_cast %scan3A_61 : i32 to index
      %get3A_197 = arith.constant 176 : index
      %get3A_198 = tpu.vector_load %arg10[%get3A_196, %get3A_197] {strides = array<i32>} : memref<32x1024xf32, #tpu.memory_space<vmem>>, vector<16xf32>,
      %mul3A_199 = arith.mulf %gather3A, %get3A_198 : vector<16xf32>
      %get3A_200 = arith.index_cast %scan3A_61 : i32 to index
      %get3A_201 = arith.constant 176 : index
      %get3A_202 = tpu.vector_load %arg11[%get3A_200, %get3A_201] {strides = array<i32>} : memref<32x1024xf32, #tpu.memory_space<vmem>>, vector<16xf32>,
      %mul3A_203 = arith.mulf %gather3A_65, %get3A_202 : vector<16xf32>
      %add3A_204 = arith.addf %mul3A_199, %mul3A_203 : vector<16xf32>
      %swap3A_205 = arith.index_cast %scan3A_61 : i32 to index
      %swap3A_206 = arith.constant 176 : index
      %swap3A_207 = tpu.vector_load %arg12[%swap3A_205, %swap3A_206] {strides = array<i32>} : memref<32x1024xf32, #tpu.memory_space<vmem>>, vector<16xf32>,
      tpu.vector_store %arg12[%swap3A_205, %swap3A_206], %add3A_204 {strides = array<i32>} : memref<32x1024xf32, #tpu.memory_space<vmem>>, vector<16xf32>,
      %get3A_208 = arith.index_cast %scan3A_61 : i32 to index
      %get3A_209 = arith.constant 192 : index
      %get3A_210 = tpu.vector_load %arg10[%get3A_208, %get3A_209] {strides = array<i32>} : memref<32x1024xf32, #tpu.memory_space<vmem>>, vector<16xf32>,
      %mul3A_211 = arith.mulf %gather3A, %get3A_210 : vector<16xf32>
      %get3A_212 = arith.index_cast %scan3A_61 : i32 to index
      %get3A_213 = arith.constant 192 : index
      %get3A_214 = tpu.vector_load %arg11[%get3A_212, %get3A_213] {strides = array<i32>} : memref<32x1024xf32, #tpu.memory_space<vmem>>, vector<16xf32>,
      %mul3A_215 = arith.mulf %gather3A_65, %get3A_214 : vector<16xf32>
      %add3A_216 = arith.addf %mul3A_211, %mul3A_215 : vector<16xf32>
      %swap3A_217 = arith.index_cast %scan3A_61 : i32 to index
      %swap3A_218 = arith.constant 192 : index
      %swap3A_219 = tpu.vector_load %arg12[%swap3A_217, %swap3A_218] {strides = array<i32>} : memref<32x1024xf32, #tpu.memory_space<vmem>>, vector<16xf32>,
      tpu.vector_store %arg12[%swap3A_217, %swap3A_218], %add3A_216 {strides = array<i32>} : memref<32x1024xf32, #tpu.memory_space<vmem>>, vector<16xf32>,
      %get3A_220 = arith.index_cast %scan3A_61 : i32 to index
      %get3A_221 = arith.constant 208 : index
      %get3A_222 = tpu.vector_load %arg10[%get3A_220, %get3A_221] {strides = array<i32>} : memref<32x1024xf32, #tpu.memory_space<vmem>>, vector<16xf32>,
      %mul3A_223 = arith.mulf %gather3A, %get3A_222 : vector<16xf32>
      %get3A_224 = arith.index_cast %scan3A_61 : i32 to index
      %get3A_225 = arith.constant 208 : index
      %get3A_226 = tpu.vector_load %arg11[%get3A_224, %get3A_225] {strides = array<i32>} : memref<32x1024xf32, #tpu.memory_space<vmem>>, vector<16xf32>,
      %mul3A_227 = arith.mulf %gather3A_65, %get3A_226 : vector<16xf32>
      %add3A_228 = arith.addf %mul3A_223, %mul3A_227 : vector<16xf32>
      %swap3A_229 = arith.index_cast %scan3A_61 : i32 to index
      %swap3A_230 = arith.constant 208 : index
      %swap3A_231 = tpu.vector_load %arg12[%swap3A_229, %swap3A_230] {strides = array<i32>} : memref<32x1024xf32, #tpu.memory_space<vmem>>, vector<16xf32>,
      tpu.vector_store %arg12[%swap3A_229, %swap3A_230], %add3A_228 {strides = array<i32>} : memref<32x1024xf32, #tpu.memory_space<vmem>>, vector<16xf32>,
      %get3A_232 = arith.index_cast %scan3A_61 : i32 to index
      %get3A_233 = arith.constant 224 : index
      %get3A_234 = tpu.vector_load %arg10[%get3A_232, %get3A_233] {strides = array<i32>} : memref<32x1024xf32, #tpu.memory_space<vmem>>, vector<16xf32>,
      %mul3A_235 = arith.mulf %gather3A, %get3A_234 : vector<16xf32>
      %get3A_236 = arith.index_cast %scan3A_61 : i32 to index
      %get3A_237 = arith.constant 224 : index
      %get3A_238 = tpu.vector_load %arg11[%get3A_236, %get3A_237] {strides = array<i32>} : memref<32x1024xf32, #tpu.memory_space<vmem>>, vector<16xf32>,
      %mul3A_239 = arith.mulf %gather3A_65, %get3A_238 : vector<16xf32>
      %add3A_240 = arith.addf %mul3A_235, %mul3A_239 : vector<16xf32>
      %swap3A_241 = arith.index_cast %scan3A_61 : i32 to index
      %swap3A_242 = arith.constant 224 : index
      %swap3A_243 = tpu.vector_load %arg12[%swap3A_241, %swap3A_242] {strides = array<i32>} : memref<32x1024xf32, #tpu.memory_space<vmem>>, vector<16xf32>,
      tpu.vector_store %arg12[%swap3A_241, %swap3A_242], %add3A_240 {strides = array<i32>} : memref<32x1024xf32, #tpu.memory_space<vmem>>, vector<16xf32>,
      %get3A_244 = arith.index_cast %scan3A_61 : i32 to index
      %get3A_245 = arith.constant 240 : index
      %get3A_246 = tpu.vector_load %arg10[%get3A_244, %get3A_245] {strides = array<i32>} : memref<32x1024xf32, #tpu.memory_space<vmem>>, vector<16xf32>,
      %mul3A_247 = arith.mulf %gather3A, %get3A_246 : vector<16xf32>
      %get3A_248 = arith.index_cast %scan3A_61 : i32 to index
      %get3A_249 = arith.constant 240 : index
      %get3A_250 = tpu.vector_load %arg11[%get3A_248, %get3A_249] {strides = array<i32>} : memref<32x1024xf32, #tpu.memory_space<vmem>>, vector<16xf32>,
      %mul3A_251 = arith.mulf %gather3A_65, %get3A_250 : vector<16xf32>
      %add3A_252 = arith.addf %mul3A_247, %mul3A_251 : vector<16xf32>
      %swap3A_253 = arith.index_cast %scan3A_61 : i32 to index
      %swap3A_254 = arith.constant 240 : index
      %swap3A_255 = tpu.vector_load %arg12[%swap3A_253, %swap3A_254] {strides = array<i32>} : memref<32x1024xf32, #tpu.memory_space<vmem>>, vector<16xf32>,
      tpu.vector_store %arg12[%swap3A_253, %swap3A_254], %add3A_252 {strides = array<i32>} : memref<32x1024xf32, #tpu.memory_space<vmem>>, vector<16xf32>,
      %get3A_256 = arith.index_cast %scan3A_61 : i32 to index
      %get3A_257 = arith.constant 256 : index
      %get3A_258 = tpu.vector_load %arg10[%get3A_256, %get3A_257] {strides = array<i32>} : memref<32x1024xf32, #tpu.memory_space<vmem>>, vector<16xf32>,
      %mul3A_259 = arith.mulf %gather3A, %get3A_258 : vector<16xf32>
      %get3A_260 = arith.index_cast %scan3A_61 : i32 to index
      %get3A_261 = arith.constant 256 : index
      %get3A_262 = tpu.vector_load %arg11[%get3A_260, %get3A_261] {strides = array<i32>} : memref<32x1024xf32, #tpu.memory_space<vmem>>, vector<16xf32>,
      %mul3A_263 = arith.mulf %gather3A_65, %get3A_262 : vector<16xf32>
      %add3A_264 = arith.addf %mul3A_259, %mul3A_263 : vector<16xf32>
      %swap3A_265 = arith.index_cast %scan3A_61 : i32 to index
      %swap3A_266 = arith.constant 256 : index
      %swap3A_267 = tpu.vector_load %arg12[%swap3A_265, %swap3A_266] {strides = array<i32>} : memref<32x1024xf32, #tpu.memory_space<vmem>>, vector<16xf32>,
      tpu.vector_store %arg12[%swap3A_265, %swap3A_266], %add3A_264 {strides = array<i32>} : memref<32x1024xf32, #tpu.memory_space<vmem>>, vector<16xf32>,
      %get3A_268 = arith.index_cast %scan3A_61 : i32 to index
      %get3A_269 = arith.constant 272 : index
      %get3A_270 = tpu.vector_load %arg10[%get3A_268, %get3A_269] {strides = array<i32>} : memref<32x1024xf32, #tpu.memory_space<vmem>>, vector<16xf32>,
      %mul3A_271 = arith.mulf %gather3A, %get3A_270 : vector<16xf32>
      %get3A_272 = arith.index_cast %scan3A_61 : i32 to index
      %get3A_273 = arith.constant 272 : index
      %get3A_274 = tpu.vector_load %arg11[%get3A_272, %get3A_273] {strides = array<i32>} : memref<32x1024xf32, #tpu.memory_space<vmem>>, vector<16xf32>,
      %mul3A_275 = arith.mulf %gather3A_65, %get3A_274 : vector<16xf32>
      %add3A_276 = arith.addf %mul3A_271, %mul3A_275 : vector<16xf32>
      %swap3A_277 = arith.index_cast %scan3A_61 : i32 to index
      %swap3A_278 = arith.constant 272 : index
      %swap3A_279 = tpu.vector_load %arg12[%swap3A_277, %swap3A_278] {strides = array<i32>} : memref<32x1024xf32, #tpu.memory_space<vmem>>, vector<16xf32>,
      tpu.vector_store %arg12[%swap3A_277, %swap3A_278], %add3A_276 {strides = array<i32>} : memref<32x1024xf32, #tpu.memory_space<vmem>>, vector<16xf32>,
      %get3A_280 = arith.index_cast %scan3A_61 : i32 to index
      %get3A_281 = arith.constant 288 : index
      %get3A_282 = tpu.vector_load %arg10[%get3A_280, %get3A_281] {strides = array<i32>} : memref<32x1024xf32, #tpu.memory_space<vmem>>, vector<16xf32>,
      %mul3A_283 = arith.mulf %gather3A, %get3A_282 : vector<16xf32>
      %get3A_284 = arith.index_cast %scan3A_61 : i32 to index
      %get3A_285 = arith.constant 288 : index
      %get3A_286 = tpu.vector_load %arg11[%get3A_284, %get3A_285] {strides = array<i32>} : memref<32x1024xf32, #tpu.memory_space<vmem>>, vector<16xf32>,
      %mul3A_287 = arith.mulf %gather3A_65, %get3A_286 : vector<16xf32>
      %add3A_288 = arith.addf %mul3A_283, %mul3A_287 : vector<16xf32>
      %swap3A_289 = arith.index_cast %scan3A_61 : i32 to index
      %swap3A_290 = arith.constant 288 : index
      %swap3A_291 = tpu.vector_load %arg12[%swap3A_289, %swap3A_290] {strides = array<i32>} : memref<32x1024xf32, #tpu.memory_space<vmem>>, vector<16xf32>,
      tpu.vector_store %arg12[%swap3A_289, %swap3A_290], %add3A_288 {strides = array<i32>} : memref<32x1024xf32, #tpu.memory_space<vmem>>, vector<16xf32>,
      %get3A_292 = arith.index_cast %scan3A_61 : i32 to index
      %get3A_293 = arith.constant 304 : index
      %get3A_294 = tpu.vector_load %arg10[%get3A_292, %get3A_293] {strides = array<i32>} : memref<32x1024xf32, #tpu.memory_space<vmem>>, vector<16xf32>,
      %mul3A_295 = arith.mulf %gather3A, %get3A_294 : vector<16xf32>
      %get3A_296 = arith.index_cast %scan3A_61 : i32 to index
      %get3A_297 = arith.constant 304 : index
      %get3A_298 = tpu.vector_load %arg11[%get3A_296, %get3A_297] {strides = array<i32>} : memref<32x1024xf32, #tpu.memory_space<vmem>>, vector<16xf32>,
      %mul3A_299 = arith.mulf %gather3A_65, %get3A_298 : vector<16xf32>
      %add3A_300 = arith.addf %mul3A_295, %mul3A_299 : vector<16xf32>
      %swap3A_301 = arith.index_cast %scan3A_61 : i32 to index
      %swap3A_302 = arith.constant 304 : index
      %swap3A_303 = tpu.vector_load %arg12[%swap3A_301, %swap3A_302] {strides = array<i32>} : memref<32x1024xf32, #tpu.memory_space<vmem>>, vector<16xf32>,
      tpu.vector_store %arg12[%swap3A_301, %swap3A_302], %add3A_300 {strides = array<i32>} : memref<32x1024xf32, #tpu.memory_space<vmem>>, vector<16xf32>,
      %get3A_304 = arith.index_cast %scan3A_61 : i32 to index
      %get3A_305 = arith.constant 320 : index
      %get3A_306 = tpu.vector_load %arg10[%get3A_304, %get3A_305] {strides = array<i32>} : memref<32x1024xf32, #tpu.memory_space<vmem>>, vector<16xf32>,
      %mul3A_307 = arith.mulf %gather3A, %get3A_306 : vector<16xf32>
      %get3A_308 = arith.index_cast %scan3A_61 : i32 to index
      %get3A_309 = arith.constant 320 : index
      %get3A_310 = tpu.vector_load %arg11[%get3A_308, %get3A_309] {strides = array<i32>} : memref<32x1024xf32, #tpu.memory_space<vmem>>, vector<16xf32>,
      %mul3A_311 = arith.mulf %gather3A_65, %get3A_310 : vector<16xf32>
      %add3A_312 = arith.addf %mul3A_307, %mul3A_311 : vector<16xf32>
      %swap3A_313 = arith.index_cast %scan3A_61 : i32 to index
      %swap3A_314 = arith.constant 320 : index
      %swap3A_315 = tpu.vector_load %arg12[%swap3A_313, %swap3A_314] {strides = array<i32>} : memref<32x1024xf32, #tpu.memory_space<vmem>>, vector<16xf32>,
      tpu.vector_store %arg12[%swap3A_313, %swap3A_314], %add3A_312 {strides = array<i32>} : memref<32x1024xf32, #tpu.memory_space<vmem>>, vector<16xf32>,
      %get3A_316 = arith.index_cast %scan3A_61 : i32 to index
      %get3A_317 = arith.constant 336 : index
      %get3A_318 = tpu.vector_load %arg10[%get3A_316, %get3A_317] {strides = array<i32>} : memref<32x1024xf32, #tpu.memory_space<vmem>>, vector<16xf32>,
      %mul3A_319 = arith.mulf %gather3A, %get3A_318 : vector<16xf32>
      %get3A_320 = arith.index_cast %scan3A_61 : i32 to index
      %get3A_321 = arith.constant 336 : index
      %get3A_322 = tpu.vector_load %arg11[%get3A_320, %get3A_321] {strides = array<i32>} : memref<32x1024xf32, #tpu.memory_space<vmem>>, vector<16xf32>,
      %mul3A_323 = arith.mulf %gather3A_65, %get3A_322 : vector<16xf32>
      %add3A_324 = arith.addf %mul3A_319, %mul3A_323 : vector<16xf32>
      %swap3A_325 = arith.index_cast %scan3A_61 : i32 to index
      %swap3A_326 = arith.constant 336 : index
      %swap3A_327 = tpu.vector_load %arg12[%swap3A_325, %swap3A_326] {strides = array<i32>} : memref<32x1024xf32, #tpu.memory_space<vmem>>, vector<16xf32>,
      tpu.vector_store %arg12[%swap3A_325, %swap3A_326], %add3A_324 {strides = array<i32>} : memref<32x1024xf32, #tpu.memory_space<vmem>>, vector<16xf32>,
      %get3A_328 = arith.index_cast %scan3A_61 : i32 to index
      %get3A_329 = arith.constant 352 : index
      %get3A_330 = tpu.vector_load %arg10[%get3A_328, %get3A_329] {strides = array<i32>} : memref<32x1024xf32, #tpu.memory_space<vmem>>, vector<16xf32>,
      %mul3A_331 = arith.mulf %gather3A, %get3A_330 : vector<16xf32>
      %get3A_332 = arith.index_cast %scan3A_61 : i32 to index
      %get3A_333 = arith.constant 352 : index
      %get3A_334 = tpu.vector_load %arg11[%get3A_332, %get3A_333] {strides = array<i32>} : memref<32x1024xf32, #tpu.memory_space<vmem>>, vector<16xf32>,
      %mul3A_335 = arith.mulf %gather3A_65, %get3A_334 : vector<16xf32>
      %add3A_336 = arith.addf %mul3A_331, %mul3A_335 : vector<16xf32>
      %swap3A_337 = arith.index_cast %scan3A_61 : i32 to index
      %swap3A_338 = arith.constant 352 : index
      %swap3A_339 = tpu.vector_load %arg12[%swap3A_337, %swap3A_338] {strides = array<i32>} : memref<32x1024xf32, #tpu.memory_space<vmem>>, vector<16xf32>,
      tpu.vector_store %arg12[%swap3A_337, %swap3A_338], %add3A_336 {strides = array<i32>} : memref<32x1024xf32, #tpu.memory_space<vmem>>, vector<16xf32>,
      %get3A_340 = arith.index_cast %scan3A_61 : i32 to index
      %get3A_341 = arith.constant 368 : index
      %get3A_342 = tpu.vector_load %arg10[%get3A_340, %get3A_341] {strides = array<i32>} : memref<32x1024xf32, #tpu.memory_space<vmem>>, vector<16xf32>,
      %mul3A_343 = arith.mulf %gather3A, %get3A_342 : vector<16xf32>
      %get3A_344 = arith.index_cast %scan3A_61 : i32 to index
      %get3A_345 = arith.constant 368 : index
      %get3A_346 = tpu.vector_load %arg11[%get3A_344, %get3A_345] {strides = array<i32>} : memref<32x1024xf32, #tpu.memory_space<vmem>>, vector<16xf32>,
      %mul3A_347 = arith.mulf %gather3A_65, %get3A_346 : vector<16xf32>
      %add3A_348 = arith.addf %mul3A_343, %mul3A_347 : vector<16xf32>
      %swap3A_349 = arith.index_cast %scan3A_61 : i32 to index
      %swap3A_350 = arith.constant 368 : index
      %swap3A_351 = tpu.vector_load %arg12[%swap3A_349, %swap3A_350] {strides = array<i32>} : memref<32x1024xf32, #tpu.memory_space<vmem>>, vector<16xf32>,
      tpu.vector_store %arg12[%swap3A_349, %swap3A_350], %add3A_348 {strides = array<i32>} : memref<32x1024xf32, #tpu.memory_space<vmem>>, vector<16xf32>,
      %get3A_352 = arith.index_cast %scan3A_61 : i32 to index
      %get3A_353 = arith.constant 384 : index
      %get3A_354 = tpu.vector_load %arg10[%get3A_352, %get3A_353] {strides = array<i32>} : memref<32x1024xf32, #tpu.memory_space<vmem>>, vector<16xf32>,
      %mul3A_355 = arith.mulf %gather3A, %get3A_354 : vector<16xf32>
      %get3A_356 = arith.index_cast %scan3A_61 : i32 to index
      %get3A_357 = arith.constant 384 : index
      %get3A_358 = tpu.vector_load %arg11[%get3A_356, %get3A_357] {strides = array<i32>} : memref<32x1024xf32, #tpu.memory_space<vmem>>, vector<16xf32>,
      %mul3A_359 = arith.mulf %gather3A_65, %get3A_358 : vector<16xf32>
      %add3A_360 = arith.addf %mul3A_355, %mul3A_359 : vector<16xf32>
      %swap3A_361 = arith.index_cast %scan3A_61 : i32 to index
      %swap3A_362 = arith.constant 384 : index
      %swap3A_363 = tpu.vector_load %arg12[%swap3A_361, %swap3A_362] {strides = array<i32>} : memref<32x1024xf32, #tpu.memory_space<vmem>>, vector<16xf32>,
      tpu.vector_store %arg12[%swap3A_361, %swap3A_362], %add3A_360 {strides = array<i32>} : memref<32x1024xf32, #tpu.memory_space<vmem>>, vector<16xf32>,
      %get3A_364 = arith.index_cast %scan3A_61 : i32 to index
      %get3A_365 = arith.constant 400 : index
      %get3A_366 = tpu.vector_load %arg10[%get3A_364, %get3A_365] {strides = array<i32>} : memref<32x1024xf32, #tpu.memory_space<vmem>>, vector<16xf32>,
      %mul3A_367 = arith.mulf %gather3A, %get3A_366 : vector<16xf32>
      %get3A_368 = arith.index_cast %scan3A_61 : i32 to index
      %get3A_369 = arith.constant 400 : index
      %get3A_370 = tpu.vector_load %arg11[%get3A_368, %get3A_369] {strides = array<i32>} : memref<32x1024xf32, #tpu.memory_space<vmem>>, vector<16xf32>,
      %mul3A_371 = arith.mulf %gather3A_65, %get3A_370 : vector<16xf32>
      %add3A_372 = arith.addf %mul3A_367, %mul3A_371 : vector<16xf32>
      %swap3A_373 = arith.index_cast %scan3A_61 : i32 to index
      %swap3A_374 = arith.constant 400 : index
      %swap3A_375 = tpu.vector_load %arg12[%swap3A_373, %swap3A_374] {strides = array<i32>} : memref<32x1024xf32, #tpu.memory_space<vmem>>, vector<16xf32>,
      tpu.vector_store %arg12[%swap3A_373, %swap3A_374], %add3A_372 {strides = array<i32>} : memref<32x1024xf32, #tpu.memory_space<vmem>>, vector<16xf32>,
      %get3A_376 = arith.index_cast %scan3A_61 : i32 to index
      %get3A_377 = arith.constant 416 : index
      %get3A_378 = tpu.vector_load %arg10[%get3A_376, %get3A_377] {strides = array<i32>} : memref<32x1024xf32, #tpu.memory_space<vmem>>, vector<16xf32>,
      %mul3A_379 = arith.mulf %gather3A, %get3A_378 : vector<16xf32>
      %get3A_380 = arith.index_cast %scan3A_61 : i32 to index
      %get3A_381 = arith.constant 416 : index
      %get3A_382 = tpu.vector_load %arg11[%get3A_380, %get3A_381] {strides = array<i32>} : memref<32x1024xf32, #tpu.memory_space<vmem>>, vector<16xf32>,
      %mul3A_383 = arith.mulf %gather3A_65, %get3A_382 : vector<16xf32>
      %add3A_384 = arith.addf %mul3A_379, %mul3A_383 : vector<16xf32>
      %swap3A_385 = arith.index_cast %scan3A_61 : i32 to index
      %swap3A_386 = arith.constant 416 : index
      %swap3A_387 = tpu.vector_load %arg12[%swap3A_385, %swap3A_386] {strides = array<i32>} : memref<32x1024xf32, #tpu.memory_space<vmem>>, vector<16xf32>,
      tpu.vector_store %arg12[%swap3A_385, %swap3A_386], %add3A_384 {strides = array<i32>} : memref<32x1024xf32, #tpu.memory_space<vmem>>, vector<16xf32>,
      %get3A_388 = arith.index_cast %scan3A_61 : i32 to index
      %get3A_389 = arith.constant 432 : index
      %get3A_390 = tpu.vector_load %arg10[%get3A_388, %get3A_389] {strides = array<i32>} : memref<32x1024xf32, #tpu.memory_space<vmem>>, vector<16xf32>,
      %mul3A_391 = arith.mulf %gather3A, %get3A_390 : vector<16xf32>
      %get3A_392 = arith.index_cast %scan3A_61 : i32 to index
      %get3A_393 = arith.constant 432 : index
      %get3A_394 = tpu.vector_load %arg11[%get3A_392, %get3A_393] {strides = array<i32>} : memref<32x1024xf32, #tpu.memory_space<vmem>>, vector<16xf32>,
      %mul3A_395 = arith.mulf %gather3A_65, %get3A_394 : vector<16xf32>
      %add3A_396 = arith.addf %mul3A_391, %mul3A_395 : vector<16xf32>
      %swap3A_397 = arith.index_cast %scan3A_61 : i32 to index
      %swap3A_398 = arith.constant 432 : index
      %swap3A_399 = tpu.vector_load %arg12[%swap3A_397, %swap3A_398] {strides = array<i32>} : memref<32x1024xf32, #tpu.memory_space<vmem>>, vector<16xf32>,
      tpu.vector_store %arg12[%swap3A_397, %swap3A_398], %add3A_396 {strides = array<i32>} : memref<32x1024xf32, #tpu.memory_space<vmem>>, vector<16xf32>,
      %get3A_400 = arith.index_cast %scan3A_61 : i32 to index
      %get3A_401 = arith.constant 448 : index
      %get3A_402 = tpu.vector_load %arg10[%get3A_400, %get3A_401] {strides = array<i32>} : memref<32x1024xf32, #tpu.memory_space<vmem>>, vector<16xf32>,
      %mul3A_403 = arith.mulf %gather3A, %get3A_402 : vector<16xf32>
      %get3A_404 = arith.index_cast %scan3A_61 : i32 to index
      %get3A_405 = arith.constant 448 : index
      %get3A_406 = tpu.vector_load %arg11[%get3A_404, %get3A_405] {strides = array<i32>} : memref<32x1024xf32, #tpu.memory_space<vmem>>, vector<16xf32>,
      %mul3A_407 = arith.mulf %gather3A_65, %get3A_406 : vector<16xf32>
      %add3A_408 = arith.addf %mul3A_403, %mul3A_407 : vector<16xf32>
      %swap3A_409 = arith.index_cast %scan3A_61 : i32 to index
      %swap3A_410 = arith.constant 448 : index
      %swap3A_411 = tpu.vector_load %arg12[%swap3A_409, %swap3A_410] {strides = array<i32>} : memref<32x1024xf32, #tpu.memory_space<vmem>>, vector<16xf32>,
      tpu.vector_store %arg12[%swap3A_409, %swap3A_410], %add3A_408 {strides = array<i32>} : memref<32x1024xf32, #tpu.memory_space<vmem>>, vector<16xf32>,
      %get3A_412 = arith.index_cast %scan3A_61 : i32 to index
      %get3A_413 = arith.constant 464 : index
      %get3A_414 = tpu.vector_load %arg10[%get3A_412, %get3A_413] {strides = array<i32>} : memref<32x1024xf32, #tpu.memory_space<vmem>>, vector<16xf32>,
      %mul3A_415 = arith.mulf %gather3A, %get3A_414 : vector<16xf32>
      %get3A_416 = arith.index_cast %scan3A_61 : i32 to index
      %get3A_417 = arith.constant 464 : index
      %get3A_418 = tpu.vector_load %arg11[%get3A_416, %get3A_417] {strides = array<i32>} : memref<32x1024xf32, #tpu.memory_space<vmem>>, vector<16xf32>,
      %mul3A_419 = arith.mulf %gather3A_65, %get3A_418 : vector<16xf32>
      %add3A_420 = arith.addf %mul3A_415, %mul3A_419 : vector<16xf32>
      %swap3A_421 = arith.index_cast %scan3A_61 : i32 to index
      %swap3A_422 = arith.constant 464 : index
      %swap3A_423 = tpu.vector_load %arg12[%swap3A_421, %swap3A_422] {strides = array<i32>} : memref<32x1024xf32, #tpu.memory_space<vmem>>, vector<16xf32>,
      tpu.vector_store %arg12[%swap3A_421, %swap3A_422], %add3A_420 {strides = array<i32>} : memref<32x1024xf32, #tpu.memory_space<vmem>>, vector<16xf32>,
      %get3A_424 = arith.index_cast %scan3A_61 : i32 to index
      %get3A_425 = arith.constant 480 : index
      %get3A_426 = tpu.vector_load %arg10[%get3A_424, %get3A_425] {strides = array<i32>} : memref<32x1024xf32, #tpu.memory_space<vmem>>, vector<16xf32>,
      %mul3A_427 = arith.mulf %gather3A, %get3A_426 : vector<16xf32>
      %get3A_428 = arith.index_cast %scan3A_61 : i32 to index
      %get3A_429 = arith.constant 480 : index
      %get3A_430 = tpu.vector_load %arg11[%get3A_428, %get3A_429] {strides = array<i32>} : memref<32x1024xf32, #tpu.memory_space<vmem>>, vector<16xf32>,
      %mul3A_431 = arith.mulf %gather3A_65, %get3A_430 : vector<16xf32>
      %add3A_432 = arith.addf %mul3A_427, %mul3A_431 : vector<16xf32>
      %swap3A_433 = arith.index_cast %scan3A_61 : i32 to index
      %swap3A_434 = arith.constant 480 : index
      %swap3A_435 = tpu.vector_load %arg12[%swap3A_433, %swap3A_434] {strides = array<i32>} : memref<32x1024xf32, #tpu.memory_space<vmem>>, vector<16xf32>,
      tpu.vector_store %arg12[%swap3A_433, %swap3A_434], %add3A_432 {strides = array<i32>} : memref<32x1024xf32, #tpu.memory_space<vmem>>, vector<16xf32>,
      %get3A_436 = arith.index_cast %scan3A_61 : i32 to index
      %get3A_437 = arith.constant 496 : index
      %get3A_438 = tpu.vector_load %arg10[%get3A_436, %get3A_437] {strides = array<i32>} : memref<32x1024xf32, #tpu.memory_space<vmem>>, vector<16xf32>,
      %mul3A_439 = arith.mulf %gather3A, %get3A_438 : vector<16xf32>
      %get3A_440 = arith.index_cast %scan3A_61 : i32 to index
      %get3A_441 = arith.constant 496 : index
      %get3A_442 = tpu.vector_load %arg11[%get3A_440, %get3A_441] {strides = array<i32>} : memref<32x1024xf32, #tpu.memory_space<vmem>>, vector<16xf32>,
      %mul3A_443 = arith.mulf %gather3A_65, %get3A_442 : vector<16xf32>
      %add3A_444 = arith.addf %mul3A_439, %mul3A_443 : vector<16xf32>
      %swap3A_445 = arith.index_cast %scan3A_61 : i32 to index
      %swap3A_446 = arith.constant 496 : index
      %swap3A_447 = tpu.vector_load %arg12[%swap3A_445, %swap3A_446] {strides = array<i32>} : memref<32x1024xf32, #tpu.memory_space<vmem>>, vector<16xf32>,
      tpu.vector_store %arg12[%swap3A_445, %swap3A_446], %add3A_444 {strides = array<i32>} : memref<32x1024xf32, #tpu.memory_space<vmem>>, vector<16xf32>,
      %get3A_448 = arith.index_cast %scan3A_61 : i32 to index
      %get3A_449 = arith.constant 512 : index
      %get3A_450 = tpu.vector_load %arg10[%get3A_448, %get3A_449] {strides = array<i32>} : memref<32x1024xf32, #tpu.memory_space<vmem>>, vector<16xf32>,
      %mul3A_451 = arith.mulf %gather3A, %get3A_450 : vector<16xf32>
      %get3A_452 = arith.index_cast %scan3A_61 : i32 to index
      %get3A_453 = arith.constant 512 : index
      %get3A_454 = tpu.vector_load %arg11[%get3A_452, %get3A_453] {strides = array<i32>} : memref<32x1024xf32, #tpu.memory_space<vmem>>, vector<16xf32>,
      %mul3A_455 = arith.mulf %gather3A_65, %get3A_454 : vector<16xf32>
      %add3A_456 = arith.addf %mul3A_451, %mul3A_455 : vector<16xf32>
      %swap3A_457 = arith.index_cast %scan3A_61 : i32 to index
      %swap3A_458 = arith.constant 512 : index
      %swap3A_459 = tpu.vector_load %arg12[%swap3A_457, %swap3A_458] {strides = array<i32>} : memref<32x1024xf32, #tpu.memory_space<vmem>>, vector<16xf32>,
      tpu.vector_store %arg12[%swap3A_457, %swap3A_458], %add3A_456 {strides = array<i32>} : memref<32x1024xf32, #tpu.memory_space<vmem>>, vector<16xf32>,
      %get3A_460 = arith.index_cast %scan3A_61 : i32 to index
      %get3A_461 = arith.constant 528 : index
      %get3A_462 = tpu.vector_load %arg10[%get3A_460, %get3A_461] {strides = array<i32>} : memref<32x1024xf32, #tpu.memory_space<vmem>>, vector<16xf32>,
      %mul3A_463 = arith.mulf %gather3A, %get3A_462 : vector<16xf32>
      %get3A_464 = arith.index_cast %scan3A_61 : i32 to index
      %get3A_465 = arith.constant 528 : index
      %get3A_466 = tpu.vector_load %arg11[%get3A_464, %get3A_465] {strides = array<i32>} : memref<32x1024xf32, #tpu.memory_space<vmem>>, vector<16xf32>,
      %mul3A_467 = arith.mulf %gather3A_65, %get3A_466 : vector<16xf32>
      %add3A_468 = arith.addf %mul3A_463, %mul3A_467 : vector<16xf32>
      %swap3A_469 = arith.index_cast %scan3A_61 : i32 to index
      %swap3A_470 = arith.constant 528 : index
      %swap3A_471 = tpu.vector_load %arg12[%swap3A_469, %swap3A_470] {strides = array<i32>} : memref<32x1024xf32, #tpu.memory_space<vmem>>, vector<16xf32>,
      tpu.vector_store %arg12[%swap3A_469, %swap3A_470], %add3A_468 {strides = array<i32>} : memref<32x1024xf32, #tpu.memory_space<vmem>>, vector<16xf32>,
      %get3A_472 = arith.index_cast %scan3A_61 : i32 to index
      %get3A_473 = arith.constant 544 : index
      %get3A_474 = tpu.vector_load %arg10[%get3A_472, %get3A_473] {strides = array<i32>} : memref<32x1024xf32, #tpu.memory_space<vmem>>, vector<16xf32>,
      %mul3A_475 = arith.mulf %gather3A, %get3A_474 : vector<16xf32>
      %get3A_476 = arith.index_cast %scan3A_61 : i32 to index
      %get3A_477 = arith.constant 544 : index
      %get3A_478 = tpu.vector_load %arg11[%get3A_476, %get3A_477] {strides = array<i32>} : memref<32x1024xf32, #tpu.memory_space<vmem>>, vector<16xf32>,
      %mul3A_479 = arith.mulf %gather3A_65, %get3A_478 : vector<16xf32>
      %add3A_480 = arith.addf %mul3A_475, %mul3A_479 : vector<16xf32>
      %swap3A_481 = arith.index_cast %scan3A_61 : i32 to index
      %swap3A_482 = arith.constant 544 : index
      %swap3A_483 = tpu.vector_load %arg12[%swap3A_481, %swap3A_482] {strides = array<i32>} : memref<32x1024xf32, #tpu.memory_space<vmem>>, vector<16xf32>,
      tpu.vector_store %arg12[%swap3A_481, %swap3A_482], %add3A_480 {strides = array<i32>} : memref<32x1024xf32, #tpu.memory_space<vmem>>, vector<16xf32>,
      %get3A_484 = arith.index_cast %scan3A_61 : i32 to index
      %get3A_485 = arith.constant 560 : index
      %get3A_486 = tpu.vector_load %arg10[%get3A_484, %get3A_485] {strides = array<i32>} : memref<32x1024xf32, #tpu.memory_space<vmem>>, vector<16xf32>,
      %mul3A_487 = arith.mulf %gather3A, %get3A_486 : vector<16xf32>
      %get3A_488 = arith.index_cast %scan3A_61 : i32 to index
      %get3A_489 = arith.constant 560 : index
      %get3A_490 = tpu.vector_load %arg11[%get3A_488, %get3A_489] {strides = array<i32>} : memref<32x1024xf32, #tpu.memory_space<vmem>>, vector<16xf32>,
      %mul3A_491 = arith.mulf %gather3A_65, %get3A_490 : vector<16xf32>
      %add3A_492 = arith.addf %mul3A_487, %mul3A_491 : vector<16xf32>
      %swap3A_493 = arith.index_cast %scan3A_61 : i32 to index
      %swap3A_494 = arith.constant 560 : index
      %swap3A_495 = tpu.vector_load %arg12[%swap3A_493, %swap3A_494] {strides = array<i32>} : memref<32x1024xf32, #tpu.memory_space<vmem>>, vector<16xf32>,
      tpu.vector_store %arg12[%swap3A_493, %swap3A_494], %add3A_492 {strides = array<i32>} : memref<32x1024xf32, #tpu.memory_space<vmem>>, vector<16xf32>,
      %get3A_496 = arith.index_cast %scan3A_61 : i32 to index
      %get3A_497 = arith.constant 576 : index
      %get3A_498 = tpu.vector_load %arg10[%get3A_496, %get3A_497] {strides = array<i32>} : memref<32x1024xf32, #tpu.memory_space<vmem>>, vector<16xf32>,
      %mul3A_499 = arith.mulf %gather3A, %get3A_498 : vector<16xf32>
      %get3A_500 = arith.index_cast %scan3A_61 : i32 to index
      %get3A_501 = arith.constant 576 : index
      %get3A_502 = tpu.vector_load %arg11[%get3A_500, %get3A_501] {strides = array<i32>} : memref<32x1024xf32, #tpu.memory_space<vmem>>, vector<16xf32>,
      %mul3A_503 = arith.mulf %gather3A_65, %get3A_502 : vector<16xf32>
      %add3A_504 = arith.addf %mul3A_499, %mul3A_503 : vector<16xf32>
      %swap3A_505 = arith.index_cast %scan3A_61 : i32 to index
      %swap3A_506 = arith.constant 576 : index
      %swap3A_507 = tpu.vector_load %arg12[%swap3A_505, %swap3A_506] {strides = array<i32>} : memref<32x1024xf32, #tpu.memory_space<vmem>>, vector<16xf32>,
      tpu.vector_store %arg12[%swap3A_505, %swap3A_506], %add3A_504 {strides = array<i32>} : memref<32x1024xf32, #tpu.memory_space<vmem>>, vector<16xf32>,
      %get3A_508 = arith.index_cast %scan3A_61 : i32 to index
      %get3A_509 = arith.constant 592 : index
      %get3A_510 = tpu.vector_load %arg10[%get3A_508, %get3A_509] {strides = array<i32>} : memref<32x1024xf32, #tpu.memory_space<vmem>>, vector<16xf32>,
      %mul3A_511 = arith.mulf %gather3A, %get3A_510 : vector<16xf32>
      %get3A_512 = arith.index_cast %scan3A_61 : i32 to index
      %get3A_513 = arith.constant 592 : index
      %get3A_514 = tpu.vector_load %arg11[%get3A_512, %get3A_513] {strides = array<i32>} : memref<32x1024xf32, #tpu.memory_space<vmem>>, vector<16xf32>,
      %mul3A_515 = arith.mulf %gather3A_65, %get3A_514 : vector<16xf32>
      %add3A_516 = arith.addf %mul3A_511, %mul3A_515 : vector<16xf32>
      %swap3A_517 = arith.index_cast %scan3A_61 : i32 to index
      %swap3A_518 = arith.constant 592 : index
      %swap3A_519 = tpu.vector_load %arg12[%swap3A_517, %swap3A_518] {strides = array<i32>} : memref<32x1024xf32, #tpu.memory_space<vmem>>, vector<16xf32>,
      tpu.vector_store %arg12[%swap3A_517, %swap3A_518], %add3A_516 {strides = array<i32>} : memref<32x1024xf32, #tpu.memory_space<vmem>>, vector<16xf32>,
      %get3A_520 = arith.index_cast %scan3A_61 : i32 to index
      %get3A_521 = arith.constant 608 : index
      %get3A_522 = tpu.vector_load %arg10[%get3A_520, %get3A_521] {strides = array<i32>} : memref<32x1024xf32, #tpu.memory_space<vmem>>, vector<16xf32>,
      %mul3A_523 = arith.mulf %gather3A, %get3A_522 : vector<16xf32>
      %get3A_524 = arith.index_cast %scan3A_61 : i32 to index
      %get3A_525 = arith.constant 608 : index
      %get3A_526 = tpu.vector_load %arg11[%get3A_524, %get3A_525] {strides = array<i32>} : memref<32x1024xf32, #tpu.memory_space<vmem>>, vector<16xf32>,
      %mul3A_527 = arith.mulf %gather3A_65, %get3A_526 : vector<16xf32>
      %add3A_528 = arith.addf %mul3A_523, %mul3A_527 : vector<16xf32>
      %swap3A_529 = arith.index_cast %scan3A_61 : i32 to index
      %swap3A_530 = arith.constant 608 : index
      %swap3A_531 = tpu.vector_load %arg12[%swap3A_529, %swap3A_530] {strides = array<i32>} : memref<32x1024xf32, #tpu.memory_space<vmem>>, vector<16xf32>,
      tpu.vector_store %arg12[%swap3A_529, %swap3A_530], %add3A_528 {strides = array<i32>} : memref<32x1024xf32, #tpu.memory_space<vmem>>, vector<16xf32>,
      %get3A_532 = arith.index_cast %scan3A_61 : i32 to index
      %get3A_533 = arith.constant 624 : index
      %get3A_534 = tpu.vector_load %arg10[%get3A_532, %get3A_533] {strides = array<i32>} : memref<32x1024xf32, #tpu.memory_space<vmem>>, vector<16xf32>,
      %mul3A_535 = arith.mulf %gather3A, %get3A_534 : vector<16xf32>
      %get3A_536 = arith.index_cast %scan3A_61 : i32 to index
      %get3A_537 = arith.constant 624 : index
      %get3A_538 = tpu.vector_load %arg11[%get3A_536, %get3A_537] {strides = array<i32>} : memref<32x1024xf32, #tpu.memory_space<vmem>>, vector<16xf32>,
      %mul3A_539 = arith.mulf %gather3A_65, %get3A_538 : vector<16xf32>
      %add3A_540 = arith.addf %mul3A_535, %mul3A_539 : vector<16xf32>
      %swap3A_541 = arith.index_cast %scan3A_61 : i32 to index
      %swap3A_542 = arith.constant 624 : index
      %swap3A_543 = tpu.vector_load %arg12[%swap3A_541, %swap3A_542] {strides = array<i32>} : memref<32x1024xf32, #tpu.memory_space<vmem>>, vector<16xf32>,
      tpu.vector_store %arg12[%swap3A_541, %swap3A_542], %add3A_540 {strides = array<i32>} : memref<32x1024xf32, #tpu.memory_space<vmem>>, vector<16xf32>,
      %get3A_544 = arith.index_cast %scan3A_61 : i32 to index
      %get3A_545 = arith.constant 640 : index
      %get3A_546 = tpu.vector_load %arg10[%get3A_544, %get3A_545] {strides = array<i32>} : memref<32x1024xf32, #tpu.memory_space<vmem>>, vector<16xf32>,
      %mul3A_547 = arith.mulf %gather3A, %get3A_546 : vector<16xf32>
      %get3A_548 = arith.index_cast %scan3A_61 : i32 to index
      %get3A_549 = arith.constant 640 : index
      %get3A_550 = tpu.vector_load %arg11[%get3A_548, %get3A_549] {strides = array<i32>} : memref<32x1024xf32, #tpu.memory_space<vmem>>, vector<16xf32>,
      %mul3A_551 = arith.mulf %gather3A_65, %get3A_550 : vector<16xf32>
      %add3A_552 = arith.addf %mul3A_547, %mul3A_551 : vector<16xf32>
      %swap3A_553 = arith.index_cast %scan3A_61 : i32 to index
      %swap3A_554 = arith.constant 640 : index
      %swap3A_555 = tpu.vector_load %arg12[%swap3A_553, %swap3A_554] {strides = array<i32>} : memref<32x1024xf32, #tpu.memory_space<vmem>>, vector<16xf32>,
      tpu.vector_store %arg12[%swap3A_553, %swap3A_554], %add3A_552 {strides = array<i32>} : memref<32x1024xf32, #tpu.memory_space<vmem>>, vector<16xf32>,
      %get3A_556 = arith.index_cast %scan3A_61 : i32 to index
      %get3A_557 = arith.constant 656 : index
      %get3A_558 = tpu.vector_load %arg10[%get3A_556, %get3A_557] {strides = array<i32>} : memref<32x1024xf32, #tpu.memory_space<vmem>>, vector<16xf32>,
      %mul3A_559 = arith.mulf %gather3A, %get3A_558 : vector<16xf32>
      %get3A_560 = arith.index_cast %scan3A_61 : i32 to index
      %get3A_561 = arith.constant 656 : index
      %get3A_562 = tpu.vector_load %arg11[%get3A_560, %get3A_561] {strides = array<i32>} : memref<32x1024xf32, #tpu.memory_space<vmem>>, vector<16xf32>,
      %mul3A_563 = arith.mulf %gather3A_65, %get3A_562 : vector<16xf32>
      %add3A_564 = arith.addf %mul3A_559, %mul3A_563 : vector<16xf32>
      %swap3A_565 = arith.index_cast %scan3A_61 : i32 to index
      %swap3A_566 = arith.constant 656 : index
      %swap3A_567 = tpu.vector_load %arg12[%swap3A_565, %swap3A_566] {strides = array<i32>} : memref<32x1024xf32, #tpu.memory_space<vmem>>, vector<16xf32>,
      tpu.vector_store %arg12[%swap3A_565, %swap3A_566], %add3A_564 {strides = array<i32>} : memref<32x1024xf32, #tpu.memory_space<vmem>>, vector<16xf32>,
      %get3A_568 = arith.index_cast %scan3A_61 : i32 to index
      %get3A_569 = arith.constant 672 : index
      %get3A_570 = tpu.vector_load %arg10[%get3A_568, %get3A_569] {strides = array<i32>} : memref<32x1024xf32, #tpu.memory_space<vmem>>, vector<16xf32>,
      %mul3A_571 = arith.mulf %gather3A, %get3A_570 : vector<16xf32>
      %get3A_572 = arith.index_cast %scan3A_61 : i32 to index
      %get3A_573 = arith.constant 672 : index
      %get3A_574 = tpu.vector_load %arg11[%get3A_572, %get3A_573] {strides = array<i32>} : memref<32x1024xf32, #tpu.memory_space<vmem>>, vector<16xf32>,
      %mul3A_575 = arith.mulf %gather3A_65, %get3A_574 : vector<16xf32>
      %add3A_576 = arith.addf %mul3A_571, %mul3A_575 : vector<16xf32>
      %swap3A_577 = arith.index_cast %scan3A_61 : i32 to index
      %swap3A_578 = arith.constant 672 : index
      %swap3A_579 = tpu.vector_load %arg12[%swap3A_577, %swap3A_578] {strides = array<i32>} : memref<32x1024xf32, #tpu.memory_space<vmem>>, vector<16xf32>,
      tpu.vector_store %arg12[%swap3A_577, %swap3A_578], %add3A_576 {strides = array<i32>} : memref<32x1024xf32, #tpu.memory_space<vmem>>, vector<16xf32>,
      %get3A_580 = arith.index_cast %scan3A_61 : i32 to index
      %get3A_581 = arith.constant 688 : index
      %get3A_582 = tpu.vector_load %arg10[%get3A_580, %get3A_581] {strides = array<i32>} : memref<32x1024xf32, #tpu.memory_space<vmem>>, vector<16xf32>,
      %mul3A_583 = arith.mulf %gather3A, %get3A_582 : vector<16xf32>
      %get3A_584 = arith.index_cast %scan3A_61 : i32 to index
      %get3A_585 = arith.constant 688 : index
      %get3A_586 = tpu.vector_load %arg11[%get3A_584, %get3A_585] {strides = array<i32>} : memref<32x1024xf32, #tpu.memory_space<vmem>>, vector<16xf32>,
      %mul3A_587 = arith.mulf %gather3A_65, %get3A_586 : vector<16xf32>
      %add3A_588 = arith.addf %mul3A_583, %mul3A_587 : vector<16xf32>
      %swap3A_589 = arith.index_cast %scan3A_61 : i32 to index
      %swap3A_590 = arith.constant 688 : index
      %swap3A_591 = tpu.vector_load %arg12[%swap3A_589, %swap3A_590] {strides = array<i32>} : memref<32x1024xf32, #tpu.memory_space<vmem>>, vector<16xf32>,
      tpu.vector_store %arg12[%swap3A_589, %swap3A_590], %add3A_588 {strides = array<i32>} : memref<32x1024xf32, #tpu.memory_space<vmem>>, vector<16xf32>,
      %get3A_592 = arith.index_cast %scan3A_61 : i32 to index
      %get3A_593 = arith.constant 704 : index
      %get3A_594 = tpu.vector_load %arg10[%get3A_592, %get3A_593] {strides = array<i32>} : memref<32x1024xf32, #tpu.memory_space<vmem>>, vector<16xf32>,
      %mul3A_595 = arith.mulf %gather3A, %get3A_594 : vector<16xf32>
      %get3A_596 = arith.index_cast %scan3A_61 : i32 to index
      %get3A_597 = arith.constant 704 : index
      %get3A_598 = tpu.vector_load %arg11[%get3A_596, %get3A_597] {strides = array<i32>} : memref<32x1024xf32, #tpu.memory_space<vmem>>, vector<16xf32>,
      %mul3A_599 = arith.mulf %gather3A_65, %get3A_598 : vector<16xf32>
      %add3A_600 = arith.addf %mul3A_595, %mul3A_599 : vector<16xf32>
      %swap3A_601 = arith.index_cast %scan3A_61 : i32 to index
      %swap3A_602 = arith.constant 704 : index
      %swap3A_603 = tpu.vector_load %arg12[%swap3A_601, %swap3A_602] {strides = array<i32>} : memref<32x1024xf32, #tpu.memory_space<vmem>>, vector<16xf32>,
      tpu.vector_store %arg12[%swap3A_601, %swap3A_602], %add3A_600 {strides = array<i32>} : memref<32x1024xf32, #tpu.memory_space<vmem>>, vector<16xf32>,
      %get3A_604 = arith.index_cast %scan3A_61 : i32 to index
      %get3A_605 = arith.constant 720 : index
      %get3A_606 = tpu.vector_load %arg10[%get3A_604, %get3A_605] {strides = array<i32>} : memref<32x1024xf32, #tpu.memory_space<vmem>>, vector<16xf32>,
      %mul3A_607 = arith.mulf %gather3A, %get3A_606 : vector<16xf32>
      %get3A_608 = arith.index_cast %scan3A_61 : i32 to index
      %get3A_609 = arith.constant 720 : index
      %get3A_610 = tpu.vector_load %arg11[%get3A_608, %get3A_609] {strides = array<i32>} : memref<32x1024xf32, #tpu.memory_space<vmem>>, vector<16xf32>,
      %mul3A_611 = arith.mulf %gather3A_65, %get3A_610 : vector<16xf32>
      %add3A_612 = arith.addf %mul3A_607, %mul3A_611 : vector<16xf32>
      %swap3A_613 = arith.index_cast %scan3A_61 : i32 to index
      %swap3A_614 = arith.constant 720 : index
      %swap3A_615 = tpu.vector_load %arg12[%swap3A_613, %swap3A_614] {strides = array<i32>} : memref<32x1024xf32, #tpu.memory_space<vmem>>, vector<16xf32>,
      tpu.vector_store %arg12[%swap3A_613, %swap3A_614], %add3A_612 {strides = array<i32>} : memref<32x1024xf32, #tpu.memory_space<vmem>>, vector<16xf32>,
      %get3A_616 = arith.index_cast %scan3A_61 : i32 to index
      %get3A_617 = arith.constant 736 : index
      %get3A_618 = tpu.vector_load %arg10[%get3A_616, %get3A_617] {strides = array<i32>} : memref<32x1024xf32, #tpu.memory_space<vmem>>, vector<16xf32>,
      %mul3A_619 = arith.mulf %gather3A, %get3A_618 : vector<16xf32>
      %get3A_620 = arith.index_cast %scan3A_61 : i32 to index
      %get3A_621 = arith.constant 736 : index
      %get3A_622 = tpu.vector_load %arg11[%get3A_620, %get3A_621] {strides = array<i32>} : memref<32x1024xf32, #tpu.memory_space<vmem>>, vector<16xf32>,
      %mul3A_623 = arith.mulf %gather3A_65, %get3A_622 : vector<16xf32>
      %add3A_624 = arith.addf %mul3A_619, %mul3A_623 : vector<16xf32>
      %swap3A_625 = arith.index_cast %scan3A_61 : i32 to index
      %swap3A_626 = arith.constant 736 : index
      %swap3A_627 = tpu.vector_load %arg12[%swap3A_625, %swap3A_626] {strides = array<i32>} : memref<32x1024xf32, #tpu.memory_space<vmem>>, vector<16xf32>,
      tpu.vector_store %arg12[%swap3A_625, %swap3A_626], %add3A_624 {strides = array<i32>} : memref<32x1024xf32, #tpu.memory_space<vmem>>, vector<16xf32>,
      %get3A_628 = arith.index_cast %scan3A_61 : i32 to index
      %get3A_629 = arith.constant 752 : index
      %get3A_630 = tpu.vector_load %arg10[%get3A_628, %get3A_629] {strides = array<i32>} : memref<32x1024xf32, #tpu.memory_space<vmem>>, vector<16xf32>,
      %mul3A_631 = arith.mulf %gather3A, %get3A_630 : vector<16xf32>
      %get3A_632 = arith.index_cast %scan3A_61 : i32 to index
      %get3A_633 = arith.constant 752 : index
      %get3A_634 = tpu.vector_load %arg11[%get3A_632, %get3A_633] {strides = array<i32>} : memref<32x1024xf32, #tpu.memory_space<vmem>>, vector<16xf32>,
      %mul3A_635 = arith.mulf %gather3A_65, %get3A_634 : vector<16xf32>
      %add3A_636 = arith.addf %mul3A_631, %mul3A_635 : vector<16xf32>
      %swap3A_637 = arith.index_cast %scan3A_61 : i32 to index
      %swap3A_638 = arith.constant 752 : index
      %swap3A_639 = tpu.vector_load %arg12[%swap3A_637, %swap3A_638] {strides = array<i32>} : memref<32x1024xf32, #tpu.memory_space<vmem>>, vector<16xf32>,
      tpu.vector_store %arg12[%swap3A_637, %swap3A_638], %add3A_636 {strides = array<i32>} : memref<32x1024xf32, #tpu.memory_space<vmem>>, vector<16xf32>,
      %get3A_640 = arith.index_cast %scan3A_61 : i32 to index
      %get3A_641 = arith.constant 768 : index
      %get3A_642 = tpu.vector_load %arg10[%get3A_640, %get3A_641] {strides = array<i32>} : memref<32x1024xf32, #tpu.memory_space<vmem>>, vector<16xf32>,
      %mul3A_643 = arith.mulf %gather3A, %get3A_642 : vector<16xf32>
      %get3A_644 = arith.index_cast %scan3A_61 : i32 to index
      %get3A_645 = arith.constant 768 : index
      %get3A_646 = tpu.vector_load %arg11[%get3A_644, %get3A_645] {strides = array<i32>} : memref<32x1024xf32, #tpu.memory_space<vmem>>, vector<16xf32>,
      %mul3A_647 = arith.mulf %gather3A_65, %get3A_646 : vector<16xf32>
      %add3A_648 = arith.addf %mul3A_643, %mul3A_647 : vector<16xf32>
      %swap3A_649 = arith.index_cast %scan3A_61 : i32 to index
      %swap3A_650 = arith.constant 768 : index
      %swap3A_651 = tpu.vector_load %arg12[%swap3A_649, %swap3A_650] {strides = array<i32>} : memref<32x1024xf32, #tpu.memory_space<vmem>>, vector<16xf32>,
      tpu.vector_store %arg12[%swap3A_649, %swap3A_650], %add3A_648 {strides = array<i32>} : memref<32x1024xf32, #tpu.memory_space<vmem>>, vector<16xf32>,
      %get3A_652 = arith.index_cast %scan3A_61 : i32 to index
      %get3A_653 = arith.constant 784 : index
      %get3A_654 = tpu.vector_load %arg10[%get3A_652, %get3A_653] {strides = array<i32>} : memref<32x1024xf32, #tpu.memory_space<vmem>>, vector<16xf32>,
      %mul3A_655 = arith.mulf %gather3A, %get3A_654 : vector<16xf32>
      %get3A_656 = arith.index_cast %scan3A_61 : i32 to index
      %get3A_657 = arith.constant 784 : index
      %get3A_658 = tpu.vector_load %arg11[%get3A_656, %get3A_657] {strides = array<i32>} : memref<32x1024xf32, #tpu.memory_space<vmem>>, vector<16xf32>,
      %mul3A_659 = arith.mulf %gather3A_65, %get3A_658 : vector<16xf32>
      %add3A_660 = arith.addf %mul3A_655, %mul3A_659 : vector<16xf32>
      %swap3A_661 = arith.index_cast %scan3A_61 : i32 to index
      %swap3A_662 = arith.constant 784 : index
      %swap3A_663 = tpu.vector_load %arg12[%swap3A_661, %swap3A_662] {strides = array<i32>} : memref<32x1024xf32, #tpu.memory_space<vmem>>, vector<16xf32>,
      tpu.vector_store %arg12[%swap3A_661, %swap3A_662], %add3A_660 {strides = array<i32>} : memref<32x1024xf32, #tpu.memory_space<vmem>>, vector<16xf32>,
      %get3A_664 = arith.index_cast %scan3A_61 : i32 to index
      %get3A_665 = arith.constant 800 : index
      %get3A_666 = tpu.vector_load %arg10[%get3A_664, %get3A_665] {strides = array<i32>} : memref<32x1024xf32, #tpu.memory_space<vmem>>, vector<16xf32>,
      %mul3A_667 = arith.mulf %gather3A, %get3A_666 : vector<16xf32>
      %get3A_668 = arith.index_cast %scan3A_61 : i32 to index
      %get3A_669 = arith.constant 800 : index
      %get3A_670 = tpu.vector_load %arg11[%get3A_668, %get3A_669] {strides = array<i32>} : memref<32x1024xf32, #tpu.memory_space<vmem>>, vector<16xf32>,
      %mul3A_671 = arith.mulf %gather3A_65, %get3A_670 : vector<16xf32>
      %add3A_672 = arith.addf %mul3A_667, %mul3A_671 : vector<16xf32>
      %swap3A_673 = arith.index_cast %scan3A_61 : i32 to index
      %swap3A_674 = arith.constant 800 : index
      %swap3A_675 = tpu.vector_load %arg12[%swap3A_673, %swap3A_674] {strides = array<i32>} : memref<32x1024xf32, #tpu.memory_space<vmem>>, vector<16xf32>,
      tpu.vector_store %arg12[%swap3A_673, %swap3A_674], %add3A_672 {strides = array<i32>} : memref<32x1024xf32, #tpu.memory_space<vmem>>, vector<16xf32>,
      %get3A_676 = arith.index_cast %scan3A_61 : i32 to index
      %get3A_677 = arith.constant 816 : index
      %get3A_678 = tpu.vector_load %arg10[%get3A_676, %get3A_677] {strides = array<i32>} : memref<32x1024xf32, #tpu.memory_space<vmem>>, vector<16xf32>,
      %mul3A_679 = arith.mulf %gather3A, %get3A_678 : vector<16xf32>
      %get3A_680 = arith.index_cast %scan3A_61 : i32 to index
      %get3A_681 = arith.constant 816 : index
      %get3A_682 = tpu.vector_load %arg11[%get3A_680, %get3A_681] {strides = array<i32>} : memref<32x1024xf32, #tpu.memory_space<vmem>>, vector<16xf32>,
      %mul3A_683 = arith.mulf %gather3A_65, %get3A_682 : vector<16xf32>
      %add3A_684 = arith.addf %mul3A_679, %mul3A_683 : vector<16xf32>
      %swap3A_685 = arith.index_cast %scan3A_61 : i32 to index
      %swap3A_686 = arith.constant 816 : index
      %swap3A_687 = tpu.vector_load %arg12[%swap3A_685, %swap3A_686] {strides = array<i32>} : memref<32x1024xf32, #tpu.memory_space<vmem>>, vector<16xf32>,
      tpu.vector_store %arg12[%swap3A_685, %swap3A_686], %add3A_684 {strides = array<i32>} : memref<32x1024xf32, #tpu.memory_space<vmem>>, vector<16xf32>,
      %get3A_688 = arith.index_cast %scan3A_61 : i32 to index
      %get3A_689 = arith.constant 832 : index
      %get3A_690 = tpu.vector_load %arg10[%get3A_688, %get3A_689] {strides = array<i32>} : memref<32x1024xf32, #tpu.memory_space<vmem>>, vector<16xf32>,
      %mul3A_691 = arith.mulf %gather3A, %get3A_690 : vector<16xf32>
      %get3A_692 = arith.index_cast %scan3A_61 : i32 to index
      %get3A_693 = arith.constant 832 : index
      %get3A_694 = tpu.vector_load %arg11[%get3A_692, %get3A_693] {strides = array<i32>} : memref<32x1024xf32, #tpu.memory_space<vmem>>, vector<16xf32>,
      %mul3A_695 = arith.mulf %gather3A_65, %get3A_694 : vector<16xf32>
      %add3A_696 = arith.addf %mul3A_691, %mul3A_695 : vector<16xf32>
      %swap3A_697 = arith.index_cast %scan3A_61 : i32 to index
      %swap3A_698 = arith.constant 832 : index
      %swap3A_699 = tpu.vector_load %arg12[%swap3A_697, %swap3A_698] {strides = array<i32>} : memref<32x1024xf32, #tpu.memory_space<vmem>>, vector<16xf32>,
      tpu.vector_store %arg12[%swap3A_697, %swap3A_698], %add3A_696 {strides = array<i32>} : memref<32x1024xf32, #tpu.memory_space<vmem>>, vector<16xf32>,
      %get3A_700 = arith.index_cast %scan3A_61 : i32 to index
      %get3A_701 = arith.constant 848 : index
      %get3A_702 = tpu.vector_load %arg10[%get3A_700, %get3A_701] {strides = array<i32>} : memref<32x1024xf32, #tpu.memory_space<vmem>>, vector<16xf32>,
      %mul3A_703 = arith.mulf %gather3A, %get3A_702 : vector<16xf32>
      %get3A_704 = arith.index_cast %scan3A_61 : i32 to index
      %get3A_705 = arith.constant 848 : index
      %get3A_706 = tpu.vector_load %arg11[%get3A_704, %get3A_705] {strides = array<i32>} : memref<32x1024xf32, #tpu.memory_space<vmem>>, vector<16xf32>,
      %mul3A_707 = arith.mulf %gather3A_65, %get3A_706 : vector<16xf32>
      %add3A_708 = arith.addf %mul3A_703, %mul3A_707 : vector<16xf32>
      %swap3A_709 = arith.index_cast %scan3A_61 : i32 to index
      %swap3A_710 = arith.constant 848 : index
      %swap3A_711 = tpu.vector_load %arg12[%swap3A_709, %swap3A_710] {strides = array<i32>} : memref<32x1024xf32, #tpu.memory_space<vmem>>, vector<16xf32>,
      tpu.vector_store %arg12[%swap3A_709, %swap3A_710], %add3A_708 {strides = array<i32>} : memref<32x1024xf32, #tpu.memory_space<vmem>>, vector<16xf32>,
      %get3A_712 = arith.index_cast %scan3A_61 : i32 to index
      %get3A_713 = arith.constant 864 : index
      %get3A_714 = tpu.vector_load %arg10[%get3A_712, %get3A_713] {strides = array<i32>} : memref<32x1024xf32, #tpu.memory_space<vmem>>, vector<16xf32>,
      %mul3A_715 = arith.mulf %gather3A, %get3A_714 : vector<16xf32>
      %get3A_716 = arith.index_cast %scan3A_61 : i32 to index
      %get3A_717 = arith.constant 864 : index
      %get3A_718 = tpu.vector_load %arg11[%get3A_716, %get3A_717] {strides = array<i32>} : memref<32x1024xf32, #tpu.memory_space<vmem>>, vector<16xf32>,
      %mul3A_719 = arith.mulf %gather3A_65, %get3A_718 : vector<16xf32>
      %add3A_720 = arith.addf %mul3A_715, %mul3A_719 : vector<16xf32>
      %swap3A_721 = arith.index_cast %scan3A_61 : i32 to index
      %swap3A_722 = arith.constant 864 : index
      %swap3A_723 = tpu.vector_load %arg12[%swap3A_721, %swap3A_722] {strides = array<i32>} : memref<32x1024xf32, #tpu.memory_space<vmem>>, vector<16xf32>,
      tpu.vector_store %arg12[%swap3A_721, %swap3A_722], %add3A_720 {strides = array<i32>} : memref<32x1024xf32, #tpu.memory_space<vmem>>, vector<16xf32>,
      %get3A_724 = arith.index_cast %scan3A_61 : i32 to index
      %get3A_725 = arith.constant 880 : index
      %get3A_726 = tpu.vector_load %arg10[%get3A_724, %get3A_725] {strides = array<i32>} : memref<32x1024xf32, #tpu.memory_space<vmem>>, vector<16xf32>,
      %mul3A_727 = arith.mulf %gather3A, %get3A_726 : vector<16xf32>
      %get3A_728 = arith.index_cast %scan3A_61 : i32 to index
      %get3A_729 = arith.constant 880 : index
      %get3A_730 = tpu.vector_load %arg11[%get3A_728, %get3A_729] {strides = array<i32>} : memref<32x1024xf32, #tpu.memory_space<vmem>>, vector<16xf32>,
      %mul3A_731 = arith.mulf %gather3A_65, %get3A_730 : vector<16xf32>
      %add3A_732 = arith.addf %mul3A_727, %mul3A_731 : vector<16xf32>
      %swap3A_733 = arith.index_cast %scan3A_61 : i32 to index
      %swap3A_734 = arith.constant 880 : index
      %swap3A_735 = tpu.vector_load %arg12[%swap3A_733, %swap3A_734] {strides = array<i32>} : memref<32x1024xf32, #tpu.memory_space<vmem>>, vector<16xf32>,
      tpu.vector_store %arg12[%swap3A_733, %swap3A_734], %add3A_732 {strides = array<i32>} : memref<32x1024xf32, #tpu.memory_space<vmem>>, vector<16xf32>,
      %get3A_736 = arith.index_cast %scan3A_61 : i32 to index
      %get3A_737 = arith.constant 896 : index
      %get3A_738 = tpu.vector_load %arg10[%get3A_736, %get3A_737] {strides = array<i32>} : memref<32x1024xf32, #tpu.memory_space<vmem>>, vector<16xf32>,
      %mul3A_739 = arith.mulf %gather3A, %get3A_738 : vector<16xf32>
      %get3A_740 = arith.index_cast %scan3A_61 : i32 to index
      %get3A_741 = arith.constant 896 : index
      %get3A_742 = tpu.vector_load %arg11[%get3A_740, %get3A_741] {strides = array<i32>} : memref<32x1024xf32, #tpu.memory_space<vmem>>, vector<16xf32>,
      %mul3A_743 = arith.mulf %gather3A_65, %get3A_742 : vector<16xf32>
      %add3A_744 = arith.addf %mul3A_739, %mul3A_743 : vector<16xf32>
      %swap3A_745 = arith.index_cast %scan3A_61 : i32 to index
      %swap3A_746 = arith.constant 896 : index
      %swap3A_747 = tpu.vector_load %arg12[%swap3A_745, %swap3A_746] {strides = array<i32>} : memref<32x1024xf32, #tpu.memory_space<vmem>>, vector<16xf32>,
      tpu.vector_store %arg12[%swap3A_745, %swap3A_746], %add3A_744 {strides = array<i32>} : memref<32x1024xf32, #tpu.memory_space<vmem>>, vector<16xf32>,
      %get3A_748 = arith.index_cast %scan3A_61 : i32 to index
      %get3A_749 = arith.constant 912 : index
      %get3A_750 = tpu.vector_load %arg10[%get3A_748, %get3A_749] {strides = array<i32>} : memref<32x1024xf32, #tpu.memory_space<vmem>>, vector<16xf32>,
      %mul3A_751 = arith.mulf %gather3A, %get3A_750 : vector<16xf32>
      %get3A_752 = arith.index_cast %scan3A_61 : i32 to index
      %get3A_753 = arith.constant 912 : index
      %get3A_754 = tpu.vector_load %arg11[%get3A_752, %get3A_753] {strides = array<i32>} : memref<32x1024xf32, #tpu.memory_space<vmem>>, vector<16xf32>,
      %mul3A_755 = arith.mulf %gather3A_65, %get3A_754 : vector<16xf32>
      %add3A_756 = arith.addf %mul3A_751, %mul3A_755 : vector<16xf32>
      %swap3A_757 = arith.index_cast %scan3A_61 : i32 to index
      %swap3A_758 = arith.constant 912 : index
      %swap3A_759 = tpu.vector_load %arg12[%swap3A_757, %swap3A_758] {strides = array<i32>} : memref<32x1024xf32, #tpu.memory_space<vmem>>, vector<16xf32>,
      tpu.vector_store %arg12[%swap3A_757, %swap3A_758], %add3A_756 {strides = array<i32>} : memref<32x1024xf32, #tpu.memory_space<vmem>>, vector<16xf32>,
      %get3A_760 = arith.index_cast %scan3A_61 : i32 to index
      %get3A_761 = arith.constant 928 : index
      %get3A_762 = tpu.vector_load %arg10[%get3A_760, %get3A_761] {strides = array<i32>} : memref<32x1024xf32, #tpu.memory_space<vmem>>, vector<16xf32>,
      %mul3A_763 = arith.mulf %gather3A, %get3A_762 : vector<16xf32>
      %get3A_764 = arith.index_cast %scan3A_61 : i32 to index
      %get3A_765 = arith.constant 928 : index
      %get3A_766 = tpu.vector_load %arg11[%get3A_764, %get3A_765] {strides = array<i32>} : memref<32x1024xf32, #tpu.memory_space<vmem>>, vector<16xf32>,
      %mul3A_767 = arith.mulf %gather3A_65, %get3A_766 : vector<16xf32>
      %add3A_768 = arith.addf %mul3A_763, %mul3A_767 : vector<16xf32>
      %swap3A_769 = arith.index_cast %scan3A_61 : i32 to index
      %swap3A_770 = arith.constant 928 : index
      %swap3A_771 = tpu.vector_load %arg12[%swap3A_769, %swap3A_770] {strides = array<i32>} : memref<32x1024xf32, #tpu.memory_space<vmem>>, vector<16xf32>,
      tpu.vector_store %arg12[%swap3A_769, %swap3A_770], %add3A_768 {strides = array<i32>} : memref<32x1024xf32, #tpu.memory_space<vmem>>, vector<16xf32>,
      %get3A_772 = arith.index_cast %scan3A_61 : i32 to index
      %get3A_773 = arith.constant 944 : index
      %get3A_774 = tpu.vector_load %arg10[%get3A_772, %get3A_773] {strides = array<i32>} : memref<32x1024xf32, #tpu.memory_space<vmem>>, vector<16xf32>,
      %mul3A_775 = arith.mulf %gather3A, %get3A_774 : vector<16xf32>
      %get3A_776 = arith.index_cast %scan3A_61 : i32 to index
      %get3A_777 = arith.constant 944 : index
      %get3A_778 = tpu.vector_load %arg11[%get3A_776, %get3A_777] {strides = array<i32>} : memref<32x1024xf32, #tpu.memory_space<vmem>>, vector<16xf32>,
      %mul3A_779 = arith.mulf %gather3A_65, %get3A_778 : vector<16xf32>
      %add3A_780 = arith.addf %mul3A_775, %mul3A_779 : vector<16xf32>
      %swap3A_781 = arith.index_cast %scan3A_61 : i32 to index
      %swap3A_782 = arith.constant 944 : index
      %swap3A_783 = tpu.vector_load %arg12[%swap3A_781, %swap3A_782] {strides = array<i32>} : memref<32x1024xf32, #tpu.memory_space<vmem>>, vector<16xf32>,
      tpu.vector_store %arg12[%swap3A_781, %swap3A_782], %add3A_780 {strides = array<i32>} : memref<32x1024xf32, #tpu.memory_space<vmem>>, vector<16xf32>,
      %get3A_784 = arith.index_cast %scan3A_61 : i32 to index
      %get3A_785 = arith.constant 960 : index
      %get3A_786 = tpu.vector_load %arg10[%get3A_784, %get3A_785] {strides = array<i32>} : memref<32x1024xf32, #tpu.memory_space<vmem>>, vector<16xf32>,
      %mul3A_787 = arith.mulf %gather3A, %get3A_786 : vector<16xf32>
      %get3A_788 = arith.index_cast %scan3A_61 : i32 to index
      %get3A_789 = arith.constant 960 : index
      %get3A_790 = tpu.vector_load %arg11[%get3A_788, %get3A_789] {strides = array<i32>} : memref<32x1024xf32, #tpu.memory_space<vmem>>, vector<16xf32>,
      %mul3A_791 = arith.mulf %gather3A_65, %get3A_790 : vector<16xf32>
      %add3A_792 = arith.addf %mul3A_787, %mul3A_791 : vector<16xf32>
      %swap3A_793 = arith.index_cast %scan3A_61 : i32 to index
      %swap3A_794 = arith.constant 960 : index
      %swap3A_795 = tpu.vector_load %arg12[%swap3A_793, %swap3A_794] {strides = array<i32>} : memref<32x1024xf32, #tpu.memory_space<vmem>>, vector<16xf32>,
      tpu.vector_store %arg12[%swap3A_793, %swap3A_794], %add3A_792 {strides = array<i32>} : memref<32x1024xf32, #tpu.memory_space<vmem>>, vector<16xf32>,
      %get3A_796 = arith.index_cast %scan3A_61 : i32 to index
      %get3A_797 = arith.constant 976 : index
      %get3A_798 = tpu.vector_load %arg10[%get3A_796, %get3A_797] {strides = array<i32>} : memref<32x1024xf32, #tpu.memory_space<vmem>>, vector<16xf32>,
      %mul3A_799 = arith.mulf %gather3A, %get3A_798 : vector<16xf32>
      %get3A_800 = arith.index_cast %scan3A_61 : i32 to index
      %get3A_801 = arith.constant 976 : index
      %get3A_802 = tpu.vector_load %arg11[%get3A_800, %get3A_801] {strides = array<i32>} : memref<32x1024xf32, #tpu.memory_space<vmem>>, vector<16xf32>,
      %mul3A_803 = arith.mulf %gather3A_65, %get3A_802 : vector<16xf32>
      %add3A_804 = arith.addf %mul3A_799, %mul3A_803 : vector<16xf32>
      %swap3A_805 = arith.index_cast %scan3A_61 : i32 to index
      %swap3A_806 = arith.constant 976 : index
      %swap3A_807 = tpu.vector_load %arg12[%swap3A_805, %swap3A_806] {strides = array<i32>} : memref<32x1024xf32, #tpu.memory_space<vmem>>, vector<16xf32>,
      tpu.vector_store %arg12[%swap3A_805, %swap3A_806], %add3A_804 {strides = array<i32>} : memref<32x1024xf32, #tpu.memory_space<vmem>>, vector<16xf32>,
      %get3A_808 = arith.index_cast %scan3A_61 : i32 to index
      %get3A_809 = arith.constant 992 : index
      %get3A_810 = tpu.vector_load %arg10[%get3A_808, %get3A_809] {strides = array<i32>} : memref<32x1024xf32, #tpu.memory_space<vmem>>, vector<16xf32>,
      %mul3A_811 = arith.mulf %gather3A, %get3A_810 : vector<16xf32>
      %get3A_812 = arith.index_cast %scan3A_61 : i32 to index
      %get3A_813 = arith.constant 992 : index
      %get3A_814 = tpu.vector_load %arg11[%get3A_812, %get3A_813] {strides = array<i32>} : memref<32x1024xf32, #tpu.memory_space<vmem>>, vector<16xf32>,
      %mul3A_815 = arith.mulf %gather3A_65, %get3A_814 : vector<16xf32>
      %add3A_816 = arith.addf %mul3A_811, %mul3A_815 : vector<16xf32>
      %swap3A_817 = arith.index_cast %scan3A_61 : i32 to index
      %swap3A_818 = arith.constant 992 : index
      %swap3A_819 = tpu.vector_load %arg12[%swap3A_817, %swap3A_818] {strides = array<i32>} : memref<32x1024xf32, #tpu.memory_space<vmem>>, vector<16xf32>,
      tpu.vector_store %arg12[%swap3A_817, %swap3A_818], %add3A_816 {strides = array<i32>} : memref<32x1024xf32, #tpu.memory_space<vmem>>, vector<16xf32>,
      %get3A_820 = arith.index_cast %scan3A_61 : i32 to index
      %get3A_821 = arith.constant 1008 : index
      %get3A_822 = tpu.vector_load %arg10[%get3A_820, %get3A_821] {strides = array<i32>} : memref<32x1024xf32, #tpu.memory_space<vmem>>, vector<16xf32>,
      %mul3A_823 = arith.mulf %gather3A, %get3A_822 : vector<16xf32>
      %get3A_824 = arith.index_cast %scan3A_61 : i32 to index
      %get3A_825 = arith.constant 1008 : index
      %get3A_826 = tpu.vector_load %arg11[%get3A_824, %get3A_825] {strides = array<i32>} : memref<32x1024xf32, #tpu.memory_space<vmem>>, vector<16xf32>,
      %mul3A_827 = arith.mulf %gather3A_65, %get3A_826 : vector<16xf32>
      %add3A_828 = arith.addf %mul3A_823, %mul3A_827 : vector<16xf32>
      %swap3A_829 = arith.index_cast %scan3A_61 : i32 to index
      %swap3A_830 = arith.constant 1008 : index
      %swap3A_831 = tpu.vector_load %arg12[%swap3A_829, %swap3A_830] {strides = array<i32>} : memref<32x1024xf32, #tpu.memory_space<vmem>>, vector<16xf32>,
      tpu.vector_store %arg12[%swap3A_829, %swap3A_830], %add3A_828 {strides = array<i32>} : memref<32x1024xf32, #tpu.memory_space<vmem>>, vector<16xf32>,
      %scan3A_832 = arith.constant 0 : i32
      scf.yield %scan3A_832 : i32
    }
    %scan3A_58 = arith.constant 32 : i32
    %add3A_59 = arith.constant 32 : i32
    %add3A_60 = arith.addi %mul3A_2, %add3A_59 : i32
    "tpu.region"() ({
      %run_scoped3A_61 = tpu.sem_alloc : memref<!tpu.dma_semaphore, #tpu.memory_space<semaphore_mem>>
      %dma_start3A_62 = arith.constant 0 : i32
      %dma_start3A_63 = tpu.memref_slice %arg5[%add3A_60, %dma_start3A_62] : memref<2048x1024xf32, #tpu.memory_space<hbm>> -> memref<32x1024xf32, #tpu.memory_space<hbm>>
      %dma_start3A_64 = arith.constant 0 : i32
      %dma_start3A_65 = tpu.memref_slice %arg5[%add3A_60, %dma_start3A_64] : memref<2048x1024xf32, #tpu.memory_space<hbm>> -> memref<32x1024xf32, #tpu.memory_space<hbm>>
      tpu.enqueue_dma source(%arg12 : memref<32x1024xf32, #tpu.memory_space<vmem>>) target(%dma_start3A_65 : memref<32x1024xf32, #tpu.memory_space<hbm>>) target_semaphore(%run_scoped3A_61 : memref<!tpu.dma_semaphore, #tpu.memory_space<semaphore_mem>>)
      %dma_wait3A_66 = arith.constant 0 : i32
      %dma_wait3A_67 = tpu.memref_slice %arg5[%add3A_60, %dma_wait3A_66] : memref<2048x1024xf32, #tpu.memory_space<hbm>> -> memref<32x1024xf32, #tpu.memory_space<hbm>>
      %dma_wait3A_68 = arith.constant 0 : i32
      %dma_wait3A_69 = tpu.memref_slice %arg5[%add3A_60, %dma_wait3A_68] : memref<2048x1024xf32, #tpu.memory_space<hbm>> -> memref<32x1024xf32, #tpu.memory_space<hbm>>
      tpu.wait_dma2 semaphore(%run_scoped3A_61 : memref<!tpu.dma_semaphore, #tpu.memory_space<semaphore_mem>>) src(%arg12 : memref<32x1024xf32, #tpu.memory_space<vmem>>) dst(%dma_wait3A_69 : memref<32x1024xf32, #tpu.memory_space<hbm>>)
      tpu.yield
    }) : () -> ()
    return
  }
}

#map = affine_map<(d0, d1) -> (0, 0)>
module attributes {stable_mosaic.version = 14 : i64} {
  func.func @_sc_scatter_body(%arg0: i32, %arg1: i32, %arg2: memref<2048x1024xf32, #tpu.memory_space<hbm>>, %arg3: memref<8x2048xi32, #tpu.memory_space<hbm>>, %arg4: memref<5888x1024xf32, #tpu.memory_space<hbm>>, %arg5: memref<64xi32, #tpu.memory_space<vmem>>, %arg6: memref<64xi32, #tpu.memory_space<vmem>>, %arg7: memref<64x1024xf32, #tpu.memory_space<vmem>>, %arg8: memref<!tpu.dma_semaphore, #tpu.memory_space<semaphore_mem>>) attributes {dimension_semantics = [#tpu.dimension_semantics<core_parallel>, #tpu.dimension_semantics<subcore_parallel>], iteration_bounds = array<i64: 2, 16>, scalar_prefetch = 0 : i64, scratch_operands = 4 : i64, tpu.core_type = #tpu.core_type<sc_vector_subcore>, window_params = [{transform_indices = #map}, {transform_indices = #map}, {transform_indices = #map}]} {
    %mul3A = arith.constant 2 : i32
    %mul3A_0 = arith.muli %arg1, %mul3A : i32
    %add3A = arith.addi %mul3A_0, %arg0 : i32
    %mul3A_1 = arith.constant 64 : i32
    %mul3A_2 = arith.muli %add3A, %mul3A_1 : i32
    %run_scoped3A = arith.constant 0 : i32
    "tpu.region"() ({
      %run_scoped3A_14 = tpu.sem_alloc : memref<!tpu.dma_semaphore, #tpu.memory_space<semaphore_mem>>
      %dma_start3A_15 = tpu.memref_slice %arg3[%run_scoped3A, %mul3A_2] : memref<8x2048xi32, #tpu.memory_space<hbm>> -> memref<1x64xi32, #tpu.memory_space<hbm>>
      %dma_start3A_16 = tpu.memref_squeeze %dma_start3A_15 : memref<1x64xi32, #tpu.memory_space<hbm>> -> memref<64xi32, #tpu.memory_space<hbm>>
      %dma_start3A_17 = tpu.memref_slice %arg3[%run_scoped3A, %mul3A_2] : memref<8x2048xi32, #tpu.memory_space<hbm>> -> memref<1x64xi32, #tpu.memory_space<hbm>>
      %dma_start3A_18 = tpu.memref_squeeze %dma_start3A_17 : memref<1x64xi32, #tpu.memory_space<hbm>> -> memref<64xi32, #tpu.memory_space<hbm>>
      tpu.enqueue_dma source(%dma_start3A_18 : memref<64xi32, #tpu.memory_space<hbm>>) target(%arg5 : memref<64xi32, #tpu.memory_space<vmem>>) target_semaphore(%run_scoped3A_14 : memref<!tpu.dma_semaphore, #tpu.memory_space<semaphore_mem>>)
      %dma_wait3A_19 = tpu.memref_slice %arg3[%run_scoped3A, %mul3A_2] : memref<8x2048xi32, #tpu.memory_space<hbm>> -> memref<1x64xi32, #tpu.memory_space<hbm>>
      %dma_wait3A_20 = tpu.memref_squeeze %dma_wait3A_19 : memref<1x64xi32, #tpu.memory_space<hbm>> -> memref<64xi32, #tpu.memory_space<hbm>>
      %dma_wait3A_21 = tpu.memref_slice %arg3[%run_scoped3A, %mul3A_2] : memref<8x2048xi32, #tpu.memory_space<hbm>> -> memref<1x64xi32, #tpu.memory_space<hbm>>
      %dma_wait3A_22 = tpu.memref_squeeze %dma_wait3A_21 : memref<1x64xi32, #tpu.memory_space<hbm>> -> memref<64xi32, #tpu.memory_space<hbm>>
      tpu.wait_dma2 semaphore(%run_scoped3A_14 : memref<!tpu.dma_semaphore, #tpu.memory_space<semaphore_mem>>) src(%dma_wait3A_22 : memref<64xi32, #tpu.memory_space<hbm>>) dst(%arg5 : memref<64xi32, #tpu.memory_space<vmem>>)
      tpu.yield
    }) : () -> ()
    %run_scoped3A_3 = arith.constant 1 : i32
    "tpu.region"() ({
      %run_scoped3A_14 = tpu.sem_alloc : memref<!tpu.dma_semaphore, #tpu.memory_space<semaphore_mem>>
      %dma_start3A_15 = tpu.memref_slice %arg3[%run_scoped3A_3, %mul3A_2] : memref<8x2048xi32, #tpu.memory_space<hbm>> -> memref<1x64xi32, #tpu.memory_space<hbm>>
      %dma_start3A_16 = tpu.memref_squeeze %dma_start3A_15 : memref<1x64xi32, #tpu.memory_space<hbm>> -> memref<64xi32, #tpu.memory_space<hbm>>
      %dma_start3A_17 = tpu.memref_slice %arg3[%run_scoped3A_3, %mul3A_2] : memref<8x2048xi32, #tpu.memory_space<hbm>> -> memref<1x64xi32, #tpu.memory_space<hbm>>
      %dma_start3A_18 = tpu.memref_squeeze %dma_start3A_17 : memref<1x64xi32, #tpu.memory_space<hbm>> -> memref<64xi32, #tpu.memory_space<hbm>>
      tpu.enqueue_dma source(%dma_start3A_18 : memref<64xi32, #tpu.memory_space<hbm>>) target(%arg6 : memref<64xi32, #tpu.memory_space<vmem>>) target_semaphore(%run_scoped3A_14 : memref<!tpu.dma_semaphore, #tpu.memory_space<semaphore_mem>>)
      %dma_wait3A_19 = tpu.memref_slice %arg3[%run_scoped3A_3, %mul3A_2] : memref<8x2048xi32, #tpu.memory_space<hbm>> -> memref<1x64xi32, #tpu.memory_space<hbm>>
      %dma_wait3A_20 = tpu.memref_squeeze %dma_wait3A_19 : memref<1x64xi32, #tpu.memory_space<hbm>> -> memref<64xi32, #tpu.memory_space<hbm>>
      %dma_wait3A_21 = tpu.memref_slice %arg3[%run_scoped3A_3, %mul3A_2] : memref<8x2048xi32, #tpu.memory_space<hbm>> -> memref<1x64xi32, #tpu.memory_space<hbm>>
      %dma_wait3A_22 = tpu.memref_squeeze %dma_wait3A_21 : memref<1x64xi32, #tpu.memory_space<hbm>> -> memref<64xi32, #tpu.memory_space<hbm>>
      tpu.wait_dma2 semaphore(%run_scoped3A_14 : memref<!tpu.dma_semaphore, #tpu.memory_space<semaphore_mem>>) src(%dma_wait3A_22 : memref<64xi32, #tpu.memory_space<hbm>>) dst(%arg6 : memref<64xi32, #tpu.memory_space<vmem>>)
      tpu.yield
    }) : () -> ()
    "tpu.region"() ({
      %run_scoped3A_14 = tpu.sem_alloc : memref<!tpu.dma_semaphore, #tpu.memory_space<semaphore_mem>>
      %dma_start3A_15 = arith.constant 0 : i32
      %dma_start3A_16 = tpu.memref_slice %arg2[%mul3A_2, %dma_start3A_15] : memref<2048x1024xf32, #tpu.memory_space<hbm>> -> memref<64x1024xf32, #tpu.memory_space<hbm>>
      %dma_start3A_17 = arith.constant 0 : i32
      %dma_start3A_18 = tpu.memref_slice %arg2[%mul3A_2, %dma_start3A_17] : memref<2048x1024xf32, #tpu.memory_space<hbm>> -> memref<64x1024xf32, #tpu.memory_space<hbm>>
      tpu.enqueue_dma source(%dma_start3A_18 : memref<64x1024xf32, #tpu.memory_space<hbm>>) target(%arg7 : memref<64x1024xf32, #tpu.memory_space<vmem>>) target_semaphore(%run_scoped3A_14 : memref<!tpu.dma_semaphore, #tpu.memory_space<semaphore_mem>>)
      %dma_wait3A_19 = arith.constant 0 : i32
      %dma_wait3A_20 = tpu.memref_slice %arg2[%mul3A_2, %dma_wait3A_19] : memref<2048x1024xf32, #tpu.memory_space<hbm>> -> memref<64x1024xf32, #tpu.memory_space<hbm>>
      %dma_wait3A_21 = arith.constant 0 : i32
      %dma_wait3A_22 = tpu.memref_slice %arg2[%mul3A_2, %dma_wait3A_21] : memref<2048x1024xf32, #tpu.memory_space<hbm>> -> memref<64x1024xf32, #tpu.memory_space<hbm>>
      tpu.wait_dma2 semaphore(%run_scoped3A_14 : memref<!tpu.dma_semaphore, #tpu.memory_space<semaphore_mem>>) src(%dma_wait3A_22 : memref<64x1024xf32, #tpu.memory_space<hbm>>) dst(%arg7 : memref<64x1024xf32, #tpu.memory_space<vmem>>)
      tpu.yield
    }) : () -> ()
    %dma_start3A = arith.constant 0 : i32
    %dma_start3A_4 = arith.constant 0 : i32
    %dma_start3A_5 = tpu.memref_slice %arg4[%dma_start3A, %dma_start3A_4] : memref<5888x1024xf32, #tpu.memory_space<hbm>> -> memref<5888x1024xf32, #tpu.memory_space<hbm>>
    tpu.enqueue_indirect_dma source(%arg7 : memref<64x1024xf32, #tpu.memory_space<vmem>>) target(%dma_start3A_5 : memref<5888x1024xf32, #tpu.memory_space<hbm>>) offsets(%arg5 : memref<64xi32, #tpu.memory_space<vmem>>) semaphore(%arg8 : memref<!tpu.dma_semaphore, #tpu.memory_space<semaphore_mem>>)
    %dma_start3A_6 = arith.constant 0 : i32
    %dma_start3A_7 = arith.constant 0 : i32
    %dma_start3A_8 = tpu.memref_slice %arg4[%dma_start3A_6, %dma_start3A_7] : memref<5888x1024xf32, #tpu.memory_space<hbm>> -> memref<5888x1024xf32, #tpu.memory_space<hbm>>
    tpu.enqueue_indirect_dma source(%arg7 : memref<64x1024xf32, #tpu.memory_space<vmem>>) target(%dma_start3A_8 : memref<5888x1024xf32, #tpu.memory_space<hbm>>) offsets(%arg6 : memref<64xi32, #tpu.memory_space<vmem>>) semaphore(%arg8 : memref<!tpu.dma_semaphore, #tpu.memory_space<semaphore_mem>>)
    %dma_wait3A = arith.constant 0 : i32
    %dma_wait3A_9 = arith.constant 0 : i32
    %dma_wait3A_10 = tpu.memref_slice %arg4[%dma_wait3A, %dma_wait3A_9] : memref<5888x1024xf32, #tpu.memory_space<hbm>> -> memref<5888x1024xf32, #tpu.memory_space<hbm>>
    tpu.wait_indirect_dma semaphore(%arg8 : memref<!tpu.dma_semaphore, #tpu.memory_space<semaphore_mem>>) src(%arg7 : memref<64x1024xf32, #tpu.memory_space<vmem>>) dst(%dma_wait3A_10 : memref<5888x1024xf32, #tpu.memory_space<hbm>>)
    %dma_wait3A_11 = arith.constant 0 : i32
    %dma_wait3A_12 = arith.constant 0 : i32
    %dma_wait3A_13 = tpu.memref_slice %arg4[%dma_wait3A_11, %dma_wait3A_12] : memref<5888x1024xf32, #tpu.memory_space<hbm>> -> memref<5888x1024xf32, #tpu.memory_space<hbm>>
    tpu.wait_indirect_dma semaphore(%arg8 : memref<!tpu.dma_semaphore, #tpu.memory_space<semaphore_mem>>) src(%arg7 : memref<64x1024xf32, #tpu.memory_space<vmem>>) dst(%dma_wait3A_13 : memref<5888x1024xf32, #tpu.memory_space<hbm>>)
    return
  }
}

module attributes {stable_mosaic.version = 14 : i64} {
  func.func @_gate_route_body(%arg0: i32, %arg1: memref<2048x1024xf32, #tpu.memory_space<vmem>>, %arg2: memref<8x1024xbf16, #tpu.memory_space<vmem>>, %arg3: memref<1x8xf32, #tpu.memory_space<vmem>>, %arg4: memref<256x256xbf16, #tpu.memory_space<vmem>>, %arg5: memref<8x2048xi32, #tpu.memory_space<vmem>>, %arg6: memref<8x32xi32, #tpu.memory_space<vmem>>, %arg7: memref<8x2048xf32, #tpu.memory_space<vmem>>) attributes {dimension_semantics = [#tpu.dimension_semantics<arbitrary>], iteration_bounds = array<i64: 1>, scalar_prefetch = 0 : i64, scratch_operands = 0 : i64, tpu.core_type = #tpu.core_type<tc>, window_params = [{pipeline_mode = #tpu.pipeline_mode<synchronous>, transform_indices = @transform_0, window_bounds = array<i64: 2048, 1024>}, {pipeline_mode = #tpu.pipeline_mode<synchronous>, transform_indices = @transform_1, window_bounds = array<i64: 8, 1024>}, {pipeline_mode = #tpu.pipeline_mode<synchronous>, transform_indices = @transform_2, window_bounds = array<i64: 1, 8>}, {pipeline_mode = #tpu.pipeline_mode<synchronous>, transform_indices = @transform_3, window_bounds = array<i64: 256, 256>}, {pipeline_mode = #tpu.pipeline_mode<synchronous>, transform_indices = @transform_4, window_bounds = array<i64: 8, 2048>}, {pipeline_mode = #tpu.pipeline_mode<synchronous>, transform_indices = @transform_5, window_bounds = array<i64: 8, 32>}, {pipeline_mode = #tpu.pipeline_mode<synchronous>, transform_indices = @transform_6, window_bounds = array<i64: 8, 2048>}]} {
    %get3A = arith.constant 0 : index
    %get3A_0 = arith.constant 0 : index
    %get3A_1 = vector.load %arg1[%get3A, %get3A_0] : memref<2048x1024xf32, #tpu.memory_space<vmem>>, vector<2048x1024xf32>
    %convert_element_type3A = arith.truncf %get3A_1 : vector<2048x1024xf32> to vector<2048x1024xbf16>
    %get3A_2 = arith.constant 0 : index
    %get3A_3 = arith.constant 0 : index
    %get3A_4 = vector.load %arg2[%get3A_2, %get3A_3] : memref<8x1024xbf16, #tpu.memory_space<vmem>>, vector<8x1024xbf16>
    %dot_general3A = arith.constant dense<0.000000e+00> : vector<2048x8xf32>
    %dot_general3A_5 = tpu.matmul %convert_element_type3A, %get3A_4, %dot_general3A {dimension_numbers = #tpu.dot_dimension_numbers<[1], [1], [0], [0], [0, 0, 1, 0], [], []>, transpose_lhs_hint = false} : vector<2048x1024xbf16>, vector<8x1024xbf16>, vector<2048x8xf32> -> vector<2048x8xf32>
    %get3A_6 = arith.constant 0 : index
    %get3A_7 = arith.constant 0 : index
    %get3A_8 = vector.load %arg3[%get3A_6, %get3A_7] : memref<1x8xf32, #tpu.memory_space<vmem>>, vector<1x8xf32>
    %add3A = vector.broadcast %get3A_8 : vector<1x8xf32> to vector<2048x8xf32>
    %add3A_9 = arith.addf %dot_general3A_5, %add3A : vector<2048x8xf32>
    %reduce_max3A = arith.constant dense<0xFF800000> : vector<2048xf32>
    %reduce_max3A_10 = vector.multi_reduction <maximumf>, %add3A_9, %reduce_max3A [1] : vector<2048x8xf32> to vector<2048xf32>
    %broadcast_in_dim3A = vector.shape_cast %reduce_max3A_10 : vector<2048xf32> to vector<2048x1xf32>
    %sub3A = vector.broadcast %broadcast_in_dim3A : vector<2048x1xf32> to vector<2048x8xf32>
    %sub3A_11 = arith.subf %add3A_9, %sub3A : vector<2048x8xf32>
    %exp3A = math.exp %sub3A_11 : vector<2048x8xf32>
    %reduce_sum3A = arith.constant dense<0.000000e+00> : vector<2048xf32>
    %reduce_sum3A_12 = vector.multi_reduction <add>, %exp3A, %reduce_sum3A [1] : vector<2048x8xf32> to vector<2048xf32>
    %broadcast_in_dim3A_13 = vector.shape_cast %reduce_sum3A_12 : vector<2048xf32> to vector<2048x1xf32>
    %div3A = vector.broadcast %broadcast_in_dim3A_13 : vector<2048x1xf32> to vector<2048x8xf32>
    %div3A_14 = arith.divf %exp3A, %div3A : vector<2048x8xf32>
    %iota3A = tpu.iota {dimensions = array<i32: 1>} : vector<2048x8xi32>
    %reduce_max3A_15 = arith.constant dense<0xFF800000> : vector<2048xf32>
    %reduce_max3A_16 = vector.multi_reduction <maximumf>, %div3A_14, %reduce_max3A_15 [1] : vector<2048x8xf32> to vector<2048xf32>
    %broadcast_in_dim3A_17 = vector.shape_cast %reduce_max3A_16 : vector<2048xf32> to vector<2048x1xf32>
    %eq3A = vector.broadcast %broadcast_in_dim3A_17 : vector<2048x1xf32> to vector<2048x8xf32>
    %eq3A_18 = arith.cmpf oeq, %div3A_14, %eq3A : vector<2048x8xf32>
    %jit3A = arith.constant 8 : i32
    %broadcast_in_dim3A_19 = vector.broadcast %jit3A : i32 to vector<2048x8xi32>
    %select_n3A = arith.select %eq3A_18, %iota3A, %broadcast_in_dim3A_19 : vector<2048x8xi1>, vector<2048x8xi32>
    %reduce_min3A = arith.constant dense<2147483647> : vector<2048xi32>
    %reduce_min3A_20 = vector.multi_reduction <minsi>, %select_n3A, %reduce_min3A [1] : vector<2048x8xi32> to vector<2048xi32>
    %broadcast_in_dim3A_21 = vector.shape_cast %reduce_min3A_20 : vector<2048xi32> to vector<2048x1xi32>
    %eq3A_22 = vector.broadcast %broadcast_in_dim3A_21 : vector<2048x1xi32> to vector<2048x8xi32>
    %eq3A_23 = arith.cmpi eq, %iota3A, %eq3A_22 : vector<2048x8xi32>
    %jit3A_24 = arith.constant 0xFF800000 : f32
    %broadcast_in_dim3A_25 = vector.broadcast %jit3A_24 : f32 to vector<2048x8xf32>
    %select_n3A_26 = arith.select %eq3A_23, %broadcast_in_dim3A_25, %div3A_14 : vector<2048x8xi1>, vector<2048x8xf32>
    %reduce_max3A_27 = arith.constant dense<0xFF800000> : vector<2048xf32>
    %reduce_max3A_28 = vector.multi_reduction <maximumf>, %select_n3A_26, %reduce_max3A_27 [1] : vector<2048x8xf32> to vector<2048xf32>
    %broadcast_in_dim3A_29 = vector.shape_cast %reduce_max3A_28 : vector<2048xf32> to vector<2048x1xf32>
    %eq3A_30 = vector.broadcast %broadcast_in_dim3A_29 : vector<2048x1xf32> to vector<2048x8xf32>
    %eq3A_31 = arith.cmpf oeq, %select_n3A_26, %eq3A_30 : vector<2048x8xf32>
    %jit3A_32 = arith.constant 8 : i32
    %broadcast_in_dim3A_33 = vector.broadcast %jit3A_32 : i32 to vector<2048x8xi32>
    %select_n3A_34 = arith.select %eq3A_31, %iota3A, %broadcast_in_dim3A_33 : vector<2048x8xi1>, vector<2048x8xi32>
    %reduce_min3A_35 = arith.constant dense<2147483647> : vector<2048xi32>
    %reduce_min3A_36 = vector.multi_reduction <minsi>, %select_n3A_34, %reduce_min3A_35 [1] : vector<2048x8xi32> to vector<2048xi32>
    %broadcast_in_dim3A_37 = vector.shape_cast %reduce_min3A_36 : vector<2048xi32> to vector<2048x1xi32>
    %eq3A_38 = vector.broadcast %broadcast_in_dim3A_37 : vector<2048x1xi32> to vector<2048x8xi32>
    %eq3A_39 = arith.cmpi eq, %iota3A, %eq3A_38 : vector<2048x8xi32>
    %broadcast_in_dim3A_40 = arith.constant 0.000000e+00 : f32
    %broadcast_in_dim3A_41 = vector.broadcast %broadcast_in_dim3A_40 : f32 to vector<2048x1xf32>
    %concatenate3A = tpu.concatenate %broadcast_in_dim3A_17, %broadcast_in_dim3A_29, %broadcast_in_dim3A_41, %broadcast_in_dim3A_41, %broadcast_in_dim3A_41, %broadcast_in_dim3A_41, %broadcast_in_dim3A_41, %broadcast_in_dim3A_41 in 1 : vector<2048x1xf32>, vector<2048x1xf32>, vector<2048x1xf32>, vector<2048x1xf32>, vector<2048x1xf32>, vector<2048x1xf32>, vector<2048x1xf32>, vector<2048x1xf32> -> vector<2048x8xf32>
    %transpose3A = tpu.transpose %concatenate3A, [1, 0] : vector<2048x8xf32> -> vector<8x2048xf32>
    %swap3A = arith.constant 0 : index
    %swap3A_42 = arith.constant 0 : index
    %swap3A_43 = vector.load %arg7[%swap3A, %swap3A_42] : memref<8x2048xf32, #tpu.memory_space<vmem>>, vector<8x2048xf32>
    tpu.vector_store %arg7[%swap3A, %swap3A_42], %transpose3A {strides = array<i32>} : memref<8x2048xf32, #tpu.memory_space<vmem>>, vector<8x2048xf32>,
    %or3A = arith.ori %eq3A_23, %eq3A_39 : vector<2048x8xi1>
    %convert_element_type3A_44 = arith.extui %or3A : vector<2048x8xi1> to vector<2048x8xi32>
    %convert_element_type3A_45 = arith.sitofp %convert_element_type3A_44 : vector<2048x8xi32> to vector<2048x8xf32>
    %convert_element_type3A_46 = arith.truncf %convert_element_type3A_45 : vector<2048x8xf32> to vector<2048x8xbf16>
    %get3A_47 = arith.constant 0 : index
    %get3A_48 = arith.constant 0 : index
    %get3A_49 = vector.load %arg4[%get3A_47, %get3A_48] : memref<256x256xbf16, #tpu.memory_space<vmem>>, vector<256x256xbf16>
    %broadcast_in_dim3A_50 = arith.constant 0.000000e+00 : f32
    %broadcast_in_dim3A_51 = vector.broadcast %broadcast_in_dim3A_50 : f32 to vector<1x8xf32>
    %slice3A = vector.extract_strided_slice %convert_element_type3A_46 {offsets = [0, 0], sizes = [256, 8], strides = [1, 1]} : vector<2048x8xbf16> to vector<256x8xbf16>
    %dot_general3A_52 = arith.constant dense<0.000000e+00> : vector<256x8xf32>
    %dot_general3A_53 = tpu.matmul %get3A_49, %slice3A, %dot_general3A_52 {dimension_numbers = #tpu.dot_dimension_numbers<[1], [0], [0], [1], [0, 0, 1, 1], [], []>, transpose_lhs_hint = false} : vector<256x256xbf16>, vector<256x8xbf16>, vector<256x8xf32> -> vector<256x8xf32>
    %add3A_54 = vector.broadcast %broadcast_in_dim3A_51 : vector<1x8xf32> to vector<256x8xf32>
    %add3A_55 = arith.addf %dot_general3A_53, %add3A_54 : vector<256x8xf32>
    %convert_element_type3A_56 = arith.extf %slice3A : vector<256x8xbf16> to vector<256x8xf32>
    %reduce_sum3A_57 = arith.constant dense<0.000000e+00> : vector<8xf32>
    %reduce_sum3A_58 = vector.multi_reduction <add>, %convert_element_type3A_56, %reduce_sum3A_57 [0] : vector<256x8xf32> to vector<8xf32>
    %broadcast_in_dim3A_59 = vector.shape_cast %reduce_sum3A_58 : vector<8xf32> to vector<1x8xf32>
    %add3A_60 = arith.addf %broadcast_in_dim3A_51, %broadcast_in_dim3A_59 : vector<1x8xf32>
    %slice3A_61 = vector.extract_strided_slice %convert_element_type3A_46 {offsets = [256, 0], sizes = [256, 8], strides = [1, 1]} : vector<2048x8xbf16> to vector<256x8xbf16>
    %dot_general3A_62 = arith.constant dense<0.000000e+00> : vector<256x8xf32>
    %dot_general3A_63 = tpu.matmul %get3A_49, %slice3A_61, %dot_general3A_62 {dimension_numbers = #tpu.dot_dimension_numbers<[1], [0], [0], [1], [0, 0, 1, 1], [], []>, transpose_lhs_hint = false} : vector<256x256xbf16>, vector<256x8xbf16>, vector<256x8xf32> -> vector<256x8xf32>
    %add3A_64 = vector.broadcast %add3A_60 : vector<1x8xf32> to vector<256x8xf32>
    %add3A_65 = arith.addf %dot_general3A_63, %add3A_64 : vector<256x8xf32>
    %convert_element_type3A_66 = arith.extf %slice3A_61 : vector<256x8xbf16> to vector<256x8xf32>
    %reduce_sum3A_67 = arith.constant dense<0.000000e+00> : vector<8xf32>
    %reduce_sum3A_68 = vector.multi_reduction <add>, %convert_element_type3A_66, %reduce_sum3A_67 [0] : vector<256x8xf32> to vector<8xf32>
    %broadcast_in_dim3A_69 = vector.shape_cast %reduce_sum3A_68 : vector<8xf32> to vector<1x8xf32>
    %add3A_70 = arith.addf %add3A_60, %broadcast_in_dim3A_69 : vector<1x8xf32>
    %slice3A_71 = vector.extract_strided_slice %convert_element_type3A_46 {offsets = [512, 0], sizes = [256, 8], strides = [1, 1]} : vector<2048x8xbf16> to vector<256x8xbf16>
    %dot_general3A_72 = arith.constant dense<0.000000e+00> : vector<256x8xf32>
    %dot_general3A_73 = tpu.matmul %get3A_49, %slice3A_71, %dot_general3A_72 {dimension_numbers = #tpu.dot_dimension_numbers<[1], [0], [0], [1], [0, 0, 1, 1], [], []>, transpose_lhs_hint = false} : vector<256x256xbf16>, vector<256x8xbf16>, vector<256x8xf32> -> vector<256x8xf32>
    %add3A_74 = vector.broadcast %add3A_70 : vector<1x8xf32> to vector<256x8xf32>
    %add3A_75 = arith.addf %dot_general3A_73, %add3A_74 : vector<256x8xf32>
    %convert_element_type3A_76 = arith.extf %slice3A_71 : vector<256x8xbf16> to vector<256x8xf32>
    %reduce_sum3A_77 = arith.constant dense<0.000000e+00> : vector<8xf32>
    %reduce_sum3A_78 = vector.multi_reduction <add>, %convert_element_type3A_76, %reduce_sum3A_77 [0] : vector<256x8xf32> to vector<8xf32>
    %broadcast_in_dim3A_79 = vector.shape_cast %reduce_sum3A_78 : vector<8xf32> to vector<1x8xf32>
    %add3A_80 = arith.addf %add3A_70, %broadcast_in_dim3A_79 : vector<1x8xf32>
    %slice3A_81 = vector.extract_strided_slice %convert_element_type3A_46 {offsets = [768, 0], sizes = [256, 8], strides = [1, 1]} : vector<2048x8xbf16> to vector<256x8xbf16>
    %dot_general3A_82 = arith.constant dense<0.000000e+00> : vector<256x8xf32>
    %dot_general3A_83 = tpu.matmul %get3A_49, %slice3A_81, %dot_general3A_82 {dimension_numbers = #tpu.dot_dimension_numbers<[1], [0], [0], [1], [0, 0, 1, 1], [], []>, transpose_lhs_hint = false} : vector<256x256xbf16>, vector<256x8xbf16>, vector<256x8xf32> -> vector<256x8xf32>
    %add3A_84 = vector.broadcast %add3A_80 : vector<1x8xf32> to vector<256x8xf32>
    %add3A_85 = arith.addf %dot_general3A_83, %add3A_84 : vector<256x8xf32>
    %convert_element_type3A_86 = arith.extf %slice3A_81 : vector<256x8xbf16> to vector<256x8xf32>
    %reduce_sum3A_87 = arith.constant dense<0.000000e+00> : vector<8xf32>
    %reduce_sum3A_88 = vector.multi_reduction <add>, %convert_element_type3A_86, %reduce_sum3A_87 [0] : vector<256x8xf32> to vector<8xf32>
    %broadcast_in_dim3A_89 = vector.shape_cast %reduce_sum3A_88 : vector<8xf32> to vector<1x8xf32>
    %add3A_90 = arith.addf %add3A_80, %broadcast_in_dim3A_89 : vector<1x8xf32>
    %slice3A_91 = vector.extract_strided_slice %convert_element_type3A_46 {offsets = [1024, 0], sizes = [256, 8], strides = [1, 1]} : vector<2048x8xbf16> to vector<256x8xbf16>
    %dot_general3A_92 = arith.constant dense<0.000000e+00> : vector<256x8xf32>
    %dot_general3A_93 = tpu.matmul %get3A_49, %slice3A_91, %dot_general3A_92 {dimension_numbers = #tpu.dot_dimension_numbers<[1], [0], [0], [1], [0, 0, 1, 1], [], []>, transpose_lhs_hint = false} : vector<256x256xbf16>, vector<256x8xbf16>, vector<256x8xf32> -> vector<256x8xf32>
    %add3A_94 = vector.broadcast %add3A_90 : vector<1x8xf32> to vector<256x8xf32>
    %add3A_95 = arith.addf %dot_general3A_93, %add3A_94 : vector<256x8xf32>
    %convert_element_type3A_96 = arith.extf %slice3A_91 : vector<256x8xbf16> to vector<256x8xf32>
    %reduce_sum3A_97 = arith.constant dense<0.000000e+00> : vector<8xf32>
    %reduce_sum3A_98 = vector.multi_reduction <add>, %convert_element_type3A_96, %reduce_sum3A_97 [0] : vector<256x8xf32> to vector<8xf32>
    %broadcast_in_dim3A_99 = vector.shape_cast %reduce_sum3A_98 : vector<8xf32> to vector<1x8xf32>
    %add3A_100 = arith.addf %add3A_90, %broadcast_in_dim3A_99 : vector<1x8xf32>
    %slice3A_101 = vector.extract_strided_slice %convert_element_type3A_46 {offsets = [1280, 0], sizes = [256, 8], strides = [1, 1]} : vector<2048x8xbf16> to vector<256x8xbf16>
    %dot_general3A_102 = arith.constant dense<0.000000e+00> : vector<256x8xf32>
    %dot_general3A_103 = tpu.matmul %get3A_49, %slice3A_101, %dot_general3A_102 {dimension_numbers = #tpu.dot_dimension_numbers<[1], [0], [0], [1], [0, 0, 1, 1], [], []>, transpose_lhs_hint = false} : vector<256x256xbf16>, vector<256x8xbf16>, vector<256x8xf32> -> vector<256x8xf32>
    %add3A_104 = vector.broadcast %add3A_100 : vector<1x8xf32> to vector<256x8xf32>
    %add3A_105 = arith.addf %dot_general3A_103, %add3A_104 : vector<256x8xf32>
    %convert_element_type3A_106 = arith.extf %slice3A_101 : vector<256x8xbf16> to vector<256x8xf32>
    %reduce_sum3A_107 = arith.constant dense<0.000000e+00> : vector<8xf32>
    %reduce_sum3A_108 = vector.multi_reduction <add>, %convert_element_type3A_106, %reduce_sum3A_107 [0] : vector<256x8xf32> to vector<8xf32>
    %broadcast_in_dim3A_109 = vector.shape_cast %reduce_sum3A_108 : vector<8xf32> to vector<1x8xf32>
    %add3A_110 = arith.addf %add3A_100, %broadcast_in_dim3A_109 : vector<1x8xf32>
    %slice3A_111 = vector.extract_strided_slice %convert_element_type3A_46 {offsets = [1536, 0], sizes = [256, 8], strides = [1, 1]} : vector<2048x8xbf16> to vector<256x8xbf16>
    %dot_general3A_112 = arith.constant dense<0.000000e+00> : vector<256x8xf32>
    %dot_general3A_113 = tpu.matmul %get3A_49, %slice3A_111, %dot_general3A_112 {dimension_numbers = #tpu.dot_dimension_numbers<[1], [0], [0], [1], [0, 0, 1, 1], [], []>, transpose_lhs_hint = false} : vector<256x256xbf16>, vector<256x8xbf16>, vector<256x8xf32> -> vector<256x8xf32>
    %add3A_114 = vector.broadcast %add3A_110 : vector<1x8xf32> to vector<256x8xf32>
    %add3A_115 = arith.addf %dot_general3A_113, %add3A_114 : vector<256x8xf32>
    %convert_element_type3A_116 = arith.extf %slice3A_111 : vector<256x8xbf16> to vector<256x8xf32>
    %reduce_sum3A_117 = arith.constant dense<0.000000e+00> : vector<8xf32>
    %reduce_sum3A_118 = vector.multi_reduction <add>, %convert_element_type3A_116, %reduce_sum3A_117 [0] : vector<256x8xf32> to vector<8xf32>
    %broadcast_in_dim3A_119 = vector.shape_cast %reduce_sum3A_118 : vector<8xf32> to vector<1x8xf32>
    %add3A_120 = arith.addf %add3A_110, %broadcast_in_dim3A_119 : vector<1x8xf32>
    %slice3A_121 = vector.extract_strided_slice %convert_element_type3A_46 {offsets = [1792, 0], sizes = [256, 8], strides = [1, 1]} : vector<2048x8xbf16> to vector<256x8xbf16>
    %dot_general3A_122 = arith.constant dense<0.000000e+00> : vector<256x8xf32>
    %dot_general3A_123 = tpu.matmul %get3A_49, %slice3A_121, %dot_general3A_122 {dimension_numbers = #tpu.dot_dimension_numbers<[1], [0], [0], [1], [0, 0, 1, 1], [], []>, transpose_lhs_hint = false} : vector<256x256xbf16>, vector<256x8xbf16>, vector<256x8xf32> -> vector<256x8xf32>
    %add3A_124 = vector.broadcast %add3A_120 : vector<1x8xf32> to vector<256x8xf32>
    %add3A_125 = arith.addf %dot_general3A_123, %add3A_124 : vector<256x8xf32>
    %convert_element_type3A_126 = arith.extf %slice3A_121 : vector<256x8xbf16> to vector<256x8xf32>
    %reduce_sum3A_127 = arith.constant dense<0.000000e+00> : vector<8xf32>
    %reduce_sum3A_128 = vector.multi_reduction <add>, %convert_element_type3A_126, %reduce_sum3A_127 [0] : vector<256x8xf32> to vector<8xf32>
    %broadcast_in_dim3A_129 = vector.shape_cast %reduce_sum3A_128 : vector<8xf32> to vector<1x8xf32>
    %add3A_130 = arith.addf %add3A_120, %broadcast_in_dim3A_129 : vector<1x8xf32>
    %concatenate3A_131 = tpu.concatenate %add3A_55, %add3A_65, %add3A_75, %add3A_85, %add3A_95, %add3A_105, %add3A_115, %add3A_125 in 0 : vector<256x8xf32>, vector<256x8xf32>, vector<256x8xf32>, vector<256x8xf32>, vector<256x8xf32>, vector<256x8xf32>, vector<256x8xf32>, vector<256x8xf32> -> vector<2048x8xf32>
    %convert_element_type3A_132 = arith.fptosi %add3A_130 : vector<1x8xf32> to vector<1x8xi32>
    %add3A_133 = arith.constant 255 : i32
    %add3A_134 = vector.broadcast %add3A_133 : i32 to vector<1x8xi32>
    %add3A_135 = arith.addi %convert_element_type3A_132, %add3A_134 : vector<1x8xi32>
    %jit3A_136 = arith.constant 256 : i32
    %div3A_137 = vector.broadcast %jit3A_136 : i32 to vector<1x8xi32>
    %div3A_138 = arith.divsi %add3A_135, %div3A_137 : vector<1x8xi32>
    %sign3A = arith.constant 0 : i32
    %sign3A_139 = vector.broadcast %sign3A : i32 to vector<1x8xi32>
    %sign3A_140 = arith.cmpi sgt, %add3A_135, %sign3A_139 : vector<1x8xi32>
    %sign3A_141 = arith.extui %sign3A_140 : vector<1x8xi1> to vector<1x8xi32>
    %sign3A_142 = arith.constant 0 : i32
    %sign3A_143 = vector.broadcast %sign3A_142 : i32 to vector<1x8xi32>
    %sign3A_144 = arith.cmpi slt, %add3A_135, %sign3A_143 : vector<1x8xi32>
    %sign3A_145 = arith.extui %sign3A_144 : vector<1x8xi1> to vector<1x8xi32>
    %sign3A_146 = arith.subi %sign3A_141, %sign3A_145 : vector<1x8xi32>
    %sign3A_147 = arith.constant 0 : i32
    %sign3A_148 = arith.cmpi sgt, %jit3A_136, %sign3A_147 : i32
    %sign3A_149 = arith.extui %sign3A_148 : i1 to i32
    %sign3A_150 = arith.constant 0 : i32
    %sign3A_151 = arith.cmpi slt, %jit3A_136, %sign3A_150 : i32
    %sign3A_152 = arith.extui %sign3A_151 : i1 to i32
    %sign3A_153 = arith.subi %sign3A_149, %sign3A_152 : i32
    %ne3A = vector.broadcast %sign3A_153 : i32 to vector<1x8xi32>
    %ne3A_154 = arith.cmpi ne, %sign3A_146, %ne3A : vector<1x8xi32>
    %rem3A = vector.broadcast %jit3A_136 : i32 to vector<1x8xi32>
    %rem3A_155 = arith.remsi %add3A_135, %rem3A : vector<1x8xi32>
    %ne3A_156 = arith.constant 0 : i32
    %ne3A_157 = vector.broadcast %ne3A_156 : i32 to vector<1x8xi32>
    %ne3A_158 = arith.cmpi ne, %rem3A_155, %ne3A_157 : vector<1x8xi32>
    %and3A = arith.andi %ne3A_154, %ne3A_158 : vector<1x8xi1>
    %sub3A_159 = arith.constant 1 : i32
    %sub3A_160 = vector.broadcast %sub3A_159 : i32 to vector<1x8xi32>
    %sub3A_161 = arith.subi %div3A_138, %sub3A_160 : vector<1x8xi32>
    %select_n3A_162 = arith.select %and3A, %sub3A_161, %div3A_138 : vector<1x8xi1>, vector<1x8xi32>
    %get3A_163 = arith.constant 0 : index
    %get3A_164 = arith.constant 0 : index
    %get3A_165 = vector.load %arg4[%get3A_163, %get3A_164] : memref<256x256xbf16, #tpu.memory_space<vmem>>, vector<8x8xbf16>
    %convert_element_type3A_166 = arith.sitofp %select_n3A_162 : vector<1x8xi32> to vector<1x8xbf16>
    %dot_general3A_167 = arith.constant dense<0.000000e+00> : vector<1x8xf32>
    %dot_general3A_168 = tpu.matmul %convert_element_type3A_166, %get3A_165, %dot_general3A_167 {dimension_numbers = #tpu.dot_dimension_numbers<[1], [1], [0], [0], [0, 0, 1, 0], [], []>, transpose_lhs_hint = false} : vector<1x8xbf16>, vector<8x8xbf16>, vector<1x8xf32> -> vector<1x8xf32>
    %convert_element_type3A_169 = arith.fptosi %dot_general3A_168 : vector<1x8xf32> to vector<1x8xi32>
    %mul3A = arith.constant 256 : i32
    %mul3A_170 = vector.broadcast %mul3A : i32 to vector<1x8xi32>
    %mul3A_171 = arith.muli %convert_element_type3A_169, %mul3A_170 : vector<1x8xi32>
    %convert_element_type3A_172 = arith.sitofp %mul3A_171 : vector<1x8xi32> to vector<1x8xf32>
    %jit3A_173 = arith.constant 0.000000e+00 : f32
    %broadcast_in_dim3A_174 = vector.broadcast %jit3A_173 : f32 to vector<2048x8xf32>
    %select_n3A_175 = arith.select %eq3A_23, %concatenate3A_131, %broadcast_in_dim3A_174 : vector<2048x8xi1>, vector<2048x8xf32>
    %reduce_sum3A_176 = arith.constant dense<0.000000e+00> : vector<2048xf32>
    %reduce_sum3A_177 = vector.multi_reduction <add>, %select_n3A_175, %reduce_sum3A_176 [1] : vector<2048x8xf32> to vector<2048xf32>
    %broadcast_in_dim3A_178 = vector.shape_cast %reduce_sum3A_177 : vector<2048xf32> to vector<2048x1xf32>
    %jit3A_179 = arith.constant 0.000000e+00 : f32
    %broadcast_in_dim3A_180 = vector.shape_cast %convert_element_type3A_172 : vector<1x8xf32> to vector<1x8xf32>
    %broadcast_in_dim3A_181 = vector.broadcast %broadcast_in_dim3A_180 : vector<1x8xf32> to vector<2048x8xf32>
    %broadcast_in_dim3A_182 = vector.broadcast %jit3A_179 : f32 to vector<2048x8xf32>
    %select_n3A_183 = arith.select %eq3A_23, %broadcast_in_dim3A_181, %broadcast_in_dim3A_182 : vector<2048x8xi1>, vector<2048x8xf32>
    %reduce_sum3A_184 = arith.constant dense<0.000000e+00> : vector<2048xf32>
    %reduce_sum3A_185 = vector.multi_reduction <add>, %select_n3A_183, %reduce_sum3A_184 [1] : vector<2048x8xf32> to vector<2048xf32>
    %broadcast_in_dim3A_186 = vector.shape_cast %reduce_sum3A_185 : vector<2048xf32> to vector<2048x1xf32>
    %jit3A_187 = arith.constant 0.000000e+00 : f32
    %broadcast_in_dim3A_188 = vector.broadcast %jit3A_187 : f32 to vector<2048x8xf32>
    %select_n3A_189 = arith.select %eq3A_39, %concatenate3A_131, %broadcast_in_dim3A_188 : vector<2048x8xi1>, vector<2048x8xf32>
    %reduce_sum3A_190 = arith.constant dense<0.000000e+00> : vector<2048xf32>
    %reduce_sum3A_191 = vector.multi_reduction <add>, %select_n3A_189, %reduce_sum3A_190 [1] : vector<2048x8xf32> to vector<2048xf32>
    %broadcast_in_dim3A_192 = vector.shape_cast %reduce_sum3A_191 : vector<2048xf32> to vector<2048x1xf32>
    %jit3A_193 = arith.constant 0.000000e+00 : f32
    %broadcast_in_dim3A_194 = vector.shape_cast %convert_element_type3A_172 : vector<1x8xf32> to vector<1x8xf32>
    %broadcast_in_dim3A_195 = vector.broadcast %broadcast_in_dim3A_194 : vector<1x8xf32> to vector<2048x8xf32>
    %broadcast_in_dim3A_196 = vector.broadcast %jit3A_193 : f32 to vector<2048x8xf32>
    %select_n3A_197 = arith.select %eq3A_39, %broadcast_in_dim3A_195, %broadcast_in_dim3A_196 : vector<2048x8xi1>, vector<2048x8xf32>
    %reduce_sum3A_198 = arith.constant dense<0.000000e+00> : vector<2048xf32>
    %reduce_sum3A_199 = vector.multi_reduction <add>, %select_n3A_197, %reduce_sum3A_198 [1] : vector<2048x8xf32> to vector<2048xf32>
    %broadcast_in_dim3A_200 = vector.shape_cast %reduce_sum3A_199 : vector<2048xf32> to vector<2048x1xf32>
    %add3A_201 = arith.addf %broadcast_in_dim3A_178, %broadcast_in_dim3A_186 : vector<2048x1xf32>
    %convert_element_type3A_202 = arith.fptosi %add3A_201 : vector<2048x1xf32> to vector<2048x1xi32>
    %add3A_203 = arith.addf %broadcast_in_dim3A_192, %broadcast_in_dim3A_200 : vector<2048x1xf32>
    %convert_element_type3A_204 = arith.fptosi %add3A_203 : vector<2048x1xf32> to vector<2048x1xi32>
    %broadcast_in_dim3A_205 = arith.constant 0 : i32
    %broadcast_in_dim3A_206 = vector.broadcast %broadcast_in_dim3A_205 : i32 to vector<2048x1xi32>
    %concatenate3A_207 = tpu.concatenate %convert_element_type3A_202, %convert_element_type3A_204, %broadcast_in_dim3A_206, %broadcast_in_dim3A_206, %broadcast_in_dim3A_206, %broadcast_in_dim3A_206, %broadcast_in_dim3A_206, %broadcast_in_dim3A_206 in 1 : vector<2048x1xi32>, vector<2048x1xi32>, vector<2048x1xi32>, vector<2048x1xi32>, vector<2048x1xi32>, vector<2048x1xi32>, vector<2048x1xi32>, vector<2048x1xi32> -> vector<2048x8xi32>
    %transpose3A_208 = tpu.transpose %concatenate3A_207, [1, 0] : vector<2048x8xi32> -> vector<8x2048xi32>
    %swap3A_209 = arith.constant 0 : index
    %swap3A_210 = arith.constant 0 : index
    %swap3A_211 = vector.load %arg5[%swap3A_209, %swap3A_210] : memref<8x2048xi32, #tpu.memory_space<vmem>>, vector<8x2048xi32>
    tpu.vector_store %arg5[%swap3A_209, %swap3A_210], %transpose3A_208 {strides = array<i32>} : memref<8x2048xi32, #tpu.memory_space<vmem>>, vector<8x2048xi32>,
    %iota3A_212 = tpu.iota {dimensions = array<i32: 1>} : vector<8x32xi32>
    %broadcast_in_dim3A_213 = arith.constant 0 : i32
    %broadcast_in_dim3A_214 = vector.broadcast %broadcast_in_dim3A_213 : i32 to vector<8x32xi32>
    %slice3A_215 = vector.extract_strided_slice %convert_element_type3A_169 {offsets = [0, 0], sizes = [1, 1], strides = [1, 1]} : vector<1x8xi32> to vector<1x1xi32>
    %squeeze3A = vector.extract %slice3A_215[0, 0] : i32 from vector<1x1xi32>
    %ge3A = vector.broadcast %squeeze3A : i32 to vector<8x32xi32>
    %ge3A_216 = arith.cmpi sge, %iota3A_212, %ge3A : vector<8x32xi32>
    %convert_element_type3A_217 = arith.extui %ge3A_216 : vector<8x32xi1> to vector<8x32xi32>
    %slice3A_218 = vector.extract_strided_slice %select_n3A_162 {offsets = [0, 0], sizes = [1, 1], strides = [1, 1]} : vector<1x8xi32> to vector<1x1xi32>
    %squeeze3A_219 = vector.extract %slice3A_218[0, 0] : i32 from vector<1x1xi32>
    %gt3A = arith.constant 0 : i32
    %gt3A_220 = arith.cmpi sgt, %squeeze3A_219, %gt3A : i32
    %convert_element_type3A_221 = arith.extui %gt3A_220 : i1 to i32
    %mul3A_222 = vector.broadcast %convert_element_type3A_221 : i32 to vector<8x32xi32>
    %mul3A_223 = arith.muli %mul3A_222, %convert_element_type3A_217 : vector<8x32xi32>
    %add3A_224 = arith.addi %broadcast_in_dim3A_214, %mul3A_223 : vector<8x32xi32>
    %slice3A_225 = vector.extract_strided_slice %convert_element_type3A_169 {offsets = [0, 1], sizes = [1, 1], strides = [1, 1]} : vector<1x8xi32> to vector<1x1xi32>
    %squeeze3A_226 = vector.extract %slice3A_225[0, 0] : i32 from vector<1x1xi32>
    %ge3A_227 = vector.broadcast %squeeze3A_226 : i32 to vector<8x32xi32>
    %ge3A_228 = arith.cmpi sge, %iota3A_212, %ge3A_227 : vector<8x32xi32>
    %convert_element_type3A_229 = arith.extui %ge3A_228 : vector<8x32xi1> to vector<8x32xi32>
    %slice3A_230 = vector.extract_strided_slice %select_n3A_162 {offsets = [0, 1], sizes = [1, 1], strides = [1, 1]} : vector<1x8xi32> to vector<1x1xi32>
    %squeeze3A_231 = vector.extract %slice3A_230[0, 0] : i32 from vector<1x1xi32>
    %gt3A_232 = arith.constant 0 : i32
    %gt3A_233 = arith.cmpi sgt, %squeeze3A_231, %gt3A_232 : i32
    %convert_element_type3A_234 = arith.extui %gt3A_233 : i1 to i32
    %mul3A_235 = vector.broadcast %convert_element_type3A_234 : i32 to vector<8x32xi32>
    %mul3A_236 = arith.muli %mul3A_235, %convert_element_type3A_229 : vector<8x32xi32>
    %add3A_237 = arith.addi %add3A_224, %mul3A_236 : vector<8x32xi32>
    %slice3A_238 = vector.extract_strided_slice %convert_element_type3A_169 {offsets = [0, 2], sizes = [1, 1], strides = [1, 1]} : vector<1x8xi32> to vector<1x1xi32>
    %squeeze3A_239 = vector.extract %slice3A_238[0, 0] : i32 from vector<1x1xi32>
    %ge3A_240 = vector.broadcast %squeeze3A_239 : i32 to vector<8x32xi32>
    %ge3A_241 = arith.cmpi sge, %iota3A_212, %ge3A_240 : vector<8x32xi32>
    %convert_element_type3A_242 = arith.extui %ge3A_241 : vector<8x32xi1> to vector<8x32xi32>
    %slice3A_243 = vector.extract_strided_slice %select_n3A_162 {offsets = [0, 2], sizes = [1, 1], strides = [1, 1]} : vector<1x8xi32> to vector<1x1xi32>
    %squeeze3A_244 = vector.extract %slice3A_243[0, 0] : i32 from vector<1x1xi32>
    %gt3A_245 = arith.constant 0 : i32
    %gt3A_246 = arith.cmpi sgt, %squeeze3A_244, %gt3A_245 : i32
    %convert_element_type3A_247 = arith.extui %gt3A_246 : i1 to i32
    %mul3A_248 = vector.broadcast %convert_element_type3A_247 : i32 to vector<8x32xi32>
    %mul3A_249 = arith.muli %mul3A_248, %convert_element_type3A_242 : vector<8x32xi32>
    %add3A_250 = arith.addi %add3A_237, %mul3A_249 : vector<8x32xi32>
    %slice3A_251 = vector.extract_strided_slice %convert_element_type3A_169 {offsets = [0, 3], sizes = [1, 1], strides = [1, 1]} : vector<1x8xi32> to vector<1x1xi32>
    %squeeze3A_252 = vector.extract %slice3A_251[0, 0] : i32 from vector<1x1xi32>
    %ge3A_253 = vector.broadcast %squeeze3A_252 : i32 to vector<8x32xi32>
    %ge3A_254 = arith.cmpi sge, %iota3A_212, %ge3A_253 : vector<8x32xi32>
    %convert_element_type3A_255 = arith.extui %ge3A_254 : vector<8x32xi1> to vector<8x32xi32>
    %slice3A_256 = vector.extract_strided_slice %select_n3A_162 {offsets = [0, 3], sizes = [1, 1], strides = [1, 1]} : vector<1x8xi32> to vector<1x1xi32>
    %squeeze3A_257 = vector.extract %slice3A_256[0, 0] : i32 from vector<1x1xi32>
    %gt3A_258 = arith.constant 0 : i32
    %gt3A_259 = arith.cmpi sgt, %squeeze3A_257, %gt3A_258 : i32
    %convert_element_type3A_260 = arith.extui %gt3A_259 : i1 to i32
    %mul3A_261 = vector.broadcast %convert_element_type3A_260 : i32 to vector<8x32xi32>
    %mul3A_262 = arith.muli %mul3A_261, %convert_element_type3A_255 : vector<8x32xi32>
    %add3A_263 = arith.addi %add3A_250, %mul3A_262 : vector<8x32xi32>
    %slice3A_264 = vector.extract_strided_slice %convert_element_type3A_169 {offsets = [0, 4], sizes = [1, 1], strides = [1, 1]} : vector<1x8xi32> to vector<1x1xi32>
    %squeeze3A_265 = vector.extract %slice3A_264[0, 0] : i32 from vector<1x1xi32>
    %ge3A_266 = vector.broadcast %squeeze3A_265 : i32 to vector<8x32xi32>
    %ge3A_267 = arith.cmpi sge, %iota3A_212, %ge3A_266 : vector<8x32xi32>
    %convert_element_type3A_268 = arith.extui %ge3A_267 : vector<8x32xi1> to vector<8x32xi32>
    %slice3A_269 = vector.extract_strided_slice %select_n3A_162 {offsets = [0, 4], sizes = [1, 1], strides = [1, 1]} : vector<1x8xi32> to vector<1x1xi32>
    %squeeze3A_270 = vector.extract %slice3A_269[0, 0] : i32 from vector<1x1xi32>
    %gt3A_271 = arith.constant 0 : i32
    %gt3A_272 = arith.cmpi sgt, %squeeze3A_270, %gt3A_271 : i32
    %convert_element_type3A_273 = arith.extui %gt3A_272 : i1 to i32
    %mul3A_274 = vector.broadcast %convert_element_type3A_273 : i32 to vector<8x32xi32>
    %mul3A_275 = arith.muli %mul3A_274, %convert_element_type3A_268 : vector<8x32xi32>
    %add3A_276 = arith.addi %add3A_263, %mul3A_275 : vector<8x32xi32>
    %slice3A_277 = vector.extract_strided_slice %convert_element_type3A_169 {offsets = [0, 5], sizes = [1, 1], strides = [1, 1]} : vector<1x8xi32> to vector<1x1xi32>
    %squeeze3A_278 = vector.extract %slice3A_277[0, 0] : i32 from vector<1x1xi32>
    %ge3A_279 = vector.broadcast %squeeze3A_278 : i32 to vector<8x32xi32>
    %ge3A_280 = arith.cmpi sge, %iota3A_212, %ge3A_279 : vector<8x32xi32>
    %convert_element_type3A_281 = arith.extui %ge3A_280 : vector<8x32xi1> to vector<8x32xi32>
    %slice3A_282 = vector.extract_strided_slice %select_n3A_162 {offsets = [0, 5], sizes = [1, 1], strides = [1, 1]} : vector<1x8xi32> to vector<1x1xi32>
    %squeeze3A_283 = vector.extract %slice3A_282[0, 0] : i32 from vector<1x1xi32>
    %gt3A_284 = arith.constant 0 : i32
    %gt3A_285 = arith.cmpi sgt, %squeeze3A_283, %gt3A_284 : i32
    %convert_element_type3A_286 = arith.extui %gt3A_285 : i1 to i32
    %mul3A_287 = vector.broadcast %convert_element_type3A_286 : i32 to vector<8x32xi32>
    %mul3A_288 = arith.muli %mul3A_287, %convert_element_type3A_281 : vector<8x32xi32>
    %add3A_289 = arith.addi %add3A_276, %mul3A_288 : vector<8x32xi32>
    %slice3A_290 = vector.extract_strided_slice %convert_element_type3A_169 {offsets = [0, 6], sizes = [1, 1], strides = [1, 1]} : vector<1x8xi32> to vector<1x1xi32>
    %squeeze3A_291 = vector.extract %slice3A_290[0, 0] : i32 from vector<1x1xi32>
    %ge3A_292 = vector.broadcast %squeeze3A_291 : i32 to vector<8x32xi32>
    %ge3A_293 = arith.cmpi sge, %iota3A_212, %ge3A_292 : vector<8x32xi32>
    %convert_element_type3A_294 = arith.extui %ge3A_293 : vector<8x32xi1> to vector<8x32xi32>
    %slice3A_295 = vector.extract_strided_slice %select_n3A_162 {offsets = [0, 6], sizes = [1, 1], strides = [1, 1]} : vector<1x8xi32> to vector<1x1xi32>
    %squeeze3A_296 = vector.extract %slice3A_295[0, 0] : i32 from vector<1x1xi32>
    %gt3A_297 = arith.constant 0 : i32
    %gt3A_298 = arith.cmpi sgt, %squeeze3A_296, %gt3A_297 : i32
    %convert_element_type3A_299 = arith.extui %gt3A_298 : i1 to i32
    %mul3A_300 = vector.broadcast %convert_element_type3A_299 : i32 to vector<8x32xi32>
    %mul3A_301 = arith.muli %mul3A_300, %convert_element_type3A_294 : vector<8x32xi32>
    %add3A_302 = arith.addi %add3A_289, %mul3A_301 : vector<8x32xi32>
    %slice3A_303 = vector.extract_strided_slice %convert_element_type3A_169 {offsets = [0, 7], sizes = [1, 1], strides = [1, 1]} : vector<1x8xi32> to vector<1x1xi32>
    %squeeze3A_304 = vector.extract %slice3A_303[0, 0] : i32 from vector<1x1xi32>
    %ge3A_305 = vector.broadcast %squeeze3A_304 : i32 to vector<8x32xi32>
    %ge3A_306 = arith.cmpi sge, %iota3A_212, %ge3A_305 : vector<8x32xi32>
    %convert_element_type3A_307 = arith.extui %ge3A_306 : vector<8x32xi1> to vector<8x32xi32>
    %slice3A_308 = vector.extract_strided_slice %select_n3A_162 {offsets = [0, 7], sizes = [1, 1], strides = [1, 1]} : vector<1x8xi32> to vector<1x1xi32>
    %squeeze3A_309 = vector.extract %slice3A_308[0, 0] : i32 from vector<1x1xi32>
    %gt3A_310 = arith.constant 0 : i32
    %gt3A_311 = arith.cmpi sgt, %squeeze3A_309, %gt3A_310 : i32
    %convert_element_type3A_312 = arith.extui %gt3A_311 : i1 to i32
    %mul3A_313 = vector.broadcast %convert_element_type3A_312 : i32 to vector<8x32xi32>
    %mul3A_314 = arith.muli %mul3A_313, %convert_element_type3A_307 : vector<8x32xi32>
    %add3A_315 = arith.addi %add3A_302, %mul3A_314 : vector<8x32xi32>
    %sub3A_316 = arith.constant 1 : i32
    %sub3A_317 = vector.broadcast %sub3A_316 : i32 to vector<8x32xi32>
    %sub3A_318 = arith.subi %add3A_315, %sub3A_317 : vector<8x32xi32>
    %broadcast_in_dim3A_319 = arith.constant 0 : i32
    %broadcast_in_dim3A_320 = vector.broadcast %broadcast_in_dim3A_319 : i32 to vector<8x32xi32>
    %broadcast_in_dim3A_321 = arith.constant 0 : i32
    %broadcast_in_dim3A_322 = vector.broadcast %broadcast_in_dim3A_321 : i32 to vector<8x32xi32>
    %broadcast_in_dim3A_323 = arith.constant 0 : i32
    %broadcast_in_dim3A_324 = vector.broadcast %broadcast_in_dim3A_323 : i32 to vector<8x32xi32>
    %slice3A_325 = vector.extract_strided_slice %select_n3A_162 {offsets = [0, 0], sizes = [1, 1], strides = [1, 1]} : vector<1x8xi32> to vector<1x1xi32>
    %squeeze3A_326 = vector.extract %slice3A_325[0, 0] : i32 from vector<1x1xi32>
    %gt3A_327 = arith.constant 0 : i32
    %gt3A_328 = arith.cmpi sgt, %squeeze3A_326, %gt3A_327 : i32
    %convert_element_type3A_329 = arith.extui %gt3A_328 : i1 to i32
    %eq3A_330 = arith.constant 0 : i32
    %eq3A_331 = vector.broadcast %eq3A_330 : i32 to vector<8x32xi32>
    %eq3A_332 = arith.cmpi eq, %sub3A_318, %eq3A_331 : vector<8x32xi32>
    %eq3A_333 = arith.constant 1 : i32
    %eq3A_334 = arith.cmpi eq, %convert_element_type3A_329, %eq3A_333 : i32
    %and3A_335 = vector.broadcast %eq3A_334 : i1 to vector<8x32xi1>
    %and3A_336 = arith.andi %eq3A_332, %and3A_335 : vector<8x32xi1>
    %jit3A_337 = arith.constant 0 : i32
    %jit3A_338 = arith.constant 0 : i32
    %broadcast_in_dim3A_339 = vector.broadcast %jit3A_337 : i32 to vector<8x32xi32>
    %broadcast_in_dim3A_340 = vector.broadcast %jit3A_338 : i32 to vector<8x32xi32>
    %select_n3A_341 = arith.select %and3A_336, %broadcast_in_dim3A_339, %broadcast_in_dim3A_340 : vector<8x32xi1>, vector<8x32xi32>
    %add3A_342 = arith.addi %broadcast_in_dim3A_320, %select_n3A_341 : vector<8x32xi32>
    %add3A_343 = arith.constant 1 : i32
    %add3A_344 = vector.broadcast %add3A_343 : i32 to vector<8x32xi32>
    %add3A_345 = arith.addi %sub3A_318, %add3A_344 : vector<8x32xi32>
    %eq3A_346 = arith.constant 0 : i32
    %eq3A_347 = vector.broadcast %eq3A_346 : i32 to vector<8x32xi32>
    %eq3A_348 = arith.cmpi eq, %add3A_345, %eq3A_347 : vector<8x32xi32>
    %eq3A_349 = arith.constant 1 : i32
    %eq3A_350 = arith.cmpi eq, %convert_element_type3A_329, %eq3A_349 : i32
    %and3A_351 = vector.broadcast %eq3A_350 : i1 to vector<8x32xi1>
    %and3A_352 = arith.andi %eq3A_348, %and3A_351 : vector<8x32xi1>
    %convert_element_type3A_353 = arith.extui %and3A_352 : vector<8x32xi1> to vector<8x32xi32>
    %mul3A_354 = arith.constant 0 : i32
    %mul3A_355 = vector.broadcast %mul3A_354 : i32 to vector<8x32xi32>
    %mul3A_356 = arith.muli %convert_element_type3A_353, %mul3A_355 : vector<8x32xi32>
    %add3A_357 = arith.addi %broadcast_in_dim3A_322, %mul3A_356 : vector<8x32xi32>
    %add3A_358 = arith.addi %broadcast_in_dim3A_324, %convert_element_type3A_353 : vector<8x32xi32>
    %add3A_359 = arith.constant 0 : i32
    %add3A_360 = arith.addi %add3A_359, %convert_element_type3A_329 : i32
    %slice3A_361 = vector.extract_strided_slice %select_n3A_162 {offsets = [0, 1], sizes = [1, 1], strides = [1, 1]} : vector<1x8xi32> to vector<1x1xi32>
    %squeeze3A_362 = vector.extract %slice3A_361[0, 0] : i32 from vector<1x1xi32>
    %gt3A_363 = arith.constant 0 : i32
    %gt3A_364 = arith.cmpi sgt, %squeeze3A_362, %gt3A_363 : i32
    %convert_element_type3A_365 = arith.extui %gt3A_364 : i1 to i32
    %eq3A_366 = vector.broadcast %add3A_360 : i32 to vector<8x32xi32>
    %eq3A_367 = arith.cmpi eq, %sub3A_318, %eq3A_366 : vector<8x32xi32>
    %eq3A_368 = arith.constant 1 : i32
    %eq3A_369 = arith.cmpi eq, %convert_element_type3A_365, %eq3A_368 : i32
    %and3A_370 = vector.broadcast %eq3A_369 : i1 to vector<8x32xi1>
    %and3A_371 = arith.andi %eq3A_367, %and3A_370 : vector<8x32xi1>
    %jit3A_372 = arith.constant 1 : i32
    %jit3A_373 = arith.constant 0 : i32
    %broadcast_in_dim3A_374 = vector.broadcast %jit3A_372 : i32 to vector<8x32xi32>
    %broadcast_in_dim3A_375 = vector.broadcast %jit3A_373 : i32 to vector<8x32xi32>
    %select_n3A_376 = arith.select %and3A_371, %broadcast_in_dim3A_374, %broadcast_in_dim3A_375 : vector<8x32xi1>, vector<8x32xi32>
    %add3A_377 = arith.addi %add3A_342, %select_n3A_376 : vector<8x32xi32>
    %add3A_378 = arith.constant 1 : i32
    %add3A_379 = vector.broadcast %add3A_378 : i32 to vector<8x32xi32>
    %add3A_380 = arith.addi %sub3A_318, %add3A_379 : vector<8x32xi32>
    %eq3A_381 = vector.broadcast %add3A_360 : i32 to vector<8x32xi32>
    %eq3A_382 = arith.cmpi eq, %add3A_380, %eq3A_381 : vector<8x32xi32>
    %eq3A_383 = arith.constant 1 : i32
    %eq3A_384 = arith.cmpi eq, %convert_element_type3A_365, %eq3A_383 : i32
    %and3A_385 = vector.broadcast %eq3A_384 : i1 to vector<8x32xi1>
    %and3A_386 = arith.andi %eq3A_382, %and3A_385 : vector<8x32xi1>
    %convert_element_type3A_387 = arith.extui %and3A_386 : vector<8x32xi1> to vector<8x32xi32>
    %mul3A_388 = arith.constant 1 : i32
    %mul3A_389 = vector.broadcast %mul3A_388 : i32 to vector<8x32xi32>
    %mul3A_390 = arith.muli %convert_element_type3A_387, %mul3A_389 : vector<8x32xi32>
    %add3A_391 = arith.addi %add3A_357, %mul3A_390 : vector<8x32xi32>
    %add3A_392 = arith.addi %add3A_358, %convert_element_type3A_387 : vector<8x32xi32>
    %add3A_393 = arith.addi %add3A_360, %convert_element_type3A_365 : i32
    %slice3A_394 = vector.extract_strided_slice %select_n3A_162 {offsets = [0, 2], sizes = [1, 1], strides = [1, 1]} : vector<1x8xi32> to vector<1x1xi32>
    %squeeze3A_395 = vector.extract %slice3A_394[0, 0] : i32 from vector<1x1xi32>
    %gt3A_396 = arith.constant 0 : i32
    %gt3A_397 = arith.cmpi sgt, %squeeze3A_395, %gt3A_396 : i32
    %convert_element_type3A_398 = arith.extui %gt3A_397 : i1 to i32
    %eq3A_399 = vector.broadcast %add3A_393 : i32 to vector<8x32xi32>
    %eq3A_400 = arith.cmpi eq, %sub3A_318, %eq3A_399 : vector<8x32xi32>
    %eq3A_401 = arith.constant 1 : i32
    %eq3A_402 = arith.cmpi eq, %convert_element_type3A_398, %eq3A_401 : i32
    %and3A_403 = vector.broadcast %eq3A_402 : i1 to vector<8x32xi1>
    %and3A_404 = arith.andi %eq3A_400, %and3A_403 : vector<8x32xi1>
    %jit3A_405 = arith.constant 2 : i32
    %jit3A_406 = arith.constant 0 : i32
    %broadcast_in_dim3A_407 = vector.broadcast %jit3A_405 : i32 to vector<8x32xi32>
    %broadcast_in_dim3A_408 = vector.broadcast %jit3A_406 : i32 to vector<8x32xi32>
    %select_n3A_409 = arith.select %and3A_404, %broadcast_in_dim3A_407, %broadcast_in_dim3A_408 : vector<8x32xi1>, vector<8x32xi32>
    %add3A_410 = arith.addi %add3A_377, %select_n3A_409 : vector<8x32xi32>
    %add3A_411 = arith.constant 1 : i32
    %add3A_412 = vector.broadcast %add3A_411 : i32 to vector<8x32xi32>
    %add3A_413 = arith.addi %sub3A_318, %add3A_412 : vector<8x32xi32>
    %eq3A_414 = vector.broadcast %add3A_393 : i32 to vector<8x32xi32>
    %eq3A_415 = arith.cmpi eq, %add3A_413, %eq3A_414 : vector<8x32xi32>
    %eq3A_416 = arith.constant 1 : i32
    %eq3A_417 = arith.cmpi eq, %convert_element_type3A_398, %eq3A_416 : i32
    %and3A_418 = vector.broadcast %eq3A_417 : i1 to vector<8x32xi1>
    %and3A_419 = arith.andi %eq3A_415, %and3A_418 : vector<8x32xi1>
    %convert_element_type3A_420 = arith.extui %and3A_419 : vector<8x32xi1> to vector<8x32xi32>
    %mul3A_421 = arith.constant 2 : i32
    %mul3A_422 = vector.broadcast %mul3A_421 : i32 to vector<8x32xi32>
    %mul3A_423 = arith.muli %convert_element_type3A_420, %mul3A_422 : vector<8x32xi32>
    %add3A_424 = arith.addi %add3A_391, %mul3A_423 : vector<8x32xi32>
    %add3A_425 = arith.addi %add3A_392, %convert_element_type3A_420 : vector<8x32xi32>
    %add3A_426 = arith.addi %add3A_393, %convert_element_type3A_398 : i32
    %slice3A_427 = vector.extract_strided_slice %select_n3A_162 {offsets = [0, 3], sizes = [1, 1], strides = [1, 1]} : vector<1x8xi32> to vector<1x1xi32>
    %squeeze3A_428 = vector.extract %slice3A_427[0, 0] : i32 from vector<1x1xi32>
    %gt3A_429 = arith.constant 0 : i32
    %gt3A_430 = arith.cmpi sgt, %squeeze3A_428, %gt3A_429 : i32
    %convert_element_type3A_431 = arith.extui %gt3A_430 : i1 to i32
    %eq3A_432 = vector.broadcast %add3A_426 : i32 to vector<8x32xi32>
    %eq3A_433 = arith.cmpi eq, %sub3A_318, %eq3A_432 : vector<8x32xi32>
    %eq3A_434 = arith.constant 1 : i32
    %eq3A_435 = arith.cmpi eq, %convert_element_type3A_431, %eq3A_434 : i32
    %and3A_436 = vector.broadcast %eq3A_435 : i1 to vector<8x32xi1>
    %and3A_437 = arith.andi %eq3A_433, %and3A_436 : vector<8x32xi1>
    %jit3A_438 = arith.constant 3 : i32
    %jit3A_439 = arith.constant 0 : i32
    %broadcast_in_dim3A_440 = vector.broadcast %jit3A_438 : i32 to vector<8x32xi32>
    %broadcast_in_dim3A_441 = vector.broadcast %jit3A_439 : i32 to vector<8x32xi32>
    %select_n3A_442 = arith.select %and3A_437, %broadcast_in_dim3A_440, %broadcast_in_dim3A_441 : vector<8x32xi1>, vector<8x32xi32>
    %add3A_443 = arith.addi %add3A_410, %select_n3A_442 : vector<8x32xi32>
    %add3A_444 = arith.constant 1 : i32
    %add3A_445 = vector.broadcast %add3A_444 : i32 to vector<8x32xi32>
    %add3A_446 = arith.addi %sub3A_318, %add3A_445 : vector<8x32xi32>
    %eq3A_447 = vector.broadcast %add3A_426 : i32 to vector<8x32xi32>
    %eq3A_448 = arith.cmpi eq, %add3A_446, %eq3A_447 : vector<8x32xi32>
    %eq3A_449 = arith.constant 1 : i32
    %eq3A_450 = arith.cmpi eq, %convert_element_type3A_431, %eq3A_449 : i32
    %and3A_451 = vector.broadcast %eq3A_450 : i1 to vector<8x32xi1>
    %and3A_452 = arith.andi %eq3A_448, %and3A_451 : vector<8x32xi1>
    %convert_element_type3A_453 = arith.extui %and3A_452 : vector<8x32xi1> to vector<8x32xi32>
    %mul3A_454 = arith.constant 3 : i32
    %mul3A_455 = vector.broadcast %mul3A_454 : i32 to vector<8x32xi32>
    %mul3A_456 = arith.muli %convert_element_type3A_453, %mul3A_455 : vector<8x32xi32>
    %add3A_457 = arith.addi %add3A_424, %mul3A_456 : vector<8x32xi32>
    %add3A_458 = arith.addi %add3A_425, %convert_element_type3A_453 : vector<8x32xi32>
    %add3A_459 = arith.addi %add3A_426, %convert_element_type3A_431 : i32
    %slice3A_460 = vector.extract_strided_slice %select_n3A_162 {offsets = [0, 4], sizes = [1, 1], strides = [1, 1]} : vector<1x8xi32> to vector<1x1xi32>
    %squeeze3A_461 = vector.extract %slice3A_460[0, 0] : i32 from vector<1x1xi32>
    %gt3A_462 = arith.constant 0 : i32
    %gt3A_463 = arith.cmpi sgt, %squeeze3A_461, %gt3A_462 : i32
    %convert_element_type3A_464 = arith.extui %gt3A_463 : i1 to i32
    %eq3A_465 = vector.broadcast %add3A_459 : i32 to vector<8x32xi32>
    %eq3A_466 = arith.cmpi eq, %sub3A_318, %eq3A_465 : vector<8x32xi32>
    %eq3A_467 = arith.constant 1 : i32
    %eq3A_468 = arith.cmpi eq, %convert_element_type3A_464, %eq3A_467 : i32
    %and3A_469 = vector.broadcast %eq3A_468 : i1 to vector<8x32xi1>
    %and3A_470 = arith.andi %eq3A_466, %and3A_469 : vector<8x32xi1>
    %jit3A_471 = arith.constant 4 : i32
    %jit3A_472 = arith.constant 0 : i32
    %broadcast_in_dim3A_473 = vector.broadcast %jit3A_471 : i32 to vector<8x32xi32>
    %broadcast_in_dim3A_474 = vector.broadcast %jit3A_472 : i32 to vector<8x32xi32>
    %select_n3A_475 = arith.select %and3A_470, %broadcast_in_dim3A_473, %broadcast_in_dim3A_474 : vector<8x32xi1>, vector<8x32xi32>
    %add3A_476 = arith.addi %add3A_443, %select_n3A_475 : vector<8x32xi32>
    %add3A_477 = arith.constant 1 : i32
    %add3A_478 = vector.broadcast %add3A_477 : i32 to vector<8x32xi32>
    %add3A_479 = arith.addi %sub3A_318, %add3A_478 : vector<8x32xi32>
    %eq3A_480 = vector.broadcast %add3A_459 : i32 to vector<8x32xi32>
    %eq3A_481 = arith.cmpi eq, %add3A_479, %eq3A_480 : vector<8x32xi32>
    %eq3A_482 = arith.constant 1 : i32
    %eq3A_483 = arith.cmpi eq, %convert_element_type3A_464, %eq3A_482 : i32
    %and3A_484 = vector.broadcast %eq3A_483 : i1 to vector<8x32xi1>
    %and3A_485 = arith.andi %eq3A_481, %and3A_484 : vector<8x32xi1>
    %convert_element_type3A_486 = arith.extui %and3A_485 : vector<8x32xi1> to vector<8x32xi32>
    %mul3A_487 = arith.constant 4 : i32
    %mul3A_488 = vector.broadcast %mul3A_487 : i32 to vector<8x32xi32>
    %mul3A_489 = arith.muli %convert_element_type3A_486, %mul3A_488 : vector<8x32xi32>
    %add3A_490 = arith.addi %add3A_457, %mul3A_489 : vector<8x32xi32>
    %add3A_491 = arith.addi %add3A_458, %convert_element_type3A_486 : vector<8x32xi32>
    %add3A_492 = arith.addi %add3A_459, %convert_element_type3A_464 : i32
    %slice3A_493 = vector.extract_strided_slice %select_n3A_162 {offsets = [0, 5], sizes = [1, 1], strides = [1, 1]} : vector<1x8xi32> to vector<1x1xi32>
    %squeeze3A_494 = vector.extract %slice3A_493[0, 0] : i32 from vector<1x1xi32>
    %gt3A_495 = arith.constant 0 : i32
    %gt3A_496 = arith.cmpi sgt, %squeeze3A_494, %gt3A_495 : i32
    %convert_element_type3A_497 = arith.extui %gt3A_496 : i1 to i32
    %eq3A_498 = vector.broadcast %add3A_492 : i32 to vector<8x32xi32>
    %eq3A_499 = arith.cmpi eq, %sub3A_318, %eq3A_498 : vector<8x32xi32>
    %eq3A_500 = arith.constant 1 : i32
    %eq3A_501 = arith.cmpi eq, %convert_element_type3A_497, %eq3A_500 : i32
    %and3A_502 = vector.broadcast %eq3A_501 : i1 to vector<8x32xi1>
    %and3A_503 = arith.andi %eq3A_499, %and3A_502 : vector<8x32xi1>
    %jit3A_504 = arith.constant 5 : i32
    %jit3A_505 = arith.constant 0 : i32
    %broadcast_in_dim3A_506 = vector.broadcast %jit3A_504 : i32 to vector<8x32xi32>
    %broadcast_in_dim3A_507 = vector.broadcast %jit3A_505 : i32 to vector<8x32xi32>
    %select_n3A_508 = arith.select %and3A_503, %broadcast_in_dim3A_506, %broadcast_in_dim3A_507 : vector<8x32xi1>, vector<8x32xi32>
    %add3A_509 = arith.addi %add3A_476, %select_n3A_508 : vector<8x32xi32>
    %add3A_510 = arith.constant 1 : i32
    %add3A_511 = vector.broadcast %add3A_510 : i32 to vector<8x32xi32>
    %add3A_512 = arith.addi %sub3A_318, %add3A_511 : vector<8x32xi32>
    %eq3A_513 = vector.broadcast %add3A_492 : i32 to vector<8x32xi32>
    %eq3A_514 = arith.cmpi eq, %add3A_512, %eq3A_513 : vector<8x32xi32>
    %eq3A_515 = arith.constant 1 : i32
    %eq3A_516 = arith.cmpi eq, %convert_element_type3A_497, %eq3A_515 : i32
    %and3A_517 = vector.broadcast %eq3A_516 : i1 to vector<8x32xi1>
    %and3A_518 = arith.andi %eq3A_514, %and3A_517 : vector<8x32xi1>
    %convert_element_type3A_519 = arith.extui %and3A_518 : vector<8x32xi1> to vector<8x32xi32>
    %mul3A_520 = arith.constant 5 : i32
    %mul3A_521 = vector.broadcast %mul3A_520 : i32 to vector<8x32xi32>
    %mul3A_522 = arith.muli %convert_element_type3A_519, %mul3A_521 : vector<8x32xi32>
    %add3A_523 = arith.addi %add3A_490, %mul3A_522 : vector<8x32xi32>
    %add3A_524 = arith.addi %add3A_491, %convert_element_type3A_519 : vector<8x32xi32>
    %add3A_525 = arith.addi %add3A_492, %convert_element_type3A_497 : i32
    %slice3A_526 = vector.extract_strided_slice %select_n3A_162 {offsets = [0, 6], sizes = [1, 1], strides = [1, 1]} : vector<1x8xi32> to vector<1x1xi32>
    %squeeze3A_527 = vector.extract %slice3A_526[0, 0] : i32 from vector<1x1xi32>
    %gt3A_528 = arith.constant 0 : i32
    %gt3A_529 = arith.cmpi sgt, %squeeze3A_527, %gt3A_528 : i32
    %convert_element_type3A_530 = arith.extui %gt3A_529 : i1 to i32
    %eq3A_531 = vector.broadcast %add3A_525 : i32 to vector<8x32xi32>
    %eq3A_532 = arith.cmpi eq, %sub3A_318, %eq3A_531 : vector<8x32xi32>
    %eq3A_533 = arith.constant 1 : i32
    %eq3A_534 = arith.cmpi eq, %convert_element_type3A_530, %eq3A_533 : i32
    %and3A_535 = vector.broadcast %eq3A_534 : i1 to vector<8x32xi1>
    %and3A_536 = arith.andi %eq3A_532, %and3A_535 : vector<8x32xi1>
    %jit3A_537 = arith.constant 6 : i32
    %jit3A_538 = arith.constant 0 : i32
    %broadcast_in_dim3A_539 = vector.broadcast %jit3A_537 : i32 to vector<8x32xi32>
    %broadcast_in_dim3A_540 = vector.broadcast %jit3A_538 : i32 to vector<8x32xi32>
    %select_n3A_541 = arith.select %and3A_536, %broadcast_in_dim3A_539, %broadcast_in_dim3A_540 : vector<8x32xi1>, vector<8x32xi32>
    %add3A_542 = arith.addi %add3A_509, %select_n3A_541 : vector<8x32xi32>
    %add3A_543 = arith.constant 1 : i32
    %add3A_544 = vector.broadcast %add3A_543 : i32 to vector<8x32xi32>
    %add3A_545 = arith.addi %sub3A_318, %add3A_544 : vector<8x32xi32>
    %eq3A_546 = vector.broadcast %add3A_525 : i32 to vector<8x32xi32>
    %eq3A_547 = arith.cmpi eq, %add3A_545, %eq3A_546 : vector<8x32xi32>
    %eq3A_548 = arith.constant 1 : i32
    %eq3A_549 = arith.cmpi eq, %convert_element_type3A_530, %eq3A_548 : i32
    %and3A_550 = vector.broadcast %eq3A_549 : i1 to vector<8x32xi1>
    %and3A_551 = arith.andi %eq3A_547, %and3A_550 : vector<8x32xi1>
    %convert_element_type3A_552 = arith.extui %and3A_551 : vector<8x32xi1> to vector<8x32xi32>
    %mul3A_553 = arith.constant 6 : i32
    %mul3A_554 = vector.broadcast %mul3A_553 : i32 to vector<8x32xi32>
    %mul3A_555 = arith.muli %convert_element_type3A_552, %mul3A_554 : vector<8x32xi32>
    %add3A_556 = arith.addi %add3A_523, %mul3A_555 : vector<8x32xi32>
    %add3A_557 = arith.addi %add3A_524, %convert_element_type3A_552 : vector<8x32xi32>
    %add3A_558 = arith.addi %add3A_525, %convert_element_type3A_530 : i32
    %slice3A_559 = vector.extract_strided_slice %select_n3A_162 {offsets = [0, 7], sizes = [1, 1], strides = [1, 1]} : vector<1x8xi32> to vector<1x1xi32>
    %squeeze3A_560 = vector.extract %slice3A_559[0, 0] : i32 from vector<1x1xi32>
    %gt3A_561 = arith.constant 0 : i32
    %gt3A_562 = arith.cmpi sgt, %squeeze3A_560, %gt3A_561 : i32
    %convert_element_type3A_563 = arith.extui %gt3A_562 : i1 to i32
    %eq3A_564 = vector.broadcast %add3A_558 : i32 to vector<8x32xi32>
    %eq3A_565 = arith.cmpi eq, %sub3A_318, %eq3A_564 : vector<8x32xi32>
    %eq3A_566 = arith.constant 1 : i32
    %eq3A_567 = arith.cmpi eq, %convert_element_type3A_563, %eq3A_566 : i32
    %and3A_568 = vector.broadcast %eq3A_567 : i1 to vector<8x32xi1>
    %and3A_569 = arith.andi %eq3A_565, %and3A_568 : vector<8x32xi1>
    %jit3A_570 = arith.constant 7 : i32
    %jit3A_571 = arith.constant 0 : i32
    %broadcast_in_dim3A_572 = vector.broadcast %jit3A_570 : i32 to vector<8x32xi32>
    %broadcast_in_dim3A_573 = vector.broadcast %jit3A_571 : i32 to vector<8x32xi32>
    %select_n3A_574 = arith.select %and3A_569, %broadcast_in_dim3A_572, %broadcast_in_dim3A_573 : vector<8x32xi1>, vector<8x32xi32>
    %add3A_575 = arith.addi %add3A_542, %select_n3A_574 : vector<8x32xi32>
    %add3A_576 = arith.constant 1 : i32
    %add3A_577 = vector.broadcast %add3A_576 : i32 to vector<8x32xi32>
    %add3A_578 = arith.addi %sub3A_318, %add3A_577 : vector<8x32xi32>
    %eq3A_579 = vector.broadcast %add3A_558 : i32 to vector<8x32xi32>
    %eq3A_580 = arith.cmpi eq, %add3A_578, %eq3A_579 : vector<8x32xi32>
    %eq3A_581 = arith.constant 1 : i32
    %eq3A_582 = arith.cmpi eq, %convert_element_type3A_563, %eq3A_581 : i32
    %and3A_583 = vector.broadcast %eq3A_582 : i1 to vector<8x32xi1>
    %and3A_584 = arith.andi %eq3A_580, %and3A_583 : vector<8x32xi1>
    %convert_element_type3A_585 = arith.extui %and3A_584 : vector<8x32xi1> to vector<8x32xi32>
    %mul3A_586 = arith.constant 7 : i32
    %mul3A_587 = vector.broadcast %mul3A_586 : i32 to vector<8x32xi32>
    %mul3A_588 = arith.muli %convert_element_type3A_585, %mul3A_587 : vector<8x32xi32>
    %add3A_589 = arith.addi %add3A_556, %mul3A_588 : vector<8x32xi32>
    %add3A_590 = arith.addi %add3A_557, %convert_element_type3A_585 : vector<8x32xi32>
    %eq3A_591 = arith.constant 1 : i32
    %eq3A_592 = vector.broadcast %eq3A_591 : i32 to vector<8x32xi32>
    %eq3A_593 = arith.cmpi eq, %add3A_590, %eq3A_592 : vector<8x32xi32>
    %select_n3A_594 = arith.select %eq3A_593, %add3A_589, %add3A_575 : vector<8x32xi1>, vector<8x32xi32>
    %iota3A_595 = tpu.iota {dimensions = array<i32: 0>} : vector<8x32xi32>
    %eq3A_596 = arith.constant 1 : i32
    %eq3A_597 = vector.broadcast %eq3A_596 : i32 to vector<8x32xi32>
    %eq3A_598 = arith.cmpi eq, %iota3A_595, %eq3A_597 : vector<8x32xi32>
    %and3A_599 = arith.constant 1 : i32
    %and3A_600 = vector.broadcast %and3A_599 : i32 to vector<8x32xi32>
    %and3A_601 = arith.andi %sub3A_318, %and3A_600 : vector<8x32xi32>
    %select_n3A_602 = arith.select %eq3A_598, %and3A_601, %add3A_575 : vector<8x32xi1>, vector<8x32xi32>
    %eq3A_603 = arith.constant 2 : i32
    %eq3A_604 = vector.broadcast %eq3A_603 : i32 to vector<8x32xi32>
    %eq3A_605 = arith.cmpi eq, %iota3A_595, %eq3A_604 : vector<8x32xi32>
    %select_n3A_606 = arith.select %eq3A_605, %select_n3A_594, %select_n3A_602 : vector<8x32xi1>, vector<8x32xi32>
    %eq3A_607 = arith.constant 3 : i32
    %eq3A_608 = vector.broadcast %eq3A_607 : i32 to vector<8x32xi32>
    %eq3A_609 = arith.cmpi eq, %iota3A_595, %eq3A_608 : vector<8x32xi32>
    %reduce_sum3A_610 = vector.shape_cast %select_n3A_162 : vector<1x8xi32> to vector<1x1x8xi32>
    %reduce_sum3A_611 = arith.constant dense<0> : vector<1xi32>
    %reduce_sum3A_612 = vector.multi_reduction <add>, %reduce_sum3A_610, %reduce_sum3A_611 [1, 2] : vector<1x1x8xi32> to vector<1xi32>
    %reduce_sum3A_613 = vector.shape_cast %reduce_sum3A_612 : vector<1xi32> to vector<1x1x1xi32>
    %reduce_sum3A_614 = vector.extract %reduce_sum3A_613[0, 0, 0] : i32 from vector<1x1x1xi32>
    %broadcast_in_dim3A_615 = vector.broadcast %reduce_sum3A_614 : i32 to vector<8x32xi32>
    %select_n3A_616 = arith.select %eq3A_609, %broadcast_in_dim3A_615, %select_n3A_606 : vector<8x32xi1>, vector<8x32xi32>
    %swap3A_617 = arith.constant 0 : index
    %swap3A_618 = arith.constant 0 : index
    %swap3A_619 = vector.load %arg6[%swap3A_617, %swap3A_618] : memref<8x32xi32, #tpu.memory_space<vmem>>, vector<8x32xi32>
    tpu.vector_store %arg6[%swap3A_617, %swap3A_618], %select_n3A_616 {strides = array<i32>} : memref<8x32xi32, #tpu.memory_space<vmem>>, vector<8x32xi32>,
    return
  }
  func.func @transform_0(%arg0: i32) -> (i32, i32) {
    %c0_i32 = arith.constant 0 : i32
    %c0_i32_0 = arith.constant 0 : i32
    %c0_i32_1 = arith.constant 0 : i32
    return %c0_i32, %c0_i32_0 : i32, i32
  }
  func.func @transform_1(%arg0: i32) -> (i32, i32) {
    %c0_i32 = arith.constant 0 : i32
    %c0_i32_0 = arith.constant 0 : i32
    %c0_i32_1 = arith.constant 0 : i32
    return %c0_i32, %c0_i32_0 : i32, i32
  }
  func.func @transform_2(%arg0: i32) -> (i32, i32) {
    %c0_i32 = arith.constant 0 : i32
    %c0_i32_0 = arith.constant 0 : i32
    %c0_i32_1 = arith.constant 0 : i32
    return %c0_i32, %c0_i32_0 : i32, i32
  }
  func.func @transform_3(%arg0: i32) -> (i32, i32) {
    %c0_i32 = arith.constant 0 : i32
    %c0_i32_0 = arith.constant 0 : i32
    %c0_i32_1 = arith.constant 0 : i32
    return %c0_i32, %c0_i32_0 : i32, i32
  }
  func.func @transform_4(%arg0: i32) -> (i32, i32) {
    %c0_i32 = arith.constant 0 : i32
    %c0_i32_0 = arith.constant 0 : i32
    %c0_i32_1 = arith.constant 0 : i32
    return %c0_i32, %c0_i32_0 : i32, i32
  }
  func.func @transform_5(%arg0: i32) -> (i32, i32) {
    %c0_i32 = arith.constant 0 : i32
    %c0_i32_0 = arith.constant 0 : i32
    %c0_i32_1 = arith.constant 0 : i32
    return %c0_i32, %c0_i32_0 : i32, i32
  }
  func.func @transform_6(%arg0: i32) -> (i32, i32) {
    %c0_i32 = arith.constant 0 : i32
    %c0_i32_0 = arith.constant 0 : i32
    %c0_i32_1 = arith.constant 0 : i32
    return %c0_i32, %c0_i32_0 : i32, i32
  }
}

module attributes {stable_mosaic.version = 14 : i64} {
  func.func @_ffn_body(%arg0: i32, %arg1: memref<4x23xi32, #tpu.memory_space<smem>>, %arg2: memref<256x1024xf32, #tpu.memory_space<vmem>>, %arg3: memref<8x2048x1024xbf16, #tpu.memory_space<hbm>>, %arg4: memref<1x1x2048xf32, #tpu.memory_space<vmem>>, %arg5: memref<8x1024x2048xbf16, #tpu.memory_space<hbm>>, %arg6: memref<1x1x1024xf32, #tpu.memory_space<vmem>>, %arg7: memref<256x1024xf32, #tpu.memory_space<vmem>>, %arg8: memref<2x2048x1024xbf16, #tpu.memory_space<vmem>>, %arg9: memref<2x1024x2048xbf16, #tpu.memory_space<vmem>>, %arg10: memref<2x!tpu.dma_semaphore, #tpu.memory_space<semaphore_mem>>, %arg11: memref<2x!tpu.dma_semaphore, #tpu.memory_space<semaphore_mem>>) attributes {dimension_semantics = [#tpu.dimension_semantics<arbitrary>], iteration_bounds = array<i64: 23>, scalar_prefetch = 1 : i64, scratch_operands = 4 : i64, tpu.core_type = #tpu.core_type<tc>, window_params = [{transform_indices = @transform_0, window_bounds = array<i64: 256, 1024>}, {}, {transform_indices = @transform_2, window_bounds = array<i64: 1, 1, 2048>}, {}, {transform_indices = @transform_4, window_bounds = array<i64: 1, 1, 1024>}, {transform_indices = @transform_5, window_bounds = array<i64: 256, 1024>}]} {
    %get3A = arith.constant 0 : index
    %get3A_0 = arith.index_cast %arg0 : i32 to index
    %get3A_1 = memref.load %arg1[%get3A, %get3A_0] : memref<4x23xi32, #tpu.memory_space<smem>>
    %get3A_2 = arith.constant 1 : index
    %get3A_3 = arith.index_cast %arg0 : i32 to index
    %get3A_4 = memref.load %arg1[%get3A_2, %get3A_3] : memref<4x23xi32, #tpu.memory_space<smem>>
    %eq3A = arith.constant 0 : i32
    %eq3A_5 = arith.cmpi eq, %arg0, %eq3A : i32
    %convert_element_type3A = arith.extui %eq3A_5 : i1 to i32
    %cond3A = arith.constant 0 : i32
    %cond3A_6 = arith.cmpi ne, %convert_element_type3A, %cond3A : i32
    scf.if %cond3A_6 {
      %dma_start3A = tpu.memref_slice %arg10[%get3A_4] : memref<2x!tpu.dma_semaphore, #tpu.memory_space<semaphore_mem>> -> memref<1x!tpu.dma_semaphore, #tpu.memory_space<semaphore_mem>>
      %dma_start3A_36 = tpu.memref_squeeze %dma_start3A : memref<1x!tpu.dma_semaphore, #tpu.memory_space<semaphore_mem>> -> memref<!tpu.dma_semaphore, #tpu.memory_space<semaphore_mem>>
      %dma_start3A_37 = arith.constant 0 : i32
      %dma_start3A_38 = arith.constant 0 : i32
      %dma_start3A_39 = tpu.memref_slice %arg8[%get3A_4, %dma_start3A_37, %dma_start3A_38] : memref<2x2048x1024xbf16, #tpu.memory_space<vmem>> -> memref<1x2048x1024xbf16, #tpu.memory_space<vmem>>
      %dma_start3A_40 = tpu.memref_squeeze %dma_start3A_39 : memref<1x2048x1024xbf16, #tpu.memory_space<vmem>> -> memref<2048x1024xbf16, #tpu.memory_space<vmem>>
      %dma_start3A_41 = arith.constant 0 : i32
      %dma_start3A_42 = arith.constant 0 : i32
      %dma_start3A_43 = tpu.memref_slice %arg3[%get3A_1, %dma_start3A_41, %dma_start3A_42] : memref<8x2048x1024xbf16, #tpu.memory_space<hbm>> -> memref<1x2048x1024xbf16, #tpu.memory_space<hbm>>
      %dma_start3A_44 = tpu.memref_squeeze %dma_start3A_43 : memref<1x2048x1024xbf16, #tpu.memory_space<hbm>> -> memref<2048x1024xbf16, #tpu.memory_space<hbm>>
      tpu.enqueue_dma source(%dma_start3A_44 : memref<2048x1024xbf16, #tpu.memory_space<hbm>>) target(%dma_start3A_40 : memref<2048x1024xbf16, #tpu.memory_space<vmem>>) target_semaphore(%dma_start3A_36 : memref<!tpu.dma_semaphore, #tpu.memory_space<semaphore_mem>>)
      %dma_start3A_45 = tpu.memref_slice %arg11[%get3A_4] : memref<2x!tpu.dma_semaphore, #tpu.memory_space<semaphore_mem>> -> memref<1x!tpu.dma_semaphore, #tpu.memory_space<semaphore_mem>>
      %dma_start3A_46 = tpu.memref_squeeze %dma_start3A_45 : memref<1x!tpu.dma_semaphore, #tpu.memory_space<semaphore_mem>> -> memref<!tpu.dma_semaphore, #tpu.memory_space<semaphore_mem>>
      %dma_start3A_47 = arith.constant 0 : i32
      %dma_start3A_48 = arith.constant 0 : i32
      %dma_start3A_49 = tpu.memref_slice %arg9[%get3A_4, %dma_start3A_47, %dma_start3A_48] : memref<2x1024x2048xbf16, #tpu.memory_space<vmem>> -> memref<1x1024x2048xbf16, #tpu.memory_space<vmem>>
      %dma_start3A_50 = tpu.memref_squeeze %dma_start3A_49 : memref<1x1024x2048xbf16, #tpu.memory_space<vmem>> -> memref<1024x2048xbf16, #tpu.memory_space<vmem>>
      %dma_start3A_51 = arith.constant 0 : i32
      %dma_start3A_52 = arith.constant 0 : i32
      %dma_start3A_53 = tpu.memref_slice %arg5[%get3A_1, %dma_start3A_51, %dma_start3A_52] : memref<8x1024x2048xbf16, #tpu.memory_space<hbm>> -> memref<1x1024x2048xbf16, #tpu.memory_space<hbm>>
      %dma_start3A_54 = tpu.memref_squeeze %dma_start3A_53 : memref<1x1024x2048xbf16, #tpu.memory_space<hbm>> -> memref<1024x2048xbf16, #tpu.memory_space<hbm>>
      tpu.enqueue_dma source(%dma_start3A_54 : memref<1024x2048xbf16, #tpu.memory_space<hbm>>) target(%dma_start3A_50 : memref<1024x2048xbf16, #tpu.memory_space<vmem>>) target_semaphore(%dma_start3A_46 : memref<!tpu.dma_semaphore, #tpu.memory_space<semaphore_mem>>)
    } else {
    }
    %sub3A = arith.constant 1 : i32
    %sub3A_7 = arith.subi %arg0, %sub3A : i32
    %max3A = arith.constant 0 : i32
    %max3A_8 = arith.maxsi %sub3A_7, %max3A : i32
    %get3A_9 = arith.constant 0 : index
    %get3A_10 = arith.index_cast %max3A_8 : i32 to index
    %get3A_11 = memref.load %arg1[%get3A_9, %get3A_10] : memref<4x23xi32, #tpu.memory_space<smem>>
    %eq3A_12 = arith.constant 0 : i32
    %eq3A_13 = arith.cmpi eq, %arg0, %eq3A_12 : i32
    %ne3A = arith.cmpi ne, %get3A_1, %get3A_11 : i32
    %or3A = arith.ori %eq3A_13, %ne3A : i1
    %convert_element_type3A_14 = arith.extui %or3A : i1 to i32
    %cond3A_15 = arith.constant 0 : i32
    %cond3A_16 = arith.cmpi ne, %convert_element_type3A_14, %cond3A_15 : i32
    scf.if %cond3A_16 {
      %dma_wait3A = tpu.memref_slice %arg10[%get3A_4] : memref<2x!tpu.dma_semaphore, #tpu.memory_space<semaphore_mem>> -> memref<1x!tpu.dma_semaphore, #tpu.memory_space<semaphore_mem>>
      %dma_wait3A_36 = tpu.memref_squeeze %dma_wait3A : memref<1x!tpu.dma_semaphore, #tpu.memory_space<semaphore_mem>> -> memref<!tpu.dma_semaphore, #tpu.memory_space<semaphore_mem>>
      %dma_wait3A_37 = arith.constant 0 : i32
      %dma_wait3A_38 = arith.constant 0 : i32
      %dma_wait3A_39 = tpu.memref_slice %arg8[%get3A_4, %dma_wait3A_37, %dma_wait3A_38] : memref<2x2048x1024xbf16, #tpu.memory_space<vmem>> -> memref<1x2048x1024xbf16, #tpu.memory_space<vmem>>
      %dma_wait3A_40 = tpu.memref_squeeze %dma_wait3A_39 : memref<1x2048x1024xbf16, #tpu.memory_space<vmem>> -> memref<2048x1024xbf16, #tpu.memory_space<vmem>>
      %dma_wait3A_41 = arith.constant 0 : i32
      %dma_wait3A_42 = arith.constant 0 : i32
      %dma_wait3A_43 = tpu.memref_slice %arg3[%get3A_1, %dma_wait3A_41, %dma_wait3A_42] : memref<8x2048x1024xbf16, #tpu.memory_space<hbm>> -> memref<1x2048x1024xbf16, #tpu.memory_space<hbm>>
      %dma_wait3A_44 = tpu.memref_squeeze %dma_wait3A_43 : memref<1x2048x1024xbf16, #tpu.memory_space<hbm>> -> memref<2048x1024xbf16, #tpu.memory_space<hbm>>
      tpu.wait_dma2 semaphore(%dma_wait3A_36 : memref<!tpu.dma_semaphore, #tpu.memory_space<semaphore_mem>>) src(%dma_wait3A_44 : memref<2048x1024xbf16, #tpu.memory_space<hbm>>) dst(%dma_wait3A_40 : memref<2048x1024xbf16, #tpu.memory_space<vmem>>)
      %dma_wait3A_45 = tpu.memref_slice %arg11[%get3A_4] : memref<2x!tpu.dma_semaphore, #tpu.memory_space<semaphore_mem>> -> memref<1x!tpu.dma_semaphore, #tpu.memory_space<semaphore_mem>>
      %dma_wait3A_46 = tpu.memref_squeeze %dma_wait3A_45 : memref<1x!tpu.dma_semaphore, #tpu.memory_space<semaphore_mem>> -> memref<!tpu.dma_semaphore, #tpu.memory_space<semaphore_mem>>
      %dma_wait3A_47 = arith.constant 0 : i32
      %dma_wait3A_48 = arith.constant 0 : i32
      %dma_wait3A_49 = tpu.memref_slice %arg9[%get3A_4, %dma_wait3A_47, %dma_wait3A_48] : memref<2x1024x2048xbf16, #tpu.memory_space<vmem>> -> memref<1x1024x2048xbf16, #tpu.memory_space<vmem>>
      %dma_wait3A_50 = tpu.memref_squeeze %dma_wait3A_49 : memref<1x1024x2048xbf16, #tpu.memory_space<vmem>> -> memref<1024x2048xbf16, #tpu.memory_space<vmem>>
      %dma_wait3A_51 = arith.constant 0 : i32
      %dma_wait3A_52 = arith.constant 0 : i32
      %dma_wait3A_53 = tpu.memref_slice %arg5[%get3A_1, %dma_wait3A_51, %dma_wait3A_52] : memref<8x1024x2048xbf16, #tpu.memory_space<hbm>> -> memref<1x1024x2048xbf16, #tpu.memory_space<hbm>>
      %dma_wait3A_54 = tpu.memref_squeeze %dma_wait3A_53 : memref<1x1024x2048xbf16, #tpu.memory_space<hbm>> -> memref<1024x2048xbf16, #tpu.memory_space<hbm>>
      tpu.wait_dma2 semaphore(%dma_wait3A_46 : memref<!tpu.dma_semaphore, #tpu.memory_space<semaphore_mem>>) src(%dma_wait3A_54 : memref<1024x2048xbf16, #tpu.memory_space<hbm>>) dst(%dma_wait3A_50 : memref<1024x2048xbf16, #tpu.memory_space<vmem>>)
    } else {
    }
    %get3A_17 = arith.constant 2 : index
    %get3A_18 = arith.index_cast %arg0 : i32 to index
    %get3A_19 = memref.load %arg1[%get3A_17, %get3A_18] : memref<4x23xi32, #tpu.memory_space<smem>>
    %sub3A_20 = arith.constant 1 : i32
    %sub3A_21 = arith.subi %sub3A_20, %get3A_4 : i32
    %eq3A_22 = arith.constant 0 : i32
    %eq3A_23 = arith.cmpi eq, %arg0, %eq3A_22 : i32
    %ne3A_24 = arith.cmpi ne, %get3A_1, %get3A_11 : i32
    %or3A_25 = arith.ori %eq3A_23, %ne3A_24 : i1
    %ne3A_26 = arith.cmpi ne, %get3A_19, %get3A_1 : i32
    %and3A = arith.andi %or3A_25, %ne3A_26 : i1
    %convert_element_type3A_27 = arith.extui %and3A : i1 to i32
    %cond3A_28 = arith.constant 0 : i32
    %cond3A_29 = arith.cmpi ne, %convert_element_type3A_27, %cond3A_28 : i32
    scf.if %cond3A_29 {
      %dma_start3A = tpu.memref_slice %arg10[%sub3A_21] : memref<2x!tpu.dma_semaphore, #tpu.memory_space<semaphore_mem>> -> memref<1x!tpu.dma_semaphore, #tpu.memory_space<semaphore_mem>>
      %dma_start3A_36 = tpu.memref_squeeze %dma_start3A : memref<1x!tpu.dma_semaphore, #tpu.memory_space<semaphore_mem>> -> memref<!tpu.dma_semaphore, #tpu.memory_space<semaphore_mem>>
      %dma_start3A_37 = arith.constant 0 : i32
      %dma_start3A_38 = arith.constant 0 : i32
      %dma_start3A_39 = tpu.memref_slice %arg8[%sub3A_21, %dma_start3A_37, %dma_start3A_38] : memref<2x2048x1024xbf16, #tpu.memory_space<vmem>> -> memref<1x2048x1024xbf16, #tpu.memory_space<vmem>>
      %dma_start3A_40 = tpu.memref_squeeze %dma_start3A_39 : memref<1x2048x1024xbf16, #tpu.memory_space<vmem>> -> memref<2048x1024xbf16, #tpu.memory_space<vmem>>
      %dma_start3A_41 = arith.constant 0 : i32
      %dma_start3A_42 = arith.constant 0 : i32
      %dma_start3A_43 = tpu.memref_slice %arg3[%get3A_19, %dma_start3A_41, %dma_start3A_42] : memref<8x2048x1024xbf16, #tpu.memory_space<hbm>> -> memref<1x2048x1024xbf16, #tpu.memory_space<hbm>>
      %dma_start3A_44 = tpu.memref_squeeze %dma_start3A_43 : memref<1x2048x1024xbf16, #tpu.memory_space<hbm>> -> memref<2048x1024xbf16, #tpu.memory_space<hbm>>
      tpu.enqueue_dma source(%dma_start3A_44 : memref<2048x1024xbf16, #tpu.memory_space<hbm>>) target(%dma_start3A_40 : memref<2048x1024xbf16, #tpu.memory_space<vmem>>) target_semaphore(%dma_start3A_36 : memref<!tpu.dma_semaphore, #tpu.memory_space<semaphore_mem>>)
      %dma_start3A_45 = tpu.memref_slice %arg11[%sub3A_21] : memref<2x!tpu.dma_semaphore, #tpu.memory_space<semaphore_mem>> -> memref<1x!tpu.dma_semaphore, #tpu.memory_space<semaphore_mem>>
      %dma_start3A_46 = tpu.memref_squeeze %dma_start3A_45 : memref<1x!tpu.dma_semaphore, #tpu.memory_space<semaphore_mem>> -> memref<!tpu.dma_semaphore, #tpu.memory_space<semaphore_mem>>
      %dma_start3A_47 = arith.constant 0 : i32
      %dma_start3A_48 = arith.constant 0 : i32
      %dma_start3A_49 = tpu.memref_slice %arg9[%sub3A_21, %dma_start3A_47, %dma_start3A_48] : memref<2x1024x2048xbf16, #tpu.memory_space<vmem>> -> memref<1x1024x2048xbf16, #tpu.memory_space<vmem>>
      %dma_start3A_50 = tpu.memref_squeeze %dma_start3A_49 : memref<1x1024x2048xbf16, #tpu.memory_space<vmem>> -> memref<1024x2048xbf16, #tpu.memory_space<vmem>>
      %dma_start3A_51 = arith.constant 0 : i32
      %dma_start3A_52 = arith.constant 0 : i32
      %dma_start3A_53 = tpu.memref_slice %arg5[%get3A_19, %dma_start3A_51, %dma_start3A_52] : memref<8x1024x2048xbf16, #tpu.memory_space<hbm>> -> memref<1x1024x2048xbf16, #tpu.memory_space<hbm>>
      %dma_start3A_54 = tpu.memref_squeeze %dma_start3A_53 : memref<1x1024x2048xbf16, #tpu.memory_space<hbm>> -> memref<1024x2048xbf16, #tpu.memory_space<hbm>>
      tpu.enqueue_dma source(%dma_start3A_54 : memref<1024x2048xbf16, #tpu.memory_space<hbm>>) target(%dma_start3A_50 : memref<1024x2048xbf16, #tpu.memory_space<vmem>>) target_semaphore(%dma_start3A_46 : memref<!tpu.dma_semaphore, #tpu.memory_space<semaphore_mem>>)
    } else {
    }
    %get3A_30 = arith.constant 3 : index
    %get3A_31 = arith.constant 0 : index
    %get3A_32 = memref.load %arg1[%get3A_30, %get3A_31] : memref<4x23xi32, #tpu.memory_space<smem>>
    %lt3A = arith.cmpi slt, %arg0, %get3A_32 : i32
    %convert_element_type3A_33 = arith.extui %lt3A : i1 to i32
    %cond3A_34 = arith.constant 0 : i32
    %cond3A_35 = arith.cmpi ne, %convert_element_type3A_33, %cond3A_34 : i32
    scf.if %cond3A_35 {
      %get3A_36 = arith.constant 0 : index
      %get3A_37 = arith.constant 0 : index
      %get3A_38 = vector.load %arg2[%get3A_36, %get3A_37] : memref<256x1024xf32, #tpu.memory_space<vmem>>, vector<256x1024xf32>
      %convert_element_type3A_39 = arith.truncf %get3A_38 : vector<256x1024xf32> to vector<256x1024xbf16>
      %get3A_40 = arith.index_cast %get3A_4 : i32 to index
      %get3A_41 = arith.constant 0 : index
      %get3A_42 = arith.constant 0 : index
      %get3A_43 = vector.load %arg8[%get3A_40, %get3A_41, %get3A_42] : memref<2x2048x1024xbf16, #tpu.memory_space<vmem>>, vector<1x2048x1024xbf16>
      %get3A_44 = vector.shape_cast %get3A_43 : vector<1x2048x1024xbf16> to vector<2048x1024xbf16>
      %dot_general3A = arith.constant dense<0.000000e+00> : vector<256x2048xf32>
      %dot_general3A_45 = tpu.matmul %convert_element_type3A_39, %get3A_44, %dot_general3A {dimension_numbers = #tpu.dot_dimension_numbers<[1], [1], [0], [0], [0, 0, 1, 0], [], []>, transpose_lhs_hint = false} : vector<256x1024xbf16>, vector<2048x1024xbf16>, vector<256x2048xf32> -> vector<256x2048xf32>
      %get3A_46 = arith.constant 0 : index
      %get3A_47 = arith.constant 0 : index
      %get3A_48 = arith.constant 0 : index
      %get3A_49 = vector.load %arg4[%get3A_46, %get3A_47, %get3A_48] : memref<1x1x2048xf32, #tpu.memory_space<vmem>>, vector<1x1x2048xf32>
      %get3A_50 = vector.shape_cast %get3A_49 : vector<1x1x2048xf32> to vector<1x2048xf32>
      %add3A = vector.broadcast %get3A_50 : vector<1x2048xf32> to vector<256x2048xf32>
      %add3A_51 = arith.addf %dot_general3A_45, %add3A : vector<256x2048xf32>
      %max3A_52 = arith.constant 0.000000e+00 : f32
      %max3A_53 = vector.broadcast %max3A_52 : f32 to vector<256x2048xf32>
      %max3A_54 = arith.maximumf %add3A_51, %max3A_53 : vector<256x2048xf32>
      %convert_element_type3A_55 = arith.truncf %max3A_54 : vector<256x2048xf32> to vector<256x2048xbf16>
      %get3A_56 = arith.index_cast %get3A_4 : i32 to index
      %get3A_57 = arith.constant 0 : index
      %get3A_58 = arith.constant 0 : index
      %get3A_59 = vector.load %arg9[%get3A_56, %get3A_57, %get3A_58] : memref<2x1024x2048xbf16, #tpu.memory_space<vmem>>, vector<1x1024x2048xbf16>
      %get3A_60 = vector.shape_cast %get3A_59 : vector<1x1024x2048xbf16> to vector<1024x2048xbf16>
      %dot_general3A_61 = arith.constant dense<0.000000e+00> : vector<256x1024xf32>
      %dot_general3A_62 = tpu.matmul %convert_element_type3A_55, %get3A_60, %dot_general3A_61 {dimension_numbers = #tpu.dot_dimension_numbers<[1], [1], [0], [0], [0, 0, 1, 0], [], []>, transpose_lhs_hint = false} : vector<256x2048xbf16>, vector<1024x2048xbf16>, vector<256x1024xf32> -> vector<256x1024xf32>
      %get3A_63 = arith.constant 0 : index
      %get3A_64 = arith.constant 0 : index
      %get3A_65 = arith.constant 0 : index
      %get3A_66 = vector.load %arg6[%get3A_63, %get3A_64, %get3A_65] : memref<1x1x1024xf32, #tpu.memory_space<vmem>>, vector<1x1x1024xf32>
      %get3A_67 = vector.shape_cast %get3A_66 : vector<1x1x1024xf32> to vector<1x1024xf32>
      %add3A_68 = vector.broadcast %get3A_67 : vector<1x1024xf32> to vector<256x1024xf32>
      %add3A_69 = arith.addf %dot_general3A_62, %add3A_68 : vector<256x1024xf32>
      %swap3A = arith.constant 0 : index
      %swap3A_70 = arith.constant 0 : index
      %swap3A_71 = vector.load %arg7[%swap3A, %swap3A_70] : memref<256x1024xf32, #tpu.memory_space<vmem>>, vector<256x1024xf32>
      tpu.vector_store %arg7[%swap3A, %swap3A_70], %add3A_69 {strides = array<i32>} : memref<256x1024xf32, #tpu.memory_space<vmem>>, vector<256x1024xf32>,
    } else {
    }
    return
  }
  func.func @transform_0(%arg0: i32, %arg1: memref<4x23xi32, #tpu.memory_space<smem>>) -> (i32, i32) {
    %get3A = arith.constant 3 : index
    %get3A_0 = arith.constant 0 : index
    %get3A_1 = memref.load %arg1[%get3A, %get3A_0] : memref<4x23xi32, #tpu.memory_space<smem>>
    %sub3A = arith.constant 1 : i32
    %sub3A_2 = arith.subi %get3A_1, %sub3A : i32
    %min3A = arith.minsi %arg0, %sub3A_2 : i32
    %c0_i32 = arith.constant 0 : i32
    %c0_i32_3 = arith.constant 0 : i32
    return %min3A, %c0_i32 : i32, i32
  }
  func.func @transform_2(%arg0: i32, %arg1: memref<4x23xi32, #tpu.memory_space<smem>>) -> (i32, i32, i32) {
    %get3A = arith.constant 0 : index
    %get3A_0 = arith.index_cast %arg0 : i32 to index
    %get3A_1 = memref.load %arg1[%get3A, %get3A_0] : memref<4x23xi32, #tpu.memory_space<smem>>
    %c0_i32 = arith.constant 0 : i32
    %c0_i32_2 = arith.constant 0 : i32
    %c0_i32_3 = arith.constant 0 : i32
    return %get3A_1, %c0_i32, %c0_i32_2 : i32, i32, i32
  }
  func.func @transform_4(%arg0: i32, %arg1: memref<4x23xi32, #tpu.memory_space<smem>>) -> (i32, i32, i32) {
    %get3A = arith.constant 0 : index
    %get3A_0 = arith.index_cast %arg0 : i32 to index
    %get3A_1 = memref.load %arg1[%get3A, %get3A_0] : memref<4x23xi32, #tpu.memory_space<smem>>
    %c0_i32 = arith.constant 0 : i32
    %c0_i32_2 = arith.constant 0 : i32
    %c0_i32_3 = arith.constant 0 : i32
    return %get3A_1, %c0_i32, %c0_i32_2 : i32, i32, i32
  }
  func.func @transform_5(%arg0: i32, %arg1: memref<4x23xi32, #tpu.memory_space<smem>>) -> (i32, i32) {
    %get3A = arith.constant 3 : index
    %get3A_0 = arith.constant 0 : index
    %get3A_1 = memref.load %arg1[%get3A, %get3A_0] : memref<4x23xi32, #tpu.memory_space<smem>>
    %sub3A = arith.constant 1 : i32
    %sub3A_2 = arith.subi %get3A_1, %sub3A : i32
    %min3A = arith.minsi %arg0, %sub3A_2 : i32
    %c0_i32 = arith.constant 0 : i32
    %c0_i32_3 = arith.constant 0 : i32
    return %min3A, %c0_i32 : i32, i32
  }
}

</mosaic_0001>

<sc_bundles>
// kernel: kernel.6.cloned.1.call-start
scs
__scs_entry_jumppad:
0x0: {  	(pc) =	sbr.rel $0x88, $3  }
0x1: {  	(tag) =	ssettag $0x0;
	lr =	simm.s32 $0x1  }
0x2: {  	[smem:$0x3F9A] =	sst lr;
	_ =	strace $0xD0000000  }
0x3: {  	_ = 	snop  }
0x4: {  	_ = 	snop  }
0x5: {  	_ = 	snop  }
0x6: {  	_ = 	snop  }
0x7: {  	_ = 	snop  }
__scs_overlays_trampoline_lowered:
0x8: {  	[smem:$0x3FA9] =	sst s0  }
0x9: {  	[smem:$0x3FAA] =	sst s1  }
0xa: {  	[smem:$0x3FAB] =	sst s2  }
0xb: {  	[smem:$0x3FAC] =	sst s3  }
0xc: {  	[smem:$0x3FAD] =	sst s4  }
0xd: {  	[smem:$0x3FAE] =	sst s5  }
0xe: {  	[smem:$0x3FAF] =	sst s6  }
0xf: {  	[smem:$0x3FB0] =	sst s7  }
0x10: {  	[smem:$0x3FB1] =	sst s8  }
0x11: {  	[smem:$0x3FB2] =	sst s9;
	s0 =	simm.s32 @!p0 $0x0  }
0x12: {  	s1 =	sld [smem:$0x3F98];
	s0 =	simm.s32 @p0 $0x1  }
0x13: {  	[smem:$0x3FB3] =	sst s0;
	s0 =	simm.s32 @!p1 $0x0  }
0x14: {  	s2 =	sld [smem:$0x3F97];
	s0 =	simm.s32 @p1 $0x1  }
0x15: {  	[smem:$0x3FB4] =	sst s0;
	s0 =	simm.s32 @!p2 $0x0  }
0x16: {  	s3 =	sld [smem:$0x3FDB];
	s0 =	simm.s32 @p2 $0x1  }
0x17: {  	s4 =	simm.s32 $0x1BF5;
	[smem:$0x3FB6] =	sst s0  }
0x18: {  	s0 =	sld [smem:$0x3F99];
	_ =	swait.ge [sflag:s4], $0x0  }
0x19: {  	s7 =	sld [smem:$0x3F9A]  }
0x1a: {  	s8 =	sadd.s32 $0xFFFFE003, lr  }
0x1b: {  	s9 =	sadd.s32 $0xFFFFFEF7, lr;
	s5 =	simm.s32 $0xFFFFFFFF;
	p2 =	slt.u32 s8, $0xFFFFF086  }
0x1c: {  	p1 =	slt.u32 s9, $0xF7A;
	s5 =	simm.s32 @!p2 $0x0  }
0x1d: {  	s5 =	simm.s32 @p1 $0x1;
	p0 =	seq.s32 s7, s2  }
0x1e: {  	s7 =	smul.u32 @!p0 $0xF7A, s2;
	p2 =	seq.s32 @!p0 s5, $0x0  }
0x1f: {  	s9 =	smul.u32 $0xF7A, s1;
	s8 =	simm.s32 @!p0 $0x1BF5;
	p2 =	por !p2, p0  }
0x20: {  	[sflag:s8] =	ssyncset.s32 @!p0 $0xFFFFF086;
	s6 =	sadd.s32 @!p0 s3, s7;
	s7 =	simm.s32 @!p0 $0x108  }
0x21: {  	s3 =	sadd.s32 s3, s9;
	s6 =	sadd.s32 @!p0 $0x88, s6;
	s7 =	simm.s32 @p2 $0x1082  }
0x22: {  	[simem:s7], [sflag:s8] =	dma.local @!p0 [hbm:s6], $0xF7A  }
0x23: {  	s9 =	sor.u32 $0xD0000000, s2;
	s6 =	simm.s32 $0x108;
	_ =	swait.ge @!p0 [sflag:s8], $0x0  }
0x24: {  	s3 =	sadd.s32 $0x88, s3;
	s6 =	simm.s32 @!p1 $0x1082;
	[sflag:s4] =	ssyncset.s32 $0xFFFFF086  }
0x25: {  	[simem:s6], [sflag:s4] =	dma.local [hbm:s3], $0xF7A  }
0x26: {  	[smem:$0x3F9A] =	sst s1;
	(tag) =	ssettag s2;
	_ =	strace s9  }
0x27: {  	s1 =	sld [smem:$0x3FAA]  }
0x28: {  	s2 =	sld [smem:$0x3FAB]  }
0x29: {  	s4 =	sld [smem:$0x3FAD]  }
0x2a: {  	p0 =	seq.s32 s5, $0x0;
	s5 =	sld [smem:$0x3FAE]  }
0x2b: {  	s6 =	sld [smem:$0x3FAF]  }
0x2c: {  	s7 =	sld [smem:$0x3FB0]  }
0x2d: {  	s3 =	simm.s32 $0x108;
	s8 =	sld [smem:$0x3FB1]  }
0x2e: {  	s3 =	simm.s32 @!p0 $0x1082;
	s9 =	sld [smem:$0x3FB2]  }
0x2f: {  	lr =	sadd.s32 s0, s3;
	s0 =	sld [smem:$0x3FA9]  }
0x30: {  	s3 =	sld [smem:$0x3FAC]  }
0x31: {  	[smem:$0x3FB5] =	sst s10  }
0x32: {  	s10 =	sld [smem:$0x3FB3];
	_ =	sdelay $0x3  }
0x33: {  	p0 =	seq.s32 s10, $0x1;
	s10 =	sld [smem:$0x3FB5];
	_ =	sdelay $0x3  }
0x34: {  	[smem:$0x3FB5] =	sst s10  }
0x35: {  	s10 =	sld [smem:$0x3FB4];
	_ =	sdelay $0x3  }
0x36: {  	p1 =	seq.s32 s10, $0x1;
	s10 =	sld [smem:$0x3FB5];
	_ =	sdelay $0x3  }
0x37: {  	[smem:$0x3FB5] =	sst s10  }
0x38: {  	s10 =	sld [smem:$0x3FB6]  }
0x39: {  	_ = 	snop;
	(pc) =	sbr.ind lr, $3  }
0x3a: {  	_ = 	snop  }
0x3b: {  	_ = 	snop  }
0x3c: {  	p2 =	seq.s32 s10, $0x1;
	s10 =	sld [smem:$0x3FB5]  }
0x3d: {  	_ =	shalt  }
0x3e: {  	_ =	shalt  }
0x3f: {  	_ =	shalt  }
0x40: {  	_ =	shalt  }
0x41: {  	_ =	shalt  }
0x42: {  	_ =	shalt  }
0x43: {  	_ =	shalt  }
0x44: {  	_ =	shalt  }
0x45: {  	_ =	shalt  }
0x46: {  	_ =	shalt  }
0x47: {  	_ =	shalt  }
0x48: {  	_ =	shalt  }
0x49: {  	_ =	shalt  }
0x4a: {  	_ =	shalt  }
0x4b: {  	_ =	shalt  }
0x4c: {  	_ =	shalt  }
0x4d: {  	_ =	shalt  }
0x4e: {  	_ =	shalt  }
0x4f: {  	_ =	shalt  }
0x50: {  	_ =	shalt  }
0x51: {  	_ =	shalt  }
0x52: {  	_ =	shalt  }
0x53: {  	_ =	shalt  }
0x54: {  	_ =	shalt  }
0x55: {  	_ =	shalt  }
0x56: {  	_ =	shalt  }
0x57: {  	_ =	shalt  }
0x58: {  	_ =	shalt  }
0x59: {  	_ =	shalt  }
0x5a: {  	_ =	shalt  }
0x5b: {  	_ =	shalt  }
0x5c: {  	_ =	shalt  }
0x5d: {  	_ =	shalt  }
0x5e: {  	_ =	shalt  }
0x5f: {  	_ =	shalt  }
0x60: {  	_ =	shalt  }
0x61: {  	_ =	shalt  }
0x62: {  	_ =	shalt  }
0x63: {  	_ =	shalt  }
0x64: {  	_ =	shalt  }
0x65: {  	_ =	shalt  }
0x66: {  	_ =	shalt  }
0x67: {  	_ =	shalt  }
0x68: {  	_ =	shalt  }
0x69: {  	_ =	shalt  }
0x6a: {  	_ =	shalt  }
0x6b: {  	_ =	shalt  }
0x6c: {  	_ =	shalt  }
0x6d: {  	_ =	shalt  }
0x6e: {  	_ =	shalt  }
0x6f: {  	_ =	shalt  }
0x70: {  	_ =	shalt  }
0x71: {  	_ =	shalt  }
0x72: {  	_ =	shalt  }
0x73: {  	_ =	shalt  }
0x74: {  	_ =	shalt  }
0x75: {  	_ =	shalt  }
0x76: {  	_ =	shalt  }
0x77: {  	_ =	shalt  }
0x78: {  	_ =	shalt  }
0x79: {  	_ =	shalt  }
0x7a: {  	_ =	shalt  }
0x7b: {  	_ =	shalt  }
0x7c: {  	_ =	shalt  }
0x7d: {  	_ =	shalt  }
0x7e: {  	_ =	shalt  }
0x7f: {  	_ =	shalt  }
0x80: {  	_ =	shalt  }
0x81: {  	_ =	shalt  }
0x82: {  	_ =	shalt  }
0x83: {  	_ =	shalt  }
0x84: {  	_ =	shalt  }
0x85: {  	_ =	shalt  }
0x86: {  	_ =	shalt  }
0x87: {  	_ =	shalt  }
.Lfunc_end0:
.L_simem_size_0:
called_computation_lowered:
.L_overlay_start_0:
0x88: {  	s2 =	sld [smem:$0x3FD9]  }
0x89: {  	s3 =	sld [smem:$0x3FFE];
	_ =	sdelay $0x1  }
0x8a: {  	s1 =	srdreg.scid  }
0x8b: {  	s0 =	sand.u32 $0x1, s1  }
0x8c: {  	s17 =	sshll.u32 s0, $0xA;
	s2 =	sadd.s32 s3, s2  }
0x8d: {  	s2 =	sadd.s32 s2, s17  }
0x8e: {  	[smem:$0x3FC1] =	sst s2  }
0x8f: {  	_ = 	snop  }
0x90: {  	s2 =	sld [smem:$0x3FC9];
	(tm) =	ssettm $0x1  }
0x91: {  	s18 =	sld [smem:$0x3FFB];
	_ =	sdelay $0x3  }
0x92: {  	_ =	strace s18  }
0x93: {  	s3 =	sld [smem:$0x3FFC];
	_ =	sdelay $0x3  }
0x94: {  	_ =	strace s3  }
0x95: {  	s3 =	sld [smem:$0x3FFD];
	_ =	sdelay $0x3  }
0x96: {  	_ =	strace s3  }
0x97: {  	_ =	strace $0x8FFFFFFF  }
0x98: {  	s19 =	sld [smem:$0x3FDB];
	_ =	sdelay $0x1  }
0x99: {  	s4 =	simm.s32 $_scs_section_size  }
0x9a: {  	s5 =	simm.s32 $_size__tile_overlayer_lowered;
	s6 =	simm.s32 $_tile_overlayer_lowered  }
0x9b: {  	s22 =	simm.s32 $0x1BFF;
	s21 =	sshll.u32 s6, $0x1;
	s3 =	sadd.s32 s4, s19  }
0x9c: {  	s7 =	simm.s32 $0x0;
	s20 =	sshll.u32 s5, $0x1;
	s5 =	sadd.s32 s21, s3  }
0x9d: {  	[timem:s7], [sflag:s22] =	dma.local [hbm:s5], s20  }
0x9e: {  	_ =	swait.ge [sflag:s22], s20  }
0x9f: {  	s4 =	ssub.s32 $0x0, s20;
	[sflag:s22] =	ssyncset.done $0x0  }
0xa0: {  	[sflag:s22] =	ssyncadd.s32 s4;
	_ =	sdelay $0x1  }
0xa1: {  	s23 =	simm.s32 $0x1B8B  }
0xa2: {  	_ =	swait.ge [sflag:s23], $0x1  }
0xa3: {  	[sflag:s23] =	ssyncset.done $0x0  }
0xa4: {  	s25 =	simm.s32 $0x1B8E;
	s24 =	sld [smem:$0x3FFE];
	[sflag:s23] =	ssyncadd.s32 $0xFFFFFFFF  }
0xa5: {  	s26 =	simm.s32 $execute0_lowered;
	[smem:$0x3FD2] =	sst s25  }
0xa6: {  	s5 =	sshll.u32 s26, $0x1;
	_ =	strace $0x80000046;
	[dreg:$0x1] =	wrdreg $0xFFFFFFFF  }
0xa7: {  	s28 =	simm.s32 $_size_execute0_lowered;
	s3 =	sadd.s32 s3, s5;
	[dreg:$0x0] =	wrdreg $0x0  }
0xa8: {  	s5 =	sshll.u32 s28, $0x1;
	[dreg:$0x2] =	wrdreg s3  }
0xa9: {  	[dreg:$0x3] =	wrdreg s5  }
0xaa: {  	[dreg:$0x4] =	wrdreg $0xC0  }
0xab: {  	_ =	task [dreg:s7], $0x5FFFF  }
0xac: {  	[dreg:$0x1] =	wrdreg $0xFFFFFFFF  }
0xad: {  	[dreg:$0x0] =	wrdreg $0x60  }
0xae: {  	[dreg:$0x2] =	wrdreg s2  }
0xaf: {  	[dreg:$0x3] =	wrdreg s24  }
0xb0: {  	[dreg:$0x4] =	wrdreg $0x9  }
0xb1: {  	_ =	task.clear_ibuf [dreg:s7], $0x5FFFF;
	_ =	strace $0x90000046  }
0xb2: {  	s29 =	simm.s32 $0x9;
	_ =	strace $0x80000048  }
0xb3: {  	_ =	swait.ge [sflag:s29], $0x1  }
0xb4: {  	[sflag:s29] =	ssyncadd.s32 $0xFFFFFFFF  }
0xb5: {  	_ =	strace $0x90000048  }
0xb6: {  	_ =	sfence  }
0xb7: {  	s30 =	sld [smem:$0x0];
	_ =	sdelay $0x2  }
0xb8: {  	s31 =	sshll.u32 s1, $0xD;
	s1 =	sshrl.u32 s1, $0x2  }
0xb9: {  	s3 =	sand.u32 $0x4000, s31;
	s1 =	sadd.s32 s1, s30  }
0xba: {  	s0 =	sor.u32 s3, s0;
	s1 =	sshll.u32 s1, $0x11  }
0xbb: {  	s0 =	sor.u32 s1, s0  }
0xbc: {  	s0 =	sadd.s32 $0x8F2B, s0  }
0xbd: {  	[sflag:s0] =	ssyncadd.remote.s32 $0x1  }
0xbe: {  	_ =	sfence.sel $0xFFFF  }
0xbf: {  	[dreg:$0x0] =	wrdreg $0xFFFFFFFF;
	(pc) =	sbr.abs _section_cstart, $3  }
0xc0: {  	[dreg:$0x1] =	wrdreg $0xFFFFFFFF  }
0xc1: {  	_ =	task.clear_ibuf [dreg:s7], $0x2FFFF;
	_ =	strace $0x9FFFFFFF  }
0xc2: {  	(tm) =	ssettm $0x7FFFFFFF  }
0xc3: {  	_ =	shalt  }
tec
execute0_lowered:
.L_overlay_start_1:
0x0: {  	(tag) =	ssettag $0x1  }
0x1: {  	s0 =	srdreg.scid;
	s1 =	rddreg [dreg:$0x0]  }
0x2: {  	s8 =	stileid.u32;
	s6 =	rddreg [dreg:$0x1]  }
0x3: {  	s2 =	simm.s32 $0x0;
	s26 =	simm.s32 $0x80;
	s18 =	simm.s32 $0x100  }
0x4: {  	s21 =	simm.s32 $0x1900;
	s22 =	simm.s32 $0x2100;
	s23 =	simm.s32 $0x2900  }
0x5: {  	s28 =	simm.s32 $0x4900;
	s29 =	simm.s32 $0x5100;
	s30 =	simm.s32 $0x5900  }
0x6: {  	s31 =	simm.s32 $0x6100;
	s10 =	simm.s32 $0x7900;
	s11 =	simm.s32 $0x8100  }
0x7: {  	s12 =	simm.s32 $0x8900;
	s13 =	simm.s32 $0x9100;
	s14 =	simm.s32 $0x9900  }
0x8: {  	s15 =	simm.s32 $0xA100;
	s16 =	simm.s32 $0xA900;
	s17 =	simm.s32 $0xB100  }
0x9: {  	s9 =	simm.s32 $0xB900;
	s0 =	sand.u32 $0x1, s0;
	s4 =	sshll.u32 s8, $0x7  }
0xa: {  	[smem:$0x7FF] =	sst s2;
	s24 =	sshll.u32 s8, $0xE;
	s8 =	simm.s32 $0x2  }
0xb: {  	s3 =	sshll.u32 s0, $0x3;
	_ =	strace $0x80000047;
	s7 =	ssub.s32 $0x2, s0  }
0xc: {  	s0 =	sshll.u32 s0, $0xD;
	[dreg:$0x6] =	wrdreg s26;
	s26 =	simm.s32 $0x4100  }
0xd: {  	s3 =	sor.u32 s3, s4;
	s0 =	sadd.s32 s1, s0;
	s25 =	sshrl.u32 s7, $0x1  }
0xe: {  	s4 =	sadd.s32 s3, s6;
	s3 =	sadd.s32 $0x2600, s6;
	s0 =	sadd.s32 s24, s0  }
0xf: {  	s1 =	ssub.s32 s7, s25;
	s5 =	sadd.s32 $0x1600, s4;
	[dreg:$0x5] =	wrdreg s0  }
0x10: {  	v2 =	vlaneseq.u32;
	s24 =	simm.s32 $0x3100;
	s4 =	sadd.s32 $0x1610, s4;
	[dreg:$0x3] =	wrdreg s5  }
0x11: {  	vm0 =	vmmov $0xffff;
	v1 =	vshrl.u32 v2, $0x3;
	s25 =	simm.s32 $0x3900;
	s7 =	smax.u32 s1, $0x1;
	[dreg:$0x4] =	wrdreg s4  }
0x12: {  	v0 =	vand.u32 $0x7, v2;
	v2 =	vor.u32 $0x8, v2;
	v1 =	vmul.u32 $0x8, v1;
	s4 =	sadd.s32 $0x2700, s6;
	s5 =	sadd.s32 $0x2800, s6;
	s6 =	sadd.s32 $0x2900, s6  }
.LBB2_1:
0x13: {  	s19 =	rddreg [dreg:$0x3]  }
0x14: {  	[tilespmem:s2], [sflag:$0x2] =	stream.linear.gather [hbm4b:s19+s2], $0x40, $0x38;
	[tilespmem:$0x10100] =	vst v63  }
0x15: {  	_ =	swait.ge [sflag:s8], $0x40  }
0x16: {  	s0 =	rddreg [dreg:$0x4];
	[sflag:s8] =	ssyncset.done $0x0  }
0x17: {  	s20 =	rddreg [dreg:$0x6];
	[sflag:s8] =	ssyncadd.s32 $0xFFFFFFC0  }
0x18: {  	[tilespmem:s20], [sflag:$0x2] =	stream.linear.gather [hbm4b:s0+s2], $0x40, $0x38;
	[tilespmem:$0x10100] =	vst v63  }
0x19: {  	_ =	swait.ge [sflag:s8], $0x40  }
0x1a: {  	[sflag:s8] =	ssyncset.done $0x0  }
0x1b: {  	s1 =	rddreg [dreg:$0x5];
	[sflag:s8] =	ssyncadd.s32 $0xFFFFFFC0  }
0x1c: {  	[tilespmem:s18], [sflag:$0x2] =	stream.linear.gather [hbm4b:s1+s2], $0x10000, $0x38;
	[tilespmem:$0x10100] =	vst v63  }
0x1d: {  	_ =	swait.ge [sflag:s8], $0x10000  }
0x1e: {  	[sflag:s8] =	ssyncset.done $0x0  }
0x1f: {  	[sflag:s8] =	ssyncadd.s32 $0xFFFF0000  }
0x20: {  	v3 =	vld [tilespmem:$0x0];
	_ =	sdelay $0x4  }
0x21: {  	v4 =	vshll.u32 v3, $0x3  }
0x22: {  	v3 =	vand.u32 $0x7, v3;
	v4 =	vand.u32 $0xFFFFFFC0, v4  }
0x23: {  	v3 =	vor.u32 v3, v4  }
0x24: {  	v4 =	vperm.xlane v3, v0;
	_ =	sdelay $0x1  }
0x25: {  	v4 =	vadd.s32 v1, v4;
	_ =	sdelay $0x4  }
0x26: {  	[hbm4b:s3+s2] =	stream.indirect_vreg.scatter [tilespmem:s18], [sflag:$0x1], $0x80, v4, vm0, $0xb8;
	[tilespmem:$0x10100] =	vst v63  }
0x27: {  	s19 =	simm.s32 $0x900;
	v3 =	vperm.xlane v3, v2  }
0x28: {  	[hbm4b:s4+s2] =	stream.indirect_vreg.scatter [tilespmem:s19], [sflag:$0x1], $0x80, v4, vm0, $0xb8;
	[tilespmem:$0x10100] =	vst v63  }
0x29: {  	s20 =	simm.s32 $0x1100;
	v3 =	vadd.s32 v1, v3  }
0x2a: {  	[hbm4b:s5+s2] =	stream.indirect_vreg.scatter [tilespmem:s20], [sflag:$0x1], $0x80, v4, vm0, $0xb8;
	[tilespmem:$0x10100] =	vst v63  }
0x2b: {  	_ = 	snop  }
0x2c: {  	[hbm4b:s6+s2] =	stream.indirect_vreg.scatter [tilespmem:s21], [sflag:$0x1], $0x80, v4, vm0, $0xb8;
	[tilespmem:$0x10100] =	vst v63  }
0x2d: {  	_ = 	snop  }
0x2e: {  	[hbm4b:s3+s2] =	stream.indirect_vreg.scatter [tilespmem:s22], [sflag:$0x1], $0x80, v3, vm0, $0xb8;
	[tilespmem:$0x10100] =	vst v63  }
0x2f: {  	_ = 	snop  }
0x30: {  	[hbm4b:s4+s2] =	stream.indirect_vreg.scatter [tilespmem:s23], [sflag:$0x1], $0x80, v3, vm0, $0xb8;
	[tilespmem:$0x10100] =	vst v63  }
0x31: {  	_ = 	snop  }
0x32: {  	[hbm4b:s5+s2] =	stream.indirect_vreg.scatter [tilespmem:s24], [sflag:$0x1], $0x80, v3, vm0, $0xb8;
	[tilespmem:$0x10100] =	vst v63  }
0x33: {  	_ = 	snop  }
0x34: {  	[hbm4b:s6+s2] =	stream.indirect_vreg.scatter [tilespmem:s25], [sflag:$0x1], $0x80, v3, vm0, $0xb8;
	[tilespmem:$0x10100] =	vst v63  }
0x35: {  	v3 =	vld [tilespmem:$0x10];
	_ =	sdelay $0x4  }
0x36: {  	v57 =	vshll.u32 v3, $0x3  }
0x37: {  	v3 =	vand.u32 $0x7, v3;
	v4 =	vand.u32 $0xFFFFFFC0, v57  }
0x38: {  	v3 =	vor.u32 v3, v4  }
0x39: {  	v4 =	vperm.xlane v3, v0;
	_ =	sdelay $0x1  }
0x3a: {  	v4 =	vadd.s32 v1, v4;
	_ =	sdelay $0x4  }
0x3b: {  	[hbm4b:s3+s2] =	stream.indirect_vreg.scatter [tilespmem:s26], [sflag:$0x1], $0x80, v4, vm0, $0xb8;
	[tilespmem:$0x10100] =	vst v63  }
0x3c: {  	v3 =	vperm.xlane v3, v2  }
0x3d: {  	[hbm4b:s4+s2] =	stream.indirect_vreg.scatter [tilespmem:s28], [sflag:$0x1], $0x80, v4, vm0, $0xb8;
	[tilespmem:$0x10100] =	vst v63  }
0x3e: {  	v3 =	vadd.s32 v1, v3  }
0x3f: {  	[hbm4b:s5+s2] =	stream.indirect_vreg.scatter [tilespmem:s29], [sflag:$0x1], $0x80, v4, vm0, $0xb8;
	[tilespmem:$0x10100] =	vst v63  }
0x40: {  	_ = 	snop  }
0x41: {  	[hbm4b:s6+s2] =	stream.indirect_vreg.scatter [tilespmem:s30], [sflag:$0x1], $0x80, v4, vm0, $0xb8;
	[tilespmem:$0x10100] =	vst v63  }
0x42: {  	_ = 	snop  }
0x43: {  	[hbm4b:s3+s2] =	stream.indirect_vreg.scatter [tilespmem:s31], [sflag:$0x1], $0x80, v3, vm0, $0xb8;
	[tilespmem:$0x10100] =	vst v63  }
0x44: {  	s1 =	simm.s32 $0x6900  }
0x45: {  	[hbm4b:s4+s2] =	stream.indirect_vreg.scatter [tilespmem:s1], [sflag:$0x1], $0x80, v3, vm0, $0xb8;
	[tilespmem:$0x10100] =	vst v63  }
0x46: {  	s0 =	simm.s32 $0x7100  }
0x47: {  	[hbm4b:s5+s2] =	stream.indirect_vreg.scatter [tilespmem:s0], [sflag:$0x1], $0x80, v3, vm0, $0xb8;
	[tilespmem:$0x10100] =	vst v63  }
0x48: {  	_ = 	snop  }
0x49: {  	[hbm4b:s6+s2] =	stream.indirect_vreg.scatter [tilespmem:s10], [sflag:$0x1], $0x80, v3, vm0, $0xb8;
	[tilespmem:$0x10100] =	vst v63  }
0x4a: {  	v3 =	vld [tilespmem:$0x20];
	_ =	sdelay $0x4  }
0x4b: {  	v58 =	vshll.u32 v3, $0x3  }
0x4c: {  	v3 =	vand.u32 $0x7, v3;
	v4 =	vand.u32 $0xFFFFFFC0, v58  }
0x4d: {  	v3 =	vor.u32 v3, v4  }
0x4e: {  	v4 =	vperm.xlane v3, v0;
	_ =	sdelay $0x1  }
0x4f: {  	v4 =	vadd.s32 v1, v4;
	_ =	sdelay $0x4  }
0x50: {  	[hbm4b:s3+s2] =	stream.indirect_vreg.scatter [tilespmem:s11], [sflag:$0x1], $0x80, v4, vm0, $0xb8;
	[tilespmem:$0x10100] =	vst v63  }
0x51: {  	v3 =	vperm.xlane v3, v2  }
0x52: {  	[hbm4b:s4+s2] =	stream.indirect_vreg.scatter [tilespmem:s12], [sflag:$0x1], $0x80, v4, vm0, $0xb8;
	[tilespmem:$0x10100] =	vst v63  }
0x53: {  	v3 =	vadd.s32 v1, v3  }
0x54: {  	[hbm4b:s5+s2] =	stream.indirect_vreg.scatter [tilespmem:s13], [sflag:$0x1], $0x80, v4, vm0, $0xb8;
	[tilespmem:$0x10100] =	vst v63  }
0x55: {  	_ = 	snop  }
0x56: {  	[hbm4b:s6+s2] =	stream.indirect_vreg.scatter [tilespmem:s14], [sflag:$0x1], $0x80, v4, vm0, $0xb8;
	[tilespmem:$0x10100] =	vst v63  }
0x57: {  	_ = 	snop  }
0x58: {  	[hbm4b:s3+s2] =	stream.indirect_vreg.scatter [tilespmem:s15], [sflag:$0x1], $0x80, v3, vm0, $0xb8;
	[tilespmem:$0x10100] =	vst v63  }
0x59: {  	_ = 	snop  }
0x5a: {  	[hbm4b:s4+s2] =	stream.indirect_vreg.scatter [tilespmem:s16], [sflag:$0x1], $0x80, v3, vm0, $0xb8;
	[tilespmem:$0x10100] =	vst v63  }
0x5b: {  	_ = 	snop  }
0x5c: {  	[hbm4b:s5+s2] =	stream.indirect_vreg.scatter [tilespmem:s17], [sflag:$0x1], $0x80, v3, vm0, $0xb8;
	[tilespmem:$0x10100] =	vst v63  }
0x5d: {  	_ = 	snop  }
0x5e: {  	[hbm4b:s6+s2] =	stream.indirect_vreg.scatter [tilespmem:s9], [sflag:$0x1], $0x80, v3, vm0, $0xb8;
	[tilespmem:$0x10100] =	vst v63  }
0x5f: {  	v3 =	vld [tilespmem:$0x30];
	_ =	sdelay $0x4  }
0x60: {  	v59 =	vshll.u32 v3, $0x3  }
0x61: {  	v3 =	vand.u32 $0x7, v3;
	v4 =	vand.u32 $0xFFFFFFC0, v59  }
0x62: {  	v3 =	vor.u32 v3, v4  }
0x63: {  	v4 =	vperm.xlane v3, v0;
	_ =	sdelay $0x1  }
0x64: {  	v4 =	vadd.s32 v1, v4;
	_ =	sdelay $0x3  }
0x65: {  	s0 =	simm.s32 $0xC100  }
0x66: {  	[hbm4b:s3+s2] =	stream.indirect_vreg.scatter [tilespmem:s0], [sflag:$0x1], $0x80, v4, vm0, $0xb8;
	[tilespmem:$0x10100] =	vst v63  }
0x67: {  	v3 =	vperm.xlane v3, v2;
	s0 =	simm.s32 $0xC900  }
0x68: {  	[hbm4b:s4+s2] =	stream.indirect_vreg.scatter [tilespmem:s0], [sflag:$0x1], $0x80, v4, vm0, $0xb8;
	[tilespmem:$0x10100] =	vst v63  }
0x69: {  	v3 =	vadd.s32 v1, v3;
	s0 =	simm.s32 $0xD100  }
0x6a: {  	[hbm4b:s5+s2] =	stream.indirect_vreg.scatter [tilespmem:s0], [sflag:$0x1], $0x80, v4, vm0, $0xb8;
	[tilespmem:$0x10100] =	vst v63  }
0x6b: {  	s0 =	simm.s32 $0xD900  }
0x6c: {  	[hbm4b:s6+s2] =	stream.indirect_vreg.scatter [tilespmem:s0], [sflag:$0x1], $0x80, v4, vm0, $0xb8;
	[tilespmem:$0x10100] =	vst v63  }
0x6d: {  	s0 =	simm.s32 $0xE100  }
0x6e: {  	[hbm4b:s3+s2] =	stream.indirect_vreg.scatter [tilespmem:s0], [sflag:$0x1], $0x80, v3, vm0, $0xb8;
	[tilespmem:$0x10100] =	vst v63  }
0x6f: {  	s0 =	simm.s32 $0xE900  }
0x70: {  	[hbm4b:s4+s2] =	stream.indirect_vreg.scatter [tilespmem:s0], [sflag:$0x1], $0x80, v3, vm0, $0xb8;
	[tilespmem:$0x10100] =	vst v63  }
0x71: {  	s0 =	simm.s32 $0xF100  }
0x72: {  	[hbm4b:s5+s2] =	stream.indirect_vreg.scatter [tilespmem:s0], [sflag:$0x1], $0x80, v3, vm0, $0xb8;
	[tilespmem:$0x10100] =	vst v63  }
0x73: {  	s0 =	simm.s32 $0xF900  }
0x74: {  	[hbm4b:s6+s2] =	stream.indirect_vreg.scatter [tilespmem:s0], [sflag:$0x1], $0x80, v3, vm0, $0xb8;
	[tilespmem:$0x10100] =	vst v63  }
0x75: {  	v3 =	vld [tilespmem:$0x80];
	_ =	sdelay $0x4  }
0x76: {  	v60 =	vshll.u32 v3, $0x3  }
0x77: {  	v3 =	vand.u32 $0x7, v3;
	v4 =	vand.u32 $0xFFFFFFC0, v60  }
0x78: {  	v3 =	vor.u32 v3, v4  }
0x79: {  	v4 =	vperm.xlane v3, v0;
	_ =	sdelay $0x1  }
0x7a: {  	v4 =	vadd.s32 v1, v4;
	_ =	sdelay $0x4  }
0x7b: {  	[hbm4b:s3+s2] =	stream.indirect_vreg.scatter [tilespmem:s18], [sflag:$0x1], $0x80, v4, vm0, $0xb8;
	[tilespmem:$0x10100] =	vst v63  }
0x7c: {  	v3 =	vperm.xlane v3, v2  }
0x7d: {  	[hbm4b:s4+s2] =	stream.indirect_vreg.scatter [tilespmem:s19], [sflag:$0x1], $0x80, v4, vm0, $0xb8;
	[tilespmem:$0x10100] =	vst v63  }
0x7e: {  	v3 =	vadd.s32 v1, v3  }
0x7f: {  	[hbm4b:s5+s2] =	stream.indirect_vreg.scatter [tilespmem:s20], [sflag:$0x1], $0x80, v4, vm0, $0xb8;
	[tilespmem:$0x10100] =	vst v63  }
0x80: {  	_ = 	snop  }
0x81: {  	[hbm4b:s6+s2] =	stream.indirect_vreg.scatter [tilespmem:s21], [sflag:$0x1], $0x80, v4, vm0, $0xb8;
	[tilespmem:$0x10100] =	vst v63  }
0x82: {  	_ = 	snop  }
0x83: {  	[hbm4b:s3+s2] =	stream.indirect_vreg.scatter [tilespmem:s22], [sflag:$0x1], $0x80, v3, vm0, $0xb8;
	[tilespmem:$0x10100] =	vst v63  }
0x84: {  	_ = 	snop  }
0x85: {  	[hbm4b:s4+s2] =	stream.indirect_vreg.scatter [tilespmem:s23], [sflag:$0x1], $0x80, v3, vm0, $0xb8;
	[tilespmem:$0x10100] =	vst v63  }
0x86: {  	_ = 	snop  }
0x87: {  	[hbm4b:s5+s2] =	stream.indirect_vreg.scatter [tilespmem:s24], [sflag:$0x1], $0x80, v3, vm0, $0xb8;
	[tilespmem:$0x10100] =	vst v63  }
0x88: {  	_ = 	snop  }
0x89: {  	[hbm4b:s6+s2] =	stream.indirect_vreg.scatter [tilespmem:s25], [sflag:$0x1], $0x80, v3, vm0, $0xb8;
	[tilespmem:$0x10100] =	vst v63  }
0x8a: {  	v3 =	vld [tilespmem:$0x90];
	_ =	sdelay $0x4  }
0x8b: {  	v61 =	vshll.u32 v3, $0x3  }
0x8c: {  	v3 =	vand.u32 $0x7, v3;
	v4 =	vand.u32 $0xFFFFFFC0, v61  }
0x8d: {  	v3 =	vor.u32 v3, v4  }
0x8e: {  	v4 =	vperm.xlane v3, v0;
	_ =	sdelay $0x1  }
0x8f: {  	v4 =	vadd.s32 v1, v4;
	_ =	sdelay $0x4  }
0x90: {  	[hbm4b:s3+s2] =	stream.indirect_vreg.scatter [tilespmem:s26], [sflag:$0x1], $0x80, v4, vm0, $0xb8;
	[tilespmem:$0x10100] =	vst v63  }
0x91: {  	v3 =	vperm.xlane v3, v2  }
0x92: {  	[hbm4b:s4+s2] =	stream.indirect_vreg.scatter [tilespmem:s28], [sflag:$0x1], $0x80, v4, vm0, $0xb8;
	[tilespmem:$0x10100] =	vst v63  }
0x93: {  	v3 =	vadd.s32 v1, v3  }
0x94: {  	[hbm4b:s5+s2] =	stream.indirect_vreg.scatter [tilespmem:s29], [sflag:$0x1], $0x80, v4, vm0, $0xb8;
	[tilespmem:$0x10100] =	vst v63  }
0x95: {  	_ = 	snop  }
0x96: {  	[hbm4b:s6+s2] =	stream.indirect_vreg.scatter [tilespmem:s30], [sflag:$0x1], $0x80, v4, vm0, $0xb8;
	[tilespmem:$0x10100] =	vst v63  }
0x97: {  	_ = 	snop  }
0x98: {  	[hbm4b:s3+s2] =	stream.indirect_vreg.scatter [tilespmem:s31], [sflag:$0x1], $0x80, v3, vm0, $0xb8;
	[tilespmem:$0x10100] =	vst v63  }
0x99: {  	_ = 	snop  }
0x9a: {  	[hbm4b:s4+s2] =	stream.indirect_vreg.scatter [tilespmem:s1], [sflag:$0x1], $0x80, v3, vm0, $0xb8;
	[tilespmem:$0x10100] =	vst v63  }
0x9b: {  	s20 =	simm.s32 $0x7100  }
0x9c: {  	[hbm4b:s5+s2] =	stream.indirect_vreg.scatter [tilespmem:s20], [sflag:$0x1], $0x80, v3, vm0, $0xb8;
	[tilespmem:$0x10100] =	vst v63  }
0x9d: {  	_ = 	snop  }
0x9e: {  	[hbm4b:s6+s2] =	stream.indirect_vreg.scatter [tilespmem:s10], [sflag:$0x1], $0x80, v3, vm0, $0xb8;
	[tilespmem:$0x10100] =	vst v63  }
0x9f: {  	v3 =	vld [tilespmem:$0xA0];
	_ =	sdelay $0x4  }
0xa0: {  	v62 =	vshll.u32 v3, $0x3  }
0xa1: {  	v3 =	vand.u32 $0x7, v3;
	v4 =	vand.u32 $0xFFFFFFC0, v62  }
0xa2: {  	v3 =	vor.u32 v3, v4  }
0xa3: {  	v4 =	vperm.xlane v3, v0;
	_ =	sdelay $0x1  }
0xa4: {  	v4 =	vadd.s32 v1, v4;
	_ =	sdelay $0x4  }
0xa5: {  	[hbm4b:s3+s2] =	stream.indirect_vreg.scatter [tilespmem:s11], [sflag:$0x1], $0x80, v4, vm0, $0xb8;
	[tilespmem:$0x10100] =	vst v63  }
0xa6: {  	v3 =	vperm.xlane v3, v2  }
0xa7: {  	[hbm4b:s4+s2] =	stream.indirect_vreg.scatter [tilespmem:s12], [sflag:$0x1], $0x80, v4, vm0, $0xb8;
	[tilespmem:$0x10100] =	vst v63  }
0xa8: {  	v3 =	vadd.s32 v1, v3  }
0xa9: {  	[hbm4b:s5+s2] =	stream.indirect_vreg.scatter [tilespmem:s13], [sflag:$0x1], $0x80, v4, vm0, $0xb8;
	[tilespmem:$0x10100] =	vst v63  }
0xaa: {  	_ = 	snop  }
0xab: {  	[hbm4b:s6+s2] =	stream.indirect_vreg.scatter [tilespmem:s14], [sflag:$0x1], $0x80, v4, vm0, $0xb8;
	[tilespmem:$0x10100] =	vst v63  }
0xac: {  	_ = 	snop  }
0xad: {  	[hbm4b:s3+s2] =	stream.indirect_vreg.scatter [tilespmem:s15], [sflag:$0x1], $0x80, v3, vm0, $0xb8;
	[tilespmem:$0x10100] =	vst v63  }
0xae: {  	_ = 	snop  }
0xaf: {  	[hbm4b:s4+s2] =	stream.indirect_vreg.scatter [tilespmem:s16], [sflag:$0x1], $0x80, v3, vm0, $0xb8;
	[tilespmem:$0x10100] =	vst v63  }
0xb0: {  	_ = 	snop  }
0xb1: {  	[hbm4b:s5+s2] =	stream.indirect_vreg.scatter [tilespmem:s17], [sflag:$0x1], $0x80, v3, vm0, $0xb8;
	[tilespmem:$0x10100] =	vst v63  }
0xb2: {  	_ = 	snop  }
0xb3: {  	[hbm4b:s6+s2] =	stream.indirect_vreg.scatter [tilespmem:s9], [sflag:$0x1], $0x80, v3, vm0, $0xb8;
	[tilespmem:$0x10100] =	vst v63  }
0xb4: {  	v3 =	vld [tilespmem:$0xB0];
	_ =	sdelay $0x4  }
0xb5: {  	v63 =	vshll.u32 v3, $0x3  }
0xb6: {  	v3 =	vand.u32 $0x7, v3;
	v4 =	vand.u32 $0xFFFFFFC0, v63  }
0xb7: {  	v3 =	vor.u32 v3, v4  }
0xb8: {  	v4 =	vperm.xlane v3, v0;
	_ =	sdelay $0x1  }
0xb9: {  	v4 =	vadd.s32 v1, v4;
	_ =	sdelay $0x3  }
0xba: {  	s19 =	simm.s32 $0xC100  }
0xbb: {  	[hbm4b:s3+s2] =	stream.indirect_vreg.scatter [tilespmem:s19], [sflag:$0x1], $0x80, v4, vm0, $0xb8;
	[tilespmem:$0x10100] =	vst v63  }
0xbc: {  	s20 =	simm.s32 $0xC900;
	v3 =	vperm.xlane v3, v2  }
0xbd: {  	[hbm4b:s4+s2] =	stream.indirect_vreg.scatter [tilespmem:s20], [sflag:$0x1], $0x80, v4, vm0, $0xb8;
	[tilespmem:$0x10100] =	vst v63  }
0xbe: {  	v3 =	vadd.s32 v1, v3;
	s19 =	simm.s32 $0xD100  }
0xbf: {  	[hbm4b:s5+s2] =	stream.indirect_vreg.scatter [tilespmem:s19], [sflag:$0x1], $0x80, v4, vm0, $0xb8;
	[tilespmem:$0x10100] =	vst v63  }
0xc0: {  	s20 =	simm.s32 $0xD900  }
0xc1: {  	[hbm4b:s6+s2] =	stream.indirect_vreg.scatter [tilespmem:s20], [sflag:$0x1], $0x80, v4, vm0, $0xb8;
	[tilespmem:$0x10100] =	vst v63  }
0xc2: {  	s19 =	simm.s32 $0xE100  }
0xc3: {  	[hbm4b:s3+s2] =	stream.indirect_vreg.scatter [tilespmem:s19], [sflag:$0x1], $0x80, v3, vm0, $0xb8;
	[tilespmem:$0x10100] =	vst v63  }
0xc4: {  	s20 =	simm.s32 $0xE900  }
0xc5: {  	[hbm4b:s4+s2] =	stream.indirect_vreg.scatter [tilespmem:s20], [sflag:$0x1], $0x80, v3, vm0, $0xb8;
	[tilespmem:$0x10100] =	vst v63  }
0xc6: {  	s19 =	simm.s32 $0xF100  }
0xc7: {  	[hbm4b:s5+s2] =	stream.indirect_vreg.scatter [tilespmem:s19], [sflag:$0x1], $0x80, v3, vm0, $0xb8;
	[tilespmem:$0x10100] =	vst v63  }
0xc8: {  	s20 =	simm.s32 $0x1  }
0xc9: {  	[hbm4b:s6+s2] =	stream.indirect_vreg.scatter [tilespmem:s0], [sflag:$0x1], $0x80, v3, vm0, $0xb8;
	[tilespmem:$0x10100] =	vst v63  }
0xca: {  	p0 =	sne.s32 s7, $0x1;
	_ =	swait.ge [sflag:s20], $0x10000  }
.Ltmp0:
0xcb: {  	[sflag:s20] =	ssyncset.done $0x0;
	(pc) =	sbr.rel @p0 .LBB2_1-.Ltmp0, $4  }
0xcc: {  	[sflag:s20] =	ssyncadd.s32 $0xFFFF0000  }
0xcd: {  	_ =	swait.ge [sflag:s20], $0x10000  }
0xce: {  	[sflag:s20] =	ssyncset.done $0x0  }
0xcf: {  	s7 =	sadd.s32 $0xFFFFFFFF, s7;
	[sflag:s20] =	ssyncadd.s32 $0xFFFF0000  }
0xd0: {  	_ =	sfence.sel $0x180000  }
0xd1: {  	[bflag:$0x0] =	sbarrier.arrive $0xFFFF  }
0xd2: {  	_ =	strace $0x90000047  }
0xd3: {  	s0 =	stileid.u32;
	[bflag:$0x2] =	sbarrier.arrive $0xFFFF  }
0xd4: {  	p0 =	sne.s32 s0, $0x0;
	s0 =	rddreg [dreg:$0x2]  }
0xd5: {  	s0 =	sadd.s32 @!p0 $0x100000, s0  }
0xd6: {  	[sflag:s0] =	ssyncadd.tile.s32 @!p0 $0x1;
	_ =	shalt  }
.Lfunc_end2:
_tile_overlayer_lowered:
.L_overlay_start_2:
0xd7: {  	(tag) =	ssettag $0x2  }
0xd8: {  	s0 =	rddreg [dreg:$0x0];
	s2 =	stileid.u32  }
0xd9: {  	s1 =	rddreg [dreg:$0x1];
	p0 =	sne.s32 s2, $0x0  }
0xda: {  	s3 =	rddreg [dreg:$0x2];
	[bflag:$0x3] =	sbarrier.arrive $0xFFFF;
	s2 =	simm.s32 @!p0 $0x1C02  }
0xdb: {  	[timem:s3], [sflag:s2] =	dma.local @!p0 [hbm:s0], s1  }
0xdc: {  	s0 =	simm.s32 @!p0 $0x2  }
0xdd: {  	_ =	swait.ge @!p0 [sflag:s0], s1  }
0xde: {  	s1 =	ssub.s32 @!p0 $0x0, s1;
	[sflag:s0] =	ssyncset.done @!p0 $0x0  }
0xdf: {  	[sflag:s0] =	ssyncadd.s32 @!p0 s1  }
0xe0: {  	[bflag:$0x3] =	sbarrier.arrive $0xFFFF  }
0xe1: {  	_ =	shalt  }

// kernel: kernel.9.cloned.1.call-start
scs
__scs_entry_jumppad:
0x0: {  	(pc) =	sbr.rel $0x88, $3  }
0x1: {  	(tag) =	ssettag $0x0;
	lr =	simm.s32 $0x1  }
0x2: {  	[smem:$0x3F9A] =	sst lr;
	_ =	strace $0xD0000000  }
0x3: {  	_ = 	snop  }
0x4: {  	_ = 	snop  }
0x5: {  	_ = 	snop  }
0x6: {  	_ = 	snop  }
0x7: {  	_ = 	snop  }
__scs_overlays_trampoline_lowered:
0x8: {  	[smem:$0x3FA9] =	sst s0  }
0x9: {  	[smem:$0x3FAA] =	sst s1  }
0xa: {  	[smem:$0x3FAB] =	sst s2  }
0xb: {  	[smem:$0x3FAC] =	sst s3  }
0xc: {  	[smem:$0x3FAD] =	sst s4  }
0xd: {  	[smem:$0x3FAE] =	sst s5  }
0xe: {  	[smem:$0x3FAF] =	sst s6  }
0xf: {  	[smem:$0x3FB0] =	sst s7  }
0x10: {  	[smem:$0x3FB1] =	sst s8  }
0x11: {  	[smem:$0x3FB2] =	sst s9;
	s0 =	simm.s32 @!p0 $0x0  }
0x12: {  	s1 =	sld [smem:$0x3F98];
	s0 =	simm.s32 @p0 $0x1  }
0x13: {  	[smem:$0x3FB3] =	sst s0;
	s0 =	simm.s32 @!p1 $0x0  }
0x14: {  	s2 =	sld [smem:$0x3F97];
	s0 =	simm.s32 @p1 $0x1  }
0x15: {  	[smem:$0x3FB4] =	sst s0;
	s0 =	simm.s32 @!p2 $0x0  }
0x16: {  	s3 =	sld [smem:$0x3FDB];
	s0 =	simm.s32 @p2 $0x1  }
0x17: {  	s4 =	simm.s32 $0x1BF5;
	[smem:$0x3FB6] =	sst s0  }
0x18: {  	s0 =	sld [smem:$0x3F99];
	_ =	swait.ge [sflag:s4], $0x0  }
0x19: {  	s7 =	sld [smem:$0x3F9A]  }
0x1a: {  	s8 =	sadd.s32 $0xFFFFE003, lr  }
0x1b: {  	s9 =	sadd.s32 $0xFFFFFEF7, lr;
	s5 =	simm.s32 $0xFFFFFFFF;
	p2 =	slt.u32 s8, $0xFFFFF086  }
0x1c: {  	p1 =	slt.u32 s9, $0xF7A;
	s5 =	simm.s32 @!p2 $0x0  }
0x1d: {  	s5 =	simm.s32 @p1 $0x1;
	p0 =	seq.s32 s7, s2  }
0x1e: {  	s7 =	smul.u32 @!p0 $0xF7A, s2;
	p2 =	seq.s32 @!p0 s5, $0x0  }
0x1f: {  	s9 =	smul.u32 $0xF7A, s1;
	s8 =	simm.s32 @!p0 $0x1BF5;
	p2 =	por !p2, p0  }
0x20: {  	[sflag:s8] =	ssyncset.s32 @!p0 $0xFFFFF086;
	s6 =	sadd.s32 @!p0 s3, s7;
	s7 =	simm.s32 @!p0 $0x108  }
0x21: {  	s3 =	sadd.s32 s3, s9;
	s6 =	sadd.s32 @!p0 $0x88, s6;
	s7 =	simm.s32 @p2 $0x1082  }
0x22: {  	[simem:s7], [sflag:s8] =	dma.local @!p0 [hbm:s6], $0xF7A  }
0x23: {  	s9 =	sor.u32 $0xD0000000, s2;
	s6 =	simm.s32 $0x108;
	_ =	swait.ge @!p0 [sflag:s8], $0x0  }
0x24: {  	s3 =	sadd.s32 $0x88, s3;
	s6 =	simm.s32 @!p1 $0x1082;
	[sflag:s4] =	ssyncset.s32 $0xFFFFF086  }
0x25: {  	[simem:s6], [sflag:s4] =	dma.local [hbm:s3], $0xF7A  }
0x26: {  	[smem:$0x3F9A] =	sst s1;
	(tag) =	ssettag s2;
	_ =	strace s9  }
0x27: {  	s1 =	sld [smem:$0x3FAA]  }
0x28: {  	s2 =	sld [smem:$0x3FAB]  }
0x29: {  	s4 =	sld [smem:$0x3FAD]  }
0x2a: {  	p0 =	seq.s32 s5, $0x0;
	s5 =	sld [smem:$0x3FAE]  }
0x2b: {  	s6 =	sld [smem:$0x3FAF]  }
0x2c: {  	s7 =	sld [smem:$0x3FB0]  }
0x2d: {  	s3 =	simm.s32 $0x108;
	s8 =	sld [smem:$0x3FB1]  }
0x2e: {  	s3 =	simm.s32 @!p0 $0x1082;
	s9 =	sld [smem:$0x3FB2]  }
0x2f: {  	lr =	sadd.s32 s0, s3;
	s0 =	sld [smem:$0x3FA9]  }
0x30: {  	s3 =	sld [smem:$0x3FAC]  }
0x31: {  	[smem:$0x3FB5] =	sst s10  }
0x32: {  	s10 =	sld [smem:$0x3FB3];
	_ =	sdelay $0x3  }
0x33: {  	p0 =	seq.s32 s10, $0x1;
	s10 =	sld [smem:$0x3FB5];
	_ =	sdelay $0x3  }
0x34: {  	[smem:$0x3FB5] =	sst s10  }
0x35: {  	s10 =	sld [smem:$0x3FB4];
	_ =	sdelay $0x3  }
0x36: {  	p1 =	seq.s32 s10, $0x1;
	s10 =	sld [smem:$0x3FB5];
	_ =	sdelay $0x3  }
0x37: {  	[smem:$0x3FB5] =	sst s10  }
0x38: {  	s10 =	sld [smem:$0x3FB6]  }
0x39: {  	_ = 	snop;
	(pc) =	sbr.ind lr, $3  }
0x3a: {  	_ = 	snop  }
0x3b: {  	_ = 	snop  }
0x3c: {  	p2 =	seq.s32 s10, $0x1;
	s10 =	sld [smem:$0x3FB5]  }
0x3d: {  	_ =	shalt  }
0x3e: {  	_ =	shalt  }
0x3f: {  	_ =	shalt  }
0x40: {  	_ =	shalt  }
0x41: {  	_ =	shalt  }
0x42: {  	_ =	shalt  }
0x43: {  	_ =	shalt  }
0x44: {  	_ =	shalt  }
0x45: {  	_ =	shalt  }
0x46: {  	_ =	shalt  }
0x47: {  	_ =	shalt  }
0x48: {  	_ =	shalt  }
0x49: {  	_ =	shalt  }
0x4a: {  	_ =	shalt  }
0x4b: {  	_ =	shalt  }
0x4c: {  	_ =	shalt  }
0x4d: {  	_ =	shalt  }
0x4e: {  	_ =	shalt  }
0x4f: {  	_ =	shalt  }
0x50: {  	_ =	shalt  }
0x51: {  	_ =	shalt  }
0x52: {  	_ =	shalt  }
0x53: {  	_ =	shalt  }
0x54: {  	_ =	shalt  }
0x55: {  	_ =	shalt  }
0x56: {  	_ =	shalt  }
0x57: {  	_ =	shalt  }
0x58: {  	_ =	shalt  }
0x59: {  	_ =	shalt  }
0x5a: {  	_ =	shalt  }
0x5b: {  	_ =	shalt  }
0x5c: {  	_ =	shalt  }
0x5d: {  	_ =	shalt  }
0x5e: {  	_ =	shalt  }
0x5f: {  	_ =	shalt  }
0x60: {  	_ =	shalt  }
0x61: {  	_ =	shalt  }
0x62: {  	_ =	shalt  }
0x63: {  	_ =	shalt  }
0x64: {  	_ =	shalt  }
0x65: {  	_ =	shalt  }
0x66: {  	_ =	shalt  }
0x67: {  	_ =	shalt  }
0x68: {  	_ =	shalt  }
0x69: {  	_ =	shalt  }
0x6a: {  	_ =	shalt  }
0x6b: {  	_ =	shalt  }
0x6c: {  	_ =	shalt  }
0x6d: {  	_ =	shalt  }
0x6e: {  	_ =	shalt  }
0x6f: {  	_ =	shalt  }
0x70: {  	_ =	shalt  }
0x71: {  	_ =	shalt  }
0x72: {  	_ =	shalt  }
0x73: {  	_ =	shalt  }
0x74: {  	_ =	shalt  }
0x75: {  	_ =	shalt  }
0x76: {  	_ =	shalt  }
0x77: {  	_ =	shalt  }
0x78: {  	_ =	shalt  }
0x79: {  	_ =	shalt  }
0x7a: {  	_ =	shalt  }
0x7b: {  	_ =	shalt  }
0x7c: {  	_ =	shalt  }
0x7d: {  	_ =	shalt  }
0x7e: {  	_ =	shalt  }
0x7f: {  	_ =	shalt  }
0x80: {  	_ =	shalt  }
0x81: {  	_ =	shalt  }
0x82: {  	_ =	shalt  }
0x83: {  	_ =	shalt  }
0x84: {  	_ =	shalt  }
0x85: {  	_ =	shalt  }
0x86: {  	_ =	shalt  }
0x87: {  	_ =	shalt  }
.Lfunc_end0:
.L_simem_size_0:
called_computation.1_lowered:
.L_overlay_start_0:
0x88: {  	s2 =	sld [smem:$0x3FD9]  }
0x89: {  	s3 =	sld [smem:$0x3FFE];
	_ =	sdelay $0x1  }
0x8a: {  	s1 =	srdreg.scid  }
0x8b: {  	s0 =	sand.u32 $0x1, s1  }
0x8c: {  	s17 =	sshll.u32 s0, $0xA;
	s2 =	sadd.s32 s3, s2  }
0x8d: {  	s2 =	sadd.s32 s2, s17  }
0x8e: {  	[smem:$0x3FC1] =	sst s2  }
0x8f: {  	_ = 	snop  }
0x90: {  	s2 =	sld [smem:$0x3FD0];
	(tm) =	ssettm $0x1  }
0x91: {  	s18 =	sld [smem:$0x3FFB];
	_ =	sdelay $0x3  }
0x92: {  	_ =	strace s18  }
0x93: {  	s3 =	sld [smem:$0x3FFC];
	_ =	sdelay $0x3  }
0x94: {  	_ =	strace s3  }
0x95: {  	s3 =	sld [smem:$0x3FFD];
	_ =	sdelay $0x3  }
0x96: {  	_ =	strace s3  }
0x97: {  	_ =	strace $0x8FFFFFFF  }
0x98: {  	s19 =	sld [smem:$0x3FDB];
	_ =	sdelay $0x1  }
0x99: {  	s4 =	simm.s32 $_scs_section_size  }
0x9a: {  	s5 =	simm.s32 $_size__tile_overlayer_lowered;
	s6 =	simm.s32 $_tile_overlayer_lowered  }
0x9b: {  	s22 =	simm.s32 $0x1BFF;
	s21 =	sshll.u32 s6, $0x1;
	s3 =	sadd.s32 s4, s19  }
0x9c: {  	s7 =	simm.s32 $0x0;
	s20 =	sshll.u32 s5, $0x1;
	s5 =	sadd.s32 s21, s3  }
0x9d: {  	[timem:s7], [sflag:s22] =	dma.local [hbm:s5], s20  }
0x9e: {  	_ =	swait.ge [sflag:s22], s20  }
0x9f: {  	s4 =	ssub.s32 $0x0, s20;
	[sflag:s22] =	ssyncset.done $0x0  }
0xa0: {  	[sflag:s22] =	ssyncadd.s32 s4;
	_ =	sdelay $0x1  }
0xa1: {  	s23 =	simm.s32 $0x1B8B  }
0xa2: {  	_ =	swait.ge [sflag:s23], $0x1  }
0xa3: {  	[sflag:s23] =	ssyncset.done $0x0  }
0xa4: {  	s25 =	simm.s32 $0x1B8E;
	s24 =	sld [smem:$0x3FFE];
	[sflag:s23] =	ssyncadd.s32 $0xFFFFFFFF  }
0xa5: {  	s26 =	simm.s32 $execute0_lowered;
	[smem:$0x3FD2] =	sst s25  }
0xa6: {  	s5 =	sshll.u32 s26, $0x1;
	_ =	strace $0x80000049;
	[dreg:$0x1] =	wrdreg $0xFFFFFFFF  }
0xa7: {  	s28 =	simm.s32 $_size_execute0_lowered;
	s3 =	sadd.s32 s3, s5;
	[dreg:$0x0] =	wrdreg $0x0  }
0xa8: {  	s5 =	sshll.u32 s28, $0x1;
	[dreg:$0x2] =	wrdreg s3  }
0xa9: {  	[dreg:$0x3] =	wrdreg s5  }
0xaa: {  	[dreg:$0x4] =	wrdreg $0xC0  }
0xab: {  	_ =	task [dreg:s7], $0x5FFFF  }
0xac: {  	[dreg:$0x1] =	wrdreg $0xFFFFFFFF  }
0xad: {  	[dreg:$0x0] =	wrdreg $0x60  }
0xae: {  	[dreg:$0x2] =	wrdreg s24  }
0xaf: {  	[dreg:$0x3] =	wrdreg s2  }
0xb0: {  	[dreg:$0x4] =	wrdreg $0x9  }
0xb1: {  	_ =	task.clear_ibuf [dreg:s7], $0x5FFFF;
	_ =	strace $0x90000049  }
0xb2: {  	s29 =	simm.s32 $0x9;
	_ =	strace $0x8000004B  }
0xb3: {  	_ =	swait.ge [sflag:s29], $0x1  }
0xb4: {  	[sflag:s29] =	ssyncadd.s32 $0xFFFFFFFF  }
0xb5: {  	_ =	strace $0x9000004B  }
0xb6: {  	_ =	sfence  }
0xb7: {  	s30 =	sld [smem:$0x0];
	_ =	sdelay $0x2  }
0xb8: {  	s31 =	sshll.u32 s1, $0xD;
	s1 =	sshrl.u32 s1, $0x2  }
0xb9: {  	s3 =	sand.u32 $0x4000, s31;
	s1 =	sadd.s32 s1, s30  }
0xba: {  	s0 =	sor.u32 s3, s0;
	s1 =	sshll.u32 s1, $0x11  }
0xbb: {  	s0 =	sor.u32 s1, s0  }
0xbc: {  	s0 =	sadd.s32 $0x8F2B, s0  }
0xbd: {  	[sflag:s0] =	ssyncadd.remote.s32 $0x1  }
0xbe: {  	_ =	sfence.sel $0xFFFF  }
0xbf: {  	[dreg:$0x0] =	wrdreg $0xFFFFFFFF;
	(pc) =	sbr.abs _section_cstart, $3  }
0xc0: {  	[dreg:$0x1] =	wrdreg $0xFFFFFFFF  }
0xc1: {  	_ =	task.clear_ibuf [dreg:s7], $0x2FFFF;
	_ =	strace $0x9FFFFFFF  }
0xc2: {  	(tm) =	ssettm $0x7FFFFFFF  }
0xc3: {  	_ =	shalt  }
tec
execute0_lowered:
.L_overlay_start_1:
0x0: {  	(tag) =	ssettag $0x1  }
0x1: {  	s0 =	rddreg [dreg:$0x0]  }
0x2: {  	s2 =	rddreg [dreg:$0x1]  }
0x3: {  	s1 =	simm.s32 $0x0;
	s4 =	srdreg.scid;
	s11 =	stileid.u32  }
0x4: {  	s14 =	simm.s32 $0x2;
	s16 =	simm.s32 $0x100;
	s17 =	simm.s32 $0x180  }
0x5: {  	s19 =	simm.s32 $0x9A00;
	s20 =	simm.s32 $0xA200;
	s21 =	simm.s32 $0xAA00  }
0x6: {  	s28 =	simm.s32 $0xEA00;
	s29 =	simm.s32 $0xF200;
	s12 =	simm.s32 $0xFA00  }
0x7: {  	s30 =	simm.s32 $0x1;
	s13 =	simm.s32 $0x10200;
	s31 =	simm.s32 $0x0  }
0x8: {  	[smem:$0x7FF] =	sst s1;
	s3 =	sadd.s32 $0x2BA600, s0;
	s5 =	sadd.s32 $0x1600, s0  }
0x9: {  	s4 =	sand.u32 $0x1, s4;
	s9 =	sadd.s32 $0x1E00, s0;
	s23 =	sshll.u32 s11, $0xE  }
0xa: {  	s8 =	sshll.u32 s11, $0x7;
	s11 =	sadd.s32 $0x2BA900, s0;
	_ =	strace $0x8000004A  }
0xb: {  	s6 =	ssub.s32 $0x2, s4;
	s7 =	sshll.u32 s4, $0x3;
	s4 =	sshll.u32 s4, $0xD  }
0xc: {  	s10 =	sshrl.u32 s6, $0x1;
	s7 =	sor.u32 s7, s8;
	s4 =	sor.u32 s4, s23  }
0xd: {  	s23 =	simm.s32 $0xCA00;
	s6 =	ssub.s32 s6, s10;
	s8 =	sadd.s32 s5, s7  }
0xe: {  	s22 =	sor.u32 $0x10, s7;
	s7 =	sadd.s32 s9, s7;
	[dreg:$0x3] =	wrdreg s8  }
0xf: {  	s10 =	sadd.s32 s2, s4;
	s5 =	sadd.s32 s5, s22;
	[dreg:$0x5] =	wrdreg s7  }
0x10: {  	v2 =	vlaneseq.u32;
	s24 =	sadd.s32 s9, s22;
	s8 =	sadd.s32 $0x2BA700, s0;
	[dreg:$0x4] =	wrdreg s5  }
0x11: {  	v0 =	vand.u32 $0x7, v2;
	v1 =	vshrl.u32 v2, $0x3;
	s9 =	sadd.s32 $0x2BA800, s0;
	s25 =	sadd.s32 $0x1000, s10;
	[dreg:$0x6] =	wrdreg s24  }
0x12: {  	v63 =	vor.u32 $0x8, v2;
	[tilespmem:$0x1FFD0] =	vst v0;
	v62 =	vmul.u32 $0x8, v1;
	s26 =	smax.u32 s6, $0x1;
	s6 =	simm.s32 $0xB200;
	[dreg:$0x7] =	wrdreg s25  }
0x13: {  	[tilespmem:$0x1FFF0] =	vst v63;
	s22 =	simm.s32 $0xBA00;
	s7 =	simm.s32 $0xC200;
	[dreg:$0x8] =	wrdreg s26  }
0x14: {  	vm0 =	vmmov $0xffff;
	[tilespmem:$0x1FFE0] =	vst v62;
	s24 =	simm.s32 $0xD200;
	s25 =	simm.s32 $0xDA00;
	s26 =	simm.s32 $0xE200  }
.LBB2_1:
0x15: {  	s0 =	rddreg [dreg:$0x3]  }
0x16: {  	[tilespmem:s1], [sflag:$0x2] =	stream.linear.gather [hbm4b:s0+s1], $0x40, $0x38;
	[tilespmem:$0x18200] =	vst v63  }
0x17: {  	_ =	swait.ge [sflag:s14], $0x40  }
0x18: {  	[sflag:s14] =	ssyncset.done $0x0  }
0x19: {  	s2 =	simm.s32 $0x80;
	s15 =	rddreg [dreg:$0x4];
	[sflag:s14] =	ssyncadd.s32 $0xFFFFFFC0  }
0x1a: {  	[tilespmem:s2], [sflag:$0x2] =	stream.linear.gather [hbm4b:s15+s1], $0x40, $0x38;
	[tilespmem:$0x18200] =	vst v63  }
0x1b: {  	_ =	swait.ge [sflag:s14], $0x40  }
0x1c: {  	[sflag:s14] =	ssyncset.done $0x0  }
0x1d: {  	s18 =	rddreg [dreg:$0x5];
	[sflag:s14] =	ssyncadd.s32 $0xFFFFFFC0  }
0x1e: {  	[tilespmem:s16], [sflag:$0x2] =	stream.linear.gather [hbm4b:s18+s1], $0x40, $0x38;
	[tilespmem:$0x18200] =	vst v63  }
0x1f: {  	_ =	swait.ge [sflag:s14], $0x40  }
0x20: {  	[sflag:s14] =	ssyncset.done $0x0  }
0x21: {  	s2 =	rddreg [dreg:$0x6];
	[sflag:s14] =	ssyncadd.s32 $0xFFFFFFC0  }
0x22: {  	[tilespmem:s17], [sflag:$0x2] =	stream.linear.gather [hbm4b:s2+s1], $0x40, $0x38;
	[tilespmem:$0x18200] =	vst v63  }
0x23: {  	_ =	swait.ge [sflag:s14], $0x40  }
0x24: {  	[sflag:s14] =	ssyncset.done $0x0  }
0x25: {  	[sflag:s14] =	ssyncadd.s32 $0xFFFFFFC0  }
0x26: {  	v3 =	vld [tilespmem:$0x0];
	_ =	sdelay $0x2  }
0x27: {  	v0 =	vld [tilespmem:$0x1FFD0];
	_ =	sdelay $0x1  }
0x28: {  	v1 =	vld [tilespmem:$0x1FFE0];
	v4 =	vshll.u32 v3, $0x3  }
0x29: {  	v3 =	vand.u32 $0x7, v3;
	v4 =	vand.u32 $0xFFFFFFC0, v4  }
0x2a: {  	v3 =	vor.u32 v3, v4  }
0x2b: {  	v4 =	vperm.xlane v3, v0;
	_ =	sdelay $0x1  }
0x2c: {  	v4 =	vadd.s32 v1, v4  }
0x2d: {  	v2 =	vld [tilespmem:$0x1FFF0];
	_ =	sdelay $0x2  }
0x2e: {  	s4 =	simm.s32 $0x200  }
0x2f: {  	[tilespmem:s4], [sflag:$0x1] =	stream.indirect_vreg.gather [hbm4b:s3+s1], $0x80, v4, vm0, $0xb8;
	[tilespmem:$0x18200] =	vst v63  }
0x30: {  	s5 =	simm.s32 $0xA00;
	v3 =	vperm.xlane v3, v2  }
0x31: {  	[tilespmem:s5], [sflag:$0x1] =	stream.indirect_vreg.gather [hbm4b:s8+s1], $0x80, v4, vm0, $0xb8;
	[tilespmem:$0x18200] =	vst v63  }
0x32: {  	s15 =	simm.s32 $0x1200;
	v3 =	vadd.s32 v1, v3  }
0x33: {  	[tilespmem:s15], [sflag:$0x1] =	stream.indirect_vreg.gather [hbm4b:s9+s1], $0x80, v4, vm0, $0xb8;
	[tilespmem:$0x18200] =	vst v63  }
0x34: {  	s18 =	simm.s32 $0x1A00  }
0x35: {  	[tilespmem:s18], [sflag:$0x1] =	stream.indirect_vreg.gather [hbm4b:s11+s1], $0x80, v4, vm0, $0xb8;
	[tilespmem:$0x18200] =	vst v63  }
0x36: {  	s2 =	simm.s32 $0x2200  }
0x37: {  	[tilespmem:s2], [sflag:$0x1] =	stream.indirect_vreg.gather [hbm4b:s3+s1], $0x80, v3, vm0, $0xb8;
	[tilespmem:$0x18200] =	vst v63  }
0x38: {  	s4 =	simm.s32 $0x2A00  }
0x39: {  	[tilespmem:s4], [sflag:$0x1] =	stream.indirect_vreg.gather [hbm4b:s8+s1], $0x80, v3, vm0, $0xb8;
	[tilespmem:$0x18200] =	vst v63  }
0x3a: {  	s5 =	simm.s32 $0x3200  }
0x3b: {  	[tilespmem:s5], [sflag:$0x1] =	stream.indirect_vreg.gather [hbm4b:s9+s1], $0x80, v3, vm0, $0xb8;
	[tilespmem:$0x18200] =	vst v63  }
0x3c: {  	s15 =	simm.s32 $0x3A00  }
0x3d: {  	[tilespmem:s15], [sflag:$0x1] =	stream.indirect_vreg.gather [hbm4b:s11+s1], $0x80, v3, vm0, $0xb8;
	[tilespmem:$0x18200] =	vst v63  }
0x3e: {  	v3 =	vld [tilespmem:$0x10];
	_ =	sdelay $0x4  }
0x3f: {  	v61 =	vshll.u32 v3, $0x3  }
0x40: {  	v3 =	vand.u32 $0x7, v3;
	v4 =	vand.u32 $0xFFFFFFC0, v61  }
0x41: {  	v3 =	vor.u32 v3, v4  }
0x42: {  	v4 =	vperm.xlane v3, v0;
	_ =	sdelay $0x1  }
0x43: {  	v4 =	vadd.s32 v1, v4;
	_ =	sdelay $0x3  }
0x44: {  	s18 =	simm.s32 $0x4200  }
0x45: {  	[tilespmem:s18], [sflag:$0x1] =	stream.indirect_vreg.gather [hbm4b:s3+s1], $0x80, v4, vm0, $0xb8;
	[tilespmem:$0x18200] =	vst v63  }
0x46: {  	s2 =	simm.s32 $0x4A00;
	v3 =	vperm.xlane v3, v2  }
0x47: {  	[tilespmem:s2], [sflag:$0x1] =	stream.indirect_vreg.gather [hbm4b:s8+s1], $0x80, v4, vm0, $0xb8;
	[tilespmem:$0x18200] =	vst v63  }
0x48: {  	s4 =	simm.s32 $0x5200;
	v3 =	vadd.s32 v1, v3  }
0x49: {  	[tilespmem:s4], [sflag:$0x1] =	stream.indirect_vreg.gather [hbm4b:s9+s1], $0x80, v4, vm0, $0xb8;
	[tilespmem:$0x18200] =	vst v63  }
0x4a: {  	s5 =	simm.s32 $0x5A00  }
0x4b: {  	[tilespmem:s5], [sflag:$0x1] =	stream.indirect_vreg.gather [hbm4b:s11+s1], $0x80, v4, vm0, $0xb8;
	[tilespmem:$0x18200] =	vst v63  }
0x4c: {  	s15 =	simm.s32 $0x6200  }
0x4d: {  	[tilespmem:s15], [sflag:$0x1] =	stream.indirect_vreg.gather [hbm4b:s3+s1], $0x80, v3, vm0, $0xb8;
	[tilespmem:$0x18200] =	vst v63  }
0x4e: {  	s18 =	simm.s32 $0x6A00  }
0x4f: {  	[tilespmem:s18], [sflag:$0x1] =	stream.indirect_vreg.gather [hbm4b:s8+s1], $0x80, v3, vm0, $0xb8;
	[tilespmem:$0x18200] =	vst v63  }
0x50: {  	s2 =	simm.s32 $0x7200  }
0x51: {  	[tilespmem:s2], [sflag:$0x1] =	stream.indirect_vreg.gather [hbm4b:s9+s1], $0x80, v3, vm0, $0xb8;
	[tilespmem:$0x18200] =	vst v63  }
0x52: {  	s4 =	simm.s32 $0x7A00  }
0x53: {  	[tilespmem:s4], [sflag:$0x1] =	stream.indirect_vreg.gather [hbm4b:s11+s1], $0x80, v3, vm0, $0xb8;
	[tilespmem:$0x18200] =	vst v63  }
0x54: {  	v3 =	vld [tilespmem:$0x80];
	_ =	sdelay $0x4  }
0x55: {  	v62 =	vshll.u32 v3, $0x3  }
0x56: {  	v3 =	vand.u32 $0x7, v3;
	v4 =	vand.u32 $0xFFFFFFC0, v62  }
0x57: {  	v3 =	vor.u32 v3, v4  }
0x58: {  	v4 =	vperm.xlane v3, v0;
	_ =	sdelay $0x1  }
0x59: {  	v4 =	vadd.s32 v1, v4;
	_ =	sdelay $0x3  }
0x5a: {  	s5 =	simm.s32 $0x8200  }
0x5b: {  	[tilespmem:s5], [sflag:$0x1] =	stream.indirect_vreg.gather [hbm4b:s3+s1], $0x80, v4, vm0, $0xb8;
	[tilespmem:$0x18200] =	vst v63  }
0x5c: {  	s15 =	simm.s32 $0x8A00;
	v3 =	vperm.xlane v3, v2  }
0x5d: {  	[tilespmem:s15], [sflag:$0x1] =	stream.indirect_vreg.gather [hbm4b:s8+s1], $0x80, v4, vm0, $0xb8;
	[tilespmem:$0x18200] =	vst v63  }
0x5e: {  	s18 =	simm.s32 $0x9200;
	v3 =	vadd.s32 v1, v3  }
0x5f: {  	[tilespmem:s18], [sflag:$0x1] =	stream.indirect_vreg.gather [hbm4b:s9+s1], $0x80, v4, vm0, $0xb8;
	[tilespmem:$0x18200] =	vst v63  }
0x60: {  	_ = 	snop  }
0x61: {  	[tilespmem:s19], [sflag:$0x1] =	stream.indirect_vreg.gather [hbm4b:s11+s1], $0x80, v4, vm0, $0xb8;
	[tilespmem:$0x18200] =	vst v63  }
0x62: {  	_ = 	snop  }
0x63: {  	[tilespmem:s20], [sflag:$0x1] =	stream.indirect_vreg.gather [hbm4b:s3+s1], $0x80, v3, vm0, $0xb8;
	[tilespmem:$0x18200] =	vst v63  }
0x64: {  	_ = 	snop  }
0x65: {  	[tilespmem:s21], [sflag:$0x1] =	stream.indirect_vreg.gather [hbm4b:s8+s1], $0x80, v3, vm0, $0xb8;
	[tilespmem:$0x18200] =	vst v63  }
0x66: {  	_ = 	snop  }
0x67: {  	[tilespmem:s6], [sflag:$0x1] =	stream.indirect_vreg.gather [hbm4b:s9+s1], $0x80, v3, vm0, $0xb8;
	[tilespmem:$0x18200] =	vst v63  }
0x68: {  	_ = 	snop  }
0x69: {  	[tilespmem:s22], [sflag:$0x1] =	stream.indirect_vreg.gather [hbm4b:s11+s1], $0x80, v3, vm0, $0xb8;
	[tilespmem:$0x18200] =	vst v63  }
0x6a: {  	v3 =	vld [tilespmem:$0x90];
	_ =	sdelay $0x4  }
0x6b: {  	v63 =	vshll.u32 v3, $0x3  }
0x6c: {  	v3 =	vand.u32 $0x7, v3;
	v4 =	vand.u32 $0xFFFFFFC0, v63  }
0x6d: {  	v3 =	vor.u32 v3, v4  }
0x6e: {  	v4 =	vperm.xlane v3, v0;
	_ =	sdelay $0x1  }
0x6f: {  	v4 =	vadd.s32 v1, v4;
	_ =	sdelay $0x4  }
0x70: {  	[tilespmem:s7], [sflag:$0x1] =	stream.indirect_vreg.gather [hbm4b:s3+s1], $0x80, v4, vm0, $0xb8;
	[tilespmem:$0x18200] =	vst v63  }
0x71: {  	v3 =	vperm.xlane v3, v2  }
0x72: {  	[tilespmem:s23], [sflag:$0x1] =	stream.indirect_vreg.gather [hbm4b:s8+s1], $0x80, v4, vm0, $0xb8;
	[tilespmem:$0x18200] =	vst v63  }
0x73: {  	v3 =	vadd.s32 v1, v3  }
0x74: {  	[tilespmem:s24], [sflag:$0x1] =	stream.indirect_vreg.gather [hbm4b:s9+s1], $0x80, v4, vm0, $0xb8;
	[tilespmem:$0x18200] =	vst v63  }
0x75: {  	_ = 	snop  }
0x76: {  	[tilespmem:s25], [sflag:$0x1] =	stream.indirect_vreg.gather [hbm4b:s11+s1], $0x80, v4, vm0, $0xb8;
	[tilespmem:$0x18200] =	vst v63  }
0x77: {  	_ = 	snop  }
0x78: {  	[tilespmem:s26], [sflag:$0x1] =	stream.indirect_vreg.gather [hbm4b:s3+s1], $0x80, v3, vm0, $0xb8;
	[tilespmem:$0x18200] =	vst v63  }
0x79: {  	_ = 	snop  }
0x7a: {  	[tilespmem:s28], [sflag:$0x1] =	stream.indirect_vreg.gather [hbm4b:s8+s1], $0x80, v3, vm0, $0xb8;
	[tilespmem:$0x18200] =	vst v63  }
0x7b: {  	_ = 	snop  }
0x7c: {  	[tilespmem:s29], [sflag:$0x1] =	stream.indirect_vreg.gather [hbm4b:s9+s1], $0x80, v3, vm0, $0xb8;
	[tilespmem:$0x18200] =	vst v63  }
0x7d: {  	_ = 	snop  }
0x7e: {  	[tilespmem:s12], [sflag:$0x1] =	stream.indirect_vreg.gather [hbm4b:s11+s1], $0x80, v3, vm0, $0xb8;
	[tilespmem:$0x18200] =	vst v63  }
0x7f: {  	_ =	swait.ge [sflag:s30], $0x8000  }
0x80: {  	[sflag:s30] =	ssyncset.done $0x0  }
0x81: {  	[sflag:s30] =	ssyncadd.s32 $0xFFFF8000  }
0x82: {  	_ =	swait.ge [sflag:s30], $0x8000  }
0x83: {  	s0 =	simm.s32 $0x0;
	s2 =	simm.s32 $0x0;
	[sflag:s30] =	ssyncset.done $0x0  }
0x84: {  	s4 =	simm.s32 $0x0;
	s15 =	simm.s32 $0x0;
	[sflag:s30] =	ssyncadd.s32 $0xFFFF8000  }
.LBB2_2:
0x85: {  	s18 =	sand.u32 $0x6000, s2;
	s5 =	sand.u32 $0x380, s15  }
0x86: {  	s18 =	sor.u32 s5, s18  }
0x87: {  	v6 =	vld [tilespmem:s18+$0x200]  }
0x88: {  	v7 =	vld [tilespmem:s18+$0x8200]  }
0x89: {  	v10 =	vld [tilespmem:s18+$0x210]  }
0x8a: {  	v11 =	vld [tilespmem:s18+$0x8210]  }
0x8b: {  	v14 =	vld [tilespmem:s18+$0x220]  }
0x8c: {  	v17 =	vld [tilespmem:s18+$0x8220]  }
0x8d: {  	v20 =	vld [tilespmem:s18+$0x230]  }
0x8e: {  	v21 =	vld [tilespmem:s18+$0x8230]  }
0x8f: {  	v26 =	vld [tilespmem:s18+$0x240]  }
0x90: {  	v27 =	vld [tilespmem:s18+$0x8240]  }
0x91: {  	v28 =	vld [tilespmem:s18+$0x250]  }
0x92: {  	v29 =	vld [tilespmem:s18+$0x8250]  }
0x93: {  	v30 =	vld [tilespmem:s18+$0x260]  }
0x94: {  	v31 =	vld [tilespmem:s18+$0x8260]  }
0x95: {  	v32 =	vld [tilespmem:s18+$0x270]  }
0x96: {  	v33 =	vld [tilespmem:s18+$0x8270]  }
0x97: {  	v34 =	vld [tilespmem:s18+$0x600]  }
0x98: {  	v35 =	vld [tilespmem:s18+$0x8600]  }
0x99: {  	v36 =	vld [tilespmem:s18+$0x610]  }
0x9a: {  	v37 =	vld [tilespmem:s18+$0x8610]  }
0x9b: {  	v38 =	vld [tilespmem:s18+$0x620]  }
0x9c: {  	v39 =	vld [tilespmem:s18+$0x8620]  }
0x9d: {  	v40 =	vld [tilespmem:s18+$0x630]  }
0x9e: {  	v41 =	vld [tilespmem:s18+$0x8630]  }
0x9f: {  	v42 =	vld [tilespmem:s18+$0x640]  }
0xa0: {  	v43 =	vld [tilespmem:s18+$0x8640]  }
0xa1: {  	v44 =	vld [tilespmem:s18+$0x650]  }
0xa2: {  	v45 =	vld [tilespmem:s18+$0x8650]  }
0xa3: {  	v46 =	vld [tilespmem:s18+$0x660]  }
0xa4: {  	v47 =	vld [tilespmem:s18+$0x8660]  }
0xa5: {  	v48 =	vld [tilespmem:s18+$0x670]  }
0xa6: {  	v49 =	vld [tilespmem:s18+$0x8670]  }
0xa7: {  	v50 =	vld [tilespmem:s18+$0xA00]  }
0xa8: {  	v51 =	vld [tilespmem:s18+$0x8A00]  }
0xa9: {  	v52 =	vld [tilespmem:s18+$0xA10]  }
0xaa: {  	v53 =	vld [tilespmem:s18+$0x8A10]  }
0xab: {  	v54 =	vld [tilespmem:s18+$0xA20]  }
0xac: {  	v55 =	vld [tilespmem:s18+$0x8A20]  }
0xad: {  	v56 =	vld [tilespmem:s18+$0xA30]  }
0xae: {  	v57 =	vld [tilespmem:s18+$0x8A30]  }
0xaf: {  	v58 =	vld [tilespmem:s18+$0xA40]  }
0xb0: {  	v59 =	vld [tilespmem:s18+$0x8A40]  }
0xb1: {  	v60 =	vld [tilespmem:s18+$0xA50]  }
0xb2: {  	v61 =	vld [tilespmem:s18+$0x8A50]  }
0xb3: {  	v62 =	vld [tilespmem:s18+$0xA60]  }
0xb4: {  	v63 =	vld [tilespmem:s18+$0x8A60]  }
0xb5: {  	v5 =	vld [tilespmem:s18+$0xA70]  }
0xb6: {  	v2 =	vld [tilespmem:s18+$0x8A70]  }
0xb7: {  	v24 =	vld [tilespmem:s18+$0xE00]  }
0xb8: {  	v25 =	vld [tilespmem:s18+$0x8E00]  }
0xb9: {  	v22 =	vld [tilespmem:s18+$0xE10]  }
0xba: {  	v4 =	vmov s4;
	v23 =	vld [tilespmem:s18+$0x8E10]  }
0xbb: {  	v18 =	vld [tilespmem:s18+$0xE20]  }
0xbc: {  	v19 =	vld [tilespmem:s18+$0x8E20]  }
0xbd: {  	v15 =	vld [tilespmem:s18+$0xE30]  }
0xbe: {  	v0 =	vld [tilespmem:s18+$0xE60]  }
0xbf: {  	v3 =	vld.idx.msk [tilespmem:v4+s16+$0x0], $0xffff  }
0xc0: {  	v4 =	vld.idx.msk [tilespmem:v4+s17+$0x0], $0xffff  }
0xc1: {  	v16 =	vld [tilespmem:s18+$0x8E30]  }
0xc2: {  	v12 =	vld [tilespmem:s18+$0xE40]  }
0xc3: {  	v13 =	vld [tilespmem:s18+$0x8E40]  }
0xc4: {  	v8 =	vld [tilespmem:s18+$0xE50];
	v1 =	vmul.f32 v6, v3  }
0xc5: {  	v9 =	vld [tilespmem:s18+$0x8E50];
	[tilespmem:$0x1FFC0] =	vst v0;
	v0 =	vmul.f32 v7, v4;
	v10 =	vmul.f32 v10, v3  }
0xc6: {  	v7 =	vld [tilespmem:s18+$0x8E60];
	v11 =	vmul.f32 v11, v4;
	v14 =	vmul.f32 v14, v3  }
0xc7: {  	v6 =	vld [tilespmem:s18+$0xE70];
	v17 =	vmul.f32 v17, v4;
	v20 =	vmul.f32 v20, v3  }
0xc8: {  	v21 =	vmul.f32 v21, v4;
	v26 =	vmul.f32 v26, v3;
	v1 =	vadd.f32 v0, v1;
	v0 =	vld [tilespmem:s18+$0x8E70]  }
0xc9: {  	v5 =	vmul.f32 v5, v3;
	v2 =	vmul.f32 v2, v4;
	v10 =	vadd.f32 v11, v10;
	v11 =	vld [tilespmem:s18+$0x1200]  }
0xca: {  	v24 =	vmul.f32 v24, v3;
	v25 =	vmul.f32 v25, v4;
	[tilespmem:s18+$0x10200] =	vst v1;
	v1 =	vadd.f32 v17, v14;
	v14 =	vld [tilespmem:s18+$0x9200]  }
0xcb: {  	[tilespmem:s18+$0x10210] =	vst v10;
	v10 =	vadd.f32 v21, v20;
	v21 =	vmul.f32 v28, v3;
	v28 =	vmul.f32 v29, v4;
	v17 =	vld [tilespmem:s18+$0x1210]  }
0xcc: {  	v27 =	vmul.f32 v27, v4;
	v34 =	vmul.f32 v34, v3;
	v2 =	vadd.f32 v2, v5;
	v20 =	vld [tilespmem:s18+$0x9210]  }
0xcd: {  	v35 =	vmul.f32 v35, v4;
	v25 =	vadd.f32 v25, v24;
	[tilespmem:s18+$0x10230] =	vst v10;
	v10 =	vadd.f32 v28, v21;
	v21 =	vld [tilespmem:s18+$0x1220]  }
0xce: {  	v29 =	vmul.f32 v33, v4;
	[tilespmem:s18+$0x10220] =	vst v1;
	v1 =	vadd.f32 v27, v26;
	v27 =	vmul.f32 v31, v4;
	v31 =	vld [tilespmem:s18+$0x1230]  }
0xcf: {  	[tilespmem:s18+$0x10A70] =	vst v2;
	v26 =	vmul.f32 v30, v3;
	v28 =	vmul.f32 v32, v3;
	v32 =	vld [tilespmem:s18+$0x9230]  }
0xd0: {  	v38 =	vmul.f32 v38, v3;
	[tilespmem:s18+$0x10E00] =	vst v25;
	v30 =	vmul.f32 v15, v3;
	v15 =	vld [tilespmem:s18+$0x1640]  }
0xd1: {  	v39 =	vmul.f32 v39, v4;
	v33 =	vadd.f32 v27, v26;
	v26 =	vld [tilespmem:s18+$0x9220];
	[tilespmem:s18+$0x10250] =	vst v10;
	v10 =	vadd.f32 v29, v28  }
0xd2: {  	[tilespmem:s18+$0x10240] =	vst v1;
	v28 =	vmul.f32 v36, v3;
	v36 =	vmul.f32 v37, v4;
	v37 =	vadd.f32 v35, v34;
	v34 =	vld [tilespmem:s18+$0x9240]  }
0xd3: {  	v40 =	vmul.f32 v40, v3;
	v52 =	vmul.f32 v52, v3;
	v35 =	vld [tilespmem:s18+$0x1250];
	[tilespmem:s18+$0x10260] =	vst v33  }
0xd4: {  	v18 =	vmul.f32 v18, v3;
	v27 =	vld [tilespmem:s18+$0x9620];
	[tilespmem:s18+$0x10270] =	vst v10;
	v10 =	vadd.f32 v36, v28;
	v36 =	vmul.f32 v41, v4  }
0xd5: {  	v33 =	vld [tilespmem:s18+$0x1240];
	[tilespmem:s18+$0x10600] =	vst v37;
	v37 =	vadd.f32 v39, v38;
	v38 =	vmul.f32 v42, v3;
	v39 =	vmul.f32 v43, v4  }
0xd6: {  	v41 =	vmul.f32 v45, v4;
	v28 =	vld [tilespmem:s18+$0x1620];
	[tilespmem:s18+$0x10610] =	vst v10;
	v10 =	vadd.f32 v36, v40;
	v40 =	vmul.f32 v44, v3  }
0xd7: {  	v43 =	vmul.f32 v46, v3;
	[tilespmem:s18+$0x10620] =	vst v37;
	v42 =	vadd.f32 v39, v38;
	v44 =	vmul.f32 v47, v4;
	v36 =	vld [tilespmem:s18+$0x9250]  }
0xd8: {  	v46 =	vmul.f32 v48, v3;
	v47 =	vmul.f32 v49, v4;
	v37 =	vld [tilespmem:s18+$0x1260];
	[tilespmem:s18+$0x10630] =	vst v10;
	v45 =	vadd.f32 v41, v40  }
0xd9: {  	v49 =	vmul.f32 v50, v3;
	v50 =	vmul.f32 v51, v4;
	v38 =	vld [tilespmem:s18+$0x9260];
	[tilespmem:s18+$0x10640] =	vst v42;
	v48 =	vadd.f32 v44, v43  }
0xda: {  	v19 =	vmul.f32 v19, v4;
	v39 =	vld [tilespmem:s18+$0x1270];
	v51 =	vadd.f32 v47, v46;
	v44 =	vmul.f32 v53, v4;
	[tilespmem:s18+$0x10650] =	vst v45  }
0xdb: {  	v46 =	vmul.f32 v54, v3;
	v47 =	vmul.f32 v55, v4;
	v40 =	vld [tilespmem:s18+$0x9270];
	[tilespmem:s18+$0x10660] =	vst v48;
	v45 =	vadd.f32 v50, v49  }
0xdc: {  	v41 =	vld [tilespmem:s18+$0x1600];
	v53 =	vmul.f32 v59, v4;
	v55 =	vmul.f32 v60, v3;
	[tilespmem:s18+$0x10670] =	vst v51;
	v48 =	vadd.f32 v44, v52  }
0xdd: {  	v42 =	vld [tilespmem:s18+$0x9600];
	v49 =	vmul.f32 v56, v3;
	v50 =	vmul.f32 v57, v4;
	v51 =	vadd.f32 v47, v46;
	[tilespmem:s18+$0x10A00] =	vst v45  }
0xde: {  	v43 =	vld [tilespmem:s18+$0x1610];
	v59 =	vmul.f32 v63, v4;
	v52 =	vmul.f32 v58, v3;
	v46 =	vadd.f32 v19, v18;
	[tilespmem:s18+$0x10A10] =	vst v48  }
0xdf: {  	v63 =	vmul.f32 v23, v4;
	v23 =	vld [tilespmem:s18+$0x9630];
	v56 =	vmul.f32 v61, v4;
	v54 =	vadd.f32 v50, v49;
	[tilespmem:s18+$0x10A20] =	vst v51  }
0xe0: {  	v58 =	vmul.f32 v62, v3;
	v44 =	vld [tilespmem:s18+$0x9610];
	v57 =	vadd.f32 v53, v52;
	[tilespmem:s18+$0x10E20] =	vst v46  }
0xe1: {  	v62 =	vmul.f32 v22, v3;
	v22 =	vld [tilespmem:s18+$0x1630];
	v60 =	vadd.f32 v56, v55;
	[tilespmem:s18+$0x10A30] =	vst v54  }
0xe2: {  	v12 =	vmul.f32 v12, v3;
	v13 =	vmul.f32 v13, v4;
	v18 =	vld [tilespmem:s18+$0x1A10];
	v61 =	vadd.f32 v59, v58;
	[tilespmem:s18+$0x10A40] =	vst v57  }
0xe3: {  	v25 =	vmul.f32 v34, v4;
	v24 =	vmul.f32 v33, v3;
	v19 =	vld [tilespmem:s18+$0x9A10];
	v29 =	vadd.f32 v63, v62;
	[tilespmem:s18+$0x10A50] =	vst v60  }
0xe4: {  	v45 =	vmul.f32 v16, v4;
	v16 =	vld [tilespmem:s18+$0x9640];
	v48 =	vmul.f32 v8, v3;
	v50 =	vadd.f32 v13, v12;
	[tilespmem:s18+$0x10A60] =	vst v61  }
0xe5: {  	v49 =	vmul.f32 v9, v4;
	v9 =	vld [tilespmem:s18+$0x1650];
	v63 =	vmul.f32 v31, v3;
	v31 =	vadd.f32 v25, v24;
	[tilespmem:s18+$0x10E10] =	vst v29  }
0xe6: {  	v0 =	vmul.f32 v0, v4;
	v51 =	vld [tilespmem:$0x1FFC0];
	v53 =	vmul.f32 v6, v3;
	v47 =	vadd.f32 v45, v30;
	[tilespmem:s18+$0x10E40] =	vst v50  }
0xe7: {  	v12 =	vld [tilespmem:s18+$0x9650];
	v55 =	vmul.f32 v11, v3;
	v56 =	vmul.f32 v14, v4;
	v52 =	vadd.f32 v49, v48;
	[tilespmem:s18+$0x11240] =	vst v31  }
0xe8: {  	v6 =	vld [tilespmem:s18+$0x1660];
	v58 =	vmul.f32 v20, v4;
	v20 =	vmul.f32 v32, v4;
	v0 =	vadd.f32 v0, v53;
	[tilespmem:s18+$0x10E30] =	vst v47  }
0xe9: {  	v33 =	vmul.f32 v38, v4;
	v11 =	vld [tilespmem:s18+$0x1670];
	v32 =	vmul.f32 v37, v3;
	v59 =	vadd.f32 v56, v55;
	[tilespmem:s18+$0x10E50] =	vst v52  }
0xea: {  	v13 =	vld [tilespmem:s18+$0x9670];
	v57 =	vmul.f32 v17, v3;
	v61 =	vmul.f32 v26, v4;
	v26 =	vadd.f32 v20, v63;
	[tilespmem:s18+$0x10E70] =	vst v0  }
0xeb: {  	v7 =	vmul.f32 v7, v4;
	v14 =	vld [tilespmem:s18+$0x1A00];
	v60 =	vmul.f32 v21, v3;
	v37 =	vadd.f32 v33, v32;
	[tilespmem:s18+$0x11200] =	vst v59  }
0xec: {  	v17 =	vld [tilespmem:s18+$0x9A00];
	v29 =	vmul.f32 v35, v3;
	v30 =	vmul.f32 v36, v4;
	v62 =	vadd.f32 v58, v57;
	[tilespmem:s18+$0x11230] =	vst v26  }
0xed: {  	v35 =	vmul.f32 v39, v3;
	v36 =	vmul.f32 v40, v4;
	v20 =	vld [tilespmem:s18+$0x1A20];
	v21 =	vadd.f32 v61, v60;
	[tilespmem:s18+$0x11260] =	vst v37  }
0xee: {  	v38 =	vmul.f32 v41, v3;
	v39 =	vmul.f32 v42, v4;
	v40 =	vld [tilespmem:s18+$0x9A20];
	v34 =	vadd.f32 v30, v29;
	[tilespmem:s18+$0x11210] =	vst v62  }
0xef: {  	v42 =	vmul.f32 v43, v3;
	v48 =	vld [tilespmem:s18+$0x9A30];
	v43 =	vmul.f32 v44, v4;
	v41 =	vadd.f32 v36, v35;
	[tilespmem:s18+$0x11220] =	vst v21  }
0xf0: {  	v46 =	vmul.f32 v28, v3;
	v56 =	vld [tilespmem:s18+$0x9A40];
	v45 =	vadd.f32 v39, v38;
	v47 =	vmul.f32 v27, v4;
	[tilespmem:s18+$0x11250] =	vst v34  }
0xf1: {  	v63 =	vld [tilespmem:s18+$0x9A50];
	v50 =	vmul.f32 v22, v3;
	v10 =	vmul.f32 v51, v3;
	v49 =	vadd.f32 v43, v42;
	[tilespmem:s18+$0x11270] =	vst v41  }
0xf2: {  	v31 =	vld [tilespmem:s18+$0x9A60];
	v33 =	vmul.f32 v18, v3;
	v51 =	vmul.f32 v23, v4;
	[tilespmem:s18+$0x11600] =	vst v45;
	v53 =	vadd.f32 v47, v46  }
0xf3: {  	v44 =	vld [tilespmem:s18+$0x1A30];
	v58 =	vmul.f32 v9, v3;
	v59 =	vmul.f32 v12, v4;
	v54 =	vadd.f32 v7, v10;
	[tilespmem:s18+$0x11610] =	vst v49  }
0xf4: {  	v52 =	vld [tilespmem:s18+$0x1A40];
	v23 =	vmul.f32 v11, v3;
	v26 =	vmul.f32 v13, v4;
	v57 =	vadd.f32 v51, v50;
	[tilespmem:s18+$0x11620] =	vst v53  }
0xf5: {  	v60 =	vld [tilespmem:s18+$0x1A50];
	v55 =	vmul.f32 v16, v4;
	v34 =	vmul.f32 v19, v4;
	v16 =	vadd.f32 v59, v58;
	[tilespmem:s18+$0x10E60] =	vst v54  }
0xf6: {  	v27 =	vld [tilespmem:s18+$0x1A60];
	v29 =	vmul.f32 v14, v3;
	v30 =	vmul.f32 v17, v4;
	v32 =	vadd.f32 v26, v23;
	[tilespmem:s18+$0x11630] =	vst v57  }
0xf7: {  	v35 =	vld [tilespmem:s18+$0x1A70];
	v37 =	vmul.f32 v20, v3;
	v38 =	vmul.f32 v40, v4;
	v40 =	vadd.f32 v34, v33;
	[tilespmem:s18+$0x11650] =	vst v16  }
0xf8: {  	v39 =	vld [tilespmem:s18+$0x9A70];
	v42 =	vmul.f32 v48, v4;
	v41 =	vmul.f32 v44, v3;
	v36 =	vadd.f32 v30, v29;
	[tilespmem:s18+$0x11670] =	vst v32  }
0xf9: {  	v10 =	vld [tilespmem:s18+$0x9660];
	v54 =	vmul.f32 v15, v3;
	v43 =	vadd.f32 v38, v37;
	[tilespmem:s18+$0x11A10] =	vst v40  }
0xfa: {  	v45 =	vmul.f32 v56, v4;
	v44 =	vmul.f32 v52, v3;
	v46 =	vadd.f32 v42, v41;
	[tilespmem:s18+$0x11A00] =	vst v36  }
0xfb: {  	v48 =	vmul.f32 v63, v4;
	v47 =	vmul.f32 v60, v3;
	v61 =	vadd.f32 v55, v54;
	[tilespmem:s18+$0x11A20] =	vst v43  }
0xfc: {  	v51 =	vmul.f32 v31, v4;
	v50 =	vmul.f32 v27, v3;
	v49 =	vadd.f32 v45, v44;
	[tilespmem:s18+$0x11A30] =	vst v46  }
0xfd: {  	v53 =	vmul.f32 v35, v3;
	v52 =	vadd.f32 v48, v47;
	v54 =	vmul.f32 v39, v4;
	[tilespmem:s18+$0x11640] =	vst v61  }
0xfe: {  	v6 =	vmul.f32 v6, v3;
	v55 =	vadd.f32 v51, v50;
	v62 =	vmul.f32 v10, v4;
	[tilespmem:s18+$0x11A40] =	vst v49  }
0xff: {  	s5 =	sand.u32 $0x7, s0;
	[tilespmem:s18+$0x11A50] =	vst v52;
	v56 =	vadd.f32 v54, v53  }
0x100: {  	s5 =	sshll.u32 s5, $0x7;
	[tilespmem:s18+$0x11A60] =	vst v55;
	v28 =	vadd.f32 v62, v6  }
0x101: {  	s5 =	sadd.s32 s5, s2;
	[tilespmem:s18+$0x11A70] =	vst v56  }
0x102: {  	[tilespmem:s18+$0x11660] =	vst v28;
	s18 =	sor.u32 $0x1C00, s5  }
0x103: {  	v0 =	vld [tilespmem:s18+$0x200]  }
0x104: {  	v1 =	vld [tilespmem:s18+$0x8200];
	_ =	sdelay $0x4  }
0x105: {  	v0 =	vmul.f32 v0, v3;
	v1 =	vmul.f32 v1, v4;
	_ =	sdelay $0x1  }
0x106: {  	v0 =	vadd.f32 v1, v0;
	_ =	sdelay $0x1  }
0x107: {  	[tilespmem:s18+$0x10200] =	vst v0;
	s18 =	sor.u32 $0x1C10, s5  }
0x108: {  	v0 =	vld [tilespmem:s18+$0x200]  }
0x109: {  	v57 =	vld [tilespmem:s18+$0x8200];
	_ =	sdelay $0x4  }
0x10a: {  	v0 =	vmul.f32 v0, v3;
	v1 =	vmul.f32 v57, v4;
	_ =	sdelay $0x1  }
0x10b: {  	v0 =	vadd.f32 v1, v0;
	_ =	sdelay $0x1  }
0x10c: {  	[tilespmem:s18+$0x10200] =	vst v0;
	s18 =	sor.u32 $0x1C20, s5  }
0x10d: {  	v0 =	vld [tilespmem:s18+$0x200]  }
0x10e: {  	v58 =	vld [tilespmem:s18+$0x8200];
	_ =	sdelay $0x4  }
0x10f: {  	v0 =	vmul.f32 v0, v3;
	v1 =	vmul.f32 v58, v4;
	_ =	sdelay $0x1  }
0x110: {  	v0 =	vadd.f32 v1, v0;
	_ =	sdelay $0x1  }
0x111: {  	[tilespmem:s18+$0x10200] =	vst v0;
	s18 =	sor.u32 $0x1C30, s5  }
0x112: {  	v0 =	vld [tilespmem:s18+$0x200]  }
0x113: {  	v59 =	vld [tilespmem:s18+$0x8200];
	_ =	sdelay $0x4  }
0x114: {  	v0 =	vmul.f32 v0, v3;
	v1 =	vmul.f32 v59, v4;
	_ =	sdelay $0x1  }
0x115: {  	v0 =	vadd.f32 v1, v0;
	_ =	sdelay $0x1  }
0x116: {  	[tilespmem:s18+$0x10200] =	vst v0;
	s18 =	sor.u32 $0x1C40, s5  }
0x117: {  	v0 =	vld [tilespmem:s18+$0x200]  }
0x118: {  	v60 =	vld [tilespmem:s18+$0x8200];
	_ =	sdelay $0x4  }
0x119: {  	v0 =	vmul.f32 v0, v3;
	v1 =	vmul.f32 v60, v4;
	_ =	sdelay $0x1  }
0x11a: {  	v0 =	vadd.f32 v1, v0;
	_ =	sdelay $0x1  }
0x11b: {  	[tilespmem:s18+$0x10200] =	vst v0;
	s18 =	sor.u32 $0x1C50, s5  }
0x11c: {  	v0 =	vld [tilespmem:s18+$0x200]  }
0x11d: {  	v61 =	vld [tilespmem:s18+$0x8200];
	_ =	sdelay $0x4  }
0x11e: {  	v0 =	vmul.f32 v0, v3;
	v1 =	vmul.f32 v61, v4;
	_ =	sdelay $0x1  }
0x11f: {  	v0 =	vadd.f32 v1, v0;
	_ =	sdelay $0x1  }
0x120: {  	[tilespmem:s18+$0x10200] =	vst v0;
	s18 =	sor.u32 $0x1C60, s5  }
0x121: {  	v0 =	vld [tilespmem:s18+$0x200]  }
0x122: {  	v62 =	vld [tilespmem:s18+$0x8200];
	_ =	sdelay $0x4  }
0x123: {  	v0 =	vmul.f32 v0, v3;
	v1 =	vmul.f32 v62, v4;
	_ =	sdelay $0x1  }
0x124: {  	v0 =	vadd.f32 v1, v0;
	_ =	sdelay $0x1  }
0x125: {  	s5 =	sor.u32 $0x1C70, s5;
	[tilespmem:s18+$0x10200] =	vst v0  }
0x126: {  	v0 =	vld [tilespmem:s5+$0x200]  }
0x127: {  	v63 =	vld [tilespmem:s5+$0x8200];
	_ =	sdelay $0x3  }
0x128: {  	p0 =	sne.s32 s4, $0x1F  }
.Ltmp0:
0x129: {  	v0 =	vmul.f32 v0, v3;
	v1 =	vmul.f32 v63, v4;
	(pc) =	sbr.rel @p0 .LBB2_2-.Ltmp0, $4  }
0x12a: {  	_ = 	snop  }
0x12b: {  	v0 =	vadd.f32 v1, v0  }
0x12c: {  	s15 =	sadd.s32 $0x80, s15  }
0x12d: {  	s4 =	sadd.s32 $0x1, s4;
	s0 =	sadd.s32 $0x1, s0;
	s2 =	sadd.s32 $0x400, s2;
	[tilespmem:s5+$0x10200] =	vst v0  }
0x12e: {  	s0 =	simm.s32 $0x0  }
0x12f: {  	[hbm4b:s10+s0] =	stream.linear.scatter [tilespmem:s13], [sflag:$0x2], $0x8000, $0x38;
	[tilespmem:$0x18200] =	vst v63  }
0x130: {  	_ =	swait.ge [sflag:s14], $0x8000  }
0x131: {  	[sflag:s14] =	ssyncset.done $0x0  }
0x132: {  	[sflag:s14] =	ssyncadd.s32 $0xFFFF8000  }
0x133: {  	v0 =	vld [tilespmem:$0x20];
	_ =	sdelay $0x2  }
0x134: {  	v2 =	vld [tilespmem:$0x1FFD0];
	_ =	sdelay $0x1  }
0x135: {  	v3 =	vld [tilespmem:$0x1FFE0];
	v1 =	vshll.u32 v0, $0x3  }
0x136: {  	v0 =	vand.u32 $0x7, v0;
	v1 =	vand.u32 $0xFFFFFFC0, v1  }
0x137: {  	v0 =	vor.u32 v0, v1  }
0x138: {  	v1 =	vperm.xlane v0, v2;
	_ =	sdelay $0x1  }
0x139: {  	v1 =	vadd.s32 v3, v1  }
0x13a: {  	v4 =	vld [tilespmem:$0x1FFF0];
	_ =	sdelay $0x2  }
0x13b: {  	s2 =	simm.s32 $0x200  }
0x13c: {  	[tilespmem:s2], [sflag:$0x1] =	stream.indirect_vreg.gather [hbm4b:s3+s0], $0x80, v1, vm0, $0xb8;
	[tilespmem:$0x18200] =	vst v63  }
0x13d: {  	s15 =	simm.s32 $0xA00;
	v0 =	vperm.xlane v0, v4  }
0x13e: {  	[tilespmem:s15], [sflag:$0x1] =	stream.indirect_vreg.gather [hbm4b:s8+s0], $0x80, v1, vm0, $0xb8;
	[tilespmem:$0x18200] =	vst v63  }
0x13f: {  	s18 =	simm.s32 $0x1200;
	v0 =	vadd.s32 v3, v0  }
0x140: {  	[tilespmem:s18], [sflag:$0x1] =	stream.indirect_vreg.gather [hbm4b:s9+s0], $0x80, v1, vm0, $0xb8;
	[tilespmem:$0x18200] =	vst v63  }
0x141: {  	s4 =	simm.s32 $0x1A00  }
0x142: {  	[tilespmem:s4], [sflag:$0x1] =	stream.indirect_vreg.gather [hbm4b:s11+s0], $0x80, v1, vm0, $0xb8;
	[tilespmem:$0x18200] =	vst v63  }
0x143: {  	s5 =	simm.s32 $0x2200  }
0x144: {  	[tilespmem:s5], [sflag:$0x1] =	stream.indirect_vreg.gather [hbm4b:s3+s0], $0x80, v0, vm0, $0xb8;
	[tilespmem:$0x18200] =	vst v63  }
0x145: {  	s15 =	simm.s32 $0x2A00  }
0x146: {  	[tilespmem:s15], [sflag:$0x1] =	stream.indirect_vreg.gather [hbm4b:s8+s0], $0x80, v0, vm0, $0xb8;
	[tilespmem:$0x18200] =	vst v63  }
0x147: {  	s18 =	simm.s32 $0x3200  }
0x148: {  	[tilespmem:s18], [sflag:$0x1] =	stream.indirect_vreg.gather [hbm4b:s9+s0], $0x80, v0, vm0, $0xb8;
	[tilespmem:$0x18200] =	vst v63  }
0x149: {  	s4 =	simm.s32 $0x3A00  }
0x14a: {  	[tilespmem:s4], [sflag:$0x1] =	stream.indirect_vreg.gather [hbm4b:s11+s0], $0x80, v0, vm0, $0xb8;
	[tilespmem:$0x18200] =	vst v63  }
0x14b: {  	v0 =	vld [tilespmem:$0x30];
	_ =	sdelay $0x4  }
0x14c: {  	v61 =	vshll.u32 v0, $0x3  }
0x14d: {  	v0 =	vand.u32 $0x7, v0;
	v1 =	vand.u32 $0xFFFFFFC0, v61  }
0x14e: {  	v0 =	vor.u32 v0, v1  }
0x14f: {  	v1 =	vperm.xlane v0, v2;
	_ =	sdelay $0x1  }
0x150: {  	v1 =	vadd.s32 v3, v1;
	_ =	sdelay $0x3  }
0x151: {  	s5 =	simm.s32 $0x4200  }
0x152: {  	[tilespmem:s5], [sflag:$0x1] =	stream.indirect_vreg.gather [hbm4b:s3+s0], $0x80, v1, vm0, $0xb8;
	[tilespmem:$0x18200] =	vst v63  }
0x153: {  	s15 =	simm.s32 $0x4A00;
	v0 =	vperm.xlane v0, v4  }
0x154: {  	[tilespmem:s15], [sflag:$0x1] =	stream.indirect_vreg.gather [hbm4b:s8+s0], $0x80, v1, vm0, $0xb8;
	[tilespmem:$0x18200] =	vst v63  }
0x155: {  	s18 =	simm.s32 $0x5200;
	v0 =	vadd.s32 v3, v0  }
0x156: {  	[tilespmem:s18], [sflag:$0x1] =	stream.indirect_vreg.gather [hbm4b:s9+s0], $0x80, v1, vm0, $0xb8;
	[tilespmem:$0x18200] =	vst v63  }
0x157: {  	s4 =	simm.s32 $0x5A00  }
0x158: {  	[tilespmem:s4], [sflag:$0x1] =	stream.indirect_vreg.gather [hbm4b:s11+s0], $0x80, v1, vm0, $0xb8;
	[tilespmem:$0x18200] =	vst v63  }
0x159: {  	s5 =	simm.s32 $0x6200  }
0x15a: {  	[tilespmem:s5], [sflag:$0x1] =	stream.indirect_vreg.gather [hbm4b:s3+s0], $0x80, v0, vm0, $0xb8;
	[tilespmem:$0x18200] =	vst v63  }
0x15b: {  	s15 =	simm.s32 $0x6A00  }
0x15c: {  	[tilespmem:s15], [sflag:$0x1] =	stream.indirect_vreg.gather [hbm4b:s8+s0], $0x80, v0, vm0, $0xb8;
	[tilespmem:$0x18200] =	vst v63  }
0x15d: {  	s18 =	simm.s32 $0x7200  }
0x15e: {  	[tilespmem:s18], [sflag:$0x1] =	stream.indirect_vreg.gather [hbm4b:s9+s0], $0x80, v0, vm0, $0xb8;
	[tilespmem:$0x18200] =	vst v63  }
0x15f: {  	s4 =	simm.s32 $0x7A00  }
0x160: {  	[tilespmem:s4], [sflag:$0x1] =	stream.indirect_vreg.gather [hbm4b:s11+s0], $0x80, v0, vm0, $0xb8;
	[tilespmem:$0x18200] =	vst v63  }
0x161: {  	v0 =	vld [tilespmem:$0xA0];
	_ =	sdelay $0x4  }
0x162: {  	v62 =	vshll.u32 v0, $0x3  }
0x163: {  	v0 =	vand.u32 $0x7, v0;
	v1 =	vand.u32 $0xFFFFFFC0, v62  }
0x164: {  	v0 =	vor.u32 v0, v1  }
0x165: {  	v1 =	vperm.xlane v0, v2;
	_ =	sdelay $0x1  }
0x166: {  	v1 =	vadd.s32 v3, v1;
	_ =	sdelay $0x3  }
0x167: {  	s5 =	simm.s32 $0x8200  }
0x168: {  	[tilespmem:s5], [sflag:$0x1] =	stream.indirect_vreg.gather [hbm4b:s3+s0], $0x80, v1, vm0, $0xb8;
	[tilespmem:$0x18200] =	vst v63  }
0x169: {  	s15 =	simm.s32 $0x8A00;
	v0 =	vperm.xlane v0, v4  }
0x16a: {  	[tilespmem:s15], [sflag:$0x1] =	stream.indirect_vreg.gather [hbm4b:s8+s0], $0x80, v1, vm0, $0xb8;
	[tilespmem:$0x18200] =	vst v63  }
0x16b: {  	s18 =	simm.s32 $0x9200;
	v0 =	vadd.s32 v3, v0  }
0x16c: {  	[tilespmem:s18], [sflag:$0x1] =	stream.indirect_vreg.gather [hbm4b:s9+s0], $0x80, v1, vm0, $0xb8;
	[tilespmem:$0x18200] =	vst v63  }
0x16d: {  	_ = 	snop  }
0x16e: {  	[tilespmem:s19], [sflag:$0x1] =	stream.indirect_vreg.gather [hbm4b:s11+s0], $0x80, v1, vm0, $0xb8;
	[tilespmem:$0x18200] =	vst v63  }
0x16f: {  	_ = 	snop  }
0x170: {  	[tilespmem:s20], [sflag:$0x1] =	stream.indirect_vreg.gather [hbm4b:s3+s0], $0x80, v0, vm0, $0xb8;
	[tilespmem:$0x18200] =	vst v63  }
0x171: {  	_ = 	snop  }
0x172: {  	[tilespmem:s21], [sflag:$0x1] =	stream.indirect_vreg.gather [hbm4b:s8+s0], $0x80, v0, vm0, $0xb8;
	[tilespmem:$0x18200] =	vst v63  }
0x173: {  	_ = 	snop  }
0x174: {  	[tilespmem:s6], [sflag:$0x1] =	stream.indirect_vreg.gather [hbm4b:s9+s0], $0x80, v0, vm0, $0xb8;
	[tilespmem:$0x18200] =	vst v63  }
0x175: {  	_ = 	snop  }
0x176: {  	[tilespmem:s22], [sflag:$0x1] =	stream.indirect_vreg.gather [hbm4b:s11+s0], $0x80, v0, vm0, $0xb8;
	[tilespmem:$0x18200] =	vst v63  }
0x177: {  	v0 =	vld [tilespmem:$0xB0];
	_ =	sdelay $0x4  }
0x178: {  	v63 =	vshll.u32 v0, $0x3  }
0x179: {  	v0 =	vand.u32 $0x7, v0;
	v1 =	vand.u32 $0xFFFFFFC0, v63  }
0x17a: {  	v0 =	vor.u32 v0, v1  }
0x17b: {  	v1 =	vperm.xlane v0, v2;
	_ =	sdelay $0x1  }
0x17c: {  	v1 =	vadd.s32 v3, v1;
	_ =	sdelay $0x4  }
0x17d: {  	[tilespmem:s7], [sflag:$0x1] =	stream.indirect_vreg.gather [hbm4b:s3+s0], $0x80, v1, vm0, $0xb8;
	[tilespmem:$0x18200] =	vst v63  }
0x17e: {  	v0 =	vperm.xlane v0, v4  }
0x17f: {  	[tilespmem:s23], [sflag:$0x1] =	stream.indirect_vreg.gather [hbm4b:s8+s0], $0x80, v1, vm0, $0xb8;
	[tilespmem:$0x18200] =	vst v63  }
0x180: {  	v0 =	vadd.s32 v3, v0  }
0x181: {  	[tilespmem:s24], [sflag:$0x1] =	stream.indirect_vreg.gather [hbm4b:s9+s0], $0x80, v1, vm0, $0xb8;
	[tilespmem:$0x18200] =	vst v63  }
0x182: {  	_ = 	snop  }
0x183: {  	[tilespmem:s25], [sflag:$0x1] =	stream.indirect_vreg.gather [hbm4b:s11+s0], $0x80, v1, vm0, $0xb8;
	[tilespmem:$0x18200] =	vst v63  }
0x184: {  	_ = 	snop  }
0x185: {  	[tilespmem:s26], [sflag:$0x1] =	stream.indirect_vreg.gather [hbm4b:s3+s0], $0x80, v0, vm0, $0xb8;
	[tilespmem:$0x18200] =	vst v63  }
0x186: {  	_ = 	snop  }
0x187: {  	[tilespmem:s28], [sflag:$0x1] =	stream.indirect_vreg.gather [hbm4b:s8+s0], $0x80, v0, vm0, $0xb8;
	[tilespmem:$0x18200] =	vst v63  }
0x188: {  	_ = 	snop  }
0x189: {  	[tilespmem:s29], [sflag:$0x1] =	stream.indirect_vreg.gather [hbm4b:s9+s0], $0x80, v0, vm0, $0xb8;
	[tilespmem:$0x18200] =	vst v63  }
0x18a: {  	_ = 	snop  }
0x18b: {  	[tilespmem:s12], [sflag:$0x1] =	stream.indirect_vreg.gather [hbm4b:s11+s0], $0x80, v0, vm0, $0xb8;
	[tilespmem:$0x18200] =	vst v63  }
0x18c: {  	_ =	swait.ge [sflag:s30], $0x8000  }
0x18d: {  	[sflag:s30] =	ssyncset.done $0x0  }
0x18e: {  	[sflag:s30] =	ssyncadd.s32 $0xFFFF8000  }
0x18f: {  	_ =	swait.ge [sflag:s30], $0x8000  }
0x190: {  	s2 =	simm.s32 $0x20;
	[sflag:s30] =	ssyncset.done $0x0  }
0x191: {  	s4 =	simm.s32 $0x0;
	s15 =	simm.s32 $0x0;
	[sflag:s30] =	ssyncadd.s32 $0xFFFF8000  }
.LBB2_4:
0x192: {  	s5 =	sand.u32 $0x6000, s15;
	s18 =	sand.u32 $0x380, s4  }
0x193: {  	s18 =	sor.u32 s18, s5  }
0x194: {  	v1 =	vld [tilespmem:s18+$0x8200]  }
0x195: {  	v2 =	vld [tilespmem:s18+$0x210]  }
0x196: {  	v6 =	vld [tilespmem:s18+$0x8210]  }
0x197: {  	v10 =	vld [tilespmem:s18+$0x220]  }
0x198: {  	v11 =	vld [tilespmem:s18+$0x8220]  }
0x199: {  	v14 =	vld [tilespmem:s18+$0x230]  }
0x19a: {  	v17 =	vld [tilespmem:s18+$0x8230]  }
0x19b: {  	v20 =	vld [tilespmem:s18+$0x240]  }
0x19c: {  	v21 =	vld [tilespmem:s18+$0x8240]  }
0x19d: {  	v26 =	vld [tilespmem:s18+$0x250]  }
0x19e: {  	v27 =	vld [tilespmem:s18+$0x8250]  }
0x19f: {  	v28 =	vld [tilespmem:s18+$0x260]  }
0x1a0: {  	v29 =	vld [tilespmem:s18+$0x8260]  }
0x1a1: {  	v30 =	vld [tilespmem:s18+$0x270]  }
0x1a2: {  	v31 =	vld [tilespmem:s18+$0x8270]  }
0x1a3: {  	v32 =	vld [tilespmem:s18+$0x600]  }
0x1a4: {  	v33 =	vld [tilespmem:s18+$0x8600]  }
0x1a5: {  	v34 =	vld [tilespmem:s18+$0x610]  }
0x1a6: {  	v35 =	vld [tilespmem:s18+$0x8610]  }
0x1a7: {  	v36 =	vld [tilespmem:s18+$0x620]  }
0x1a8: {  	v37 =	vld [tilespmem:s18+$0x8620]  }
0x1a9: {  	v38 =	vld [tilespmem:s18+$0x630]  }
0x1aa: {  	v39 =	vld [tilespmem:s18+$0x8630]  }
0x1ab: {  	v40 =	vld [tilespmem:s18+$0x640]  }
0x1ac: {  	v41 =	vld [tilespmem:s18+$0x8640]  }
0x1ad: {  	v42 =	vld [tilespmem:s18+$0x650]  }
0x1ae: {  	v43 =	vld [tilespmem:s18+$0x8650]  }
0x1af: {  	v44 =	vld [tilespmem:s18+$0x660]  }
0x1b0: {  	v45 =	vld [tilespmem:s18+$0x8660]  }
0x1b1: {  	v46 =	vld [tilespmem:s18+$0x670]  }
0x1b2: {  	v47 =	vld [tilespmem:s18+$0x8670]  }
0x1b3: {  	v48 =	vld [tilespmem:s18+$0xA00]  }
0x1b4: {  	v49 =	vld [tilespmem:s18+$0x8A00]  }
0x1b5: {  	v50 =	vld [tilespmem:s18+$0xA10]  }
0x1b6: {  	v51 =	vld [tilespmem:s18+$0x8A10]  }
0x1b7: {  	v52 =	vld [tilespmem:s18+$0xA20]  }
0x1b8: {  	v53 =	vld [tilespmem:s18+$0x8A20]  }
0x1b9: {  	v54 =	vld [tilespmem:s18+$0xA30]  }
0x1ba: {  	v55 =	vld [tilespmem:s18+$0x8A30]  }
0x1bb: {  	v56 =	vld [tilespmem:s18+$0xA40]  }
0x1bc: {  	v57 =	vld [tilespmem:s18+$0x8A40]  }
0x1bd: {  	v58 =	vld [tilespmem:s18+$0xA50]  }
0x1be: {  	v59 =	vld [tilespmem:s18+$0x8A50]  }
0x1bf: {  	v60 =	vld [tilespmem:s18+$0xA60]  }
0x1c0: {  	v61 =	vld [tilespmem:s18+$0x8A60]  }
0x1c1: {  	v62 =	vld [tilespmem:s18+$0xA70]  }
0x1c2: {  	v63 =	vld [tilespmem:s18+$0x8A70]  }
0x1c3: {  	v24 =	vld [tilespmem:s18+$0xE00]  }
0x1c4: {  	v25 =	vld [tilespmem:s18+$0x8E00]  }
0x1c5: {  	v22 =	vld [tilespmem:s18+$0xE10]  }
0x1c6: {  	v0 =	vmov s2;
	v23 =	vld [tilespmem:s18+$0x8E10]  }
0x1c7: {  	v18 =	vld [tilespmem:s18+$0xE20]  }
0x1c8: {  	v19 =	vld [tilespmem:s18+$0x8E20]  }
0x1c9: {  	v15 =	vld [tilespmem:s18+$0xE30]  }
0x1ca: {  	v16 =	vld [tilespmem:s18+$0x8E30]  }
0x1cb: {  	v3 =	vld.idx.msk [tilespmem:v0+s16+$0x0], $0xffff  }
0x1cc: {  	v4 =	vld.idx.msk [tilespmem:v0+s17+$0x0], $0xffff  }
0x1cd: {  	v0 =	vld [tilespmem:s18+$0x200]  }
0x1ce: {  	v5 =	vld [tilespmem:s18+$0xE60]  }
0x1cf: {  	v12 =	vld [tilespmem:s18+$0xE40]  }
0x1d0: {  	v13 =	vld [tilespmem:s18+$0x8E40]  }
0x1d1: {  	v8 =	vld [tilespmem:s18+$0xE50]  }
0x1d2: {  	v9 =	vld [tilespmem:s18+$0x8E50];
	v0 =	vmul.f32 v0, v3;
	v1 =	vmul.f32 v1, v4  }
0x1d3: {  	v7 =	vld [tilespmem:s18+$0x8E60];
	[tilespmem:$0x1FFA0] =	vst v5;
	v5 =	vmul.f32 v2, v3;
	v2 =	vmul.f32 v6, v4  }
0x1d4: {  	v6 =	vld [tilespmem:s18+$0xE70];
	v17 =	vmul.f32 v17, v4;
	v0 =	vadd.f32 v1, v0  }
0x1d5: {  	v1 =	vmul.f32 v10, v3;
	v10 =	vld [tilespmem:s18+$0x8E70];
	v5 =	vadd.f32 v2, v5;
	v2 =	vmul.f32 v14, v3  }
0x1d6: {  	v11 =	vmul.f32 v11, v4;
	v14 =	vld [tilespmem:s18+$0x9200]  }
0x1d7: {  	v26 =	vmul.f32 v26, v3;
	v2 =	vadd.f32 v17, v2;
	v17 =	vld [tilespmem:s18+$0x1210]  }
0x1d8: {  	[tilespmem:s18+$0x10200] =	vst v0;
	v0 =	vadd.f32 v11, v1;
	v1 =	vmul.f32 v20, v3;
	v11 =	vmul.f32 v21, v4;
	v20 =	vld [tilespmem:s18+$0x9210]  }
0x1d9: {  	v27 =	vmul.f32 v27, v4;
	v30 =	vmul.f32 v30, v3;
	v21 =	vld [tilespmem:s18+$0x1220];
	[tilespmem:$0x1FFB0] =	vst v6  }
0x1da: {  	v31 =	vmul.f32 v31, v4;
	v33 =	vmul.f32 v33, v4;
	v6 =	vld [tilespmem:s18+$0x1200];
	[tilespmem:s18+$0x10220] =	vst v0;
	v0 =	vadd.f32 v11, v1  }
0x1db: {  	v1 =	vmul.f32 v28, v3;
	v11 =	vmul.f32 v29, v4;
	[tilespmem:s18+$0x10230] =	vst v2;
	v2 =	vadd.f32 v27, v26;
	v26 =	vld [tilespmem:s18+$0x9220]  }
0x1dc: {  	[tilespmem:s18+$0x10210] =	vst v5;
	v5 =	vmul.f32 v34, v3;
	v34 =	vmul.f32 v37, v4;
	v28 =	vld [tilespmem:s18+$0x1230]  }
0x1dd: {  	v37 =	vmul.f32 v39, v4;
	v29 =	vld [tilespmem:s18+$0x9230];
	[tilespmem:s18+$0x10240] =	vst v0;
	v0 =	vadd.f32 v11, v1;
	v1 =	vmul.f32 v32, v3  }
0x1de: {  	v27 =	vmul.f32 v16, v4;
	v16 =	vld [tilespmem:s18+$0x1640];
	[tilespmem:s18+$0x10250] =	vst v2;
	v2 =	vadd.f32 v31, v30;
	v32 =	vmul.f32 v35, v4  }
0x1df: {  	v30 =	vld [tilespmem:s18+$0x1240];
	[tilespmem:s18+$0x10260] =	vst v0;
	v0 =	vadd.f32 v33, v1;
	v33 =	vmul.f32 v36, v3;
	v36 =	vmul.f32 v38, v3  }
0x1e0: {  	v39 =	vmul.f32 v40, v3;
	v40 =	vmul.f32 v41, v4;
	v31 =	vld [tilespmem:s18+$0x9240];
	[tilespmem:s18+$0x10270] =	vst v2;
	v35 =	vadd.f32 v32, v5  }
0x1e1: {  	v42 =	vmul.f32 v42, v3;
	v11 =	vld [tilespmem:s18+$0x9650];
	[tilespmem:s18+$0x10600] =	vst v0;
	v38 =	vadd.f32 v34, v33;
	v41 =	vadd.f32 v37, v36  }
0x1e2: {  	v32 =	vld [tilespmem:s18+$0x1250];
	[tilespmem:s18+$0x10610] =	vst v35;
	v36 =	vmul.f32 v43, v4;
	v37 =	vadd.f32 v40, v39;
	v39 =	vmul.f32 v45, v4  }
0x1e3: {  	v33 =	vld [tilespmem:s18+$0x9250];
	v45 =	vmul.f32 v49, v4;
	[tilespmem:s18+$0x10620] =	vst v38;
	v38 =	vmul.f32 v44, v3  }
0x1e4: {  	v34 =	vld [tilespmem:s18+$0x1260];
	[tilespmem:s18+$0x10630] =	vst v41;
	v40 =	vadd.f32 v36, v42;
	v41 =	vmul.f32 v46, v3;
	v42 =	vmul.f32 v47, v4  }
0x1e5: {  	v35 =	vld [tilespmem:s18+$0x9260];
	[tilespmem:s18+$0x10640] =	vst v37;
	v44 =	vmul.f32 v48, v3;
	v47 =	vmul.f32 v50, v3;
	v43 =	vadd.f32 v39, v38  }
0x1e6: {  	v48 =	vmul.f32 v51, v4;
	v36 =	vld [tilespmem:s18+$0x1270];
	v50 =	vmul.f32 v52, v3;
	[tilespmem:s18+$0x10650] =	vst v40;
	v46 =	vadd.f32 v42, v41  }
0x1e7: {  	v51 =	vmul.f32 v53, v4;
	v37 =	vld [tilespmem:s18+$0x9270];
	v53 =	vmul.f32 v54, v3;
	v49 =	vadd.f32 v45, v44;
	[tilespmem:s18+$0x10660] =	vst v43  }
0x1e8: {  	v54 =	vmul.f32 v55, v4;
	v52 =	vadd.f32 v48, v47;
	v38 =	vld [tilespmem:s18+$0x1600];
	v44 =	vmul.f32 v56, v3;
	[tilespmem:s18+$0x10670] =	vst v46  }
0x1e9: {  	v55 =	vadd.f32 v51, v50;
	v45 =	vmul.f32 v57, v4;
	v39 =	vld [tilespmem:s18+$0x9600];
	v47 =	vmul.f32 v58, v3;
	[tilespmem:s18+$0x10A00] =	vst v49  }
0x1ea: {  	v48 =	vmul.f32 v59, v4;
	v40 =	vld [tilespmem:s18+$0x1610];
	v50 =	vmul.f32 v60, v3;
	[tilespmem:s18+$0x10A10] =	vst v52;
	v46 =	vadd.f32 v54, v53  }
0x1eb: {  	v51 =	vmul.f32 v61, v4;
	v41 =	vld [tilespmem:s18+$0x9610];
	v56 =	vmul.f32 v24, v3;
	[tilespmem:s18+$0x10A20] =	vst v55;
	v49 =	vadd.f32 v45, v44  }
0x1ec: {  	v42 =	vld [tilespmem:s18+$0x1620];
	v57 =	vmul.f32 v25, v4;
	v59 =	vmul.f32 v22, v3;
	v52 =	vadd.f32 v48, v47;
	[tilespmem:s18+$0x10A30] =	vst v46  }
0x1ed: {  	v24 =	vld [tilespmem:s18+$0x9620];
	v60 =	vmul.f32 v23, v4;
	v25 =	vmul.f32 v15, v3;
	v55 =	vadd.f32 v51, v50;
	[tilespmem:s18+$0x10A40] =	vst v49  }
0x1ee: {  	v23 =	vld [tilespmem:s18+$0x1630];
	v53 =	vmul.f32 v62, v3;
	v54 =	vmul.f32 v63, v4;
	v61 =	vadd.f32 v57, v56;
	[tilespmem:s18+$0x10A50] =	vst v52  }
0x1ef: {  	v15 =	vld [tilespmem:s18+$0x1A00];
	v62 =	vmul.f32 v18, v3;
	v63 =	vmul.f32 v19, v4;
	v22 =	vadd.f32 v60, v59;
	[tilespmem:s18+$0x10A60] =	vst v55  }
0x1f0: {  	v18 =	vld [tilespmem:s18+$0x9630];
	v44 =	vmul.f32 v12, v3;
	v45 =	vmul.f32 v13, v4;
	v58 =	vadd.f32 v54, v53;
	[tilespmem:s18+$0x10E00] =	vst v61  }
0x1f1: {  	v12 =	vld [tilespmem:s18+$0x9640];
	v47 =	vmul.f32 v8, v3;
	v48 =	vmul.f32 v9, v4;
	v43 =	vadd.f32 v63, v62;
	[tilespmem:s18+$0x10E10] =	vst v22  }
0x1f2: {  	v9 =	vld [tilespmem:s18+$0x1650];
	v56 =	vmul.f32 v14, v4;
	v59 =	vmul.f32 v20, v4;
	v46 =	vadd.f32 v27, v25;
	[tilespmem:s18+$0x10A70] =	vst v58  }
0x1f3: {  	v50 =	vld [tilespmem:$0x1FFA0];
	v20 =	vmul.f32 v28, v3;
	v49 =	vadd.f32 v45, v44;
	v55 =	vmul.f32 v6, v3;
	[tilespmem:s18+$0x10E20] =	vst v43  }
0x1f4: {  	v13 =	vld [tilespmem:s18+$0x1670];
	v51 =	vadd.f32 v48, v47;
	v61 =	vmul.f32 v21, v3;
	v62 =	vmul.f32 v26, v4;
	[tilespmem:s18+$0x10E30] =	vst v46  }
0x1f5: {  	v14 =	vld [tilespmem:s18+$0x9670];
	v28 =	vmul.f32 v32, v3;
	v21 =	vmul.f32 v29, v4;
	[tilespmem:s18+$0x10E40] =	vst v49;
	v60 =	vadd.f32 v56, v55  }
0x1f6: {  	v19 =	vld [tilespmem:s18+$0x1A10];
	v25 =	vmul.f32 v30, v3;
	v26 =	vmul.f32 v31, v4;
	[tilespmem:s18+$0x10E50] =	vst v51;
	v22 =	vadd.f32 v62, v61  }
0x1f7: {  	v32 =	vmul.f32 v35, v4;
	v52 =	vld [tilespmem:$0x1FFB0];
	v29 =	vmul.f32 v33, v4;
	v27 =	vadd.f32 v21, v20;
	[tilespmem:s18+$0x11200] =	vst v60  }
0x1f8: {  	v53 =	vmul.f32 v10, v4;
	v10 =	vld [tilespmem:s18+$0x1660];
	v31 =	vmul.f32 v34, v3;
	v30 =	vadd.f32 v26, v25;
	[tilespmem:s18+$0x11220] =	vst v22  }
0x1f9: {  	v35 =	vmul.f32 v37, v4;
	v34 =	vmul.f32 v36, v3;
	v44 =	vld [tilespmem:s18+$0x1A30];
	v33 =	vadd.f32 v29, v28;
	[tilespmem:s18+$0x11230] =	vst v27  }
0x1fa: {  	v48 =	vld [tilespmem:s18+$0x9A30];
	v37 =	vmul.f32 v38, v3;
	v38 =	vmul.f32 v39, v4;
	v36 =	vadd.f32 v32, v31;
	[tilespmem:s18+$0x11240] =	vst v30  }
0x1fb: {  	v58 =	vmul.f32 v17, v3;
	v17 =	vld [tilespmem:s18+$0x9A00];
	v39 =	vadd.f32 v35, v34;
	[tilespmem:s18+$0x11250] =	vst v33  }
0x1fc: {  	v40 =	vmul.f32 v40, v3;
	v20 =	vld [tilespmem:s18+$0x9A10];
	v43 =	vmul.f32 v41, v4;
	v45 =	vadd.f32 v38, v37;
	[tilespmem:s18+$0x11260] =	vst v36  }
0x1fd: {  	v7 =	vmul.f32 v7, v4;
	v21 =	vld [tilespmem:s18+$0x1A20];
	v1 =	vmul.f32 v50, v3;
	v63 =	vadd.f32 v59, v58;
	[tilespmem:s18+$0x11270] =	vst v39  }
0x1fe: {  	v56 =	vld [tilespmem:s18+$0x9A40];
	v49 =	vadd.f32 v43, v40;
	v58 =	vmul.f32 v9, v3;
	v59 =	vmul.f32 v11, v4;
	[tilespmem:s18+$0x11600] =	vst v45  }
0x1ff: {  	v28 =	vld [tilespmem:s18+$0x1A60];
	v26 =	vmul.f32 v13, v3;
	v27 =	vmul.f32 v14, v4;
	v54 =	vadd.f32 v7, v1;
	[tilespmem:s18+$0x11210] =	vst v63  }
0x200: {  	v32 =	vld [tilespmem:s18+$0x9A60];
	v50 =	vmul.f32 v23, v3;
	v5 =	vmul.f32 v52, v3;
	[tilespmem:s18+$0x11610] =	vst v49;
	v23 =	vadd.f32 v59, v58  }
0x201: {  	v47 =	vmul.f32 v24, v4;
	v46 =	vmul.f32 v42, v3;
	v22 =	vld [tilespmem:s18+$0x9A20];
	v33 =	vadd.f32 v27, v26;
	[tilespmem:s18+$0x10E60] =	vst v54  }
0x202: {  	v60 =	vld [tilespmem:s18+$0x1A50];
	v42 =	vmul.f32 v44, v3;
	v43 =	vmul.f32 v48, v4;
	v57 =	vadd.f32 v53, v5;
	[tilespmem:s18+$0x11650] =	vst v23  }
0x203: {  	v51 =	vmul.f32 v18, v4;
	v36 =	vld [tilespmem:s18+$0x1A70];
	v53 =	vadd.f32 v47, v46;
	[tilespmem:s18+$0x11670] =	vst v33  }
0x204: {  	v55 =	vmul.f32 v12, v4;
	v40 =	vld [tilespmem:s18+$0x9A70];
	v54 =	vmul.f32 v16, v3;
	v47 =	vadd.f32 v43, v42;
	[tilespmem:s18+$0x10E70] =	vst v57  }
0x205: {  	v30 =	vmul.f32 v15, v3;
	v7 =	vld [tilespmem:s18+$0x9660];
	v31 =	vmul.f32 v17, v4;
	v57 =	vadd.f32 v51, v50;
	[tilespmem:s18+$0x11620] =	vst v53  }
0x206: {  	v34 =	vmul.f32 v19, v3;
	v52 =	vld [tilespmem:s18+$0x1A40];
	v35 =	vmul.f32 v20, v4;
	v61 =	vadd.f32 v55, v54;
	[tilespmem:s18+$0x11A30] =	vst v47  }
0x207: {  	v16 =	vld [tilespmem:s18+$0x9A50];
	v38 =	vmul.f32 v21, v3;
	v37 =	vadd.f32 v31, v30;
	v39 =	vmul.f32 v22, v4;
	[tilespmem:s18+$0x11630] =	vst v57  }
0x208: {  	v41 =	vadd.f32 v35, v34;
	v50 =	vmul.f32 v28, v3;
	v51 =	vmul.f32 v32, v4;
	[tilespmem:s18+$0x11640] =	vst v61  }
0x209: {  	v53 =	vmul.f32 v36, v3;
	v54 =	vmul.f32 v40, v4;
	[tilespmem:s18+$0x11A00] =	vst v37;
	v44 =	vadd.f32 v39, v38  }
0x20a: {  	v62 =	vmul.f32 v10, v3;
	v63 =	vmul.f32 v7, v4;
	[tilespmem:s18+$0x11A10] =	vst v41;
	v55 =	vadd.f32 v51, v50  }
0x20b: {  	v46 =	vmul.f32 v56, v4;
	v45 =	vmul.f32 v52, v3;
	v56 =	vadd.f32 v54, v53;
	[tilespmem:s18+$0x11A20] =	vst v44  }
0x20c: {  	v48 =	vmul.f32 v60, v3;
	v29 =	vadd.f32 v63, v62;
	v7 =	vmul.f32 v16, v4;
	[tilespmem:s18+$0x11A60] =	vst v55  }
0x20d: {  	s5 =	sand.u32 $0x7, s0;
	v49 =	vadd.f32 v46, v45;
	[tilespmem:s18+$0x11A70] =	vst v56  }
0x20e: {  	s5 =	sshll.u32 s5, $0x7;
	[tilespmem:s18+$0x11660] =	vst v29;
	v52 =	vadd.f32 v7, v48  }
0x20f: {  	s5 =	sadd.s32 s5, s15;
	[tilespmem:s18+$0x11A40] =	vst v49  }
0x210: {  	[tilespmem:s18+$0x11A50] =	vst v52;
	s18 =	sor.u32 $0x1C00, s5  }
0x211: {  	v0 =	vld [tilespmem:s18+$0x200]  }
0x212: {  	v1 =	vld [tilespmem:s18+$0x8200];
	_ =	sdelay $0x4  }
0x213: {  	v0 =	vmul.f32 v0, v3;
	v1 =	vmul.f32 v1, v4;
	_ =	sdelay $0x1  }
0x214: {  	v0 =	vadd.f32 v1, v0;
	_ =	sdelay $0x1  }
0x215: {  	[tilespmem:s18+$0x10200] =	vst v0;
	s18 =	sor.u32 $0x1C10, s5  }
0x216: {  	v0 =	vld [tilespmem:s18+$0x200]  }
0x217: {  	v57 =	vld [tilespmem:s18+$0x8200];
	_ =	sdelay $0x4  }
0x218: {  	v0 =	vmul.f32 v0, v3;
	v1 =	vmul.f32 v57, v4;
	_ =	sdelay $0x1  }
0x219: {  	v0 =	vadd.f32 v1, v0;
	_ =	sdelay $0x1  }
0x21a: {  	[tilespmem:s18+$0x10200] =	vst v0;
	s18 =	sor.u32 $0x1C20, s5  }
0x21b: {  	v0 =	vld [tilespmem:s18+$0x200]  }
0x21c: {  	v58 =	vld [tilespmem:s18+$0x8200];
	_ =	sdelay $0x4  }
0x21d: {  	v0 =	vmul.f32 v0, v3;
	v1 =	vmul.f32 v58, v4;
	_ =	sdelay $0x1  }
0x21e: {  	v0 =	vadd.f32 v1, v0;
	_ =	sdelay $0x1  }
0x21f: {  	[tilespmem:s18+$0x10200] =	vst v0;
	s18 =	sor.u32 $0x1C30, s5  }
0x220: {  	v0 =	vld [tilespmem:s18+$0x200]  }
0x221: {  	v59 =	vld [tilespmem:s18+$0x8200];
	_ =	sdelay $0x4  }
0x222: {  	v0 =	vmul.f32 v0, v3;
	v1 =	vmul.f32 v59, v4;
	_ =	sdelay $0x1  }
0x223: {  	v0 =	vadd.f32 v1, v0;
	_ =	sdelay $0x1  }
0x224: {  	[tilespmem:s18+$0x10200] =	vst v0;
	s18 =	sor.u32 $0x1C40, s5  }
0x225: {  	v0 =	vld [tilespmem:s18+$0x200]  }
0x226: {  	v60 =	vld [tilespmem:s18+$0x8200];
	_ =	sdelay $0x4  }
0x227: {  	v0 =	vmul.f32 v0, v3;
	v1 =	vmul.f32 v60, v4;
	_ =	sdelay $0x1  }
0x228: {  	v0 =	vadd.f32 v1, v0;
	_ =	sdelay $0x1  }
0x229: {  	[tilespmem:s18+$0x10200] =	vst v0;
	s18 =	sor.u32 $0x1C50, s5  }
0x22a: {  	v0 =	vld [tilespmem:s18+$0x200]  }
0x22b: {  	v61 =	vld [tilespmem:s18+$0x8200];
	_ =	sdelay $0x4  }
0x22c: {  	v0 =	vmul.f32 v0, v3;
	v1 =	vmul.f32 v61, v4;
	_ =	sdelay $0x1  }
0x22d: {  	v0 =	vadd.f32 v1, v0;
	_ =	sdelay $0x1  }
0x22e: {  	[tilespmem:s18+$0x10200] =	vst v0;
	s18 =	sor.u32 $0x1C60, s5  }
0x22f: {  	v0 =	vld [tilespmem:s18+$0x200]  }
0x230: {  	v62 =	vld [tilespmem:s18+$0x8200];
	_ =	sdelay $0x4  }
0x231: {  	v0 =	vmul.f32 v0, v3;
	v1 =	vmul.f32 v62, v4;
	_ =	sdelay $0x1  }
0x232: {  	v0 =	vadd.f32 v1, v0;
	_ =	sdelay $0x1  }
0x233: {  	s5 =	sor.u32 $0x1C70, s5;
	[tilespmem:s18+$0x10200] =	vst v0  }
0x234: {  	v0 =	vld [tilespmem:s5+$0x200]  }
0x235: {  	v63 =	vld [tilespmem:s5+$0x8200];
	_ =	sdelay $0x3  }
0x236: {  	p0 =	sne.s32 s2, $0x3F  }
.Ltmp1:
0x237: {  	v0 =	vmul.f32 v0, v3;
	v1 =	vmul.f32 v63, v4;
	(pc) =	sbr.rel @p0 .LBB2_4-.Ltmp1, $4  }
0x238: {  	_ = 	snop  }
0x239: {  	v0 =	vadd.f32 v1, v0  }
0x23a: {  	s4 =	sadd.s32 $0x80, s4  }
0x23b: {  	s2 =	sadd.s32 $0x1, s2;
	s0 =	sadd.s32 $0x1, s0;
	s15 =	sadd.s32 $0x400, s15;
	[tilespmem:s5+$0x10200] =	vst v0  }
0x23c: {  	s0 =	rddreg [dreg:$0x7]  }
0x23d: {  	[hbm4b:s0+s1] =	stream.linear.scatter [tilespmem:s13], [sflag:$0x2], $0x8000, $0x38;
	[tilespmem:$0x18200] =	vst v63  }
0x23e: {  	_ =	swait.ge [sflag:s14], $0x8000  }
0x23f: {  	s31 =	sadd.s32 $0x1, s31;
	s18 =	rddreg [dreg:$0x8]  }
0x240: {  	p0 =	sne.s32 s31, s18  }
.Ltmp2:
0x241: {  	_ = 	snop;
	(pc) =	sbr.rel @p0 .LBB2_1-.Ltmp2, $3  }
0x242: {  	_ =	sdelay $0x1  }
0x243: {  	[sflag:s14] =	ssyncset.done $0x0  }
0x244: {  	[sflag:s14] =	ssyncadd.s32 $0xFFFF8000  }
0x245: {  	_ =	sfence.sel $0x180000  }
0x246: {  	[bflag:$0x0] =	sbarrier.arrive $0xFFFF  }
0x247: {  	_ =	strace $0x9000004A  }
0x248: {  	s0 =	stileid.u32;
	[bflag:$0x2] =	sbarrier.arrive $0xFFFF  }
0x249: {  	p0 =	sne.s32 s0, $0x0;
	s0 =	rddreg [dreg:$0x2]  }
0x24a: {  	s0 =	sadd.s32 @!p0 $0x100000, s0  }
0x24b: {  	[sflag:s0] =	ssyncadd.tile.s32 @!p0 $0x1;
	_ =	shalt  }
.Lfunc_end2:
_tile_overlayer_lowered:
.L_overlay_start_2:
0x24c: {  	(tag) =	ssettag $0x2  }
0x24d: {  	s0 =	rddreg [dreg:$0x0];
	s2 =	stileid.u32  }
0x24e: {  	s1 =	rddreg [dreg:$0x1];
	p0 =	sne.s32 s2, $0x0  }
0x24f: {  	s3 =	rddreg [dreg:$0x2];
	[bflag:$0x3] =	sbarrier.arrive $0xFFFF;
	s2 =	simm.s32 @!p0 $0x1C02  }
0x250: {  	[timem:s3], [sflag:s2] =	dma.local @!p0 [hbm:s0], s1  }
0x251: {  	s0 =	simm.s32 @!p0 $0x2  }
0x252: {  	_ =	swait.ge @!p0 [sflag:s0], s1  }
0x253: {  	s1 =	ssub.s32 @!p0 $0x0, s1;
	[sflag:s0] =	ssyncset.done @!p0 $0x0  }
0x254: {  	[sflag:s0] =	ssyncadd.s32 @!p0 s1  }
0x255: {  	[bflag:$0x3] =	sbarrier.arrive $0xFFFF  }
0x256: {  	_ =	shalt  }

</sc_bundles>
